<compile_context>
chip_gen: v7x
topology: tpu7x:2x2x1
jax: 0.10.2.dev20260603
libtpu: 0.0.44.dev20260713+nightly
codegen_flags: <defaults>
</compile_context>

<pallas_src>
import functools

import numpy as np

import jax
import jax.numpy as jnp
from jax.experimental import pallas as pl
from jax.experimental.pallas import tpu as pltpu

_BN_S = float(1.0 / np.sqrt(1.0 + 1e-5))
_K = 5
_N = 200
_G = 4


def _leaky(x, s):
    return jnp.where(x >= 0, x, s * x)


def _layer_norm(x, eps=1e-5):
    mu = jnp.mean(x, axis=-1, keepdims=True)
    var = jnp.mean((x - mu) ** 2, axis=-1, keepdims=True)
    return (x - mu) / jnp.sqrt(var + eps)


def _mm_nt(a, b):
    return jax.lax.dot_general(a, b, (((1,), (1,)), ((), ())),
                               preferred_element_type=jnp.float32)


def _stack_kernel(x_ref, dw_ref, gw_ref, up0, up1, up2, up3, up4, enc_ref,
                  out_ref):
    ups = (up0, up1, up2, up3, up4)
    n = _N
    row = jax.lax.broadcasted_iota(jnp.int32, (n, n), 0)
    rowk = jax.lax.broadcasted_iota(jnp.int32, (n, _K * n), 0)
    hs = [x_ref[m] for m in range(_G)]
    hcats = [[] for _ in range(_G)]
    for layer in range(5):
        up = ups[layer][...]
        feats = []
        for m in range(_G):
            ht = hs[m]
            g = jax.lax.dot_general(ht, ht, (((0,), (0,)), ((), ())),
                                    preferred_element_type=jnp.float32)
            xxr = jnp.sum(ht * ht, axis=0, keepdims=True)
            pd = 2.0 * g - (xxr + xxr.T)
            iks = [jnp.full((1, n), k, jnp.int32) for k in range(_K)]
            dist_t = -pd[:_K, :]
            ikcat = jnp.concatenate(iks, axis=1)
            ohcat = (rowk == ikcat).astype(jnp.float32)
            gfa = jax.lax.dot_general(ht, ohcat, (((1,), (0,)), ((), ())),
                                      preferred_element_type=jnp.float32)
            gf0 = gfa[:, :n]
            sub_t = jnp.concatenate(
                [jnp.sum(gfa[:, k * n:(k + 1) * n] * gf0, axis=0,
                         keepdims=True) for k in range(_K)],
                axis=0)
            s2 = sub_t * sub_t
            nrm2 = jax.lax.dot_general(s2, s2, (((1,), (1,)), ((), ())),
                                       preferred_element_type=jnp.float32)
            nrm = jnp.maximum(jnp.sqrt(nrm2), 1e-12)
            gw = gw_ref[layer:layer + 1, :]
            c = gw / nrm
            t = jnp.dot(c, sub_t, preferred_element_type=jnp.float32)
            w2 = jax.nn.sigmoid(_BN_S * sub_t * t)
            dw = dw_ref[0:1, layer:layer + 1]
            w1 = jax.nn.sigmoid(_BN_S * dist_t * dw)
            w = w1 * w2
            wcat = jnp.concatenate(
                [w[k:k + 1, :] for k in range(_K)], axis=1)
            hc = ht[3:] if layer == 0 else ht
            gfa_c = gfa[3:] if layer == 0 else gfa
            hc_t = jnp.concatenate([hc] * _K, axis=1)
            feats.append(wcat * gfa_c + (1.0 - wcat) * hc_t)
        fcat = jnp.concatenate(feats, axis=1)
        y = _leaky(_BN_S * jnp.dot(up, fcat,
                                   preferred_element_type=jnp.float32),
                   0.02)
        for m in range(_G):
            base = m * _K * n
            acc = y[:, base:base + n]
            for k in range(1, _K):
                acc = acc + y[:, base + k * n:base + (k + 1) * n]
            hs[m] = acc * (1.0 / _K)
            hcats[m].append(hs[m])
    ecat = jnp.concatenate(
        [jnp.concatenate(hcats[m], axis=0) for m in range(_G)],
        axis=1)
    e = _leaky(_BN_S * jax.lax.dot_general(
        ecat, enc_ref[...], (((0,), (1,)), ((), ())),
        preferred_element_type=jnp.float32), 0.2)
    emb = e.shape[1]
    for m in range(_G):
        em = e[m * n:(m + 1) * n]
        out_ref[m, :, :emb] = jnp.max(em, axis=0, keepdims=True)
        out_ref[m, :, emb:] = jnp.mean(em, axis=0, keepdims=True)


def _stack_call(x, dist_w, gm_w, up_ws, enc_w):
    b = x.shape[0]
    emb = enc_w.shape[0]
    full = lambda a: pl.BlockSpec(a.shape, lambda i: (0,) * a.ndim)
    return pl.pallas_call(
        _stack_kernel,
        grid=(b // _G,),
        in_specs=[
            pl.BlockSpec((_G, x.shape[1], x.shape[2]),
                         lambda i: (i, 0, 0)),
            full(dist_w), full(gm_w),
            *[full(u) for u in up_ws], full(enc_w),
        ],
        out_specs=pl.BlockSpec((_G, 1, 2 * emb), lambda i: (i, 0, 0)),
        out_shape=jax.ShapeDtypeStruct((b, 1, 2 * emb), jnp.float32),
        compiler_params=pltpu.CompilerParams(
            dimension_semantics=("arbitrary",)),
    )(x, dist_w, gm_w, *up_ws, enc_w).reshape(b, 2 * emb)


def _linear_kernel(x_ref, w_ref, *rest, nk, scale, ln, slope, has_res,
                   has_bias):
    out_ref = rest[-1]
    i = 0
    res_ref = bias_ref = None
    if has_res:
        res_ref = rest[i]
        i += 1
    if has_bias:
        bias_ref = rest[i]
    k = pl.program_id(0)

    @pl.when(k == 0)
    def _init():
        out_ref[...] = jnp.zeros_like(out_ref)

    out_ref[...] += _mm_nt(x_ref[...], w_ref[...])

    @pl.when(k == nk - 1)
    def _fin():
        h = out_ref[...]
        if scale != 1.0:
            h = scale * h
        if ln:
            h = _layer_norm(h)
        if has_bias:
            h = h + bias_ref[...]
        if has_res:
            h = h + res_ref[...]
        if slope is not None:
            h = _leaky(h, slope)
        out_ref[...] = h


def _linear_call(x, w, *, scale=1.0, ln=False, slope=None, res=None,
                 bias=None):
    b, d_in = x.shape
    d_out = w.shape[0]
    tile = 1024 if d_in % 1024 == 0 else d_in
    nk = d_in // tile
    operands = [x, w]
    in_specs = [
        pl.BlockSpec((b, tile), lambda k: (0, k)),
        pl.BlockSpec((d_out, tile), lambda k: (0, k)),
    ]
    if res is not None:
        operands.append(res)
        in_specs.append(pl.BlockSpec((b, d_out), lambda k: (0, 0)))
    if bias is not None:
        operands.append(bias.reshape(1, d_out))
        in_specs.append(pl.BlockSpec((1, d_out), lambda k: (0, 0)))
    fn = functools.partial(_linear_kernel, nk=nk, scale=scale, ln=ln,
                           slope=slope, has_res=res is not None,
                           has_bias=bias is not None)
    return pl.pallas_call(
        fn,
        grid=(nk,),
        in_specs=in_specs,
        out_specs=pl.BlockSpec((b, d_out), lambda k: (0, 0)),
        out_shape=jax.ShapeDtypeStruct((b, d_out), jnp.float32),
        compiler_params=pltpu.CompilerParams(
            dimension_semantics=("arbitrary",)),
    )(*operands)


def kernel(x, env, idx_base, params):
    del idx_base
    dist_w = jnp.stack(params['dist_w']).reshape(1, 5)
    gm_w = jnp.stack(params['gm_w'])
    pooled = _stack_call(x, dist_w, gm_w, params['up_w'],
                         params['enc_conv_w'])

    h = _linear_call(pooled, params['merge_w'], scale=_BN_S, slope=0.2)
    h = jnp.concatenate([h, env[:, None]], axis=1)
    for blk in params['blocks']:
        identity = h
        d_in = identity.shape[1]
        h = _linear_call(h, blk['w1'], ln=True, slope=0.2)
        h = _linear_call(h, blk['w2'], ln=True, slope=0.2)
        d_out = blk['w3'].shape[0]
        idx = (np.arange(d_out) * d_in) // d_out
        res = identity[:, idx]
        h = _linear_call(h, blk['w3'], ln=True, res=res, slope=0.2)
    return _linear_call(h, params['fc_w'], bias=params['fc_b'])

# --- scband reference (transcript-rebuilt; emitter-appended) ---
"""Pipeline reference for scband-mol-net-ms-9517647528179 (READ-ONLY COPY).

The authoritative reference and input builder live on the scoring server;
editing this copy changes nothing except your own understanding.
"""

import jax, jax.numpy as jnp
import numpy as np

BN_S = 1.0 / np.sqrt(1.0 + 1e-5)
K = 5


def leaky(x, s):
    return jnp.where(x >= 0, x, s * x)


def layer_norm(x, eps=1e-5):
    mu = jnp.mean(x, axis=-1, keepdims=True)
    var = jnp.mean((x - mu) ** 2, axis=-1, keepdims=True)
    return (x - mu) / jnp.sqrt(var + eps)


def l2_normalize(x, axis, eps=1e-12):
    n = jnp.sqrt(jnp.sum(x * x, axis=axis, keepdims=True))
    return x / jnp.maximum(n, eps)


def molconv(x, idx_base, dist_w, gm_w, up_w, remove_xyz):
    B, D, N = x.shape
    inner = -2.0 * jnp.einsum('bdn,bdm->bnm', x, x)
    xx = jnp.sum(x ** 2, axis=1, keepdims=True)
    pd = -xx - inner - jnp.transpose(xx, (0, 2, 1))
    dist, idx = jax.lax.top_k(pd, K)
    dist = -dist
    idx = idx + idx_base
    xt = jnp.transpose(x, (0, 2, 1))
    flat = xt.reshape(B * N, D)
    graph_feat = flat[idx.reshape(-1)].reshape(B, N, K, D)
    gm = jnp.einsum('bnkd,bnld->bnkl', graph_feat, graph_feat)
    sub = gm[:, :, :, 0][..., None]
    sub_gm = jnp.einsum('bnki,bnli->bnkl', sub, sub)
    sub_gm = l2_normalize(sub_gm, axis=1)
    feat_c = jnp.broadcast_to(xt[:, :, None, :], (B, N, K, D))
    feat_n = graph_feat
    if remove_xyz:
        feat_c = feat_c[..., 3:]
        feat_n = feat_n[..., 3:]
    dist4 = dist[:, None, :, :]
    gm2 = jnp.transpose(sub_gm, (0, 3, 1, 2))
    feat_c = jnp.transpose(feat_c, (0, 3, 1, 2))
    feat_n = jnp.transpose(feat_n, (0, 3, 1, 2))
    w1 = jax.nn.sigmoid(BN_S * (dist4 * dist_w))
    w2 = jax.nn.sigmoid(BN_S * jnp.einsum('blnm,l->bnm', gm2, gm_w))[:, None, :, :]
    w = w1 * w2
    feat = w * feat_n + (1.0 - w) * feat_c
    feat = leaky(BN_S * jnp.einsum('bcnm,oc->bonm', feat, up_w), 0.02)
    return jnp.mean(feat, axis=-1)


def fc_res_block(x, blk):
    identity = x
    h = leaky(layer_norm(x @ blk['w1'].T), 0.2)
    h = leaky(layer_norm(h @ blk['w2'].T), 0.2)
    h = layer_norm(h @ blk['w3'].T)
    in_dim = identity.shape[1]
    out_dim = h.shape[1]
    idx = (jnp.arange(out_dim) * in_dim) // out_dim
    h = h + identity[:, idx]
    return leaky(h, 0.2)


def forward(x, env, idx_base, params):
    xs = []
    h = x
    for i in range(len(params['up_w'])):
        h = molconv(h, idx_base, params['dist_w'][i], params['gm_w'][i], params['up_w'][i], i == 0)
        xs.append(h)
    h = jnp.concatenate(xs, axis=1)
    h = leaky(BN_S * jnp.einsum('bcn,oc->bon', h, params['enc_conv_w']), 0.2)
    p1 = jnp.max(h, axis=-1)
    p2 = jnp.mean(h, axis=-1)
    h = jnp.concatenate([p1, p2], axis=1)
    h = leaky(BN_S * (h @ params['merge_w'].T), 0.2)
    h = jnp.concatenate([h, env[:, None]], axis=1)
    for blk in params['blocks']:
        h = fc_res_block(h, blk)
    return h @ params['fc_w'].T + params['fc_b']


def setup_inputs(seed: int = 0):
    key = jax.random.key(seed)
    ks = jax.random.split(key, 40)
    B, D, N = 32, 21, 200
    layers = [64, 64, 128, 256, 512]
    x = jax.random.normal(ks[0], (B, D, N), dtype=jnp.float32)
    env = jax.random.uniform(ks[1], (B,), dtype=jnp.float32)
    idx_base = (jnp.arange(B, dtype=jnp.int32) * N).reshape(B, 1, 1)

    def w(k_, shape):
        fan_in = shape[-1]
        return jax.random.normal(k_, shape, dtype=jnp.float32) * np.sqrt(2.0 / fan_in)

    dist_w, gm_w, up_w = [], [], []
    in_dims = [D] + layers[:-1]
    ki = 2
    for i, out_dim in enumerate(layers):
        cin = in_dims[i] - 3 if i == 0 else in_dims[i]
        dist_w.append(jax.random.normal(ks[ki], (), dtype=jnp.float32)); ki += 1
        gm_w.append(w(ks[ki], (K,))); ki += 1
        up_w.append(w(ks[ki], (out_dim, cin))); ki += 1
    emb = sum(layers)
    enc_conv_w = w(ks[ki], (emb, emb)); ki += 1
    merge_w = w(ks[ki], (emb, emb * 2)); ki += 1
    dec_layers = [1024, 2048, 2048]
    dec_in = [emb + 1] + dec_layers[:-1]
    blocks = []
    for i, od in enumerate(dec_layers):
        blocks.append({'w1': w(ks[ki], (od, dec_in[i])), 'w2': w(ks[ki + 1], (od, od)), 'w3': w(ks[ki + 2], (od, od))})
        ki += 3
    fc_w = w(ks[ki], (1500, dec_layers[-1])); ki += 1
    fc_b = jnp.zeros((1500,), dtype=jnp.float32)
    params = {'dist_w': dist_w, 'gm_w': gm_w, 'up_w': up_w, 'enc_conv_w': enc_conv_w, 'merge_w': merge_w, 'blocks': blocks, 'fc_w': fc_w, 'fc_b': fc_b}
    return {'x': x, 'env': env, 'idx_base': idx_base, 'params': params}


def reference(x, env, idx_base, params):
    return forward(x, env, idx_base, params)

if __name__ == "__main__":
    import jax
    _d = setup_inputs()
    print(jax.jit(kernel)(*tuple(_d.values())))

</pallas_src>

<mosaic_0001>
module attributes {stable_mosaic.version = 14 : i64} {
  func.func @_stack_kernel(%arg0: i32, %arg1: memref<4x21x200xf32, #tpu.memory_space<vmem>>, %arg2: memref<1x5xf32, #tpu.memory_space<vmem>>, %arg3: memref<5x5xf32, #tpu.memory_space<vmem>>, %arg4: memref<64x18xf32, #tpu.memory_space<vmem>>, %arg5: memref<64x64xf32, #tpu.memory_space<vmem>>, %arg6: memref<128x64xf32, #tpu.memory_space<vmem>>, %arg7: memref<256x128xf32, #tpu.memory_space<vmem>>, %arg8: memref<512x256xf32, #tpu.memory_space<vmem>>, %arg9: memref<1024x1024xf32, #tpu.memory_space<vmem>>, %arg10: memref<4x1x2048xf32, #tpu.memory_space<vmem>>) attributes {dimension_semantics = [#tpu.dimension_semantics<arbitrary>], iteration_bounds = array<i64: 8>, scalar_prefetch = 0 : i64, scratch_operands = 0 : i64, tpu.core_type = #tpu.core_type<tc>, window_params = [{transform_indices = @transform_0, window_bounds = array<i64: 4, 21, 200>}, {pipeline_mode = #tpu.pipeline_mode<synchronous>, transform_indices = @transform_1, window_bounds = array<i64: 1, 5>}, {pipeline_mode = #tpu.pipeline_mode<synchronous>, transform_indices = @transform_2, window_bounds = array<i64: 5, 5>}, {pipeline_mode = #tpu.pipeline_mode<synchronous>, transform_indices = @transform_3, window_bounds = array<i64: 64, 18>}, {pipeline_mode = #tpu.pipeline_mode<synchronous>, transform_indices = @transform_4, window_bounds = array<i64: 64, 64>}, {pipeline_mode = #tpu.pipeline_mode<synchronous>, transform_indices = @transform_5, window_bounds = array<i64: 128, 64>}, {pipeline_mode = #tpu.pipeline_mode<synchronous>, transform_indices = @transform_6, window_bounds = array<i64: 256, 128>}, {pipeline_mode = #tpu.pipeline_mode<synchronous>, transform_indices = @transform_7, window_bounds = array<i64: 512, 256>}, {pipeline_mode = #tpu.pipeline_mode<synchronous>, transform_indices = @transform_8, window_bounds = array<i64: 1024, 1024>}, {transform_indices = @transform_9, window_bounds = array<i64: 4, 1, 2048>}]} {
    %iota3A = tpu.iota {dimensions = array<i32: 0>} : vector<200x1000xi32>
    %get3A = arith.constant 0 : index
    %get3A_0 = arith.constant 0 : index
    %get3A_1 = arith.constant 0 : index
    %get3A_2 = vector.load %arg1[%get3A, %get3A_0, %get3A_1] : memref<4x21x200xf32, #tpu.memory_space<vmem>>, vector<1x21x200xf32>
    %get3A_3 = vector.shape_cast %get3A_2 : vector<1x21x200xf32> to vector<21x200xf32>
    %get3A_4 = arith.constant 1 : index
    %get3A_5 = arith.constant 0 : index
    %get3A_6 = arith.constant 0 : index
    %get3A_7 = vector.load %arg1[%get3A_4, %get3A_5, %get3A_6] : memref<4x21x200xf32, #tpu.memory_space<vmem>>, vector<1x21x200xf32>
    %get3A_8 = vector.shape_cast %get3A_7 : vector<1x21x200xf32> to vector<21x200xf32>
    %get3A_9 = arith.constant 2 : index
    %get3A_10 = arith.constant 0 : index
    %get3A_11 = arith.constant 0 : index
    %get3A_12 = vector.load %arg1[%get3A_9, %get3A_10, %get3A_11] : memref<4x21x200xf32, #tpu.memory_space<vmem>>, vector<1x21x200xf32>
    %get3A_13 = vector.shape_cast %get3A_12 : vector<1x21x200xf32> to vector<21x200xf32>
    %get3A_14 = arith.constant 3 : index
    %get3A_15 = arith.constant 0 : index
    %get3A_16 = arith.constant 0 : index
    %get3A_17 = vector.load %arg1[%get3A_14, %get3A_15, %get3A_16] : memref<4x21x200xf32, #tpu.memory_space<vmem>>, vector<1x21x200xf32>
    %get3A_18 = vector.shape_cast %get3A_17 : vector<1x21x200xf32> to vector<21x200xf32>
    %get3A_19 = arith.constant 0 : index
    %get3A_20 = arith.constant 0 : index
    %get3A_21 = vector.load %arg4[%get3A_19, %get3A_20] : memref<64x18xf32, #tpu.memory_space<vmem>>, vector<64x18xf32>
    %dot_general3A = arith.constant dense<0.000000e+00> : vector<200x200xf32>
    %dot_general3A_22 = tpu.matmul %get3A_3, %get3A_3, %dot_general3A {dimension_numbers = #tpu.dot_dimension_numbers<[0], [0], [1], [1], [0, 1, 1, 1], [], []>, transpose_lhs_hint = false} : vector<21x200xf32>, vector<21x200xf32>, vector<200x200xf32> -> vector<200x200xf32>
    %mul3A = arith.mulf %get3A_3, %get3A_3 : vector<21x200xf32>
    %reduce_sum3A = arith.constant dense<0.000000e+00> : vector<200xf32>
    %reduce_sum3A_23 = vector.multi_reduction <add>, %mul3A, %reduce_sum3A [0] : vector<21x200xf32> to vector<200xf32>
    %broadcast_in_dim3A = vector.shape_cast %reduce_sum3A_23 : vector<200xf32> to vector<1x200xf32>
    %mul3A_24 = arith.constant 2.000000e+00 : f32
    %mul3A_25 = vector.broadcast %mul3A_24 : f32 to vector<200x200xf32>
    %mul3A_26 = arith.mulf %mul3A_25, %dot_general3A_22 : vector<200x200xf32>
    %transpose3A = tpu.transpose %broadcast_in_dim3A, [1, 0] : vector<1x200xf32> -> vector<200x1xf32>
    %add3A = vector.broadcast %broadcast_in_dim3A : vector<1x200xf32> to vector<200x200xf32>
    %add3A_27 = vector.broadcast %transpose3A : vector<200x1xf32> to vector<200x200xf32>
    %add3A_28 = arith.addf %add3A, %add3A_27 : vector<200x200xf32>
    %sub3A = arith.subf %mul3A_26, %add3A_28 : vector<200x200xf32>
    %broadcast_in_dim3A_29 = arith.constant 0 : i32
    %broadcast_in_dim3A_30 = vector.broadcast %broadcast_in_dim3A_29 : i32 to vector<1x200xi32>
    %broadcast_in_dim3A_31 = arith.constant 1 : i32
    %broadcast_in_dim3A_32 = vector.broadcast %broadcast_in_dim3A_31 : i32 to vector<1x200xi32>
    %broadcast_in_dim3A_33 = arith.constant 2 : i32
    %broadcast_in_dim3A_34 = vector.broadcast %broadcast_in_dim3A_33 : i32 to vector<1x200xi32>
    %broadcast_in_dim3A_35 = arith.constant 3 : i32
    %broadcast_in_dim3A_36 = vector.broadcast %broadcast_in_dim3A_35 : i32 to vector<1x200xi32>
    %broadcast_in_dim3A_37 = arith.constant 4 : i32
    %broadcast_in_dim3A_38 = vector.broadcast %broadcast_in_dim3A_37 : i32 to vector<1x200xi32>
    %slice3A = vector.extract_strided_slice %sub3A {offsets = [0, 0], sizes = [5, 200], strides = [1, 1]} : vector<200x200xf32> to vector<5x200xf32>
    %neg3A = arith.constant 0.000000e+00 : f32
    %neg3A_39 = vector.broadcast %neg3A : f32 to vector<5x200xf32>
    %neg3A_40 = arith.subf %neg3A_39, %slice3A : vector<5x200xf32>
    %concatenate3A = tpu.concatenate %broadcast_in_dim3A_30, %broadcast_in_dim3A_32, %broadcast_in_dim3A_34, %broadcast_in_dim3A_36, %broadcast_in_dim3A_38 in 1 : vector<1x200xi32>, vector<1x200xi32>, vector<1x200xi32>, vector<1x200xi32>, vector<1x200xi32> -> vector<1x1000xi32>
    %eq3A = vector.broadcast %concatenate3A : vector<1x1000xi32> to vector<200x1000xi32>
    %eq3A_41 = arith.cmpi eq, %iota3A, %eq3A : vector<200x1000xi32>
    %convert_element_type3A = arith.extui %eq3A_41 : vector<200x1000xi1> to vector<200x1000xi32>
    %convert_element_type3A_42 = arith.sitofp %convert_element_type3A : vector<200x1000xi32> to vector<200x1000xf32>
    %dot_general3A_43 = arith.constant dense<0.000000e+00> : vector<21x1000xf32>
    %dot_general3A_44 = tpu.matmul %get3A_3, %convert_element_type3A_42, %dot_general3A_43 {dimension_numbers = #tpu.dot_dimension_numbers<[1], [0], [0], [1], [0, 0, 1, 1], [], []>, transpose_lhs_hint = false} : vector<21x200xf32>, vector<200x1000xf32>, vector<21x1000xf32> -> vector<21x1000xf32>
    %slice3A_45 = vector.extract_strided_slice %dot_general3A_44 {offsets = [0, 0], sizes = [21, 200], strides = [1, 1]} : vector<21x1000xf32> to vector<21x200xf32>
    %slice3A_46 = vector.extract_strided_slice %dot_general3A_44 {offsets = [0, 0], sizes = [21, 200], strides = [1, 1]} : vector<21x1000xf32> to vector<21x200xf32>
    %mul3A_47 = arith.mulf %slice3A_46, %slice3A_45 : vector<21x200xf32>
    %reduce_sum3A_48 = arith.constant dense<0.000000e+00> : vector<200xf32>
    %reduce_sum3A_49 = vector.multi_reduction <add>, %mul3A_47, %reduce_sum3A_48 [0] : vector<21x200xf32> to vector<200xf32>
    %broadcast_in_dim3A_50 = vector.shape_cast %reduce_sum3A_49 : vector<200xf32> to vector<1x200xf32>
    %slice3A_51 = vector.extract_strided_slice %dot_general3A_44 {offsets = [0, 200], sizes = [21, 200], strides = [1, 1]} : vector<21x1000xf32> to vector<21x200xf32>
    %mul3A_52 = arith.mulf %slice3A_51, %slice3A_45 : vector<21x200xf32>
    %reduce_sum3A_53 = arith.constant dense<0.000000e+00> : vector<200xf32>
    %reduce_sum3A_54 = vector.multi_reduction <add>, %mul3A_52, %reduce_sum3A_53 [0] : vector<21x200xf32> to vector<200xf32>
    %broadcast_in_dim3A_55 = vector.shape_cast %reduce_sum3A_54 : vector<200xf32> to vector<1x200xf32>
    %slice3A_56 = vector.extract_strided_slice %dot_general3A_44 {offsets = [0, 400], sizes = [21, 200], strides = [1, 1]} : vector<21x1000xf32> to vector<21x200xf32>
    %mul3A_57 = arith.mulf %slice3A_56, %slice3A_45 : vector<21x200xf32>
    %reduce_sum3A_58 = arith.constant dense<0.000000e+00> : vector<200xf32>
    %reduce_sum3A_59 = vector.multi_reduction <add>, %mul3A_57, %reduce_sum3A_58 [0] : vector<21x200xf32> to vector<200xf32>
    %broadcast_in_dim3A_60 = vector.shape_cast %reduce_sum3A_59 : vector<200xf32> to vector<1x200xf32>
    %slice3A_61 = vector.extract_strided_slice %dot_general3A_44 {offsets = [0, 600], sizes = [21, 200], strides = [1, 1]} : vector<21x1000xf32> to vector<21x200xf32>
    %mul3A_62 = arith.mulf %slice3A_61, %slice3A_45 : vector<21x200xf32>
    %reduce_sum3A_63 = arith.constant dense<0.000000e+00> : vector<200xf32>
    %reduce_sum3A_64 = vector.multi_reduction <add>, %mul3A_62, %reduce_sum3A_63 [0] : vector<21x200xf32> to vector<200xf32>
    %broadcast_in_dim3A_65 = vector.shape_cast %reduce_sum3A_64 : vector<200xf32> to vector<1x200xf32>
    %slice3A_66 = vector.extract_strided_slice %dot_general3A_44 {offsets = [0, 800], sizes = [21, 200], strides = [1, 1]} : vector<21x1000xf32> to vector<21x200xf32>
    %mul3A_67 = arith.mulf %slice3A_66, %slice3A_45 : vector<21x200xf32>
    %reduce_sum3A_68 = arith.constant dense<0.000000e+00> : vector<200xf32>
    %reduce_sum3A_69 = vector.multi_reduction <add>, %mul3A_67, %reduce_sum3A_68 [0] : vector<21x200xf32> to vector<200xf32>
    %broadcast_in_dim3A_70 = vector.shape_cast %reduce_sum3A_69 : vector<200xf32> to vector<1x200xf32>
    %concatenate3A_71 = tpu.concatenate %broadcast_in_dim3A_50, %broadcast_in_dim3A_55, %broadcast_in_dim3A_60, %broadcast_in_dim3A_65, %broadcast_in_dim3A_70 in 0 : vector<1x200xf32>, vector<1x200xf32>, vector<1x200xf32>, vector<1x200xf32>, vector<1x200xf32> -> vector<5x200xf32>
    %mul3A_72 = arith.mulf %concatenate3A_71, %concatenate3A_71 : vector<5x200xf32>
    %dot_general3A_73 = arith.constant dense<0.000000e+00> : vector<5x5xf32>
    %dot_general3A_74 = tpu.matmul %mul3A_72, %mul3A_72, %dot_general3A_73 {dimension_numbers = #tpu.dot_dimension_numbers<[1], [1], [0], [0], [0, 0, 1, 0], [], []>, transpose_lhs_hint = false} : vector<5x200xf32>, vector<5x200xf32>, vector<5x5xf32> -> vector<5x5xf32>
    %sqrt3A = math.sqrt %dot_general3A_74 : vector<5x5xf32>
    %max3A = arith.constant 9.99999996E-13 : f32
    %max3A_75 = vector.broadcast %max3A : f32 to vector<5x5xf32>
    %max3A_76 = arith.maximumf %sqrt3A, %max3A_75 : vector<5x5xf32>
    %get3A_77 = arith.constant 0 : index
    %get3A_78 = arith.constant 0 : index
    %get3A_79 = vector.load %arg3[%get3A_77, %get3A_78] : memref<5x5xf32, #tpu.memory_space<vmem>>, vector<1x5xf32>
    %div3A = vector.broadcast %get3A_79 : vector<1x5xf32> to vector<5x5xf32>
    %div3A_80 = arith.divf %div3A, %max3A_76 : vector<5x5xf32>
    %dot_general3A_81 = arith.constant dense<0.000000e+00> : vector<5x200xf32>
    %dot_general3A_82 = tpu.matmul %div3A_80, %concatenate3A_71, %dot_general3A_81 {dimension_numbers = #tpu.dot_dimension_numbers<[1], [0], [0], [1], [0, 0, 1, 1], [], []>, transpose_lhs_hint = false} : vector<5x5xf32>, vector<5x200xf32>, vector<5x200xf32> -> vector<5x200xf32>
    %mul3A_83 = arith.constant 0.999994993 : f32
    %mul3A_84 = vector.broadcast %mul3A_83 : f32 to vector<5x200xf32>
    %mul3A_85 = arith.mulf %mul3A_84, %concatenate3A_71 : vector<5x200xf32>
    %mul3A_86 = arith.mulf %mul3A_85, %dot_general3A_82 : vector<5x200xf32>
    %logistic3A = arith.negf %mul3A_86 : vector<5x200xf32>
    %logistic3A_87 = math.exp %logistic3A : vector<5x200xf32>
    %logistic3A_88 = arith.constant 1.000000e+00 : f32
    %logistic3A_89 = vector.broadcast %logistic3A_88 : f32 to vector<5x200xf32>
    %logistic3A_90 = arith.addf %logistic3A_89, %logistic3A_87 : vector<5x200xf32>
    %logistic3A_91 = arith.divf %logistic3A_89, %logistic3A_90 : vector<5x200xf32>
    %get3A_92 = arith.constant 0 : index
    %get3A_93 = arith.constant 0 : index
    %get3A_94 = vector.load %arg2[%get3A_92, %get3A_93] : memref<1x5xf32, #tpu.memory_space<vmem>>, vector<1x1xf32>
    %mul3A_95 = arith.constant 0.999994993 : f32
    %mul3A_96 = vector.broadcast %mul3A_95 : f32 to vector<5x200xf32>
    %mul3A_97 = arith.mulf %mul3A_96, %neg3A_40 : vector<5x200xf32>
    %mul3A_98 = vector.broadcast %get3A_94 : vector<1x1xf32> to vector<5x200xf32>
    %mul3A_99 = arith.mulf %mul3A_97, %mul3A_98 : vector<5x200xf32>
    %logistic3A_100 = arith.negf %mul3A_99 : vector<5x200xf32>
    %logistic3A_101 = math.exp %logistic3A_100 : vector<5x200xf32>
    %logistic3A_102 = arith.constant 1.000000e+00 : f32
    %logistic3A_103 = vector.broadcast %logistic3A_102 : f32 to vector<5x200xf32>
    %logistic3A_104 = arith.addf %logistic3A_103, %logistic3A_101 : vector<5x200xf32>
    %logistic3A_105 = arith.divf %logistic3A_103, %logistic3A_104 : vector<5x200xf32>
    %mul3A_106 = arith.mulf %logistic3A_105, %logistic3A_91 : vector<5x200xf32>
    %slice3A_107 = vector.extract_strided_slice %mul3A_106 {offsets = [0, 0], sizes = [1, 200], strides = [1, 1]} : vector<5x200xf32> to vector<1x200xf32>
    %slice3A_108 = vector.extract_strided_slice %mul3A_106 {offsets = [1, 0], sizes = [1, 200], strides = [1, 1]} : vector<5x200xf32> to vector<1x200xf32>
    %slice3A_109 = vector.extract_strided_slice %mul3A_106 {offsets = [2, 0], sizes = [1, 200], strides = [1, 1]} : vector<5x200xf32> to vector<1x200xf32>
    %slice3A_110 = vector.extract_strided_slice %mul3A_106 {offsets = [3, 0], sizes = [1, 200], strides = [1, 1]} : vector<5x200xf32> to vector<1x200xf32>
    %slice3A_111 = vector.extract_strided_slice %mul3A_106 {offsets = [4, 0], sizes = [1, 200], strides = [1, 1]} : vector<5x200xf32> to vector<1x200xf32>
    %concatenate3A_112 = tpu.concatenate %slice3A_107, %slice3A_108, %slice3A_109, %slice3A_110, %slice3A_111 in 1 : vector<1x200xf32>, vector<1x200xf32>, vector<1x200xf32>, vector<1x200xf32>, vector<1x200xf32> -> vector<1x1000xf32>
    %slice3A_113 = vector.extract_strided_slice %get3A_3 {offsets = [3, 0], sizes = [18, 200], strides = [1, 1]} : vector<21x200xf32> to vector<18x200xf32>
    %slice3A_114 = vector.extract_strided_slice %dot_general3A_44 {offsets = [3, 0], sizes = [18, 1000], strides = [1, 1]} : vector<21x1000xf32> to vector<18x1000xf32>
    %concatenate3A_115 = tpu.concatenate %slice3A_113, %slice3A_113, %slice3A_113, %slice3A_113, %slice3A_113 in 1 : vector<18x200xf32>, vector<18x200xf32>, vector<18x200xf32>, vector<18x200xf32>, vector<18x200xf32> -> vector<18x1000xf32>
    %mul3A_116 = vector.broadcast %concatenate3A_112 : vector<1x1000xf32> to vector<18x1000xf32>
    %mul3A_117 = arith.mulf %mul3A_116, %slice3A_114 : vector<18x1000xf32>
    %sub3A_118 = arith.constant 1.000000e+00 : f32
    %sub3A_119 = vector.broadcast %sub3A_118 : f32 to vector<1x1000xf32>
    %sub3A_120 = arith.subf %sub3A_119, %concatenate3A_112 : vector<1x1000xf32>
    %mul3A_121 = vector.broadcast %sub3A_120 : vector<1x1000xf32> to vector<18x1000xf32>
    %mul3A_122 = arith.mulf %mul3A_121, %concatenate3A_115 : vector<18x1000xf32>
    %add3A_123 = arith.addf %mul3A_117, %mul3A_122 : vector<18x1000xf32>
    %dot_general3A_124 = arith.constant dense<0.000000e+00> : vector<200x200xf32>
    %dot_general3A_125 = tpu.matmul %get3A_8, %get3A_8, %dot_general3A_124 {dimension_numbers = #tpu.dot_dimension_numbers<[0], [0], [1], [1], [0, 1, 1, 1], [], []>, transpose_lhs_hint = false} : vector<21x200xf32>, vector<21x200xf32>, vector<200x200xf32> -> vector<200x200xf32>
    %mul3A_126 = arith.mulf %get3A_8, %get3A_8 : vector<21x200xf32>
    %reduce_sum3A_127 = arith.constant dense<0.000000e+00> : vector<200xf32>
    %reduce_sum3A_128 = vector.multi_reduction <add>, %mul3A_126, %reduce_sum3A_127 [0] : vector<21x200xf32> to vector<200xf32>
    %broadcast_in_dim3A_129 = vector.shape_cast %reduce_sum3A_128 : vector<200xf32> to vector<1x200xf32>
    %mul3A_130 = arith.constant 2.000000e+00 : f32
    %mul3A_131 = vector.broadcast %mul3A_130 : f32 to vector<200x200xf32>
    %mul3A_132 = arith.mulf %mul3A_131, %dot_general3A_125 : vector<200x200xf32>
    %transpose3A_133 = tpu.transpose %broadcast_in_dim3A_129, [1, 0] : vector<1x200xf32> -> vector<200x1xf32>
    %add3A_134 = vector.broadcast %broadcast_in_dim3A_129 : vector<1x200xf32> to vector<200x200xf32>
    %add3A_135 = vector.broadcast %transpose3A_133 : vector<200x1xf32> to vector<200x200xf32>
    %add3A_136 = arith.addf %add3A_134, %add3A_135 : vector<200x200xf32>
    %sub3A_137 = arith.subf %mul3A_132, %add3A_136 : vector<200x200xf32>
    %broadcast_in_dim3A_138 = arith.constant 0 : i32
    %broadcast_in_dim3A_139 = vector.broadcast %broadcast_in_dim3A_138 : i32 to vector<1x200xi32>
    %broadcast_in_dim3A_140 = arith.constant 1 : i32
    %broadcast_in_dim3A_141 = vector.broadcast %broadcast_in_dim3A_140 : i32 to vector<1x200xi32>
    %broadcast_in_dim3A_142 = arith.constant 2 : i32
    %broadcast_in_dim3A_143 = vector.broadcast %broadcast_in_dim3A_142 : i32 to vector<1x200xi32>
    %broadcast_in_dim3A_144 = arith.constant 3 : i32
    %broadcast_in_dim3A_145 = vector.broadcast %broadcast_in_dim3A_144 : i32 to vector<1x200xi32>
    %broadcast_in_dim3A_146 = arith.constant 4 : i32
    %broadcast_in_dim3A_147 = vector.broadcast %broadcast_in_dim3A_146 : i32 to vector<1x200xi32>
    %slice3A_148 = vector.extract_strided_slice %sub3A_137 {offsets = [0, 0], sizes = [5, 200], strides = [1, 1]} : vector<200x200xf32> to vector<5x200xf32>
    %neg3A_149 = arith.constant 0.000000e+00 : f32
    %neg3A_150 = vector.broadcast %neg3A_149 : f32 to vector<5x200xf32>
    %neg3A_151 = arith.subf %neg3A_150, %slice3A_148 : vector<5x200xf32>
    %concatenate3A_152 = tpu.concatenate %broadcast_in_dim3A_139, %broadcast_in_dim3A_141, %broadcast_in_dim3A_143, %broadcast_in_dim3A_145, %broadcast_in_dim3A_147 in 1 : vector<1x200xi32>, vector<1x200xi32>, vector<1x200xi32>, vector<1x200xi32>, vector<1x200xi32> -> vector<1x1000xi32>
    %eq3A_153 = vector.broadcast %concatenate3A_152 : vector<1x1000xi32> to vector<200x1000xi32>
    %eq3A_154 = arith.cmpi eq, %iota3A, %eq3A_153 : vector<200x1000xi32>
    %convert_element_type3A_155 = arith.extui %eq3A_154 : vector<200x1000xi1> to vector<200x1000xi32>
    %convert_element_type3A_156 = arith.sitofp %convert_element_type3A_155 : vector<200x1000xi32> to vector<200x1000xf32>
    %dot_general3A_157 = arith.constant dense<0.000000e+00> : vector<21x1000xf32>
    %dot_general3A_158 = tpu.matmul %get3A_8, %convert_element_type3A_156, %dot_general3A_157 {dimension_numbers = #tpu.dot_dimension_numbers<[1], [0], [0], [1], [0, 0, 1, 1], [], []>, transpose_lhs_hint = false} : vector<21x200xf32>, vector<200x1000xf32>, vector<21x1000xf32> -> vector<21x1000xf32>
    %slice3A_159 = vector.extract_strided_slice %dot_general3A_158 {offsets = [0, 0], sizes = [21, 200], strides = [1, 1]} : vector<21x1000xf32> to vector<21x200xf32>
    %slice3A_160 = vector.extract_strided_slice %dot_general3A_158 {offsets = [0, 0], sizes = [21, 200], strides = [1, 1]} : vector<21x1000xf32> to vector<21x200xf32>
    %mul3A_161 = arith.mulf %slice3A_160, %slice3A_159 : vector<21x200xf32>
    %reduce_sum3A_162 = arith.constant dense<0.000000e+00> : vector<200xf32>
    %reduce_sum3A_163 = vector.multi_reduction <add>, %mul3A_161, %reduce_sum3A_162 [0] : vector<21x200xf32> to vector<200xf32>
    %broadcast_in_dim3A_164 = vector.shape_cast %reduce_sum3A_163 : vector<200xf32> to vector<1x200xf32>
    %slice3A_165 = vector.extract_strided_slice %dot_general3A_158 {offsets = [0, 200], sizes = [21, 200], strides = [1, 1]} : vector<21x1000xf32> to vector<21x200xf32>
    %mul3A_166 = arith.mulf %slice3A_165, %slice3A_159 : vector<21x200xf32>
    %reduce_sum3A_167 = arith.constant dense<0.000000e+00> : vector<200xf32>
    %reduce_sum3A_168 = vector.multi_reduction <add>, %mul3A_166, %reduce_sum3A_167 [0] : vector<21x200xf32> to vector<200xf32>
    %broadcast_in_dim3A_169 = vector.shape_cast %reduce_sum3A_168 : vector<200xf32> to vector<1x200xf32>
    %slice3A_170 = vector.extract_strided_slice %dot_general3A_158 {offsets = [0, 400], sizes = [21, 200], strides = [1, 1]} : vector<21x1000xf32> to vector<21x200xf32>
    %mul3A_171 = arith.mulf %slice3A_170, %slice3A_159 : vector<21x200xf32>
    %reduce_sum3A_172 = arith.constant dense<0.000000e+00> : vector<200xf32>
    %reduce_sum3A_173 = vector.multi_reduction <add>, %mul3A_171, %reduce_sum3A_172 [0] : vector<21x200xf32> to vector<200xf32>
    %broadcast_in_dim3A_174 = vector.shape_cast %reduce_sum3A_173 : vector<200xf32> to vector<1x200xf32>
    %slice3A_175 = vector.extract_strided_slice %dot_general3A_158 {offsets = [0, 600], sizes = [21, 200], strides = [1, 1]} : vector<21x1000xf32> to vector<21x200xf32>
    %mul3A_176 = arith.mulf %slice3A_175, %slice3A_159 : vector<21x200xf32>
    %reduce_sum3A_177 = arith.constant dense<0.000000e+00> : vector<200xf32>
    %reduce_sum3A_178 = vector.multi_reduction <add>, %mul3A_176, %reduce_sum3A_177 [0] : vector<21x200xf32> to vector<200xf32>
    %broadcast_in_dim3A_179 = vector.shape_cast %reduce_sum3A_178 : vector<200xf32> to vector<1x200xf32>
    %slice3A_180 = vector.extract_strided_slice %dot_general3A_158 {offsets = [0, 800], sizes = [21, 200], strides = [1, 1]} : vector<21x1000xf32> to vector<21x200xf32>
    %mul3A_181 = arith.mulf %slice3A_180, %slice3A_159 : vector<21x200xf32>
    %reduce_sum3A_182 = arith.constant dense<0.000000e+00> : vector<200xf32>
    %reduce_sum3A_183 = vector.multi_reduction <add>, %mul3A_181, %reduce_sum3A_182 [0] : vector<21x200xf32> to vector<200xf32>
    %broadcast_in_dim3A_184 = vector.shape_cast %reduce_sum3A_183 : vector<200xf32> to vector<1x200xf32>
    %concatenate3A_185 = tpu.concatenate %broadcast_in_dim3A_164, %broadcast_in_dim3A_169, %broadcast_in_dim3A_174, %broadcast_in_dim3A_179, %broadcast_in_dim3A_184 in 0 : vector<1x200xf32>, vector<1x200xf32>, vector<1x200xf32>, vector<1x200xf32>, vector<1x200xf32> -> vector<5x200xf32>
    %mul3A_186 = arith.mulf %concatenate3A_185, %concatenate3A_185 : vector<5x200xf32>
    %dot_general3A_187 = arith.constant dense<0.000000e+00> : vector<5x5xf32>
    %dot_general3A_188 = tpu.matmul %mul3A_186, %mul3A_186, %dot_general3A_187 {dimension_numbers = #tpu.dot_dimension_numbers<[1], [1], [0], [0], [0, 0, 1, 0], [], []>, transpose_lhs_hint = false} : vector<5x200xf32>, vector<5x200xf32>, vector<5x5xf32> -> vector<5x5xf32>
    %sqrt3A_189 = math.sqrt %dot_general3A_188 : vector<5x5xf32>
    %max3A_190 = arith.constant 9.99999996E-13 : f32
    %max3A_191 = vector.broadcast %max3A_190 : f32 to vector<5x5xf32>
    %max3A_192 = arith.maximumf %sqrt3A_189, %max3A_191 : vector<5x5xf32>
    %get3A_193 = arith.constant 0 : index
    %get3A_194 = arith.constant 0 : index
    %get3A_195 = vector.load %arg3[%get3A_193, %get3A_194] : memref<5x5xf32, #tpu.memory_space<vmem>>, vector<1x5xf32>
    %div3A_196 = vector.broadcast %get3A_195 : vector<1x5xf32> to vector<5x5xf32>
    %div3A_197 = arith.divf %div3A_196, %max3A_192 : vector<5x5xf32>
    %dot_general3A_198 = arith.constant dense<0.000000e+00> : vector<5x200xf32>
    %dot_general3A_199 = tpu.matmul %div3A_197, %concatenate3A_185, %dot_general3A_198 {dimension_numbers = #tpu.dot_dimension_numbers<[1], [0], [0], [1], [0, 0, 1, 1], [], []>, transpose_lhs_hint = false} : vector<5x5xf32>, vector<5x200xf32>, vector<5x200xf32> -> vector<5x200xf32>
    %mul3A_200 = arith.constant 0.999994993 : f32
    %mul3A_201 = vector.broadcast %mul3A_200 : f32 to vector<5x200xf32>
    %mul3A_202 = arith.mulf %mul3A_201, %concatenate3A_185 : vector<5x200xf32>
    %mul3A_203 = arith.mulf %mul3A_202, %dot_general3A_199 : vector<5x200xf32>
    %logistic3A_204 = arith.negf %mul3A_203 : vector<5x200xf32>
    %logistic3A_205 = math.exp %logistic3A_204 : vector<5x200xf32>
    %logistic3A_206 = arith.constant 1.000000e+00 : f32
    %logistic3A_207 = vector.broadcast %logistic3A_206 : f32 to vector<5x200xf32>
    %logistic3A_208 = arith.addf %logistic3A_207, %logistic3A_205 : vector<5x200xf32>
    %logistic3A_209 = arith.divf %logistic3A_207, %logistic3A_208 : vector<5x200xf32>
    %get3A_210 = arith.constant 0 : index
    %get3A_211 = arith.constant 0 : index
    %get3A_212 = vector.load %arg2[%get3A_210, %get3A_211] : memref<1x5xf32, #tpu.memory_space<vmem>>, vector<1x1xf32>
    %mul3A_213 = arith.constant 0.999994993 : f32
    %mul3A_214 = vector.broadcast %mul3A_213 : f32 to vector<5x200xf32>
    %mul3A_215 = arith.mulf %mul3A_214, %neg3A_151 : vector<5x200xf32>
    %mul3A_216 = vector.broadcast %get3A_212 : vector<1x1xf32> to vector<5x200xf32>
    %mul3A_217 = arith.mulf %mul3A_215, %mul3A_216 : vector<5x200xf32>
    %logistic3A_218 = arith.negf %mul3A_217 : vector<5x200xf32>
    %logistic3A_219 = math.exp %logistic3A_218 : vector<5x200xf32>
    %logistic3A_220 = arith.constant 1.000000e+00 : f32
    %logistic3A_221 = vector.broadcast %logistic3A_220 : f32 to vector<5x200xf32>
    %logistic3A_222 = arith.addf %logistic3A_221, %logistic3A_219 : vector<5x200xf32>
    %logistic3A_223 = arith.divf %logistic3A_221, %logistic3A_222 : vector<5x200xf32>
    %mul3A_224 = arith.mulf %logistic3A_223, %logistic3A_209 : vector<5x200xf32>
    %slice3A_225 = vector.extract_strided_slice %mul3A_224 {offsets = [0, 0], sizes = [1, 200], strides = [1, 1]} : vector<5x200xf32> to vector<1x200xf32>
    %slice3A_226 = vector.extract_strided_slice %mul3A_224 {offsets = [1, 0], sizes = [1, 200], strides = [1, 1]} : vector<5x200xf32> to vector<1x200xf32>
    %slice3A_227 = vector.extract_strided_slice %mul3A_224 {offsets = [2, 0], sizes = [1, 200], strides = [1, 1]} : vector<5x200xf32> to vector<1x200xf32>
    %slice3A_228 = vector.extract_strided_slice %mul3A_224 {offsets = [3, 0], sizes = [1, 200], strides = [1, 1]} : vector<5x200xf32> to vector<1x200xf32>
    %slice3A_229 = vector.extract_strided_slice %mul3A_224 {offsets = [4, 0], sizes = [1, 200], strides = [1, 1]} : vector<5x200xf32> to vector<1x200xf32>
    %concatenate3A_230 = tpu.concatenate %slice3A_225, %slice3A_226, %slice3A_227, %slice3A_228, %slice3A_229 in 1 : vector<1x200xf32>, vector<1x200xf32>, vector<1x200xf32>, vector<1x200xf32>, vector<1x200xf32> -> vector<1x1000xf32>
    %slice3A_231 = vector.extract_strided_slice %get3A_8 {offsets = [3, 0], sizes = [18, 200], strides = [1, 1]} : vector<21x200xf32> to vector<18x200xf32>
    %slice3A_232 = vector.extract_strided_slice %dot_general3A_158 {offsets = [3, 0], sizes = [18, 1000], strides = [1, 1]} : vector<21x1000xf32> to vector<18x1000xf32>
    %concatenate3A_233 = tpu.concatenate %slice3A_231, %slice3A_231, %slice3A_231, %slice3A_231, %slice3A_231 in 1 : vector<18x200xf32>, vector<18x200xf32>, vector<18x200xf32>, vector<18x200xf32>, vector<18x200xf32> -> vector<18x1000xf32>
    %mul3A_234 = vector.broadcast %concatenate3A_230 : vector<1x1000xf32> to vector<18x1000xf32>
    %mul3A_235 = arith.mulf %mul3A_234, %slice3A_232 : vector<18x1000xf32>
    %sub3A_236 = arith.constant 1.000000e+00 : f32
    %sub3A_237 = vector.broadcast %sub3A_236 : f32 to vector<1x1000xf32>
    %sub3A_238 = arith.subf %sub3A_237, %concatenate3A_230 : vector<1x1000xf32>
    %mul3A_239 = vector.broadcast %sub3A_238 : vector<1x1000xf32> to vector<18x1000xf32>
    %mul3A_240 = arith.mulf %mul3A_239, %concatenate3A_233 : vector<18x1000xf32>
    %add3A_241 = arith.addf %mul3A_235, %mul3A_240 : vector<18x1000xf32>
    %dot_general3A_242 = arith.constant dense<0.000000e+00> : vector<200x200xf32>
    %dot_general3A_243 = tpu.matmul %get3A_13, %get3A_13, %dot_general3A_242 {dimension_numbers = #tpu.dot_dimension_numbers<[0], [0], [1], [1], [0, 1, 1, 1], [], []>, transpose_lhs_hint = false} : vector<21x200xf32>, vector<21x200xf32>, vector<200x200xf32> -> vector<200x200xf32>
    %mul3A_244 = arith.mulf %get3A_13, %get3A_13 : vector<21x200xf32>
    %reduce_sum3A_245 = arith.constant dense<0.000000e+00> : vector<200xf32>
    %reduce_sum3A_246 = vector.multi_reduction <add>, %mul3A_244, %reduce_sum3A_245 [0] : vector<21x200xf32> to vector<200xf32>
    %broadcast_in_dim3A_247 = vector.shape_cast %reduce_sum3A_246 : vector<200xf32> to vector<1x200xf32>
    %mul3A_248 = arith.constant 2.000000e+00 : f32
    %mul3A_249 = vector.broadcast %mul3A_248 : f32 to vector<200x200xf32>
    %mul3A_250 = arith.mulf %mul3A_249, %dot_general3A_243 : vector<200x200xf32>
    %transpose3A_251 = tpu.transpose %broadcast_in_dim3A_247, [1, 0] : vector<1x200xf32> -> vector<200x1xf32>
    %add3A_252 = vector.broadcast %broadcast_in_dim3A_247 : vector<1x200xf32> to vector<200x200xf32>
    %add3A_253 = vector.broadcast %transpose3A_251 : vector<200x1xf32> to vector<200x200xf32>
    %add3A_254 = arith.addf %add3A_252, %add3A_253 : vector<200x200xf32>
    %sub3A_255 = arith.subf %mul3A_250, %add3A_254 : vector<200x200xf32>
    %broadcast_in_dim3A_256 = arith.constant 0 : i32
    %broadcast_in_dim3A_257 = vector.broadcast %broadcast_in_dim3A_256 : i32 to vector<1x200xi32>
    %broadcast_in_dim3A_258 = arith.constant 1 : i32
    %broadcast_in_dim3A_259 = vector.broadcast %broadcast_in_dim3A_258 : i32 to vector<1x200xi32>
    %broadcast_in_dim3A_260 = arith.constant 2 : i32
    %broadcast_in_dim3A_261 = vector.broadcast %broadcast_in_dim3A_260 : i32 to vector<1x200xi32>
    %broadcast_in_dim3A_262 = arith.constant 3 : i32
    %broadcast_in_dim3A_263 = vector.broadcast %broadcast_in_dim3A_262 : i32 to vector<1x200xi32>
    %broadcast_in_dim3A_264 = arith.constant 4 : i32
    %broadcast_in_dim3A_265 = vector.broadcast %broadcast_in_dim3A_264 : i32 to vector<1x200xi32>
    %slice3A_266 = vector.extract_strided_slice %sub3A_255 {offsets = [0, 0], sizes = [5, 200], strides = [1, 1]} : vector<200x200xf32> to vector<5x200xf32>
    %neg3A_267 = arith.constant 0.000000e+00 : f32
    %neg3A_268 = vector.broadcast %neg3A_267 : f32 to vector<5x200xf32>
    %neg3A_269 = arith.subf %neg3A_268, %slice3A_266 : vector<5x200xf32>
    %concatenate3A_270 = tpu.concatenate %broadcast_in_dim3A_257, %broadcast_in_dim3A_259, %broadcast_in_dim3A_261, %broadcast_in_dim3A_263, %broadcast_in_dim3A_265 in 1 : vector<1x200xi32>, vector<1x200xi32>, vector<1x200xi32>, vector<1x200xi32>, vector<1x200xi32> -> vector<1x1000xi32>
    %eq3A_271 = vector.broadcast %concatenate3A_270 : vector<1x1000xi32> to vector<200x1000xi32>
    %eq3A_272 = arith.cmpi eq, %iota3A, %eq3A_271 : vector<200x1000xi32>
    %convert_element_type3A_273 = arith.extui %eq3A_272 : vector<200x1000xi1> to vector<200x1000xi32>
    %convert_element_type3A_274 = arith.sitofp %convert_element_type3A_273 : vector<200x1000xi32> to vector<200x1000xf32>
    %dot_general3A_275 = arith.constant dense<0.000000e+00> : vector<21x1000xf32>
    %dot_general3A_276 = tpu.matmul %get3A_13, %convert_element_type3A_274, %dot_general3A_275 {dimension_numbers = #tpu.dot_dimension_numbers<[1], [0], [0], [1], [0, 0, 1, 1], [], []>, transpose_lhs_hint = false} : vector<21x200xf32>, vector<200x1000xf32>, vector<21x1000xf32> -> vector<21x1000xf32>
    %slice3A_277 = vector.extract_strided_slice %dot_general3A_276 {offsets = [0, 0], sizes = [21, 200], strides = [1, 1]} : vector<21x1000xf32> to vector<21x200xf32>
    %slice3A_278 = vector.extract_strided_slice %dot_general3A_276 {offsets = [0, 0], sizes = [21, 200], strides = [1, 1]} : vector<21x1000xf32> to vector<21x200xf32>
    %mul3A_279 = arith.mulf %slice3A_278, %slice3A_277 : vector<21x200xf32>
    %reduce_sum3A_280 = arith.constant dense<0.000000e+00> : vector<200xf32>
    %reduce_sum3A_281 = vector.multi_reduction <add>, %mul3A_279, %reduce_sum3A_280 [0] : vector<21x200xf32> to vector<200xf32>
    %broadcast_in_dim3A_282 = vector.shape_cast %reduce_sum3A_281 : vector<200xf32> to vector<1x200xf32>
    %slice3A_283 = vector.extract_strided_slice %dot_general3A_276 {offsets = [0, 200], sizes = [21, 200], strides = [1, 1]} : vector<21x1000xf32> to vector<21x200xf32>
    %mul3A_284 = arith.mulf %slice3A_283, %slice3A_277 : vector<21x200xf32>
    %reduce_sum3A_285 = arith.constant dense<0.000000e+00> : vector<200xf32>
    %reduce_sum3A_286 = vector.multi_reduction <add>, %mul3A_284, %reduce_sum3A_285 [0] : vector<21x200xf32> to vector<200xf32>
    %broadcast_in_dim3A_287 = vector.shape_cast %reduce_sum3A_286 : vector<200xf32> to vector<1x200xf32>
    %slice3A_288 = vector.extract_strided_slice %dot_general3A_276 {offsets = [0, 400], sizes = [21, 200], strides = [1, 1]} : vector<21x1000xf32> to vector<21x200xf32>
    %mul3A_289 = arith.mulf %slice3A_288, %slice3A_277 : vector<21x200xf32>
    %reduce_sum3A_290 = arith.constant dense<0.000000e+00> : vector<200xf32>
    %reduce_sum3A_291 = vector.multi_reduction <add>, %mul3A_289, %reduce_sum3A_290 [0] : vector<21x200xf32> to vector<200xf32>
    %broadcast_in_dim3A_292 = vector.shape_cast %reduce_sum3A_291 : vector<200xf32> to vector<1x200xf32>
    %slice3A_293 = vector.extract_strided_slice %dot_general3A_276 {offsets = [0, 600], sizes = [21, 200], strides = [1, 1]} : vector<21x1000xf32> to vector<21x200xf32>
    %mul3A_294 = arith.mulf %slice3A_293, %slice3A_277 : vector<21x200xf32>
    %reduce_sum3A_295 = arith.constant dense<0.000000e+00> : vector<200xf32>
    %reduce_sum3A_296 = vector.multi_reduction <add>, %mul3A_294, %reduce_sum3A_295 [0] : vector<21x200xf32> to vector<200xf32>
    %broadcast_in_dim3A_297 = vector.shape_cast %reduce_sum3A_296 : vector<200xf32> to vector<1x200xf32>
    %slice3A_298 = vector.extract_strided_slice %dot_general3A_276 {offsets = [0, 800], sizes = [21, 200], strides = [1, 1]} : vector<21x1000xf32> to vector<21x200xf32>
    %mul3A_299 = arith.mulf %slice3A_298, %slice3A_277 : vector<21x200xf32>
    %reduce_sum3A_300 = arith.constant dense<0.000000e+00> : vector<200xf32>
    %reduce_sum3A_301 = vector.multi_reduction <add>, %mul3A_299, %reduce_sum3A_300 [0] : vector<21x200xf32> to vector<200xf32>
    %broadcast_in_dim3A_302 = vector.shape_cast %reduce_sum3A_301 : vector<200xf32> to vector<1x200xf32>
    %concatenate3A_303 = tpu.concatenate %broadcast_in_dim3A_282, %broadcast_in_dim3A_287, %broadcast_in_dim3A_292, %broadcast_in_dim3A_297, %broadcast_in_dim3A_302 in 0 : vector<1x200xf32>, vector<1x200xf32>, vector<1x200xf32>, vector<1x200xf32>, vector<1x200xf32> -> vector<5x200xf32>
    %mul3A_304 = arith.mulf %concatenate3A_303, %concatenate3A_303 : vector<5x200xf32>
    %dot_general3A_305 = arith.constant dense<0.000000e+00> : vector<5x5xf32>
    %dot_general3A_306 = tpu.matmul %mul3A_304, %mul3A_304, %dot_general3A_305 {dimension_numbers = #tpu.dot_dimension_numbers<[1], [1], [0], [0], [0, 0, 1, 0], [], []>, transpose_lhs_hint = false} : vector<5x200xf32>, vector<5x200xf32>, vector<5x5xf32> -> vector<5x5xf32>
    %sqrt3A_307 = math.sqrt %dot_general3A_306 : vector<5x5xf32>
    %max3A_308 = arith.constant 9.99999996E-13 : f32
    %max3A_309 = vector.broadcast %max3A_308 : f32 to vector<5x5xf32>
    %max3A_310 = arith.maximumf %sqrt3A_307, %max3A_309 : vector<5x5xf32>
    %get3A_311 = arith.constant 0 : index
    %get3A_312 = arith.constant 0 : index
    %get3A_313 = vector.load %arg3[%get3A_311, %get3A_312] : memref<5x5xf32, #tpu.memory_space<vmem>>, vector<1x5xf32>
    %div3A_314 = vector.broadcast %get3A_313 : vector<1x5xf32> to vector<5x5xf32>
    %div3A_315 = arith.divf %div3A_314, %max3A_310 : vector<5x5xf32>
    %dot_general3A_316 = arith.constant dense<0.000000e+00> : vector<5x200xf32>
    %dot_general3A_317 = tpu.matmul %div3A_315, %concatenate3A_303, %dot_general3A_316 {dimension_numbers = #tpu.dot_dimension_numbers<[1], [0], [0], [1], [0, 0, 1, 1], [], []>, transpose_lhs_hint = false} : vector<5x5xf32>, vector<5x200xf32>, vector<5x200xf32> -> vector<5x200xf32>
    %mul3A_318 = arith.constant 0.999994993 : f32
    %mul3A_319 = vector.broadcast %mul3A_318 : f32 to vector<5x200xf32>
    %mul3A_320 = arith.mulf %mul3A_319, %concatenate3A_303 : vector<5x200xf32>
    %mul3A_321 = arith.mulf %mul3A_320, %dot_general3A_317 : vector<5x200xf32>
    %logistic3A_322 = arith.negf %mul3A_321 : vector<5x200xf32>
    %logistic3A_323 = math.exp %logistic3A_322 : vector<5x200xf32>
    %logistic3A_324 = arith.constant 1.000000e+00 : f32
    %logistic3A_325 = vector.broadcast %logistic3A_324 : f32 to vector<5x200xf32>
    %logistic3A_326 = arith.addf %logistic3A_325, %logistic3A_323 : vector<5x200xf32>
    %logistic3A_327 = arith.divf %logistic3A_325, %logistic3A_326 : vector<5x200xf32>
    %get3A_328 = arith.constant 0 : index
    %get3A_329 = arith.constant 0 : index
    %get3A_330 = vector.load %arg2[%get3A_328, %get3A_329] : memref<1x5xf32, #tpu.memory_space<vmem>>, vector<1x1xf32>
    %mul3A_331 = arith.constant 0.999994993 : f32
    %mul3A_332 = vector.broadcast %mul3A_331 : f32 to vector<5x200xf32>
    %mul3A_333 = arith.mulf %mul3A_332, %neg3A_269 : vector<5x200xf32>
    %mul3A_334 = vector.broadcast %get3A_330 : vector<1x1xf32> to vector<5x200xf32>
    %mul3A_335 = arith.mulf %mul3A_333, %mul3A_334 : vector<5x200xf32>
    %logistic3A_336 = arith.negf %mul3A_335 : vector<5x200xf32>
    %logistic3A_337 = math.exp %logistic3A_336 : vector<5x200xf32>
    %logistic3A_338 = arith.constant 1.000000e+00 : f32
    %logistic3A_339 = vector.broadcast %logistic3A_338 : f32 to vector<5x200xf32>
    %logistic3A_340 = arith.addf %logistic3A_339, %logistic3A_337 : vector<5x200xf32>
    %logistic3A_341 = arith.divf %logistic3A_339, %logistic3A_340 : vector<5x200xf32>
    %mul3A_342 = arith.mulf %logistic3A_341, %logistic3A_327 : vector<5x200xf32>
    %slice3A_343 = vector.extract_strided_slice %mul3A_342 {offsets = [0, 0], sizes = [1, 200], strides = [1, 1]} : vector<5x200xf32> to vector<1x200xf32>
    %slice3A_344 = vector.extract_strided_slice %mul3A_342 {offsets = [1, 0], sizes = [1, 200], strides = [1, 1]} : vector<5x200xf32> to vector<1x200xf32>
    %slice3A_345 = vector.extract_strided_slice %mul3A_342 {offsets = [2, 0], sizes = [1, 200], strides = [1, 1]} : vector<5x200xf32> to vector<1x200xf32>
    %slice3A_346 = vector.extract_strided_slice %mul3A_342 {offsets = [3, 0], sizes = [1, 200], strides = [1, 1]} : vector<5x200xf32> to vector<1x200xf32>
    %slice3A_347 = vector.extract_strided_slice %mul3A_342 {offsets = [4, 0], sizes = [1, 200], strides = [1, 1]} : vector<5x200xf32> to vector<1x200xf32>
    %concatenate3A_348 = tpu.concatenate %slice3A_343, %slice3A_344, %slice3A_345, %slice3A_346, %slice3A_347 in 1 : vector<1x200xf32>, vector<1x200xf32>, vector<1x200xf32>, vector<1x200xf32>, vector<1x200xf32> -> vector<1x1000xf32>
    %slice3A_349 = vector.extract_strided_slice %get3A_13 {offsets = [3, 0], sizes = [18, 200], strides = [1, 1]} : vector<21x200xf32> to vector<18x200xf32>
    %slice3A_350 = vector.extract_strided_slice %dot_general3A_276 {offsets = [3, 0], sizes = [18, 1000], strides = [1, 1]} : vector<21x1000xf32> to vector<18x1000xf32>
    %concatenate3A_351 = tpu.concatenate %slice3A_349, %slice3A_349, %slice3A_349, %slice3A_349, %slice3A_349 in 1 : vector<18x200xf32>, vector<18x200xf32>, vector<18x200xf32>, vector<18x200xf32>, vector<18x200xf32> -> vector<18x1000xf32>
    %mul3A_352 = vector.broadcast %concatenate3A_348 : vector<1x1000xf32> to vector<18x1000xf32>
    %mul3A_353 = arith.mulf %mul3A_352, %slice3A_350 : vector<18x1000xf32>
    %sub3A_354 = arith.constant 1.000000e+00 : f32
    %sub3A_355 = vector.broadcast %sub3A_354 : f32 to vector<1x1000xf32>
    %sub3A_356 = arith.subf %sub3A_355, %concatenate3A_348 : vector<1x1000xf32>
    %mul3A_357 = vector.broadcast %sub3A_356 : vector<1x1000xf32> to vector<18x1000xf32>
    %mul3A_358 = arith.mulf %mul3A_357, %concatenate3A_351 : vector<18x1000xf32>
    %add3A_359 = arith.addf %mul3A_353, %mul3A_358 : vector<18x1000xf32>
    %dot_general3A_360 = arith.constant dense<0.000000e+00> : vector<200x200xf32>
    %dot_general3A_361 = tpu.matmul %get3A_18, %get3A_18, %dot_general3A_360 {dimension_numbers = #tpu.dot_dimension_numbers<[0], [0], [1], [1], [0, 1, 1, 1], [], []>, transpose_lhs_hint = false} : vector<21x200xf32>, vector<21x200xf32>, vector<200x200xf32> -> vector<200x200xf32>
    %mul3A_362 = arith.mulf %get3A_18, %get3A_18 : vector<21x200xf32>
    %reduce_sum3A_363 = arith.constant dense<0.000000e+00> : vector<200xf32>
    %reduce_sum3A_364 = vector.multi_reduction <add>, %mul3A_362, %reduce_sum3A_363 [0] : vector<21x200xf32> to vector<200xf32>
    %broadcast_in_dim3A_365 = vector.shape_cast %reduce_sum3A_364 : vector<200xf32> to vector<1x200xf32>
    %mul3A_366 = arith.constant 2.000000e+00 : f32
    %mul3A_367 = vector.broadcast %mul3A_366 : f32 to vector<200x200xf32>
    %mul3A_368 = arith.mulf %mul3A_367, %dot_general3A_361 : vector<200x200xf32>
    %transpose3A_369 = tpu.transpose %broadcast_in_dim3A_365, [1, 0] : vector<1x200xf32> -> vector<200x1xf32>
    %add3A_370 = vector.broadcast %broadcast_in_dim3A_365 : vector<1x200xf32> to vector<200x200xf32>
    %add3A_371 = vector.broadcast %transpose3A_369 : vector<200x1xf32> to vector<200x200xf32>
    %add3A_372 = arith.addf %add3A_370, %add3A_371 : vector<200x200xf32>
    %sub3A_373 = arith.subf %mul3A_368, %add3A_372 : vector<200x200xf32>
    %broadcast_in_dim3A_374 = arith.constant 0 : i32
    %broadcast_in_dim3A_375 = vector.broadcast %broadcast_in_dim3A_374 : i32 to vector<1x200xi32>
    %broadcast_in_dim3A_376 = arith.constant 1 : i32
    %broadcast_in_dim3A_377 = vector.broadcast %broadcast_in_dim3A_376 : i32 to vector<1x200xi32>
    %broadcast_in_dim3A_378 = arith.constant 2 : i32
    %broadcast_in_dim3A_379 = vector.broadcast %broadcast_in_dim3A_378 : i32 to vector<1x200xi32>
    %broadcast_in_dim3A_380 = arith.constant 3 : i32
    %broadcast_in_dim3A_381 = vector.broadcast %broadcast_in_dim3A_380 : i32 to vector<1x200xi32>
    %broadcast_in_dim3A_382 = arith.constant 4 : i32
    %broadcast_in_dim3A_383 = vector.broadcast %broadcast_in_dim3A_382 : i32 to vector<1x200xi32>
    %slice3A_384 = vector.extract_strided_slice %sub3A_373 {offsets = [0, 0], sizes = [5, 200], strides = [1, 1]} : vector<200x200xf32> to vector<5x200xf32>
    %neg3A_385 = arith.constant 0.000000e+00 : f32
    %neg3A_386 = vector.broadcast %neg3A_385 : f32 to vector<5x200xf32>
    %neg3A_387 = arith.subf %neg3A_386, %slice3A_384 : vector<5x200xf32>
    %concatenate3A_388 = tpu.concatenate %broadcast_in_dim3A_375, %broadcast_in_dim3A_377, %broadcast_in_dim3A_379, %broadcast_in_dim3A_381, %broadcast_in_dim3A_383 in 1 : vector<1x200xi32>, vector<1x200xi32>, vector<1x200xi32>, vector<1x200xi32>, vector<1x200xi32> -> vector<1x1000xi32>
    %eq3A_389 = vector.broadcast %concatenate3A_388 : vector<1x1000xi32> to vector<200x1000xi32>
    %eq3A_390 = arith.cmpi eq, %iota3A, %eq3A_389 : vector<200x1000xi32>
    %convert_element_type3A_391 = arith.extui %eq3A_390 : vector<200x1000xi1> to vector<200x1000xi32>
    %convert_element_type3A_392 = arith.sitofp %convert_element_type3A_391 : vector<200x1000xi32> to vector<200x1000xf32>
    %dot_general3A_393 = arith.constant dense<0.000000e+00> : vector<21x1000xf32>
    %dot_general3A_394 = tpu.matmul %get3A_18, %convert_element_type3A_392, %dot_general3A_393 {dimension_numbers = #tpu.dot_dimension_numbers<[1], [0], [0], [1], [0, 0, 1, 1], [], []>, transpose_lhs_hint = false} : vector<21x200xf32>, vector<200x1000xf32>, vector<21x1000xf32> -> vector<21x1000xf32>
    %slice3A_395 = vector.extract_strided_slice %dot_general3A_394 {offsets = [0, 0], sizes = [21, 200], strides = [1, 1]} : vector<21x1000xf32> to vector<21x200xf32>
    %slice3A_396 = vector.extract_strided_slice %dot_general3A_394 {offsets = [0, 0], sizes = [21, 200], strides = [1, 1]} : vector<21x1000xf32> to vector<21x200xf32>
    %mul3A_397 = arith.mulf %slice3A_396, %slice3A_395 : vector<21x200xf32>
    %reduce_sum3A_398 = arith.constant dense<0.000000e+00> : vector<200xf32>
    %reduce_sum3A_399 = vector.multi_reduction <add>, %mul3A_397, %reduce_sum3A_398 [0] : vector<21x200xf32> to vector<200xf32>
    %broadcast_in_dim3A_400 = vector.shape_cast %reduce_sum3A_399 : vector<200xf32> to vector<1x200xf32>
    %slice3A_401 = vector.extract_strided_slice %dot_general3A_394 {offsets = [0, 200], sizes = [21, 200], strides = [1, 1]} : vector<21x1000xf32> to vector<21x200xf32>
    %mul3A_402 = arith.mulf %slice3A_401, %slice3A_395 : vector<21x200xf32>
    %reduce_sum3A_403 = arith.constant dense<0.000000e+00> : vector<200xf32>
    %reduce_sum3A_404 = vector.multi_reduction <add>, %mul3A_402, %reduce_sum3A_403 [0] : vector<21x200xf32> to vector<200xf32>
    %broadcast_in_dim3A_405 = vector.shape_cast %reduce_sum3A_404 : vector<200xf32> to vector<1x200xf32>
    %slice3A_406 = vector.extract_strided_slice %dot_general3A_394 {offsets = [0, 400], sizes = [21, 200], strides = [1, 1]} : vector<21x1000xf32> to vector<21x200xf32>
    %mul3A_407 = arith.mulf %slice3A_406, %slice3A_395 : vector<21x200xf32>
    %reduce_sum3A_408 = arith.constant dense<0.000000e+00> : vector<200xf32>
    %reduce_sum3A_409 = vector.multi_reduction <add>, %mul3A_407, %reduce_sum3A_408 [0] : vector<21x200xf32> to vector<200xf32>
    %broadcast_in_dim3A_410 = vector.shape_cast %reduce_sum3A_409 : vector<200xf32> to vector<1x200xf32>
    %slice3A_411 = vector.extract_strided_slice %dot_general3A_394 {offsets = [0, 600], sizes = [21, 200], strides = [1, 1]} : vector<21x1000xf32> to vector<21x200xf32>
    %mul3A_412 = arith.mulf %slice3A_411, %slice3A_395 : vector<21x200xf32>
    %reduce_sum3A_413 = arith.constant dense<0.000000e+00> : vector<200xf32>
    %reduce_sum3A_414 = vector.multi_reduction <add>, %mul3A_412, %reduce_sum3A_413 [0] : vector<21x200xf32> to vector<200xf32>
    %broadcast_in_dim3A_415 = vector.shape_cast %reduce_sum3A_414 : vector<200xf32> to vector<1x200xf32>
    %slice3A_416 = vector.extract_strided_slice %dot_general3A_394 {offsets = [0, 800], sizes = [21, 200], strides = [1, 1]} : vector<21x1000xf32> to vector<21x200xf32>
    %mul3A_417 = arith.mulf %slice3A_416, %slice3A_395 : vector<21x200xf32>
    %reduce_sum3A_418 = arith.constant dense<0.000000e+00> : vector<200xf32>
    %reduce_sum3A_419 = vector.multi_reduction <add>, %mul3A_417, %reduce_sum3A_418 [0] : vector<21x200xf32> to vector<200xf32>
    %broadcast_in_dim3A_420 = vector.shape_cast %reduce_sum3A_419 : vector<200xf32> to vector<1x200xf32>
    %concatenate3A_421 = tpu.concatenate %broadcast_in_dim3A_400, %broadcast_in_dim3A_405, %broadcast_in_dim3A_410, %broadcast_in_dim3A_415, %broadcast_in_dim3A_420 in 0 : vector<1x200xf32>, vector<1x200xf32>, vector<1x200xf32>, vector<1x200xf32>, vector<1x200xf32> -> vector<5x200xf32>
    %mul3A_422 = arith.mulf %concatenate3A_421, %concatenate3A_421 : vector<5x200xf32>
    %dot_general3A_423 = arith.constant dense<0.000000e+00> : vector<5x5xf32>
    %dot_general3A_424 = tpu.matmul %mul3A_422, %mul3A_422, %dot_general3A_423 {dimension_numbers = #tpu.dot_dimension_numbers<[1], [1], [0], [0], [0, 0, 1, 0], [], []>, transpose_lhs_hint = false} : vector<5x200xf32>, vector<5x200xf32>, vector<5x5xf32> -> vector<5x5xf32>
    %sqrt3A_425 = math.sqrt %dot_general3A_424 : vector<5x5xf32>
    %max3A_426 = arith.constant 9.99999996E-13 : f32
    %max3A_427 = vector.broadcast %max3A_426 : f32 to vector<5x5xf32>
    %max3A_428 = arith.maximumf %sqrt3A_425, %max3A_427 : vector<5x5xf32>
    %get3A_429 = arith.constant 0 : index
    %get3A_430 = arith.constant 0 : index
    %get3A_431 = vector.load %arg3[%get3A_429, %get3A_430] : memref<5x5xf32, #tpu.memory_space<vmem>>, vector<1x5xf32>
    %div3A_432 = vector.broadcast %get3A_431 : vector<1x5xf32> to vector<5x5xf32>
    %div3A_433 = arith.divf %div3A_432, %max3A_428 : vector<5x5xf32>
    %dot_general3A_434 = arith.constant dense<0.000000e+00> : vector<5x200xf32>
    %dot_general3A_435 = tpu.matmul %div3A_433, %concatenate3A_421, %dot_general3A_434 {dimension_numbers = #tpu.dot_dimension_numbers<[1], [0], [0], [1], [0, 0, 1, 1], [], []>, transpose_lhs_hint = false} : vector<5x5xf32>, vector<5x200xf32>, vector<5x200xf32> -> vector<5x200xf32>
    %mul3A_436 = arith.constant 0.999994993 : f32
    %mul3A_437 = vector.broadcast %mul3A_436 : f32 to vector<5x200xf32>
    %mul3A_438 = arith.mulf %mul3A_437, %concatenate3A_421 : vector<5x200xf32>
    %mul3A_439 = arith.mulf %mul3A_438, %dot_general3A_435 : vector<5x200xf32>
    %logistic3A_440 = arith.negf %mul3A_439 : vector<5x200xf32>
    %logistic3A_441 = math.exp %logistic3A_440 : vector<5x200xf32>
    %logistic3A_442 = arith.constant 1.000000e+00 : f32
    %logistic3A_443 = vector.broadcast %logistic3A_442 : f32 to vector<5x200xf32>
    %logistic3A_444 = arith.addf %logistic3A_443, %logistic3A_441 : vector<5x200xf32>
    %logistic3A_445 = arith.divf %logistic3A_443, %logistic3A_444 : vector<5x200xf32>
    %get3A_446 = arith.constant 0 : index
    %get3A_447 = arith.constant 0 : index
    %get3A_448 = vector.load %arg2[%get3A_446, %get3A_447] : memref<1x5xf32, #tpu.memory_space<vmem>>, vector<1x1xf32>
    %mul3A_449 = arith.constant 0.999994993 : f32
    %mul3A_450 = vector.broadcast %mul3A_449 : f32 to vector<5x200xf32>
    %mul3A_451 = arith.mulf %mul3A_450, %neg3A_387 : vector<5x200xf32>
    %mul3A_452 = vector.broadcast %get3A_448 : vector<1x1xf32> to vector<5x200xf32>
    %mul3A_453 = arith.mulf %mul3A_451, %mul3A_452 : vector<5x200xf32>
    %logistic3A_454 = arith.negf %mul3A_453 : vector<5x200xf32>
    %logistic3A_455 = math.exp %logistic3A_454 : vector<5x200xf32>
    %logistic3A_456 = arith.constant 1.000000e+00 : f32
    %logistic3A_457 = vector.broadcast %logistic3A_456 : f32 to vector<5x200xf32>
    %logistic3A_458 = arith.addf %logistic3A_457, %logistic3A_455 : vector<5x200xf32>
    %logistic3A_459 = arith.divf %logistic3A_457, %logistic3A_458 : vector<5x200xf32>
    %mul3A_460 = arith.mulf %logistic3A_459, %logistic3A_445 : vector<5x200xf32>
    %slice3A_461 = vector.extract_strided_slice %mul3A_460 {offsets = [0, 0], sizes = [1, 200], strides = [1, 1]} : vector<5x200xf32> to vector<1x200xf32>
    %slice3A_462 = vector.extract_strided_slice %mul3A_460 {offsets = [1, 0], sizes = [1, 200], strides = [1, 1]} : vector<5x200xf32> to vector<1x200xf32>
    %slice3A_463 = vector.extract_strided_slice %mul3A_460 {offsets = [2, 0], sizes = [1, 200], strides = [1, 1]} : vector<5x200xf32> to vector<1x200xf32>
    %slice3A_464 = vector.extract_strided_slice %mul3A_460 {offsets = [3, 0], sizes = [1, 200], strides = [1, 1]} : vector<5x200xf32> to vector<1x200xf32>
    %slice3A_465 = vector.extract_strided_slice %mul3A_460 {offsets = [4, 0], sizes = [1, 200], strides = [1, 1]} : vector<5x200xf32> to vector<1x200xf32>
    %concatenate3A_466 = tpu.concatenate %slice3A_461, %slice3A_462, %slice3A_463, %slice3A_464, %slice3A_465 in 1 : vector<1x200xf32>, vector<1x200xf32>, vector<1x200xf32>, vector<1x200xf32>, vector<1x200xf32> -> vector<1x1000xf32>
    %slice3A_467 = vector.extract_strided_slice %get3A_18 {offsets = [3, 0], sizes = [18, 200], strides = [1, 1]} : vector<21x200xf32> to vector<18x200xf32>
    %slice3A_468 = vector.extract_strided_slice %dot_general3A_394 {offsets = [3, 0], sizes = [18, 1000], strides = [1, 1]} : vector<21x1000xf32> to vector<18x1000xf32>
    %concatenate3A_469 = tpu.concatenate %slice3A_467, %slice3A_467, %slice3A_467, %slice3A_467, %slice3A_467 in 1 : vector<18x200xf32>, vector<18x200xf32>, vector<18x200xf32>, vector<18x200xf32>, vector<18x200xf32> -> vector<18x1000xf32>
    %mul3A_470 = vector.broadcast %concatenate3A_466 : vector<1x1000xf32> to vector<18x1000xf32>
    %mul3A_471 = arith.mulf %mul3A_470, %slice3A_468 : vector<18x1000xf32>
    %sub3A_472 = arith.constant 1.000000e+00 : f32
    %sub3A_473 = vector.broadcast %sub3A_472 : f32 to vector<1x1000xf32>
    %sub3A_474 = arith.subf %sub3A_473, %concatenate3A_466 : vector<1x1000xf32>
    %mul3A_475 = vector.broadcast %sub3A_474 : vector<1x1000xf32> to vector<18x1000xf32>
    %mul3A_476 = arith.mulf %mul3A_475, %concatenate3A_469 : vector<18x1000xf32>
    %add3A_477 = arith.addf %mul3A_471, %mul3A_476 : vector<18x1000xf32>
    %concatenate3A_478 = tpu.concatenate %add3A_123, %add3A_241, %add3A_359, %add3A_477 in 1 : vector<18x1000xf32>, vector<18x1000xf32>, vector<18x1000xf32>, vector<18x1000xf32> -> vector<18x4000xf32>
    %dot_general3A_479 = arith.constant dense<0.000000e+00> : vector<64x4000xf32>
    %dot_general3A_480 = tpu.matmul %get3A_21, %concatenate3A_478, %dot_general3A_479 {dimension_numbers = #tpu.dot_dimension_numbers<[1], [0], [0], [1], [0, 0, 1, 1], [], []>, transpose_lhs_hint = false} : vector<64x18xf32>, vector<18x4000xf32>, vector<64x4000xf32> -> vector<64x4000xf32>
    %mul3A_481 = arith.constant 0.999994993 : f32
    %mul3A_482 = vector.broadcast %mul3A_481 : f32 to vector<64x4000xf32>
    %mul3A_483 = arith.mulf %mul3A_482, %dot_general3A_480 : vector<64x4000xf32>
    %ge3A = arith.constant 0.000000e+00 : f32
    %ge3A_484 = vector.broadcast %ge3A : f32 to vector<64x4000xf32>
    %ge3A_485 = arith.cmpf oge, %mul3A_483, %ge3A_484 : vector<64x4000xf32>
    %mul3A_486 = arith.constant 2.000000e-02 : f32
    %mul3A_487 = vector.broadcast %mul3A_486 : f32 to vector<64x4000xf32>
    %mul3A_488 = arith.mulf %mul3A_487, %mul3A_483 : vector<64x4000xf32>
    %select_n3A = arith.select %ge3A_485, %mul3A_483, %mul3A_488 : vector<64x4000xi1>, vector<64x4000xf32>
    %slice3A_489 = vector.extract_strided_slice %select_n3A {offsets = [0, 0], sizes = [64, 200], strides = [1, 1]} : vector<64x4000xf32> to vector<64x200xf32>
    %slice3A_490 = vector.extract_strided_slice %select_n3A {offsets = [0, 200], sizes = [64, 200], strides = [1, 1]} : vector<64x4000xf32> to vector<64x200xf32>
    %add3A_491 = arith.addf %slice3A_489, %slice3A_490 : vector<64x200xf32>
    %slice3A_492 = vector.extract_strided_slice %select_n3A {offsets = [0, 400], sizes = [64, 200], strides = [1, 1]} : vector<64x4000xf32> to vector<64x200xf32>
    %add3A_493 = arith.addf %add3A_491, %slice3A_492 : vector<64x200xf32>
    %slice3A_494 = vector.extract_strided_slice %select_n3A {offsets = [0, 600], sizes = [64, 200], strides = [1, 1]} : vector<64x4000xf32> to vector<64x200xf32>
    %add3A_495 = arith.addf %add3A_493, %slice3A_494 : vector<64x200xf32>
    %slice3A_496 = vector.extract_strided_slice %select_n3A {offsets = [0, 800], sizes = [64, 200], strides = [1, 1]} : vector<64x4000xf32> to vector<64x200xf32>
    %add3A_497 = arith.addf %add3A_495, %slice3A_496 : vector<64x200xf32>
    %mul3A_498 = arith.constant 2.000000e-01 : f32
    %mul3A_499 = vector.broadcast %mul3A_498 : f32 to vector<64x200xf32>
    %mul3A_500 = arith.mulf %add3A_497, %mul3A_499 : vector<64x200xf32>
    %slice3A_501 = vector.extract_strided_slice %select_n3A {offsets = [0, 1000], sizes = [64, 200], strides = [1, 1]} : vector<64x4000xf32> to vector<64x200xf32>
    %slice3A_502 = vector.extract_strided_slice %select_n3A {offsets = [0, 1200], sizes = [64, 200], strides = [1, 1]} : vector<64x4000xf32> to vector<64x200xf32>
    %add3A_503 = arith.addf %slice3A_501, %slice3A_502 : vector<64x200xf32>
    %slice3A_504 = vector.extract_strided_slice %select_n3A {offsets = [0, 1400], sizes = [64, 200], strides = [1, 1]} : vector<64x4000xf32> to vector<64x200xf32>
    %add3A_505 = arith.addf %add3A_503, %slice3A_504 : vector<64x200xf32>
    %slice3A_506 = vector.extract_strided_slice %select_n3A {offsets = [0, 1600], sizes = [64, 200], strides = [1, 1]} : vector<64x4000xf32> to vector<64x200xf32>
    %add3A_507 = arith.addf %add3A_505, %slice3A_506 : vector<64x200xf32>
    %slice3A_508 = vector.extract_strided_slice %select_n3A {offsets = [0, 1800], sizes = [64, 200], strides = [1, 1]} : vector<64x4000xf32> to vector<64x200xf32>
    %add3A_509 = arith.addf %add3A_507, %slice3A_508 : vector<64x200xf32>
    %mul3A_510 = arith.constant 2.000000e-01 : f32
    %mul3A_511 = vector.broadcast %mul3A_510 : f32 to vector<64x200xf32>
    %mul3A_512 = arith.mulf %add3A_509, %mul3A_511 : vector<64x200xf32>
    %slice3A_513 = vector.extract_strided_slice %select_n3A {offsets = [0, 2000], sizes = [64, 200], strides = [1, 1]} : vector<64x4000xf32> to vector<64x200xf32>
    %slice3A_514 = vector.extract_strided_slice %select_n3A {offsets = [0, 2200], sizes = [64, 200], strides = [1, 1]} : vector<64x4000xf32> to vector<64x200xf32>
    %add3A_515 = arith.addf %slice3A_513, %slice3A_514 : vector<64x200xf32>
    %slice3A_516 = vector.extract_strided_slice %select_n3A {offsets = [0, 2400], sizes = [64, 200], strides = [1, 1]} : vector<64x4000xf32> to vector<64x200xf32>
    %add3A_517 = arith.addf %add3A_515, %slice3A_516 : vector<64x200xf32>
    %slice3A_518 = vector.extract_strided_slice %select_n3A {offsets = [0, 2600], sizes = [64, 200], strides = [1, 1]} : vector<64x4000xf32> to vector<64x200xf32>
    %add3A_519 = arith.addf %add3A_517, %slice3A_518 : vector<64x200xf32>
    %slice3A_520 = vector.extract_strided_slice %select_n3A {offsets = [0, 2800], sizes = [64, 200], strides = [1, 1]} : vector<64x4000xf32> to vector<64x200xf32>
    %add3A_521 = arith.addf %add3A_519, %slice3A_520 : vector<64x200xf32>
    %mul3A_522 = arith.constant 2.000000e-01 : f32
    %mul3A_523 = vector.broadcast %mul3A_522 : f32 to vector<64x200xf32>
    %mul3A_524 = arith.mulf %add3A_521, %mul3A_523 : vector<64x200xf32>
    %slice3A_525 = vector.extract_strided_slice %select_n3A {offsets = [0, 3000], sizes = [64, 200], strides = [1, 1]} : vector<64x4000xf32> to vector<64x200xf32>
    %slice3A_526 = vector.extract_strided_slice %select_n3A {offsets = [0, 3200], sizes = [64, 200], strides = [1, 1]} : vector<64x4000xf32> to vector<64x200xf32>
    %add3A_527 = arith.addf %slice3A_525, %slice3A_526 : vector<64x200xf32>
    %slice3A_528 = vector.extract_strided_slice %select_n3A {offsets = [0, 3400], sizes = [64, 200], strides = [1, 1]} : vector<64x4000xf32> to vector<64x200xf32>
    %add3A_529 = arith.addf %add3A_527, %slice3A_528 : vector<64x200xf32>
    %slice3A_530 = vector.extract_strided_slice %select_n3A {offsets = [0, 3600], sizes = [64, 200], strides = [1, 1]} : vector<64x4000xf32> to vector<64x200xf32>
    %add3A_531 = arith.addf %add3A_529, %slice3A_530 : vector<64x200xf32>
    %slice3A_532 = vector.extract_strided_slice %select_n3A {offsets = [0, 3800], sizes = [64, 200], strides = [1, 1]} : vector<64x4000xf32> to vector<64x200xf32>
    %add3A_533 = arith.addf %add3A_531, %slice3A_532 : vector<64x200xf32>
    %mul3A_534 = arith.constant 2.000000e-01 : f32
    %mul3A_535 = vector.broadcast %mul3A_534 : f32 to vector<64x200xf32>
    %mul3A_536 = arith.mulf %add3A_533, %mul3A_535 : vector<64x200xf32>
    %get3A_537 = arith.constant 0 : index
    %get3A_538 = arith.constant 0 : index
    %get3A_539 = vector.load %arg5[%get3A_537, %get3A_538] : memref<64x64xf32, #tpu.memory_space<vmem>>, vector<64x64xf32>
    %dot_general3A_540 = arith.constant dense<0.000000e+00> : vector<200x200xf32>
    %dot_general3A_541 = tpu.matmul %mul3A_500, %mul3A_500, %dot_general3A_540 {dimension_numbers = #tpu.dot_dimension_numbers<[0], [0], [1], [1], [0, 1, 1, 1], [], []>, transpose_lhs_hint = false} : vector<64x200xf32>, vector<64x200xf32>, vector<200x200xf32> -> vector<200x200xf32>
    %mul3A_542 = arith.mulf %mul3A_500, %mul3A_500 : vector<64x200xf32>
    %reduce_sum3A_543 = arith.constant dense<0.000000e+00> : vector<200xf32>
    %reduce_sum3A_544 = vector.multi_reduction <add>, %mul3A_542, %reduce_sum3A_543 [0] : vector<64x200xf32> to vector<200xf32>
    %broadcast_in_dim3A_545 = vector.shape_cast %reduce_sum3A_544 : vector<200xf32> to vector<1x200xf32>
    %mul3A_546 = arith.constant 2.000000e+00 : f32
    %mul3A_547 = vector.broadcast %mul3A_546 : f32 to vector<200x200xf32>
    %mul3A_548 = arith.mulf %mul3A_547, %dot_general3A_541 : vector<200x200xf32>
    %transpose3A_549 = tpu.transpose %broadcast_in_dim3A_545, [1, 0] : vector<1x200xf32> -> vector<200x1xf32>
    %add3A_550 = vector.broadcast %broadcast_in_dim3A_545 : vector<1x200xf32> to vector<200x200xf32>
    %add3A_551 = vector.broadcast %transpose3A_549 : vector<200x1xf32> to vector<200x200xf32>
    %add3A_552 = arith.addf %add3A_550, %add3A_551 : vector<200x200xf32>
    %sub3A_553 = arith.subf %mul3A_548, %add3A_552 : vector<200x200xf32>
    %broadcast_in_dim3A_554 = arith.constant 0 : i32
    %broadcast_in_dim3A_555 = vector.broadcast %broadcast_in_dim3A_554 : i32 to vector<1x200xi32>
    %broadcast_in_dim3A_556 = arith.constant 1 : i32
    %broadcast_in_dim3A_557 = vector.broadcast %broadcast_in_dim3A_556 : i32 to vector<1x200xi32>
    %broadcast_in_dim3A_558 = arith.constant 2 : i32
    %broadcast_in_dim3A_559 = vector.broadcast %broadcast_in_dim3A_558 : i32 to vector<1x200xi32>
    %broadcast_in_dim3A_560 = arith.constant 3 : i32
    %broadcast_in_dim3A_561 = vector.broadcast %broadcast_in_dim3A_560 : i32 to vector<1x200xi32>
    %broadcast_in_dim3A_562 = arith.constant 4 : i32
    %broadcast_in_dim3A_563 = vector.broadcast %broadcast_in_dim3A_562 : i32 to vector<1x200xi32>
    %slice3A_564 = vector.extract_strided_slice %sub3A_553 {offsets = [0, 0], sizes = [5, 200], strides = [1, 1]} : vector<200x200xf32> to vector<5x200xf32>
    %neg3A_565 = arith.constant 0.000000e+00 : f32
    %neg3A_566 = vector.broadcast %neg3A_565 : f32 to vector<5x200xf32>
    %neg3A_567 = arith.subf %neg3A_566, %slice3A_564 : vector<5x200xf32>
    %concatenate3A_568 = tpu.concatenate %broadcast_in_dim3A_555, %broadcast_in_dim3A_557, %broadcast_in_dim3A_559, %broadcast_in_dim3A_561, %broadcast_in_dim3A_563 in 1 : vector<1x200xi32>, vector<1x200xi32>, vector<1x200xi32>, vector<1x200xi32>, vector<1x200xi32> -> vector<1x1000xi32>
    %eq3A_569 = vector.broadcast %concatenate3A_568 : vector<1x1000xi32> to vector<200x1000xi32>
    %eq3A_570 = arith.cmpi eq, %iota3A, %eq3A_569 : vector<200x1000xi32>
    %convert_element_type3A_571 = arith.extui %eq3A_570 : vector<200x1000xi1> to vector<200x1000xi32>
    %convert_element_type3A_572 = arith.sitofp %convert_element_type3A_571 : vector<200x1000xi32> to vector<200x1000xf32>
    %dot_general3A_573 = arith.constant dense<0.000000e+00> : vector<64x1000xf32>
    %dot_general3A_574 = tpu.matmul %mul3A_500, %convert_element_type3A_572, %dot_general3A_573 {dimension_numbers = #tpu.dot_dimension_numbers<[1], [0], [0], [1], [0, 0, 1, 1], [], []>, transpose_lhs_hint = false} : vector<64x200xf32>, vector<200x1000xf32>, vector<64x1000xf32> -> vector<64x1000xf32>
    %slice3A_575 = vector.extract_strided_slice %dot_general3A_574 {offsets = [0, 0], sizes = [64, 200], strides = [1, 1]} : vector<64x1000xf32> to vector<64x200xf32>
    %slice3A_576 = vector.extract_strided_slice %dot_general3A_574 {offsets = [0, 0], sizes = [64, 200], strides = [1, 1]} : vector<64x1000xf32> to vector<64x200xf32>
    %mul3A_577 = arith.mulf %slice3A_576, %slice3A_575 : vector<64x200xf32>
    %reduce_sum3A_578 = arith.constant dense<0.000000e+00> : vector<200xf32>
    %reduce_sum3A_579 = vector.multi_reduction <add>, %mul3A_577, %reduce_sum3A_578 [0] : vector<64x200xf32> to vector<200xf32>
    %broadcast_in_dim3A_580 = vector.shape_cast %reduce_sum3A_579 : vector<200xf32> to vector<1x200xf32>
    %slice3A_581 = vector.extract_strided_slice %dot_general3A_574 {offsets = [0, 200], sizes = [64, 200], strides = [1, 1]} : vector<64x1000xf32> to vector<64x200xf32>
    %mul3A_582 = arith.mulf %slice3A_581, %slice3A_575 : vector<64x200xf32>
    %reduce_sum3A_583 = arith.constant dense<0.000000e+00> : vector<200xf32>
    %reduce_sum3A_584 = vector.multi_reduction <add>, %mul3A_582, %reduce_sum3A_583 [0] : vector<64x200xf32> to vector<200xf32>
    %broadcast_in_dim3A_585 = vector.shape_cast %reduce_sum3A_584 : vector<200xf32> to vector<1x200xf32>
    %slice3A_586 = vector.extract_strided_slice %dot_general3A_574 {offsets = [0, 400], sizes = [64, 200], strides = [1, 1]} : vector<64x1000xf32> to vector<64x200xf32>
    %mul3A_587 = arith.mulf %slice3A_586, %slice3A_575 : vector<64x200xf32>
    %reduce_sum3A_588 = arith.constant dense<0.000000e+00> : vector<200xf32>
    %reduce_sum3A_589 = vector.multi_reduction <add>, %mul3A_587, %reduce_sum3A_588 [0] : vector<64x200xf32> to vector<200xf32>
    %broadcast_in_dim3A_590 = vector.shape_cast %reduce_sum3A_589 : vector<200xf32> to vector<1x200xf32>
    %slice3A_591 = vector.extract_strided_slice %dot_general3A_574 {offsets = [0, 600], sizes = [64, 200], strides = [1, 1]} : vector<64x1000xf32> to vector<64x200xf32>
    %mul3A_592 = arith.mulf %slice3A_591, %slice3A_575 : vector<64x200xf32>
    %reduce_sum3A_593 = arith.constant dense<0.000000e+00> : vector<200xf32>
    %reduce_sum3A_594 = vector.multi_reduction <add>, %mul3A_592, %reduce_sum3A_593 [0] : vector<64x200xf32> to vector<200xf32>
    %broadcast_in_dim3A_595 = vector.shape_cast %reduce_sum3A_594 : vector<200xf32> to vector<1x200xf32>
    %slice3A_596 = vector.extract_strided_slice %dot_general3A_574 {offsets = [0, 800], sizes = [64, 200], strides = [1, 1]} : vector<64x1000xf32> to vector<64x200xf32>
    %mul3A_597 = arith.mulf %slice3A_596, %slice3A_575 : vector<64x200xf32>
    %reduce_sum3A_598 = arith.constant dense<0.000000e+00> : vector<200xf32>
    %reduce_sum3A_599 = vector.multi_reduction <add>, %mul3A_597, %reduce_sum3A_598 [0] : vector<64x200xf32> to vector<200xf32>
    %broadcast_in_dim3A_600 = vector.shape_cast %reduce_sum3A_599 : vector<200xf32> to vector<1x200xf32>
    %concatenate3A_601 = tpu.concatenate %broadcast_in_dim3A_580, %broadcast_in_dim3A_585, %broadcast_in_dim3A_590, %broadcast_in_dim3A_595, %broadcast_in_dim3A_600 in 0 : vector<1x200xf32>, vector<1x200xf32>, vector<1x200xf32>, vector<1x200xf32>, vector<1x200xf32> -> vector<5x200xf32>
    %mul3A_602 = arith.mulf %concatenate3A_601, %concatenate3A_601 : vector<5x200xf32>
    %dot_general3A_603 = arith.constant dense<0.000000e+00> : vector<5x5xf32>
    %dot_general3A_604 = tpu.matmul %mul3A_602, %mul3A_602, %dot_general3A_603 {dimension_numbers = #tpu.dot_dimension_numbers<[1], [1], [0], [0], [0, 0, 1, 0], [], []>, transpose_lhs_hint = false} : vector<5x200xf32>, vector<5x200xf32>, vector<5x5xf32> -> vector<5x5xf32>
    %sqrt3A_605 = math.sqrt %dot_general3A_604 : vector<5x5xf32>
    %max3A_606 = arith.constant 9.99999996E-13 : f32
    %max3A_607 = vector.broadcast %max3A_606 : f32 to vector<5x5xf32>
    %max3A_608 = arith.maximumf %sqrt3A_605, %max3A_607 : vector<5x5xf32>
    %get3A_609 = arith.constant 1 : index
    %get3A_610 = arith.constant 0 : index
    %get3A_611 = vector.load %arg3[%get3A_609, %get3A_610] : memref<5x5xf32, #tpu.memory_space<vmem>>, vector<1x5xf32>
    %div3A_612 = vector.broadcast %get3A_611 : vector<1x5xf32> to vector<5x5xf32>
    %div3A_613 = arith.divf %div3A_612, %max3A_608 : vector<5x5xf32>
    %dot_general3A_614 = arith.constant dense<0.000000e+00> : vector<5x200xf32>
    %dot_general3A_615 = tpu.matmul %div3A_613, %concatenate3A_601, %dot_general3A_614 {dimension_numbers = #tpu.dot_dimension_numbers<[1], [0], [0], [1], [0, 0, 1, 1], [], []>, transpose_lhs_hint = false} : vector<5x5xf32>, vector<5x200xf32>, vector<5x200xf32> -> vector<5x200xf32>
    %mul3A_616 = arith.constant 0.999994993 : f32
    %mul3A_617 = vector.broadcast %mul3A_616 : f32 to vector<5x200xf32>
    %mul3A_618 = arith.mulf %mul3A_617, %concatenate3A_601 : vector<5x200xf32>
    %mul3A_619 = arith.mulf %mul3A_618, %dot_general3A_615 : vector<5x200xf32>
    %logistic3A_620 = arith.negf %mul3A_619 : vector<5x200xf32>
    %logistic3A_621 = math.exp %logistic3A_620 : vector<5x200xf32>
    %logistic3A_622 = arith.constant 1.000000e+00 : f32
    %logistic3A_623 = vector.broadcast %logistic3A_622 : f32 to vector<5x200xf32>
    %logistic3A_624 = arith.addf %logistic3A_623, %logistic3A_621 : vector<5x200xf32>
    %logistic3A_625 = arith.divf %logistic3A_623, %logistic3A_624 : vector<5x200xf32>
    %get3A_626 = arith.constant 0 : index
    %get3A_627 = arith.constant 1 : index
    %get3A_628 = vector.load %arg2[%get3A_626, %get3A_627] : memref<1x5xf32, #tpu.memory_space<vmem>>, vector<1x1xf32>
    %mul3A_629 = arith.constant 0.999994993 : f32
    %mul3A_630 = vector.broadcast %mul3A_629 : f32 to vector<5x200xf32>
    %mul3A_631 = arith.mulf %mul3A_630, %neg3A_567 : vector<5x200xf32>
    %mul3A_632 = vector.broadcast %get3A_628 : vector<1x1xf32> to vector<5x200xf32>
    %mul3A_633 = arith.mulf %mul3A_631, %mul3A_632 : vector<5x200xf32>
    %logistic3A_634 = arith.negf %mul3A_633 : vector<5x200xf32>
    %logistic3A_635 = math.exp %logistic3A_634 : vector<5x200xf32>
    %logistic3A_636 = arith.constant 1.000000e+00 : f32
    %logistic3A_637 = vector.broadcast %logistic3A_636 : f32 to vector<5x200xf32>
    %logistic3A_638 = arith.addf %logistic3A_637, %logistic3A_635 : vector<5x200xf32>
    %logistic3A_639 = arith.divf %logistic3A_637, %logistic3A_638 : vector<5x200xf32>
    %mul3A_640 = arith.mulf %logistic3A_639, %logistic3A_625 : vector<5x200xf32>
    %slice3A_641 = vector.extract_strided_slice %mul3A_640 {offsets = [0, 0], sizes = [1, 200], strides = [1, 1]} : vector<5x200xf32> to vector<1x200xf32>
    %slice3A_642 = vector.extract_strided_slice %mul3A_640 {offsets = [1, 0], sizes = [1, 200], strides = [1, 1]} : vector<5x200xf32> to vector<1x200xf32>
    %slice3A_643 = vector.extract_strided_slice %mul3A_640 {offsets = [2, 0], sizes = [1, 200], strides = [1, 1]} : vector<5x200xf32> to vector<1x200xf32>
    %slice3A_644 = vector.extract_strided_slice %mul3A_640 {offsets = [3, 0], sizes = [1, 200], strides = [1, 1]} : vector<5x200xf32> to vector<1x200xf32>
    %slice3A_645 = vector.extract_strided_slice %mul3A_640 {offsets = [4, 0], sizes = [1, 200], strides = [1, 1]} : vector<5x200xf32> to vector<1x200xf32>
    %concatenate3A_646 = tpu.concatenate %slice3A_641, %slice3A_642, %slice3A_643, %slice3A_644, %slice3A_645 in 1 : vector<1x200xf32>, vector<1x200xf32>, vector<1x200xf32>, vector<1x200xf32>, vector<1x200xf32> -> vector<1x1000xf32>
    %concatenate3A_647 = tpu.concatenate %mul3A_500, %mul3A_500, %mul3A_500, %mul3A_500, %mul3A_500 in 1 : vector<64x200xf32>, vector<64x200xf32>, vector<64x200xf32>, vector<64x200xf32>, vector<64x200xf32> -> vector<64x1000xf32>
    %mul3A_648 = vector.broadcast %concatenate3A_646 : vector<1x1000xf32> to vector<64x1000xf32>
    %mul3A_649 = arith.mulf %mul3A_648, %dot_general3A_574 : vector<64x1000xf32>
    %sub3A_650 = arith.constant 1.000000e+00 : f32
    %sub3A_651 = vector.broadcast %sub3A_650 : f32 to vector<1x1000xf32>
    %sub3A_652 = arith.subf %sub3A_651, %concatenate3A_646 : vector<1x1000xf32>
    %mul3A_653 = vector.broadcast %sub3A_652 : vector<1x1000xf32> to vector<64x1000xf32>
    %mul3A_654 = arith.mulf %mul3A_653, %concatenate3A_647 : vector<64x1000xf32>
    %add3A_655 = arith.addf %mul3A_649, %mul3A_654 : vector<64x1000xf32>
    %dot_general3A_656 = arith.constant dense<0.000000e+00> : vector<200x200xf32>
    %dot_general3A_657 = tpu.matmul %mul3A_512, %mul3A_512, %dot_general3A_656 {dimension_numbers = #tpu.dot_dimension_numbers<[0], [0], [1], [1], [0, 1, 1, 1], [], []>, transpose_lhs_hint = false} : vector<64x200xf32>, vector<64x200xf32>, vector<200x200xf32> -> vector<200x200xf32>
    %mul3A_658 = arith.mulf %mul3A_512, %mul3A_512 : vector<64x200xf32>
    %reduce_sum3A_659 = arith.constant dense<0.000000e+00> : vector<200xf32>
    %reduce_sum3A_660 = vector.multi_reduction <add>, %mul3A_658, %reduce_sum3A_659 [0] : vector<64x200xf32> to vector<200xf32>
    %broadcast_in_dim3A_661 = vector.shape_cast %reduce_sum3A_660 : vector<200xf32> to vector<1x200xf32>
    %mul3A_662 = arith.constant 2.000000e+00 : f32
    %mul3A_663 = vector.broadcast %mul3A_662 : f32 to vector<200x200xf32>
    %mul3A_664 = arith.mulf %mul3A_663, %dot_general3A_657 : vector<200x200xf32>
    %transpose3A_665 = tpu.transpose %broadcast_in_dim3A_661, [1, 0] : vector<1x200xf32> -> vector<200x1xf32>
    %add3A_666 = vector.broadcast %broadcast_in_dim3A_661 : vector<1x200xf32> to vector<200x200xf32>
    %add3A_667 = vector.broadcast %transpose3A_665 : vector<200x1xf32> to vector<200x200xf32>
    %add3A_668 = arith.addf %add3A_666, %add3A_667 : vector<200x200xf32>
    %sub3A_669 = arith.subf %mul3A_664, %add3A_668 : vector<200x200xf32>
    %broadcast_in_dim3A_670 = arith.constant 0 : i32
    %broadcast_in_dim3A_671 = vector.broadcast %broadcast_in_dim3A_670 : i32 to vector<1x200xi32>
    %broadcast_in_dim3A_672 = arith.constant 1 : i32
    %broadcast_in_dim3A_673 = vector.broadcast %broadcast_in_dim3A_672 : i32 to vector<1x200xi32>
    %broadcast_in_dim3A_674 = arith.constant 2 : i32
    %broadcast_in_dim3A_675 = vector.broadcast %broadcast_in_dim3A_674 : i32 to vector<1x200xi32>
    %broadcast_in_dim3A_676 = arith.constant 3 : i32
    %broadcast_in_dim3A_677 = vector.broadcast %broadcast_in_dim3A_676 : i32 to vector<1x200xi32>
    %broadcast_in_dim3A_678 = arith.constant 4 : i32
    %broadcast_in_dim3A_679 = vector.broadcast %broadcast_in_dim3A_678 : i32 to vector<1x200xi32>
    %slice3A_680 = vector.extract_strided_slice %sub3A_669 {offsets = [0, 0], sizes = [5, 200], strides = [1, 1]} : vector<200x200xf32> to vector<5x200xf32>
    %neg3A_681 = arith.constant 0.000000e+00 : f32
    %neg3A_682 = vector.broadcast %neg3A_681 : f32 to vector<5x200xf32>
    %neg3A_683 = arith.subf %neg3A_682, %slice3A_680 : vector<5x200xf32>
    %concatenate3A_684 = tpu.concatenate %broadcast_in_dim3A_671, %broadcast_in_dim3A_673, %broadcast_in_dim3A_675, %broadcast_in_dim3A_677, %broadcast_in_dim3A_679 in 1 : vector<1x200xi32>, vector<1x200xi32>, vector<1x200xi32>, vector<1x200xi32>, vector<1x200xi32> -> vector<1x1000xi32>
    %eq3A_685 = vector.broadcast %concatenate3A_684 : vector<1x1000xi32> to vector<200x1000xi32>
    %eq3A_686 = arith.cmpi eq, %iota3A, %eq3A_685 : vector<200x1000xi32>
    %convert_element_type3A_687 = arith.extui %eq3A_686 : vector<200x1000xi1> to vector<200x1000xi32>
    %convert_element_type3A_688 = arith.sitofp %convert_element_type3A_687 : vector<200x1000xi32> to vector<200x1000xf32>
    %dot_general3A_689 = arith.constant dense<0.000000e+00> : vector<64x1000xf32>
    %dot_general3A_690 = tpu.matmul %mul3A_512, %convert_element_type3A_688, %dot_general3A_689 {dimension_numbers = #tpu.dot_dimension_numbers<[1], [0], [0], [1], [0, 0, 1, 1], [], []>, transpose_lhs_hint = false} : vector<64x200xf32>, vector<200x1000xf32>, vector<64x1000xf32> -> vector<64x1000xf32>
    %slice3A_691 = vector.extract_strided_slice %dot_general3A_690 {offsets = [0, 0], sizes = [64, 200], strides = [1, 1]} : vector<64x1000xf32> to vector<64x200xf32>
    %slice3A_692 = vector.extract_strided_slice %dot_general3A_690 {offsets = [0, 0], sizes = [64, 200], strides = [1, 1]} : vector<64x1000xf32> to vector<64x200xf32>
    %mul3A_693 = arith.mulf %slice3A_692, %slice3A_691 : vector<64x200xf32>
    %reduce_sum3A_694 = arith.constant dense<0.000000e+00> : vector<200xf32>
    %reduce_sum3A_695 = vector.multi_reduction <add>, %mul3A_693, %reduce_sum3A_694 [0] : vector<64x200xf32> to vector<200xf32>
    %broadcast_in_dim3A_696 = vector.shape_cast %reduce_sum3A_695 : vector<200xf32> to vector<1x200xf32>
    %slice3A_697 = vector.extract_strided_slice %dot_general3A_690 {offsets = [0, 200], sizes = [64, 200], strides = [1, 1]} : vector<64x1000xf32> to vector<64x200xf32>
    %mul3A_698 = arith.mulf %slice3A_697, %slice3A_691 : vector<64x200xf32>
    %reduce_sum3A_699 = arith.constant dense<0.000000e+00> : vector<200xf32>
    %reduce_sum3A_700 = vector.multi_reduction <add>, %mul3A_698, %reduce_sum3A_699 [0] : vector<64x200xf32> to vector<200xf32>
    %broadcast_in_dim3A_701 = vector.shape_cast %reduce_sum3A_700 : vector<200xf32> to vector<1x200xf32>
    %slice3A_702 = vector.extract_strided_slice %dot_general3A_690 {offsets = [0, 400], sizes = [64, 200], strides = [1, 1]} : vector<64x1000xf32> to vector<64x200xf32>
    %mul3A_703 = arith.mulf %slice3A_702, %slice3A_691 : vector<64x200xf32>
    %reduce_sum3A_704 = arith.constant dense<0.000000e+00> : vector<200xf32>
    %reduce_sum3A_705 = vector.multi_reduction <add>, %mul3A_703, %reduce_sum3A_704 [0] : vector<64x200xf32> to vector<200xf32>
    %broadcast_in_dim3A_706 = vector.shape_cast %reduce_sum3A_705 : vector<200xf32> to vector<1x200xf32>
    %slice3A_707 = vector.extract_strided_slice %dot_general3A_690 {offsets = [0, 600], sizes = [64, 200], strides = [1, 1]} : vector<64x1000xf32> to vector<64x200xf32>
    %mul3A_708 = arith.mulf %slice3A_707, %slice3A_691 : vector<64x200xf32>
    %reduce_sum3A_709 = arith.constant dense<0.000000e+00> : vector<200xf32>
    %reduce_sum3A_710 = vector.multi_reduction <add>, %mul3A_708, %reduce_sum3A_709 [0] : vector<64x200xf32> to vector<200xf32>
    %broadcast_in_dim3A_711 = vector.shape_cast %reduce_sum3A_710 : vector<200xf32> to vector<1x200xf32>
    %slice3A_712 = vector.extract_strided_slice %dot_general3A_690 {offsets = [0, 800], sizes = [64, 200], strides = [1, 1]} : vector<64x1000xf32> to vector<64x200xf32>
    %mul3A_713 = arith.mulf %slice3A_712, %slice3A_691 : vector<64x200xf32>
    %reduce_sum3A_714 = arith.constant dense<0.000000e+00> : vector<200xf32>
    %reduce_sum3A_715 = vector.multi_reduction <add>, %mul3A_713, %reduce_sum3A_714 [0] : vector<64x200xf32> to vector<200xf32>
    %broadcast_in_dim3A_716 = vector.shape_cast %reduce_sum3A_715 : vector<200xf32> to vector<1x200xf32>
    %concatenate3A_717 = tpu.concatenate %broadcast_in_dim3A_696, %broadcast_in_dim3A_701, %broadcast_in_dim3A_706, %broadcast_in_dim3A_711, %broadcast_in_dim3A_716 in 0 : vector<1x200xf32>, vector<1x200xf32>, vector<1x200xf32>, vector<1x200xf32>, vector<1x200xf32> -> vector<5x200xf32>
    %mul3A_718 = arith.mulf %concatenate3A_717, %concatenate3A_717 : vector<5x200xf32>
    %dot_general3A_719 = arith.constant dense<0.000000e+00> : vector<5x5xf32>
    %dot_general3A_720 = tpu.matmul %mul3A_718, %mul3A_718, %dot_general3A_719 {dimension_numbers = #tpu.dot_dimension_numbers<[1], [1], [0], [0], [0, 0, 1, 0], [], []>, transpose_lhs_hint = false} : vector<5x200xf32>, vector<5x200xf32>, vector<5x5xf32> -> vector<5x5xf32>
    %sqrt3A_721 = math.sqrt %dot_general3A_720 : vector<5x5xf32>
    %max3A_722 = arith.constant 9.99999996E-13 : f32
    %max3A_723 = vector.broadcast %max3A_722 : f32 to vector<5x5xf32>
    %max3A_724 = arith.maximumf %sqrt3A_721, %max3A_723 : vector<5x5xf32>
    %get3A_725 = arith.constant 1 : index
    %get3A_726 = arith.constant 0 : index
    %get3A_727 = vector.load %arg3[%get3A_725, %get3A_726] : memref<5x5xf32, #tpu.memory_space<vmem>>, vector<1x5xf32>
    %div3A_728 = vector.broadcast %get3A_727 : vector<1x5xf32> to vector<5x5xf32>
    %div3A_729 = arith.divf %div3A_728, %max3A_724 : vector<5x5xf32>
    %dot_general3A_730 = arith.constant dense<0.000000e+00> : vector<5x200xf32>
    %dot_general3A_731 = tpu.matmul %div3A_729, %concatenate3A_717, %dot_general3A_730 {dimension_numbers = #tpu.dot_dimension_numbers<[1], [0], [0], [1], [0, 0, 1, 1], [], []>, transpose_lhs_hint = false} : vector<5x5xf32>, vector<5x200xf32>, vector<5x200xf32> -> vector<5x200xf32>
    %mul3A_732 = arith.constant 0.999994993 : f32
    %mul3A_733 = vector.broadcast %mul3A_732 : f32 to vector<5x200xf32>
    %mul3A_734 = arith.mulf %mul3A_733, %concatenate3A_717 : vector<5x200xf32>
    %mul3A_735 = arith.mulf %mul3A_734, %dot_general3A_731 : vector<5x200xf32>
    %logistic3A_736 = arith.negf %mul3A_735 : vector<5x200xf32>
    %logistic3A_737 = math.exp %logistic3A_736 : vector<5x200xf32>
    %logistic3A_738 = arith.constant 1.000000e+00 : f32
    %logistic3A_739 = vector.broadcast %logistic3A_738 : f32 to vector<5x200xf32>
    %logistic3A_740 = arith.addf %logistic3A_739, %logistic3A_737 : vector<5x200xf32>
    %logistic3A_741 = arith.divf %logistic3A_739, %logistic3A_740 : vector<5x200xf32>
    %get3A_742 = arith.constant 0 : index
    %get3A_743 = arith.constant 1 : index
    %get3A_744 = vector.load %arg2[%get3A_742, %get3A_743] : memref<1x5xf32, #tpu.memory_space<vmem>>, vector<1x1xf32>
    %mul3A_745 = arith.constant 0.999994993 : f32
    %mul3A_746 = vector.broadcast %mul3A_745 : f32 to vector<5x200xf32>
    %mul3A_747 = arith.mulf %mul3A_746, %neg3A_683 : vector<5x200xf32>
    %mul3A_748 = vector.broadcast %get3A_744 : vector<1x1xf32> to vector<5x200xf32>
    %mul3A_749 = arith.mulf %mul3A_747, %mul3A_748 : vector<5x200xf32>
    %logistic3A_750 = arith.negf %mul3A_749 : vector<5x200xf32>
    %logistic3A_751 = math.exp %logistic3A_750 : vector<5x200xf32>
    %logistic3A_752 = arith.constant 1.000000e+00 : f32
    %logistic3A_753 = vector.broadcast %logistic3A_752 : f32 to vector<5x200xf32>
    %logistic3A_754 = arith.addf %logistic3A_753, %logistic3A_751 : vector<5x200xf32>
    %logistic3A_755 = arith.divf %logistic3A_753, %logistic3A_754 : vector<5x200xf32>
    %mul3A_756 = arith.mulf %logistic3A_755, %logistic3A_741 : vector<5x200xf32>
    %slice3A_757 = vector.extract_strided_slice %mul3A_756 {offsets = [0, 0], sizes = [1, 200], strides = [1, 1]} : vector<5x200xf32> to vector<1x200xf32>
    %slice3A_758 = vector.extract_strided_slice %mul3A_756 {offsets = [1, 0], sizes = [1, 200], strides = [1, 1]} : vector<5x200xf32> to vector<1x200xf32>
    %slice3A_759 = vector.extract_strided_slice %mul3A_756 {offsets = [2, 0], sizes = [1, 200], strides = [1, 1]} : vector<5x200xf32> to vector<1x200xf32>
    %slice3A_760 = vector.extract_strided_slice %mul3A_756 {offsets = [3, 0], sizes = [1, 200], strides = [1, 1]} : vector<5x200xf32> to vector<1x200xf32>
    %slice3A_761 = vector.extract_strided_slice %mul3A_756 {offsets = [4, 0], sizes = [1, 200], strides = [1, 1]} : vector<5x200xf32> to vector<1x200xf32>
    %concatenate3A_762 = tpu.concatenate %slice3A_757, %slice3A_758, %slice3A_759, %slice3A_760, %slice3A_761 in 1 : vector<1x200xf32>, vector<1x200xf32>, vector<1x200xf32>, vector<1x200xf32>, vector<1x200xf32> -> vector<1x1000xf32>
    %concatenate3A_763 = tpu.concatenate %mul3A_512, %mul3A_512, %mul3A_512, %mul3A_512, %mul3A_512 in 1 : vector<64x200xf32>, vector<64x200xf32>, vector<64x200xf32>, vector<64x200xf32>, vector<64x200xf32> -> vector<64x1000xf32>
    %mul3A_764 = vector.broadcast %concatenate3A_762 : vector<1x1000xf32> to vector<64x1000xf32>
    %mul3A_765 = arith.mulf %mul3A_764, %dot_general3A_690 : vector<64x1000xf32>
    %sub3A_766 = arith.constant 1.000000e+00 : f32
    %sub3A_767 = vector.broadcast %sub3A_766 : f32 to vector<1x1000xf32>
    %sub3A_768 = arith.subf %sub3A_767, %concatenate3A_762 : vector<1x1000xf32>
    %mul3A_769 = vector.broadcast %sub3A_768 : vector<1x1000xf32> to vector<64x1000xf32>
    %mul3A_770 = arith.mulf %mul3A_769, %concatenate3A_763 : vector<64x1000xf32>
    %add3A_771 = arith.addf %mul3A_765, %mul3A_770 : vector<64x1000xf32>
    %dot_general3A_772 = arith.constant dense<0.000000e+00> : vector<200x200xf32>
    %dot_general3A_773 = tpu.matmul %mul3A_524, %mul3A_524, %dot_general3A_772 {dimension_numbers = #tpu.dot_dimension_numbers<[0], [0], [1], [1], [0, 1, 1, 1], [], []>, transpose_lhs_hint = false} : vector<64x200xf32>, vector<64x200xf32>, vector<200x200xf32> -> vector<200x200xf32>
    %mul3A_774 = arith.mulf %mul3A_524, %mul3A_524 : vector<64x200xf32>
    %reduce_sum3A_775 = arith.constant dense<0.000000e+00> : vector<200xf32>
    %reduce_sum3A_776 = vector.multi_reduction <add>, %mul3A_774, %reduce_sum3A_775 [0] : vector<64x200xf32> to vector<200xf32>
    %broadcast_in_dim3A_777 = vector.shape_cast %reduce_sum3A_776 : vector<200xf32> to vector<1x200xf32>
    %mul3A_778 = arith.constant 2.000000e+00 : f32
    %mul3A_779 = vector.broadcast %mul3A_778 : f32 to vector<200x200xf32>
    %mul3A_780 = arith.mulf %mul3A_779, %dot_general3A_773 : vector<200x200xf32>
    %transpose3A_781 = tpu.transpose %broadcast_in_dim3A_777, [1, 0] : vector<1x200xf32> -> vector<200x1xf32>
    %add3A_782 = vector.broadcast %broadcast_in_dim3A_777 : vector<1x200xf32> to vector<200x200xf32>
    %add3A_783 = vector.broadcast %transpose3A_781 : vector<200x1xf32> to vector<200x200xf32>
    %add3A_784 = arith.addf %add3A_782, %add3A_783 : vector<200x200xf32>
    %sub3A_785 = arith.subf %mul3A_780, %add3A_784 : vector<200x200xf32>
    %broadcast_in_dim3A_786 = arith.constant 0 : i32
    %broadcast_in_dim3A_787 = vector.broadcast %broadcast_in_dim3A_786 : i32 to vector<1x200xi32>
    %broadcast_in_dim3A_788 = arith.constant 1 : i32
    %broadcast_in_dim3A_789 = vector.broadcast %broadcast_in_dim3A_788 : i32 to vector<1x200xi32>
    %broadcast_in_dim3A_790 = arith.constant 2 : i32
    %broadcast_in_dim3A_791 = vector.broadcast %broadcast_in_dim3A_790 : i32 to vector<1x200xi32>
    %broadcast_in_dim3A_792 = arith.constant 3 : i32
    %broadcast_in_dim3A_793 = vector.broadcast %broadcast_in_dim3A_792 : i32 to vector<1x200xi32>
    %broadcast_in_dim3A_794 = arith.constant 4 : i32
    %broadcast_in_dim3A_795 = vector.broadcast %broadcast_in_dim3A_794 : i32 to vector<1x200xi32>
    %slice3A_796 = vector.extract_strided_slice %sub3A_785 {offsets = [0, 0], sizes = [5, 200], strides = [1, 1]} : vector<200x200xf32> to vector<5x200xf32>
    %neg3A_797 = arith.constant 0.000000e+00 : f32
    %neg3A_798 = vector.broadcast %neg3A_797 : f32 to vector<5x200xf32>
    %neg3A_799 = arith.subf %neg3A_798, %slice3A_796 : vector<5x200xf32>
    %concatenate3A_800 = tpu.concatenate %broadcast_in_dim3A_787, %broadcast_in_dim3A_789, %broadcast_in_dim3A_791, %broadcast_in_dim3A_793, %broadcast_in_dim3A_795 in 1 : vector<1x200xi32>, vector<1x200xi32>, vector<1x200xi32>, vector<1x200xi32>, vector<1x200xi32> -> vector<1x1000xi32>
    %eq3A_801 = vector.broadcast %concatenate3A_800 : vector<1x1000xi32> to vector<200x1000xi32>
    %eq3A_802 = arith.cmpi eq, %iota3A, %eq3A_801 : vector<200x1000xi32>
    %convert_element_type3A_803 = arith.extui %eq3A_802 : vector<200x1000xi1> to vector<200x1000xi32>
    %convert_element_type3A_804 = arith.sitofp %convert_element_type3A_803 : vector<200x1000xi32> to vector<200x1000xf32>
    %dot_general3A_805 = arith.constant dense<0.000000e+00> : vector<64x1000xf32>
    %dot_general3A_806 = tpu.matmul %mul3A_524, %convert_element_type3A_804, %dot_general3A_805 {dimension_numbers = #tpu.dot_dimension_numbers<[1], [0], [0], [1], [0, 0, 1, 1], [], []>, transpose_lhs_hint = false} : vector<64x200xf32>, vector<200x1000xf32>, vector<64x1000xf32> -> vector<64x1000xf32>
    %slice3A_807 = vector.extract_strided_slice %dot_general3A_806 {offsets = [0, 0], sizes = [64, 200], strides = [1, 1]} : vector<64x1000xf32> to vector<64x200xf32>
    %slice3A_808 = vector.extract_strided_slice %dot_general3A_806 {offsets = [0, 0], sizes = [64, 200], strides = [1, 1]} : vector<64x1000xf32> to vector<64x200xf32>
    %mul3A_809 = arith.mulf %slice3A_808, %slice3A_807 : vector<64x200xf32>
    %reduce_sum3A_810 = arith.constant dense<0.000000e+00> : vector<200xf32>
    %reduce_sum3A_811 = vector.multi_reduction <add>, %mul3A_809, %reduce_sum3A_810 [0] : vector<64x200xf32> to vector<200xf32>
    %broadcast_in_dim3A_812 = vector.shape_cast %reduce_sum3A_811 : vector<200xf32> to vector<1x200xf32>
    %slice3A_813 = vector.extract_strided_slice %dot_general3A_806 {offsets = [0, 200], sizes = [64, 200], strides = [1, 1]} : vector<64x1000xf32> to vector<64x200xf32>
    %mul3A_814 = arith.mulf %slice3A_813, %slice3A_807 : vector<64x200xf32>
    %reduce_sum3A_815 = arith.constant dense<0.000000e+00> : vector<200xf32>
    %reduce_sum3A_816 = vector.multi_reduction <add>, %mul3A_814, %reduce_sum3A_815 [0] : vector<64x200xf32> to vector<200xf32>
    %broadcast_in_dim3A_817 = vector.shape_cast %reduce_sum3A_816 : vector<200xf32> to vector<1x200xf32>
    %slice3A_818 = vector.extract_strided_slice %dot_general3A_806 {offsets = [0, 400], sizes = [64, 200], strides = [1, 1]} : vector<64x1000xf32> to vector<64x200xf32>
    %mul3A_819 = arith.mulf %slice3A_818, %slice3A_807 : vector<64x200xf32>
    %reduce_sum3A_820 = arith.constant dense<0.000000e+00> : vector<200xf32>
    %reduce_sum3A_821 = vector.multi_reduction <add>, %mul3A_819, %reduce_sum3A_820 [0] : vector<64x200xf32> to vector<200xf32>
    %broadcast_in_dim3A_822 = vector.shape_cast %reduce_sum3A_821 : vector<200xf32> to vector<1x200xf32>
    %slice3A_823 = vector.extract_strided_slice %dot_general3A_806 {offsets = [0, 600], sizes = [64, 200], strides = [1, 1]} : vector<64x1000xf32> to vector<64x200xf32>
    %mul3A_824 = arith.mulf %slice3A_823, %slice3A_807 : vector<64x200xf32>
    %reduce_sum3A_825 = arith.constant dense<0.000000e+00> : vector<200xf32>
    %reduce_sum3A_826 = vector.multi_reduction <add>, %mul3A_824, %reduce_sum3A_825 [0] : vector<64x200xf32> to vector<200xf32>
    %broadcast_in_dim3A_827 = vector.shape_cast %reduce_sum3A_826 : vector<200xf32> to vector<1x200xf32>
    %slice3A_828 = vector.extract_strided_slice %dot_general3A_806 {offsets = [0, 800], sizes = [64, 200], strides = [1, 1]} : vector<64x1000xf32> to vector<64x200xf32>
    %mul3A_829 = arith.mulf %slice3A_828, %slice3A_807 : vector<64x200xf32>
    %reduce_sum3A_830 = arith.constant dense<0.000000e+00> : vector<200xf32>
    %reduce_sum3A_831 = vector.multi_reduction <add>, %mul3A_829, %reduce_sum3A_830 [0] : vector<64x200xf32> to vector<200xf32>
    %broadcast_in_dim3A_832 = vector.shape_cast %reduce_sum3A_831 : vector<200xf32> to vector<1x200xf32>
    %concatenate3A_833 = tpu.concatenate %broadcast_in_dim3A_812, %broadcast_in_dim3A_817, %broadcast_in_dim3A_822, %broadcast_in_dim3A_827, %broadcast_in_dim3A_832 in 0 : vector<1x200xf32>, vector<1x200xf32>, vector<1x200xf32>, vector<1x200xf32>, vector<1x200xf32> -> vector<5x200xf32>
    %mul3A_834 = arith.mulf %concatenate3A_833, %concatenate3A_833 : vector<5x200xf32>
    %dot_general3A_835 = arith.constant dense<0.000000e+00> : vector<5x5xf32>
    %dot_general3A_836 = tpu.matmul %mul3A_834, %mul3A_834, %dot_general3A_835 {dimension_numbers = #tpu.dot_dimension_numbers<[1], [1], [0], [0], [0, 0, 1, 0], [], []>, transpose_lhs_hint = false} : vector<5x200xf32>, vector<5x200xf32>, vector<5x5xf32> -> vector<5x5xf32>
    %sqrt3A_837 = math.sqrt %dot_general3A_836 : vector<5x5xf32>
    %max3A_838 = arith.constant 9.99999996E-13 : f32
    %max3A_839 = vector.broadcast %max3A_838 : f32 to vector<5x5xf32>
    %max3A_840 = arith.maximumf %sqrt3A_837, %max3A_839 : vector<5x5xf32>
    %get3A_841 = arith.constant 1 : index
    %get3A_842 = arith.constant 0 : index
    %get3A_843 = vector.load %arg3[%get3A_841, %get3A_842] : memref<5x5xf32, #tpu.memory_space<vmem>>, vector<1x5xf32>
    %div3A_844 = vector.broadcast %get3A_843 : vector<1x5xf32> to vector<5x5xf32>
    %div3A_845 = arith.divf %div3A_844, %max3A_840 : vector<5x5xf32>
    %dot_general3A_846 = arith.constant dense<0.000000e+00> : vector<5x200xf32>
    %dot_general3A_847 = tpu.matmul %div3A_845, %concatenate3A_833, %dot_general3A_846 {dimension_numbers = #tpu.dot_dimension_numbers<[1], [0], [0], [1], [0, 0, 1, 1], [], []>, transpose_lhs_hint = false} : vector<5x5xf32>, vector<5x200xf32>, vector<5x200xf32> -> vector<5x200xf32>
    %mul3A_848 = arith.constant 0.999994993 : f32
    %mul3A_849 = vector.broadcast %mul3A_848 : f32 to vector<5x200xf32>
    %mul3A_850 = arith.mulf %mul3A_849, %concatenate3A_833 : vector<5x200xf32>
    %mul3A_851 = arith.mulf %mul3A_850, %dot_general3A_847 : vector<5x200xf32>
    %logistic3A_852 = arith.negf %mul3A_851 : vector<5x200xf32>
    %logistic3A_853 = math.exp %logistic3A_852 : vector<5x200xf32>
    %logistic3A_854 = arith.constant 1.000000e+00 : f32
    %logistic3A_855 = vector.broadcast %logistic3A_854 : f32 to vector<5x200xf32>
    %logistic3A_856 = arith.addf %logistic3A_855, %logistic3A_853 : vector<5x200xf32>
    %logistic3A_857 = arith.divf %logistic3A_855, %logistic3A_856 : vector<5x200xf32>
    %get3A_858 = arith.constant 0 : index
    %get3A_859 = arith.constant 1 : index
    %get3A_860 = vector.load %arg2[%get3A_858, %get3A_859] : memref<1x5xf32, #tpu.memory_space<vmem>>, vector<1x1xf32>
    %mul3A_861 = arith.constant 0.999994993 : f32
    %mul3A_862 = vector.broadcast %mul3A_861 : f32 to vector<5x200xf32>
    %mul3A_863 = arith.mulf %mul3A_862, %neg3A_799 : vector<5x200xf32>
    %mul3A_864 = vector.broadcast %get3A_860 : vector<1x1xf32> to vector<5x200xf32>
    %mul3A_865 = arith.mulf %mul3A_863, %mul3A_864 : vector<5x200xf32>
    %logistic3A_866 = arith.negf %mul3A_865 : vector<5x200xf32>
    %logistic3A_867 = math.exp %logistic3A_866 : vector<5x200xf32>
    %logistic3A_868 = arith.constant 1.000000e+00 : f32
    %logistic3A_869 = vector.broadcast %logistic3A_868 : f32 to vector<5x200xf32>
    %logistic3A_870 = arith.addf %logistic3A_869, %logistic3A_867 : vector<5x200xf32>
    %logistic3A_871 = arith.divf %logistic3A_869, %logistic3A_870 : vector<5x200xf32>
    %mul3A_872 = arith.mulf %logistic3A_871, %logistic3A_857 : vector<5x200xf32>
    %slice3A_873 = vector.extract_strided_slice %mul3A_872 {offsets = [0, 0], sizes = [1, 200], strides = [1, 1]} : vector<5x200xf32> to vector<1x200xf32>
    %slice3A_874 = vector.extract_strided_slice %mul3A_872 {offsets = [1, 0], sizes = [1, 200], strides = [1, 1]} : vector<5x200xf32> to vector<1x200xf32>
    %slice3A_875 = vector.extract_strided_slice %mul3A_872 {offsets = [2, 0], sizes = [1, 200], strides = [1, 1]} : vector<5x200xf32> to vector<1x200xf32>
    %slice3A_876 = vector.extract_strided_slice %mul3A_872 {offsets = [3, 0], sizes = [1, 200], strides = [1, 1]} : vector<5x200xf32> to vector<1x200xf32>
    %slice3A_877 = vector.extract_strided_slice %mul3A_872 {offsets = [4, 0], sizes = [1, 200], strides = [1, 1]} : vector<5x200xf32> to vector<1x200xf32>
    %concatenate3A_878 = tpu.concatenate %slice3A_873, %slice3A_874, %slice3A_875, %slice3A_876, %slice3A_877 in 1 : vector<1x200xf32>, vector<1x200xf32>, vector<1x200xf32>, vector<1x200xf32>, vector<1x200xf32> -> vector<1x1000xf32>
    %concatenate3A_879 = tpu.concatenate %mul3A_524, %mul3A_524, %mul3A_524, %mul3A_524, %mul3A_524 in 1 : vector<64x200xf32>, vector<64x200xf32>, vector<64x200xf32>, vector<64x200xf32>, vector<64x200xf32> -> vector<64x1000xf32>
    %mul3A_880 = vector.broadcast %concatenate3A_878 : vector<1x1000xf32> to vector<64x1000xf32>
    %mul3A_881 = arith.mulf %mul3A_880, %dot_general3A_806 : vector<64x1000xf32>
    %sub3A_882 = arith.constant 1.000000e+00 : f32
    %sub3A_883 = vector.broadcast %sub3A_882 : f32 to vector<1x1000xf32>
    %sub3A_884 = arith.subf %sub3A_883, %concatenate3A_878 : vector<1x1000xf32>
    %mul3A_885 = vector.broadcast %sub3A_884 : vector<1x1000xf32> to vector<64x1000xf32>
    %mul3A_886 = arith.mulf %mul3A_885, %concatenate3A_879 : vector<64x1000xf32>
    %add3A_887 = arith.addf %mul3A_881, %mul3A_886 : vector<64x1000xf32>
    %dot_general3A_888 = arith.constant dense<0.000000e+00> : vector<200x200xf32>
    %dot_general3A_889 = tpu.matmul %mul3A_536, %mul3A_536, %dot_general3A_888 {dimension_numbers = #tpu.dot_dimension_numbers<[0], [0], [1], [1], [0, 1, 1, 1], [], []>, transpose_lhs_hint = false} : vector<64x200xf32>, vector<64x200xf32>, vector<200x200xf32> -> vector<200x200xf32>
    %mul3A_890 = arith.mulf %mul3A_536, %mul3A_536 : vector<64x200xf32>
    %reduce_sum3A_891 = arith.constant dense<0.000000e+00> : vector<200xf32>
    %reduce_sum3A_892 = vector.multi_reduction <add>, %mul3A_890, %reduce_sum3A_891 [0] : vector<64x200xf32> to vector<200xf32>
    %broadcast_in_dim3A_893 = vector.shape_cast %reduce_sum3A_892 : vector<200xf32> to vector<1x200xf32>
    %mul3A_894 = arith.constant 2.000000e+00 : f32
    %mul3A_895 = vector.broadcast %mul3A_894 : f32 to vector<200x200xf32>
    %mul3A_896 = arith.mulf %mul3A_895, %dot_general3A_889 : vector<200x200xf32>
    %transpose3A_897 = tpu.transpose %broadcast_in_dim3A_893, [1, 0] : vector<1x200xf32> -> vector<200x1xf32>
    %add3A_898 = vector.broadcast %broadcast_in_dim3A_893 : vector<1x200xf32> to vector<200x200xf32>
    %add3A_899 = vector.broadcast %transpose3A_897 : vector<200x1xf32> to vector<200x200xf32>
    %add3A_900 = arith.addf %add3A_898, %add3A_899 : vector<200x200xf32>
    %sub3A_901 = arith.subf %mul3A_896, %add3A_900 : vector<200x200xf32>
    %broadcast_in_dim3A_902 = arith.constant 0 : i32
    %broadcast_in_dim3A_903 = vector.broadcast %broadcast_in_dim3A_902 : i32 to vector<1x200xi32>
    %broadcast_in_dim3A_904 = arith.constant 1 : i32
    %broadcast_in_dim3A_905 = vector.broadcast %broadcast_in_dim3A_904 : i32 to vector<1x200xi32>
    %broadcast_in_dim3A_906 = arith.constant 2 : i32
    %broadcast_in_dim3A_907 = vector.broadcast %broadcast_in_dim3A_906 : i32 to vector<1x200xi32>
    %broadcast_in_dim3A_908 = arith.constant 3 : i32
    %broadcast_in_dim3A_909 = vector.broadcast %broadcast_in_dim3A_908 : i32 to vector<1x200xi32>
    %broadcast_in_dim3A_910 = arith.constant 4 : i32
    %broadcast_in_dim3A_911 = vector.broadcast %broadcast_in_dim3A_910 : i32 to vector<1x200xi32>
    %slice3A_912 = vector.extract_strided_slice %sub3A_901 {offsets = [0, 0], sizes = [5, 200], strides = [1, 1]} : vector<200x200xf32> to vector<5x200xf32>
    %neg3A_913 = arith.constant 0.000000e+00 : f32
    %neg3A_914 = vector.broadcast %neg3A_913 : f32 to vector<5x200xf32>
    %neg3A_915 = arith.subf %neg3A_914, %slice3A_912 : vector<5x200xf32>
    %concatenate3A_916 = tpu.concatenate %broadcast_in_dim3A_903, %broadcast_in_dim3A_905, %broadcast_in_dim3A_907, %broadcast_in_dim3A_909, %broadcast_in_dim3A_911 in 1 : vector<1x200xi32>, vector<1x200xi32>, vector<1x200xi32>, vector<1x200xi32>, vector<1x200xi32> -> vector<1x1000xi32>
    %eq3A_917 = vector.broadcast %concatenate3A_916 : vector<1x1000xi32> to vector<200x1000xi32>
    %eq3A_918 = arith.cmpi eq, %iota3A, %eq3A_917 : vector<200x1000xi32>
    %convert_element_type3A_919 = arith.extui %eq3A_918 : vector<200x1000xi1> to vector<200x1000xi32>
    %convert_element_type3A_920 = arith.sitofp %convert_element_type3A_919 : vector<200x1000xi32> to vector<200x1000xf32>
    %dot_general3A_921 = arith.constant dense<0.000000e+00> : vector<64x1000xf32>
    %dot_general3A_922 = tpu.matmul %mul3A_536, %convert_element_type3A_920, %dot_general3A_921 {dimension_numbers = #tpu.dot_dimension_numbers<[1], [0], [0], [1], [0, 0, 1, 1], [], []>, transpose_lhs_hint = false} : vector<64x200xf32>, vector<200x1000xf32>, vector<64x1000xf32> -> vector<64x1000xf32>
    %slice3A_923 = vector.extract_strided_slice %dot_general3A_922 {offsets = [0, 0], sizes = [64, 200], strides = [1, 1]} : vector<64x1000xf32> to vector<64x200xf32>
    %slice3A_924 = vector.extract_strided_slice %dot_general3A_922 {offsets = [0, 0], sizes = [64, 200], strides = [1, 1]} : vector<64x1000xf32> to vector<64x200xf32>
    %mul3A_925 = arith.mulf %slice3A_924, %slice3A_923 : vector<64x200xf32>
    %reduce_sum3A_926 = arith.constant dense<0.000000e+00> : vector<200xf32>
    %reduce_sum3A_927 = vector.multi_reduction <add>, %mul3A_925, %reduce_sum3A_926 [0] : vector<64x200xf32> to vector<200xf32>
    %broadcast_in_dim3A_928 = vector.shape_cast %reduce_sum3A_927 : vector<200xf32> to vector<1x200xf32>
    %slice3A_929 = vector.extract_strided_slice %dot_general3A_922 {offsets = [0, 200], sizes = [64, 200], strides = [1, 1]} : vector<64x1000xf32> to vector<64x200xf32>
    %mul3A_930 = arith.mulf %slice3A_929, %slice3A_923 : vector<64x200xf32>
    %reduce_sum3A_931 = arith.constant dense<0.000000e+00> : vector<200xf32>
    %reduce_sum3A_932 = vector.multi_reduction <add>, %mul3A_930, %reduce_sum3A_931 [0] : vector<64x200xf32> to vector<200xf32>
    %broadcast_in_dim3A_933 = vector.shape_cast %reduce_sum3A_932 : vector<200xf32> to vector<1x200xf32>
    %slice3A_934 = vector.extract_strided_slice %dot_general3A_922 {offsets = [0, 400], sizes = [64, 200], strides = [1, 1]} : vector<64x1000xf32> to vector<64x200xf32>
    %mul3A_935 = arith.mulf %slice3A_934, %slice3A_923 : vector<64x200xf32>
    %reduce_sum3A_936 = arith.constant dense<0.000000e+00> : vector<200xf32>
    %reduce_sum3A_937 = vector.multi_reduction <add>, %mul3A_935, %reduce_sum3A_936 [0] : vector<64x200xf32> to vector<200xf32>
    %broadcast_in_dim3A_938 = vector.shape_cast %reduce_sum3A_937 : vector<200xf32> to vector<1x200xf32>
    %slice3A_939 = vector.extract_strided_slice %dot_general3A_922 {offsets = [0, 600], sizes = [64, 200], strides = [1, 1]} : vector<64x1000xf32> to vector<64x200xf32>
    %mul3A_940 = arith.mulf %slice3A_939, %slice3A_923 : vector<64x200xf32>
    %reduce_sum3A_941 = arith.constant dense<0.000000e+00> : vector<200xf32>
    %reduce_sum3A_942 = vector.multi_reduction <add>, %mul3A_940, %reduce_sum3A_941 [0] : vector<64x200xf32> to vector<200xf32>
    %broadcast_in_dim3A_943 = vector.shape_cast %reduce_sum3A_942 : vector<200xf32> to vector<1x200xf32>
    %slice3A_944 = vector.extract_strided_slice %dot_general3A_922 {offsets = [0, 800], sizes = [64, 200], strides = [1, 1]} : vector<64x1000xf32> to vector<64x200xf32>
    %mul3A_945 = arith.mulf %slice3A_944, %slice3A_923 : vector<64x200xf32>
    %reduce_sum3A_946 = arith.constant dense<0.000000e+00> : vector<200xf32>
    %reduce_sum3A_947 = vector.multi_reduction <add>, %mul3A_945, %reduce_sum3A_946 [0] : vector<64x200xf32> to vector<200xf32>
    %broadcast_in_dim3A_948 = vector.shape_cast %reduce_sum3A_947 : vector<200xf32> to vector<1x200xf32>
    %concatenate3A_949 = tpu.concatenate %broadcast_in_dim3A_928, %broadcast_in_dim3A_933, %broadcast_in_dim3A_938, %broadcast_in_dim3A_943, %broadcast_in_dim3A_948 in 0 : vector<1x200xf32>, vector<1x200xf32>, vector<1x200xf32>, vector<1x200xf32>, vector<1x200xf32> -> vector<5x200xf32>
    %mul3A_950 = arith.mulf %concatenate3A_949, %concatenate3A_949 : vector<5x200xf32>
    %dot_general3A_951 = arith.constant dense<0.000000e+00> : vector<5x5xf32>
    %dot_general3A_952 = tpu.matmul %mul3A_950, %mul3A_950, %dot_general3A_951 {dimension_numbers = #tpu.dot_dimension_numbers<[1], [1], [0], [0], [0, 0, 1, 0], [], []>, transpose_lhs_hint = false} : vector<5x200xf32>, vector<5x200xf32>, vector<5x5xf32> -> vector<5x5xf32>
    %sqrt3A_953 = math.sqrt %dot_general3A_952 : vector<5x5xf32>
    %max3A_954 = arith.constant 9.99999996E-13 : f32
    %max3A_955 = vector.broadcast %max3A_954 : f32 to vector<5x5xf32>
    %max3A_956 = arith.maximumf %sqrt3A_953, %max3A_955 : vector<5x5xf32>
    %get3A_957 = arith.constant 1 : index
    %get3A_958 = arith.constant 0 : index
    %get3A_959 = vector.load %arg3[%get3A_957, %get3A_958] : memref<5x5xf32, #tpu.memory_space<vmem>>, vector<1x5xf32>
    %div3A_960 = vector.broadcast %get3A_959 : vector<1x5xf32> to vector<5x5xf32>
    %div3A_961 = arith.divf %div3A_960, %max3A_956 : vector<5x5xf32>
    %dot_general3A_962 = arith.constant dense<0.000000e+00> : vector<5x200xf32>
    %dot_general3A_963 = tpu.matmul %div3A_961, %concatenate3A_949, %dot_general3A_962 {dimension_numbers = #tpu.dot_dimension_numbers<[1], [0], [0], [1], [0, 0, 1, 1], [], []>, transpose_lhs_hint = false} : vector<5x5xf32>, vector<5x200xf32>, vector<5x200xf32> -> vector<5x200xf32>
    %mul3A_964 = arith.constant 0.999994993 : f32
    %mul3A_965 = vector.broadcast %mul3A_964 : f32 to vector<5x200xf32>
    %mul3A_966 = arith.mulf %mul3A_965, %concatenate3A_949 : vector<5x200xf32>
    %mul3A_967 = arith.mulf %mul3A_966, %dot_general3A_963 : vector<5x200xf32>
    %logistic3A_968 = arith.negf %mul3A_967 : vector<5x200xf32>
    %logistic3A_969 = math.exp %logistic3A_968 : vector<5x200xf32>
    %logistic3A_970 = arith.constant 1.000000e+00 : f32
    %logistic3A_971 = vector.broadcast %logistic3A_970 : f32 to vector<5x200xf32>
    %logistic3A_972 = arith.addf %logistic3A_971, %logistic3A_969 : vector<5x200xf32>
    %logistic3A_973 = arith.divf %logistic3A_971, %logistic3A_972 : vector<5x200xf32>
    %get3A_974 = arith.constant 0 : index
    %get3A_975 = arith.constant 1 : index
    %get3A_976 = vector.load %arg2[%get3A_974, %get3A_975] : memref<1x5xf32, #tpu.memory_space<vmem>>, vector<1x1xf32>
    %mul3A_977 = arith.constant 0.999994993 : f32
    %mul3A_978 = vector.broadcast %mul3A_977 : f32 to vector<5x200xf32>
    %mul3A_979 = arith.mulf %mul3A_978, %neg3A_915 : vector<5x200xf32>
    %mul3A_980 = vector.broadcast %get3A_976 : vector<1x1xf32> to vector<5x200xf32>
    %mul3A_981 = arith.mulf %mul3A_979, %mul3A_980 : vector<5x200xf32>
    %logistic3A_982 = arith.negf %mul3A_981 : vector<5x200xf32>
    %logistic3A_983 = math.exp %logistic3A_982 : vector<5x200xf32>
    %logistic3A_984 = arith.constant 1.000000e+00 : f32
    %logistic3A_985 = vector.broadcast %logistic3A_984 : f32 to vector<5x200xf32>
    %logistic3A_986 = arith.addf %logistic3A_985, %logistic3A_983 : vector<5x200xf32>
    %logistic3A_987 = arith.divf %logistic3A_985, %logistic3A_986 : vector<5x200xf32>
    %mul3A_988 = arith.mulf %logistic3A_987, %logistic3A_973 : vector<5x200xf32>
    %slice3A_989 = vector.extract_strided_slice %mul3A_988 {offsets = [0, 0], sizes = [1, 200], strides = [1, 1]} : vector<5x200xf32> to vector<1x200xf32>
    %slice3A_990 = vector.extract_strided_slice %mul3A_988 {offsets = [1, 0], sizes = [1, 200], strides = [1, 1]} : vector<5x200xf32> to vector<1x200xf32>
    %slice3A_991 = vector.extract_strided_slice %mul3A_988 {offsets = [2, 0], sizes = [1, 200], strides = [1, 1]} : vector<5x200xf32> to vector<1x200xf32>
    %slice3A_992 = vector.extract_strided_slice %mul3A_988 {offsets = [3, 0], sizes = [1, 200], strides = [1, 1]} : vector<5x200xf32> to vector<1x200xf32>
    %slice3A_993 = vector.extract_strided_slice %mul3A_988 {offsets = [4, 0], sizes = [1, 200], strides = [1, 1]} : vector<5x200xf32> to vector<1x200xf32>
    %concatenate3A_994 = tpu.concatenate %slice3A_989, %slice3A_990, %slice3A_991, %slice3A_992, %slice3A_993 in 1 : vector<1x200xf32>, vector<1x200xf32>, vector<1x200xf32>, vector<1x200xf32>, vector<1x200xf32> -> vector<1x1000xf32>
    %concatenate3A_995 = tpu.concatenate %mul3A_536, %mul3A_536, %mul3A_536, %mul3A_536, %mul3A_536 in 1 : vector<64x200xf32>, vector<64x200xf32>, vector<64x200xf32>, vector<64x200xf32>, vector<64x200xf32> -> vector<64x1000xf32>
    %mul3A_996 = vector.broadcast %concatenate3A_994 : vector<1x1000xf32> to vector<64x1000xf32>
    %mul3A_997 = arith.mulf %mul3A_996, %dot_general3A_922 : vector<64x1000xf32>
    %sub3A_998 = arith.constant 1.000000e+00 : f32
    %sub3A_999 = vector.broadcast %sub3A_998 : f32 to vector<1x1000xf32>
    %sub3A_1000 = arith.subf %sub3A_999, %concatenate3A_994 : vector<1x1000xf32>
    %mul3A_1001 = vector.broadcast %sub3A_1000 : vector<1x1000xf32> to vector<64x1000xf32>
    %mul3A_1002 = arith.mulf %mul3A_1001, %concatenate3A_995 : vector<64x1000xf32>
    %add3A_1003 = arith.addf %mul3A_997, %mul3A_1002 : vector<64x1000xf32>
    %concatenate3A_1004 = tpu.concatenate %add3A_655, %add3A_771, %add3A_887, %add3A_1003 in 1 : vector<64x1000xf32>, vector<64x1000xf32>, vector<64x1000xf32>, vector<64x1000xf32> -> vector<64x4000xf32>
    %dot_general3A_1005 = arith.constant dense<0.000000e+00> : vector<64x4000xf32>
    %dot_general3A_1006 = tpu.matmul %get3A_539, %concatenate3A_1004, %dot_general3A_1005 {dimension_numbers = #tpu.dot_dimension_numbers<[1], [0], [0], [1], [0, 0, 1, 1], [], []>, transpose_lhs_hint = false} : vector<64x64xf32>, vector<64x4000xf32>, vector<64x4000xf32> -> vector<64x4000xf32>
    %mul3A_1007 = arith.constant 0.999994993 : f32
    %mul3A_1008 = vector.broadcast %mul3A_1007 : f32 to vector<64x4000xf32>
    %mul3A_1009 = arith.mulf %mul3A_1008, %dot_general3A_1006 : vector<64x4000xf32>
    %ge3A_1010 = arith.constant 0.000000e+00 : f32
    %ge3A_1011 = vector.broadcast %ge3A_1010 : f32 to vector<64x4000xf32>
    %ge3A_1012 = arith.cmpf oge, %mul3A_1009, %ge3A_1011 : vector<64x4000xf32>
    %mul3A_1013 = arith.constant 2.000000e-02 : f32
    %mul3A_1014 = vector.broadcast %mul3A_1013 : f32 to vector<64x4000xf32>
    %mul3A_1015 = arith.mulf %mul3A_1014, %mul3A_1009 : vector<64x4000xf32>
    %select_n3A_1016 = arith.select %ge3A_1012, %mul3A_1009, %mul3A_1015 : vector<64x4000xi1>, vector<64x4000xf32>
    %slice3A_1017 = vector.extract_strided_slice %select_n3A_1016 {offsets = [0, 0], sizes = [64, 200], strides = [1, 1]} : vector<64x4000xf32> to vector<64x200xf32>
    %slice3A_1018 = vector.extract_strided_slice %select_n3A_1016 {offsets = [0, 200], sizes = [64, 200], strides = [1, 1]} : vector<64x4000xf32> to vector<64x200xf32>
    %add3A_1019 = arith.addf %slice3A_1017, %slice3A_1018 : vector<64x200xf32>
    %slice3A_1020 = vector.extract_strided_slice %select_n3A_1016 {offsets = [0, 400], sizes = [64, 200], strides = [1, 1]} : vector<64x4000xf32> to vector<64x200xf32>
    %add3A_1021 = arith.addf %add3A_1019, %slice3A_1020 : vector<64x200xf32>
    %slice3A_1022 = vector.extract_strided_slice %select_n3A_1016 {offsets = [0, 600], sizes = [64, 200], strides = [1, 1]} : vector<64x4000xf32> to vector<64x200xf32>
    %add3A_1023 = arith.addf %add3A_1021, %slice3A_1022 : vector<64x200xf32>
    %slice3A_1024 = vector.extract_strided_slice %select_n3A_1016 {offsets = [0, 800], sizes = [64, 200], strides = [1, 1]} : vector<64x4000xf32> to vector<64x200xf32>
    %add3A_1025 = arith.addf %add3A_1023, %slice3A_1024 : vector<64x200xf32>
    %mul3A_1026 = arith.constant 2.000000e-01 : f32
    %mul3A_1027 = vector.broadcast %mul3A_1026 : f32 to vector<64x200xf32>
    %mul3A_1028 = arith.mulf %add3A_1025, %mul3A_1027 : vector<64x200xf32>
    %slice3A_1029 = vector.extract_strided_slice %select_n3A_1016 {offsets = [0, 1000], sizes = [64, 200], strides = [1, 1]} : vector<64x4000xf32> to vector<64x200xf32>
    %slice3A_1030 = vector.extract_strided_slice %select_n3A_1016 {offsets = [0, 1200], sizes = [64, 200], strides = [1, 1]} : vector<64x4000xf32> to vector<64x200xf32>
    %add3A_1031 = arith.addf %slice3A_1029, %slice3A_1030 : vector<64x200xf32>
    %slice3A_1032 = vector.extract_strided_slice %select_n3A_1016 {offsets = [0, 1400], sizes = [64, 200], strides = [1, 1]} : vector<64x4000xf32> to vector<64x200xf32>
    %add3A_1033 = arith.addf %add3A_1031, %slice3A_1032 : vector<64x200xf32>
    %slice3A_1034 = vector.extract_strided_slice %select_n3A_1016 {offsets = [0, 1600], sizes = [64, 200], strides = [1, 1]} : vector<64x4000xf32> to vector<64x200xf32>
    %add3A_1035 = arith.addf %add3A_1033, %slice3A_1034 : vector<64x200xf32>
    %slice3A_1036 = vector.extract_strided_slice %select_n3A_1016 {offsets = [0, 1800], sizes = [64, 200], strides = [1, 1]} : vector<64x4000xf32> to vector<64x200xf32>
    %add3A_1037 = arith.addf %add3A_1035, %slice3A_1036 : vector<64x200xf32>
    %mul3A_1038 = arith.constant 2.000000e-01 : f32
    %mul3A_1039 = vector.broadcast %mul3A_1038 : f32 to vector<64x200xf32>
    %mul3A_1040 = arith.mulf %add3A_1037, %mul3A_1039 : vector<64x200xf32>
    %slice3A_1041 = vector.extract_strided_slice %select_n3A_1016 {offsets = [0, 2000], sizes = [64, 200], strides = [1, 1]} : vector<64x4000xf32> to vector<64x200xf32>
    %slice3A_1042 = vector.extract_strided_slice %select_n3A_1016 {offsets = [0, 2200], sizes = [64, 200], strides = [1, 1]} : vector<64x4000xf32> to vector<64x200xf32>
    %add3A_1043 = arith.addf %slice3A_1041, %slice3A_1042 : vector<64x200xf32>
    %slice3A_1044 = vector.extract_strided_slice %select_n3A_1016 {offsets = [0, 2400], sizes = [64, 200], strides = [1, 1]} : vector<64x4000xf32> to vector<64x200xf32>
    %add3A_1045 = arith.addf %add3A_1043, %slice3A_1044 : vector<64x200xf32>
    %slice3A_1046 = vector.extract_strided_slice %select_n3A_1016 {offsets = [0, 2600], sizes = [64, 200], strides = [1, 1]} : vector<64x4000xf32> to vector<64x200xf32>
    %add3A_1047 = arith.addf %add3A_1045, %slice3A_1046 : vector<64x200xf32>
    %slice3A_1048 = vector.extract_strided_slice %select_n3A_1016 {offsets = [0, 2800], sizes = [64, 200], strides = [1, 1]} : vector<64x4000xf32> to vector<64x200xf32>
    %add3A_1049 = arith.addf %add3A_1047, %slice3A_1048 : vector<64x200xf32>
    %mul3A_1050 = arith.constant 2.000000e-01 : f32
    %mul3A_1051 = vector.broadcast %mul3A_1050 : f32 to vector<64x200xf32>
    %mul3A_1052 = arith.mulf %add3A_1049, %mul3A_1051 : vector<64x200xf32>
    %slice3A_1053 = vector.extract_strided_slice %select_n3A_1016 {offsets = [0, 3000], sizes = [64, 200], strides = [1, 1]} : vector<64x4000xf32> to vector<64x200xf32>
    %slice3A_1054 = vector.extract_strided_slice %select_n3A_1016 {offsets = [0, 3200], sizes = [64, 200], strides = [1, 1]} : vector<64x4000xf32> to vector<64x200xf32>
    %add3A_1055 = arith.addf %slice3A_1053, %slice3A_1054 : vector<64x200xf32>
    %slice3A_1056 = vector.extract_strided_slice %select_n3A_1016 {offsets = [0, 3400], sizes = [64, 200], strides = [1, 1]} : vector<64x4000xf32> to vector<64x200xf32>
    %add3A_1057 = arith.addf %add3A_1055, %slice3A_1056 : vector<64x200xf32>
    %slice3A_1058 = vector.extract_strided_slice %select_n3A_1016 {offsets = [0, 3600], sizes = [64, 200], strides = [1, 1]} : vector<64x4000xf32> to vector<64x200xf32>
    %add3A_1059 = arith.addf %add3A_1057, %slice3A_1058 : vector<64x200xf32>
    %slice3A_1060 = vector.extract_strided_slice %select_n3A_1016 {offsets = [0, 3800], sizes = [64, 200], strides = [1, 1]} : vector<64x4000xf32> to vector<64x200xf32>
    %add3A_1061 = arith.addf %add3A_1059, %slice3A_1060 : vector<64x200xf32>
    %mul3A_1062 = arith.constant 2.000000e-01 : f32
    %mul3A_1063 = vector.broadcast %mul3A_1062 : f32 to vector<64x200xf32>
    %mul3A_1064 = arith.mulf %add3A_1061, %mul3A_1063 : vector<64x200xf32>
    %get3A_1065 = arith.constant 0 : index
    %get3A_1066 = arith.constant 0 : index
    %get3A_1067 = vector.load %arg6[%get3A_1065, %get3A_1066] : memref<128x64xf32, #tpu.memory_space<vmem>>, vector<128x64xf32>
    %dot_general3A_1068 = arith.constant dense<0.000000e+00> : vector<200x200xf32>
    %dot_general3A_1069 = tpu.matmul %mul3A_1028, %mul3A_1028, %dot_general3A_1068 {dimension_numbers = #tpu.dot_dimension_numbers<[0], [0], [1], [1], [0, 1, 1, 1], [], []>, transpose_lhs_hint = false} : vector<64x200xf32>, vector<64x200xf32>, vector<200x200xf32> -> vector<200x200xf32>
    %mul3A_1070 = arith.mulf %mul3A_1028, %mul3A_1028 : vector<64x200xf32>
    %reduce_sum3A_1071 = arith.constant dense<0.000000e+00> : vector<200xf32>
    %reduce_sum3A_1072 = vector.multi_reduction <add>, %mul3A_1070, %reduce_sum3A_1071 [0] : vector<64x200xf32> to vector<200xf32>
    %broadcast_in_dim3A_1073 = vector.shape_cast %reduce_sum3A_1072 : vector<200xf32> to vector<1x200xf32>
    %mul3A_1074 = arith.constant 2.000000e+00 : f32
    %mul3A_1075 = vector.broadcast %mul3A_1074 : f32 to vector<200x200xf32>
    %mul3A_1076 = arith.mulf %mul3A_1075, %dot_general3A_1069 : vector<200x200xf32>
    %transpose3A_1077 = tpu.transpose %broadcast_in_dim3A_1073, [1, 0] : vector<1x200xf32> -> vector<200x1xf32>
    %add3A_1078 = vector.broadcast %broadcast_in_dim3A_1073 : vector<1x200xf32> to vector<200x200xf32>
    %add3A_1079 = vector.broadcast %transpose3A_1077 : vector<200x1xf32> to vector<200x200xf32>
    %add3A_1080 = arith.addf %add3A_1078, %add3A_1079 : vector<200x200xf32>
    %sub3A_1081 = arith.subf %mul3A_1076, %add3A_1080 : vector<200x200xf32>
    %broadcast_in_dim3A_1082 = arith.constant 0 : i32
    %broadcast_in_dim3A_1083 = vector.broadcast %broadcast_in_dim3A_1082 : i32 to vector<1x200xi32>
    %broadcast_in_dim3A_1084 = arith.constant 1 : i32
    %broadcast_in_dim3A_1085 = vector.broadcast %broadcast_in_dim3A_1084 : i32 to vector<1x200xi32>
    %broadcast_in_dim3A_1086 = arith.constant 2 : i32
    %broadcast_in_dim3A_1087 = vector.broadcast %broadcast_in_dim3A_1086 : i32 to vector<1x200xi32>
    %broadcast_in_dim3A_1088 = arith.constant 3 : i32
    %broadcast_in_dim3A_1089 = vector.broadcast %broadcast_in_dim3A_1088 : i32 to vector<1x200xi32>
    %broadcast_in_dim3A_1090 = arith.constant 4 : i32
    %broadcast_in_dim3A_1091 = vector.broadcast %broadcast_in_dim3A_1090 : i32 to vector<1x200xi32>
    %slice3A_1092 = vector.extract_strided_slice %sub3A_1081 {offsets = [0, 0], sizes = [5, 200], strides = [1, 1]} : vector<200x200xf32> to vector<5x200xf32>
    %neg3A_1093 = arith.constant 0.000000e+00 : f32
    %neg3A_1094 = vector.broadcast %neg3A_1093 : f32 to vector<5x200xf32>
    %neg3A_1095 = arith.subf %neg3A_1094, %slice3A_1092 : vector<5x200xf32>
    %concatenate3A_1096 = tpu.concatenate %broadcast_in_dim3A_1083, %broadcast_in_dim3A_1085, %broadcast_in_dim3A_1087, %broadcast_in_dim3A_1089, %broadcast_in_dim3A_1091 in 1 : vector<1x200xi32>, vector<1x200xi32>, vector<1x200xi32>, vector<1x200xi32>, vector<1x200xi32> -> vector<1x1000xi32>
    %eq3A_1097 = vector.broadcast %concatenate3A_1096 : vector<1x1000xi32> to vector<200x1000xi32>
    %eq3A_1098 = arith.cmpi eq, %iota3A, %eq3A_1097 : vector<200x1000xi32>
    %convert_element_type3A_1099 = arith.extui %eq3A_1098 : vector<200x1000xi1> to vector<200x1000xi32>
    %convert_element_type3A_1100 = arith.sitofp %convert_element_type3A_1099 : vector<200x1000xi32> to vector<200x1000xf32>
    %dot_general3A_1101 = arith.constant dense<0.000000e+00> : vector<64x1000xf32>
    %dot_general3A_1102 = tpu.matmul %mul3A_1028, %convert_element_type3A_1100, %dot_general3A_1101 {dimension_numbers = #tpu.dot_dimension_numbers<[1], [0], [0], [1], [0, 0, 1, 1], [], []>, transpose_lhs_hint = false} : vector<64x200xf32>, vector<200x1000xf32>, vector<64x1000xf32> -> vector<64x1000xf32>
    %slice3A_1103 = vector.extract_strided_slice %dot_general3A_1102 {offsets = [0, 0], sizes = [64, 200], strides = [1, 1]} : vector<64x1000xf32> to vector<64x200xf32>
    %slice3A_1104 = vector.extract_strided_slice %dot_general3A_1102 {offsets = [0, 0], sizes = [64, 200], strides = [1, 1]} : vector<64x1000xf32> to vector<64x200xf32>
    %mul3A_1105 = arith.mulf %slice3A_1104, %slice3A_1103 : vector<64x200xf32>
    %reduce_sum3A_1106 = arith.constant dense<0.000000e+00> : vector<200xf32>
    %reduce_sum3A_1107 = vector.multi_reduction <add>, %mul3A_1105, %reduce_sum3A_1106 [0] : vector<64x200xf32> to vector<200xf32>
    %broadcast_in_dim3A_1108 = vector.shape_cast %reduce_sum3A_1107 : vector<200xf32> to vector<1x200xf32>
    %slice3A_1109 = vector.extract_strided_slice %dot_general3A_1102 {offsets = [0, 200], sizes = [64, 200], strides = [1, 1]} : vector<64x1000xf32> to vector<64x200xf32>
    %mul3A_1110 = arith.mulf %slice3A_1109, %slice3A_1103 : vector<64x200xf32>
    %reduce_sum3A_1111 = arith.constant dense<0.000000e+00> : vector<200xf32>
    %reduce_sum3A_1112 = vector.multi_reduction <add>, %mul3A_1110, %reduce_sum3A_1111 [0] : vector<64x200xf32> to vector<200xf32>
    %broadcast_in_dim3A_1113 = vector.shape_cast %reduce_sum3A_1112 : vector<200xf32> to vector<1x200xf32>
    %slice3A_1114 = vector.extract_strided_slice %dot_general3A_1102 {offsets = [0, 400], sizes = [64, 200], strides = [1, 1]} : vector<64x1000xf32> to vector<64x200xf32>
    %mul3A_1115 = arith.mulf %slice3A_1114, %slice3A_1103 : vector<64x200xf32>
    %reduce_sum3A_1116 = arith.constant dense<0.000000e+00> : vector<200xf32>
    %reduce_sum3A_1117 = vector.multi_reduction <add>, %mul3A_1115, %reduce_sum3A_1116 [0] : vector<64x200xf32> to vector<200xf32>
    %broadcast_in_dim3A_1118 = vector.shape_cast %reduce_sum3A_1117 : vector<200xf32> to vector<1x200xf32>
    %slice3A_1119 = vector.extract_strided_slice %dot_general3A_1102 {offsets = [0, 600], sizes = [64, 200], strides = [1, 1]} : vector<64x1000xf32> to vector<64x200xf32>
    %mul3A_1120 = arith.mulf %slice3A_1119, %slice3A_1103 : vector<64x200xf32>
    %reduce_sum3A_1121 = arith.constant dense<0.000000e+00> : vector<200xf32>
    %reduce_sum3A_1122 = vector.multi_reduction <add>, %mul3A_1120, %reduce_sum3A_1121 [0] : vector<64x200xf32> to vector<200xf32>
    %broadcast_in_dim3A_1123 = vector.shape_cast %reduce_sum3A_1122 : vector<200xf32> to vector<1x200xf32>
    %slice3A_1124 = vector.extract_strided_slice %dot_general3A_1102 {offsets = [0, 800], sizes = [64, 200], strides = [1, 1]} : vector<64x1000xf32> to vector<64x200xf32>
    %mul3A_1125 = arith.mulf %slice3A_1124, %slice3A_1103 : vector<64x200xf32>
    %reduce_sum3A_1126 = arith.constant dense<0.000000e+00> : vector<200xf32>
    %reduce_sum3A_1127 = vector.multi_reduction <add>, %mul3A_1125, %reduce_sum3A_1126 [0] : vector<64x200xf32> to vector<200xf32>
    %broadcast_in_dim3A_1128 = vector.shape_cast %reduce_sum3A_1127 : vector<200xf32> to vector<1x200xf32>
    %concatenate3A_1129 = tpu.concatenate %broadcast_in_dim3A_1108, %broadcast_in_dim3A_1113, %broadcast_in_dim3A_1118, %broadcast_in_dim3A_1123, %broadcast_in_dim3A_1128 in 0 : vector<1x200xf32>, vector<1x200xf32>, vector<1x200xf32>, vector<1x200xf32>, vector<1x200xf32> -> vector<5x200xf32>
    %mul3A_1130 = arith.mulf %concatenate3A_1129, %concatenate3A_1129 : vector<5x200xf32>
    %dot_general3A_1131 = arith.constant dense<0.000000e+00> : vector<5x5xf32>
    %dot_general3A_1132 = tpu.matmul %mul3A_1130, %mul3A_1130, %dot_general3A_1131 {dimension_numbers = #tpu.dot_dimension_numbers<[1], [1], [0], [0], [0, 0, 1, 0], [], []>, transpose_lhs_hint = false} : vector<5x200xf32>, vector<5x200xf32>, vector<5x5xf32> -> vector<5x5xf32>
    %sqrt3A_1133 = math.sqrt %dot_general3A_1132 : vector<5x5xf32>
    %max3A_1134 = arith.constant 9.99999996E-13 : f32
    %max3A_1135 = vector.broadcast %max3A_1134 : f32 to vector<5x5xf32>
    %max3A_1136 = arith.maximumf %sqrt3A_1133, %max3A_1135 : vector<5x5xf32>
    %get3A_1137 = arith.constant 2 : index
    %get3A_1138 = arith.constant 0 : index
    %get3A_1139 = vector.load %arg3[%get3A_1137, %get3A_1138] : memref<5x5xf32, #tpu.memory_space<vmem>>, vector<1x5xf32>
    %div3A_1140 = vector.broadcast %get3A_1139 : vector<1x5xf32> to vector<5x5xf32>
    %div3A_1141 = arith.divf %div3A_1140, %max3A_1136 : vector<5x5xf32>
    %dot_general3A_1142 = arith.constant dense<0.000000e+00> : vector<5x200xf32>
    %dot_general3A_1143 = tpu.matmul %div3A_1141, %concatenate3A_1129, %dot_general3A_1142 {dimension_numbers = #tpu.dot_dimension_numbers<[1], [0], [0], [1], [0, 0, 1, 1], [], []>, transpose_lhs_hint = false} : vector<5x5xf32>, vector<5x200xf32>, vector<5x200xf32> -> vector<5x200xf32>
    %mul3A_1144 = arith.constant 0.999994993 : f32
    %mul3A_1145 = vector.broadcast %mul3A_1144 : f32 to vector<5x200xf32>
    %mul3A_1146 = arith.mulf %mul3A_1145, %concatenate3A_1129 : vector<5x200xf32>
    %mul3A_1147 = arith.mulf %mul3A_1146, %dot_general3A_1143 : vector<5x200xf32>
    %logistic3A_1148 = arith.negf %mul3A_1147 : vector<5x200xf32>
    %logistic3A_1149 = math.exp %logistic3A_1148 : vector<5x200xf32>
    %logistic3A_1150 = arith.constant 1.000000e+00 : f32
    %logistic3A_1151 = vector.broadcast %logistic3A_1150 : f32 to vector<5x200xf32>
    %logistic3A_1152 = arith.addf %logistic3A_1151, %logistic3A_1149 : vector<5x200xf32>
    %logistic3A_1153 = arith.divf %logistic3A_1151, %logistic3A_1152 : vector<5x200xf32>
    %get3A_1154 = arith.constant 0 : index
    %get3A_1155 = arith.constant 2 : index
    %get3A_1156 = vector.load %arg2[%get3A_1154, %get3A_1155] : memref<1x5xf32, #tpu.memory_space<vmem>>, vector<1x1xf32>
    %mul3A_1157 = arith.constant 0.999994993 : f32
    %mul3A_1158 = vector.broadcast %mul3A_1157 : f32 to vector<5x200xf32>
    %mul3A_1159 = arith.mulf %mul3A_1158, %neg3A_1095 : vector<5x200xf32>
    %mul3A_1160 = vector.broadcast %get3A_1156 : vector<1x1xf32> to vector<5x200xf32>
    %mul3A_1161 = arith.mulf %mul3A_1159, %mul3A_1160 : vector<5x200xf32>
    %logistic3A_1162 = arith.negf %mul3A_1161 : vector<5x200xf32>
    %logistic3A_1163 = math.exp %logistic3A_1162 : vector<5x200xf32>
    %logistic3A_1164 = arith.constant 1.000000e+00 : f32
    %logistic3A_1165 = vector.broadcast %logistic3A_1164 : f32 to vector<5x200xf32>
    %logistic3A_1166 = arith.addf %logistic3A_1165, %logistic3A_1163 : vector<5x200xf32>
    %logistic3A_1167 = arith.divf %logistic3A_1165, %logistic3A_1166 : vector<5x200xf32>
    %mul3A_1168 = arith.mulf %logistic3A_1167, %logistic3A_1153 : vector<5x200xf32>
    %slice3A_1169 = vector.extract_strided_slice %mul3A_1168 {offsets = [0, 0], sizes = [1, 200], strides = [1, 1]} : vector<5x200xf32> to vector<1x200xf32>
    %slice3A_1170 = vector.extract_strided_slice %mul3A_1168 {offsets = [1, 0], sizes = [1, 200], strides = [1, 1]} : vector<5x200xf32> to vector<1x200xf32>
    %slice3A_1171 = vector.extract_strided_slice %mul3A_1168 {offsets = [2, 0], sizes = [1, 200], strides = [1, 1]} : vector<5x200xf32> to vector<1x200xf32>
    %slice3A_1172 = vector.extract_strided_slice %mul3A_1168 {offsets = [3, 0], sizes = [1, 200], strides = [1, 1]} : vector<5x200xf32> to vector<1x200xf32>
    %slice3A_1173 = vector.extract_strided_slice %mul3A_1168 {offsets = [4, 0], sizes = [1, 200], strides = [1, 1]} : vector<5x200xf32> to vector<1x200xf32>
    %concatenate3A_1174 = tpu.concatenate %slice3A_1169, %slice3A_1170, %slice3A_1171, %slice3A_1172, %slice3A_1173 in 1 : vector<1x200xf32>, vector<1x200xf32>, vector<1x200xf32>, vector<1x200xf32>, vector<1x200xf32> -> vector<1x1000xf32>
    %concatenate3A_1175 = tpu.concatenate %mul3A_1028, %mul3A_1028, %mul3A_1028, %mul3A_1028, %mul3A_1028 in 1 : vector<64x200xf32>, vector<64x200xf32>, vector<64x200xf32>, vector<64x200xf32>, vector<64x200xf32> -> vector<64x1000xf32>
    %mul3A_1176 = vector.broadcast %concatenate3A_1174 : vector<1x1000xf32> to vector<64x1000xf32>
    %mul3A_1177 = arith.mulf %mul3A_1176, %dot_general3A_1102 : vector<64x1000xf32>
    %sub3A_1178 = arith.constant 1.000000e+00 : f32
    %sub3A_1179 = vector.broadcast %sub3A_1178 : f32 to vector<1x1000xf32>
    %sub3A_1180 = arith.subf %sub3A_1179, %concatenate3A_1174 : vector<1x1000xf32>
    %mul3A_1181 = vector.broadcast %sub3A_1180 : vector<1x1000xf32> to vector<64x1000xf32>
    %mul3A_1182 = arith.mulf %mul3A_1181, %concatenate3A_1175 : vector<64x1000xf32>
    %add3A_1183 = arith.addf %mul3A_1177, %mul3A_1182 : vector<64x1000xf32>
    %dot_general3A_1184 = arith.constant dense<0.000000e+00> : vector<200x200xf32>
    %dot_general3A_1185 = tpu.matmul %mul3A_1040, %mul3A_1040, %dot_general3A_1184 {dimension_numbers = #tpu.dot_dimension_numbers<[0], [0], [1], [1], [0, 1, 1, 1], [], []>, transpose_lhs_hint = false} : vector<64x200xf32>, vector<64x200xf32>, vector<200x200xf32> -> vector<200x200xf32>
    %mul3A_1186 = arith.mulf %mul3A_1040, %mul3A_1040 : vector<64x200xf32>
    %reduce_sum3A_1187 = arith.constant dense<0.000000e+00> : vector<200xf32>
    %reduce_sum3A_1188 = vector.multi_reduction <add>, %mul3A_1186, %reduce_sum3A_1187 [0] : vector<64x200xf32> to vector<200xf32>
    %broadcast_in_dim3A_1189 = vector.shape_cast %reduce_sum3A_1188 : vector<200xf32> to vector<1x200xf32>
    %mul3A_1190 = arith.constant 2.000000e+00 : f32
    %mul3A_1191 = vector.broadcast %mul3A_1190 : f32 to vector<200x200xf32>
    %mul3A_1192 = arith.mulf %mul3A_1191, %dot_general3A_1185 : vector<200x200xf32>
    %transpose3A_1193 = tpu.transpose %broadcast_in_dim3A_1189, [1, 0] : vector<1x200xf32> -> vector<200x1xf32>
    %add3A_1194 = vector.broadcast %broadcast_in_dim3A_1189 : vector<1x200xf32> to vector<200x200xf32>
    %add3A_1195 = vector.broadcast %transpose3A_1193 : vector<200x1xf32> to vector<200x200xf32>
    %add3A_1196 = arith.addf %add3A_1194, %add3A_1195 : vector<200x200xf32>
    %sub3A_1197 = arith.subf %mul3A_1192, %add3A_1196 : vector<200x200xf32>
    %broadcast_in_dim3A_1198 = arith.constant 0 : i32
    %broadcast_in_dim3A_1199 = vector.broadcast %broadcast_in_dim3A_1198 : i32 to vector<1x200xi32>
    %broadcast_in_dim3A_1200 = arith.constant 1 : i32
    %broadcast_in_dim3A_1201 = vector.broadcast %broadcast_in_dim3A_1200 : i32 to vector<1x200xi32>
    %broadcast_in_dim3A_1202 = arith.constant 2 : i32
    %broadcast_in_dim3A_1203 = vector.broadcast %broadcast_in_dim3A_1202 : i32 to vector<1x200xi32>
    %broadcast_in_dim3A_1204 = arith.constant 3 : i32
    %broadcast_in_dim3A_1205 = vector.broadcast %broadcast_in_dim3A_1204 : i32 to vector<1x200xi32>
    %broadcast_in_dim3A_1206 = arith.constant 4 : i32
    %broadcast_in_dim3A_1207 = vector.broadcast %broadcast_in_dim3A_1206 : i32 to vector<1x200xi32>
    %slice3A_1208 = vector.extract_strided_slice %sub3A_1197 {offsets = [0, 0], sizes = [5, 200], strides = [1, 1]} : vector<200x200xf32> to vector<5x200xf32>
    %neg3A_1209 = arith.constant 0.000000e+00 : f32
    %neg3A_1210 = vector.broadcast %neg3A_1209 : f32 to vector<5x200xf32>
    %neg3A_1211 = arith.subf %neg3A_1210, %slice3A_1208 : vector<5x200xf32>
    %concatenate3A_1212 = tpu.concatenate %broadcast_in_dim3A_1199, %broadcast_in_dim3A_1201, %broadcast_in_dim3A_1203, %broadcast_in_dim3A_1205, %broadcast_in_dim3A_1207 in 1 : vector<1x200xi32>, vector<1x200xi32>, vector<1x200xi32>, vector<1x200xi32>, vector<1x200xi32> -> vector<1x1000xi32>
    %eq3A_1213 = vector.broadcast %concatenate3A_1212 : vector<1x1000xi32> to vector<200x1000xi32>
    %eq3A_1214 = arith.cmpi eq, %iota3A, %eq3A_1213 : vector<200x1000xi32>
    %convert_element_type3A_1215 = arith.extui %eq3A_1214 : vector<200x1000xi1> to vector<200x1000xi32>
    %convert_element_type3A_1216 = arith.sitofp %convert_element_type3A_1215 : vector<200x1000xi32> to vector<200x1000xf32>
    %dot_general3A_1217 = arith.constant dense<0.000000e+00> : vector<64x1000xf32>
    %dot_general3A_1218 = tpu.matmul %mul3A_1040, %convert_element_type3A_1216, %dot_general3A_1217 {dimension_numbers = #tpu.dot_dimension_numbers<[1], [0], [0], [1], [0, 0, 1, 1], [], []>, transpose_lhs_hint = false} : vector<64x200xf32>, vector<200x1000xf32>, vector<64x1000xf32> -> vector<64x1000xf32>
    %slice3A_1219 = vector.extract_strided_slice %dot_general3A_1218 {offsets = [0, 0], sizes = [64, 200], strides = [1, 1]} : vector<64x1000xf32> to vector<64x200xf32>
    %slice3A_1220 = vector.extract_strided_slice %dot_general3A_1218 {offsets = [0, 0], sizes = [64, 200], strides = [1, 1]} : vector<64x1000xf32> to vector<64x200xf32>
    %mul3A_1221 = arith.mulf %slice3A_1220, %slice3A_1219 : vector<64x200xf32>
    %reduce_sum3A_1222 = arith.constant dense<0.000000e+00> : vector<200xf32>
    %reduce_sum3A_1223 = vector.multi_reduction <add>, %mul3A_1221, %reduce_sum3A_1222 [0] : vector<64x200xf32> to vector<200xf32>
    %broadcast_in_dim3A_1224 = vector.shape_cast %reduce_sum3A_1223 : vector<200xf32> to vector<1x200xf32>
    %slice3A_1225 = vector.extract_strided_slice %dot_general3A_1218 {offsets = [0, 200], sizes = [64, 200], strides = [1, 1]} : vector<64x1000xf32> to vector<64x200xf32>
    %mul3A_1226 = arith.mulf %slice3A_1225, %slice3A_1219 : vector<64x200xf32>
    %reduce_sum3A_1227 = arith.constant dense<0.000000e+00> : vector<200xf32>
    %reduce_sum3A_1228 = vector.multi_reduction <add>, %mul3A_1226, %reduce_sum3A_1227 [0] : vector<64x200xf32> to vector<200xf32>
    %broadcast_in_dim3A_1229 = vector.shape_cast %reduce_sum3A_1228 : vector<200xf32> to vector<1x200xf32>
    %slice3A_1230 = vector.extract_strided_slice %dot_general3A_1218 {offsets = [0, 400], sizes = [64, 200], strides = [1, 1]} : vector<64x1000xf32> to vector<64x200xf32>
    %mul3A_1231 = arith.mulf %slice3A_1230, %slice3A_1219 : vector<64x200xf32>
    %reduce_sum3A_1232 = arith.constant dense<0.000000e+00> : vector<200xf32>
    %reduce_sum3A_1233 = vector.multi_reduction <add>, %mul3A_1231, %reduce_sum3A_1232 [0] : vector<64x200xf32> to vector<200xf32>
    %broadcast_in_dim3A_1234 = vector.shape_cast %reduce_sum3A_1233 : vector<200xf32> to vector<1x200xf32>
    %slice3A_1235 = vector.extract_strided_slice %dot_general3A_1218 {offsets = [0, 600], sizes = [64, 200], strides = [1, 1]} : vector<64x1000xf32> to vector<64x200xf32>
    %mul3A_1236 = arith.mulf %slice3A_1235, %slice3A_1219 : vector<64x200xf32>
    %reduce_sum3A_1237 = arith.constant dense<0.000000e+00> : vector<200xf32>
    %reduce_sum3A_1238 = vector.multi_reduction <add>, %mul3A_1236, %reduce_sum3A_1237 [0] : vector<64x200xf32> to vector<200xf32>
    %broadcast_in_dim3A_1239 = vector.shape_cast %reduce_sum3A_1238 : vector<200xf32> to vector<1x200xf32>
    %slice3A_1240 = vector.extract_strided_slice %dot_general3A_1218 {offsets = [0, 800], sizes = [64, 200], strides = [1, 1]} : vector<64x1000xf32> to vector<64x200xf32>
    %mul3A_1241 = arith.mulf %slice3A_1240, %slice3A_1219 : vector<64x200xf32>
    %reduce_sum3A_1242 = arith.constant dense<0.000000e+00> : vector<200xf32>
    %reduce_sum3A_1243 = vector.multi_reduction <add>, %mul3A_1241, %reduce_sum3A_1242 [0] : vector<64x200xf32> to vector<200xf32>
    %broadcast_in_dim3A_1244 = vector.shape_cast %reduce_sum3A_1243 : vector<200xf32> to vector<1x200xf32>
    %concatenate3A_1245 = tpu.concatenate %broadcast_in_dim3A_1224, %broadcast_in_dim3A_1229, %broadcast_in_dim3A_1234, %broadcast_in_dim3A_1239, %broadcast_in_dim3A_1244 in 0 : vector<1x200xf32>, vector<1x200xf32>, vector<1x200xf32>, vector<1x200xf32>, vector<1x200xf32> -> vector<5x200xf32>
    %mul3A_1246 = arith.mulf %concatenate3A_1245, %concatenate3A_1245 : vector<5x200xf32>
    %dot_general3A_1247 = arith.constant dense<0.000000e+00> : vector<5x5xf32>
    %dot_general3A_1248 = tpu.matmul %mul3A_1246, %mul3A_1246, %dot_general3A_1247 {dimension_numbers = #tpu.dot_dimension_numbers<[1], [1], [0], [0], [0, 0, 1, 0], [], []>, transpose_lhs_hint = false} : vector<5x200xf32>, vector<5x200xf32>, vector<5x5xf32> -> vector<5x5xf32>
    %sqrt3A_1249 = math.sqrt %dot_general3A_1248 : vector<5x5xf32>
    %max3A_1250 = arith.constant 9.99999996E-13 : f32
    %max3A_1251 = vector.broadcast %max3A_1250 : f32 to vector<5x5xf32>
    %max3A_1252 = arith.maximumf %sqrt3A_1249, %max3A_1251 : vector<5x5xf32>
    %get3A_1253 = arith.constant 2 : index
    %get3A_1254 = arith.constant 0 : index
    %get3A_1255 = vector.load %arg3[%get3A_1253, %get3A_1254] : memref<5x5xf32, #tpu.memory_space<vmem>>, vector<1x5xf32>
    %div3A_1256 = vector.broadcast %get3A_1255 : vector<1x5xf32> to vector<5x5xf32>
    %div3A_1257 = arith.divf %div3A_1256, %max3A_1252 : vector<5x5xf32>
    %dot_general3A_1258 = arith.constant dense<0.000000e+00> : vector<5x200xf32>
    %dot_general3A_1259 = tpu.matmul %div3A_1257, %concatenate3A_1245, %dot_general3A_1258 {dimension_numbers = #tpu.dot_dimension_numbers<[1], [0], [0], [1], [0, 0, 1, 1], [], []>, transpose_lhs_hint = false} : vector<5x5xf32>, vector<5x200xf32>, vector<5x200xf32> -> vector<5x200xf32>
    %mul3A_1260 = arith.constant 0.999994993 : f32
    %mul3A_1261 = vector.broadcast %mul3A_1260 : f32 to vector<5x200xf32>
    %mul3A_1262 = arith.mulf %mul3A_1261, %concatenate3A_1245 : vector<5x200xf32>
    %mul3A_1263 = arith.mulf %mul3A_1262, %dot_general3A_1259 : vector<5x200xf32>
    %logistic3A_1264 = arith.negf %mul3A_1263 : vector<5x200xf32>
    %logistic3A_1265 = math.exp %logistic3A_1264 : vector<5x200xf32>
    %logistic3A_1266 = arith.constant 1.000000e+00 : f32
    %logistic3A_1267 = vector.broadcast %logistic3A_1266 : f32 to vector<5x200xf32>
    %logistic3A_1268 = arith.addf %logistic3A_1267, %logistic3A_1265 : vector<5x200xf32>
    %logistic3A_1269 = arith.divf %logistic3A_1267, %logistic3A_1268 : vector<5x200xf32>
    %get3A_1270 = arith.constant 0 : index
    %get3A_1271 = arith.constant 2 : index
    %get3A_1272 = vector.load %arg2[%get3A_1270, %get3A_1271] : memref<1x5xf32, #tpu.memory_space<vmem>>, vector<1x1xf32>
    %mul3A_1273 = arith.constant 0.999994993 : f32
    %mul3A_1274 = vector.broadcast %mul3A_1273 : f32 to vector<5x200xf32>
    %mul3A_1275 = arith.mulf %mul3A_1274, %neg3A_1211 : vector<5x200xf32>
    %mul3A_1276 = vector.broadcast %get3A_1272 : vector<1x1xf32> to vector<5x200xf32>
    %mul3A_1277 = arith.mulf %mul3A_1275, %mul3A_1276 : vector<5x200xf32>
    %logistic3A_1278 = arith.negf %mul3A_1277 : vector<5x200xf32>
    %logistic3A_1279 = math.exp %logistic3A_1278 : vector<5x200xf32>
    %logistic3A_1280 = arith.constant 1.000000e+00 : f32
    %logistic3A_1281 = vector.broadcast %logistic3A_1280 : f32 to vector<5x200xf32>
    %logistic3A_1282 = arith.addf %logistic3A_1281, %logistic3A_1279 : vector<5x200xf32>
    %logistic3A_1283 = arith.divf %logistic3A_1281, %logistic3A_1282 : vector<5x200xf32>
    %mul3A_1284 = arith.mulf %logistic3A_1283, %logistic3A_1269 : vector<5x200xf32>
    %slice3A_1285 = vector.extract_strided_slice %mul3A_1284 {offsets = [0, 0], sizes = [1, 200], strides = [1, 1]} : vector<5x200xf32> to vector<1x200xf32>
    %slice3A_1286 = vector.extract_strided_slice %mul3A_1284 {offsets = [1, 0], sizes = [1, 200], strides = [1, 1]} : vector<5x200xf32> to vector<1x200xf32>
    %slice3A_1287 = vector.extract_strided_slice %mul3A_1284 {offsets = [2, 0], sizes = [1, 200], strides = [1, 1]} : vector<5x200xf32> to vector<1x200xf32>
    %slice3A_1288 = vector.extract_strided_slice %mul3A_1284 {offsets = [3, 0], sizes = [1, 200], strides = [1, 1]} : vector<5x200xf32> to vector<1x200xf32>
    %slice3A_1289 = vector.extract_strided_slice %mul3A_1284 {offsets = [4, 0], sizes = [1, 200], strides = [1, 1]} : vector<5x200xf32> to vector<1x200xf32>
    %concatenate3A_1290 = tpu.concatenate %slice3A_1285, %slice3A_1286, %slice3A_1287, %slice3A_1288, %slice3A_1289 in 1 : vector<1x200xf32>, vector<1x200xf32>, vector<1x200xf32>, vector<1x200xf32>, vector<1x200xf32> -> vector<1x1000xf32>
    %concatenate3A_1291 = tpu.concatenate %mul3A_1040, %mul3A_1040, %mul3A_1040, %mul3A_1040, %mul3A_1040 in 1 : vector<64x200xf32>, vector<64x200xf32>, vector<64x200xf32>, vector<64x200xf32>, vector<64x200xf32> -> vector<64x1000xf32>
    %mul3A_1292 = vector.broadcast %concatenate3A_1290 : vector<1x1000xf32> to vector<64x1000xf32>
    %mul3A_1293 = arith.mulf %mul3A_1292, %dot_general3A_1218 : vector<64x1000xf32>
    %sub3A_1294 = arith.constant 1.000000e+00 : f32
    %sub3A_1295 = vector.broadcast %sub3A_1294 : f32 to vector<1x1000xf32>
    %sub3A_1296 = arith.subf %sub3A_1295, %concatenate3A_1290 : vector<1x1000xf32>
    %mul3A_1297 = vector.broadcast %sub3A_1296 : vector<1x1000xf32> to vector<64x1000xf32>
    %mul3A_1298 = arith.mulf %mul3A_1297, %concatenate3A_1291 : vector<64x1000xf32>
    %add3A_1299 = arith.addf %mul3A_1293, %mul3A_1298 : vector<64x1000xf32>
    %dot_general3A_1300 = arith.constant dense<0.000000e+00> : vector<200x200xf32>
    %dot_general3A_1301 = tpu.matmul %mul3A_1052, %mul3A_1052, %dot_general3A_1300 {dimension_numbers = #tpu.dot_dimension_numbers<[0], [0], [1], [1], [0, 1, 1, 1], [], []>, transpose_lhs_hint = false} : vector<64x200xf32>, vector<64x200xf32>, vector<200x200xf32> -> vector<200x200xf32>
    %mul3A_1302 = arith.mulf %mul3A_1052, %mul3A_1052 : vector<64x200xf32>
    %reduce_sum3A_1303 = arith.constant dense<0.000000e+00> : vector<200xf32>
    %reduce_sum3A_1304 = vector.multi_reduction <add>, %mul3A_1302, %reduce_sum3A_1303 [0] : vector<64x200xf32> to vector<200xf32>
    %broadcast_in_dim3A_1305 = vector.shape_cast %reduce_sum3A_1304 : vector<200xf32> to vector<1x200xf32>
    %mul3A_1306 = arith.constant 2.000000e+00 : f32
    %mul3A_1307 = vector.broadcast %mul3A_1306 : f32 to vector<200x200xf32>
    %mul3A_1308 = arith.mulf %mul3A_1307, %dot_general3A_1301 : vector<200x200xf32>
    %transpose3A_1309 = tpu.transpose %broadcast_in_dim3A_1305, [1, 0] : vector<1x200xf32> -> vector<200x1xf32>
    %add3A_1310 = vector.broadcast %broadcast_in_dim3A_1305 : vector<1x200xf32> to vector<200x200xf32>
    %add3A_1311 = vector.broadcast %transpose3A_1309 : vector<200x1xf32> to vector<200x200xf32>
    %add3A_1312 = arith.addf %add3A_1310, %add3A_1311 : vector<200x200xf32>
    %sub3A_1313 = arith.subf %mul3A_1308, %add3A_1312 : vector<200x200xf32>
    %broadcast_in_dim3A_1314 = arith.constant 0 : i32
    %broadcast_in_dim3A_1315 = vector.broadcast %broadcast_in_dim3A_1314 : i32 to vector<1x200xi32>
    %broadcast_in_dim3A_1316 = arith.constant 1 : i32
    %broadcast_in_dim3A_1317 = vector.broadcast %broadcast_in_dim3A_1316 : i32 to vector<1x200xi32>
    %broadcast_in_dim3A_1318 = arith.constant 2 : i32
    %broadcast_in_dim3A_1319 = vector.broadcast %broadcast_in_dim3A_1318 : i32 to vector<1x200xi32>
    %broadcast_in_dim3A_1320 = arith.constant 3 : i32
    %broadcast_in_dim3A_1321 = vector.broadcast %broadcast_in_dim3A_1320 : i32 to vector<1x200xi32>
    %broadcast_in_dim3A_1322 = arith.constant 4 : i32
    %broadcast_in_dim3A_1323 = vector.broadcast %broadcast_in_dim3A_1322 : i32 to vector<1x200xi32>
    %slice3A_1324 = vector.extract_strided_slice %sub3A_1313 {offsets = [0, 0], sizes = [5, 200], strides = [1, 1]} : vector<200x200xf32> to vector<5x200xf32>
    %neg3A_1325 = arith.constant 0.000000e+00 : f32
    %neg3A_1326 = vector.broadcast %neg3A_1325 : f32 to vector<5x200xf32>
    %neg3A_1327 = arith.subf %neg3A_1326, %slice3A_1324 : vector<5x200xf32>
    %concatenate3A_1328 = tpu.concatenate %broadcast_in_dim3A_1315, %broadcast_in_dim3A_1317, %broadcast_in_dim3A_1319, %broadcast_in_dim3A_1321, %broadcast_in_dim3A_1323 in 1 : vector<1x200xi32>, vector<1x200xi32>, vector<1x200xi32>, vector<1x200xi32>, vector<1x200xi32> -> vector<1x1000xi32>
    %eq3A_1329 = vector.broadcast %concatenate3A_1328 : vector<1x1000xi32> to vector<200x1000xi32>
    %eq3A_1330 = arith.cmpi eq, %iota3A, %eq3A_1329 : vector<200x1000xi32>
    %convert_element_type3A_1331 = arith.extui %eq3A_1330 : vector<200x1000xi1> to vector<200x1000xi32>
    %convert_element_type3A_1332 = arith.sitofp %convert_element_type3A_1331 : vector<200x1000xi32> to vector<200x1000xf32>
    %dot_general3A_1333 = arith.constant dense<0.000000e+00> : vector<64x1000xf32>
    %dot_general3A_1334 = tpu.matmul %mul3A_1052, %convert_element_type3A_1332, %dot_general3A_1333 {dimension_numbers = #tpu.dot_dimension_numbers<[1], [0], [0], [1], [0, 0, 1, 1], [], []>, transpose_lhs_hint = false} : vector<64x200xf32>, vector<200x1000xf32>, vector<64x1000xf32> -> vector<64x1000xf32>
    %slice3A_1335 = vector.extract_strided_slice %dot_general3A_1334 {offsets = [0, 0], sizes = [64, 200], strides = [1, 1]} : vector<64x1000xf32> to vector<64x200xf32>
    %slice3A_1336 = vector.extract_strided_slice %dot_general3A_1334 {offsets = [0, 0], sizes = [64, 200], strides = [1, 1]} : vector<64x1000xf32> to vector<64x200xf32>
    %mul3A_1337 = arith.mulf %slice3A_1336, %slice3A_1335 : vector<64x200xf32>
    %reduce_sum3A_1338 = arith.constant dense<0.000000e+00> : vector<200xf32>
    %reduce_sum3A_1339 = vector.multi_reduction <add>, %mul3A_1337, %reduce_sum3A_1338 [0] : vector<64x200xf32> to vector<200xf32>
    %broadcast_in_dim3A_1340 = vector.shape_cast %reduce_sum3A_1339 : vector<200xf32> to vector<1x200xf32>
    %slice3A_1341 = vector.extract_strided_slice %dot_general3A_1334 {offsets = [0, 200], sizes = [64, 200], strides = [1, 1]} : vector<64x1000xf32> to vector<64x200xf32>
    %mul3A_1342 = arith.mulf %slice3A_1341, %slice3A_1335 : vector<64x200xf32>
    %reduce_sum3A_1343 = arith.constant dense<0.000000e+00> : vector<200xf32>
    %reduce_sum3A_1344 = vector.multi_reduction <add>, %mul3A_1342, %reduce_sum3A_1343 [0] : vector<64x200xf32> to vector<200xf32>
    %broadcast_in_dim3A_1345 = vector.shape_cast %reduce_sum3A_1344 : vector<200xf32> to vector<1x200xf32>
    %slice3A_1346 = vector.extract_strided_slice %dot_general3A_1334 {offsets = [0, 400], sizes = [64, 200], strides = [1, 1]} : vector<64x1000xf32> to vector<64x200xf32>
    %mul3A_1347 = arith.mulf %slice3A_1346, %slice3A_1335 : vector<64x200xf32>
    %reduce_sum3A_1348 = arith.constant dense<0.000000e+00> : vector<200xf32>
    %reduce_sum3A_1349 = vector.multi_reduction <add>, %mul3A_1347, %reduce_sum3A_1348 [0] : vector<64x200xf32> to vector<200xf32>
    %broadcast_in_dim3A_1350 = vector.shape_cast %reduce_sum3A_1349 : vector<200xf32> to vector<1x200xf32>
    %slice3A_1351 = vector.extract_strided_slice %dot_general3A_1334 {offsets = [0, 600], sizes = [64, 200], strides = [1, 1]} : vector<64x1000xf32> to vector<64x200xf32>
    %mul3A_1352 = arith.mulf %slice3A_1351, %slice3A_1335 : vector<64x200xf32>
    %reduce_sum3A_1353 = arith.constant dense<0.000000e+00> : vector<200xf32>
    %reduce_sum3A_1354 = vector.multi_reduction <add>, %mul3A_1352, %reduce_sum3A_1353 [0] : vector<64x200xf32> to vector<200xf32>
    %broadcast_in_dim3A_1355 = vector.shape_cast %reduce_sum3A_1354 : vector<200xf32> to vector<1x200xf32>
    %slice3A_1356 = vector.extract_strided_slice %dot_general3A_1334 {offsets = [0, 800], sizes = [64, 200], strides = [1, 1]} : vector<64x1000xf32> to vector<64x200xf32>
    %mul3A_1357 = arith.mulf %slice3A_1356, %slice3A_1335 : vector<64x200xf32>
    %reduce_sum3A_1358 = arith.constant dense<0.000000e+00> : vector<200xf32>
    %reduce_sum3A_1359 = vector.multi_reduction <add>, %mul3A_1357, %reduce_sum3A_1358 [0] : vector<64x200xf32> to vector<200xf32>
    %broadcast_in_dim3A_1360 = vector.shape_cast %reduce_sum3A_1359 : vector<200xf32> to vector<1x200xf32>
    %concatenate3A_1361 = tpu.concatenate %broadcast_in_dim3A_1340, %broadcast_in_dim3A_1345, %broadcast_in_dim3A_1350, %broadcast_in_dim3A_1355, %broadcast_in_dim3A_1360 in 0 : vector<1x200xf32>, vector<1x200xf32>, vector<1x200xf32>, vector<1x200xf32>, vector<1x200xf32> -> vector<5x200xf32>
    %mul3A_1362 = arith.mulf %concatenate3A_1361, %concatenate3A_1361 : vector<5x200xf32>
    %dot_general3A_1363 = arith.constant dense<0.000000e+00> : vector<5x5xf32>
    %dot_general3A_1364 = tpu.matmul %mul3A_1362, %mul3A_1362, %dot_general3A_1363 {dimension_numbers = #tpu.dot_dimension_numbers<[1], [1], [0], [0], [0, 0, 1, 0], [], []>, transpose_lhs_hint = false} : vector<5x200xf32>, vector<5x200xf32>, vector<5x5xf32> -> vector<5x5xf32>
    %sqrt3A_1365 = math.sqrt %dot_general3A_1364 : vector<5x5xf32>
    %max3A_1366 = arith.constant 9.99999996E-13 : f32
    %max3A_1367 = vector.broadcast %max3A_1366 : f32 to vector<5x5xf32>
    %max3A_1368 = arith.maximumf %sqrt3A_1365, %max3A_1367 : vector<5x5xf32>
    %get3A_1369 = arith.constant 2 : index
    %get3A_1370 = arith.constant 0 : index
    %get3A_1371 = vector.load %arg3[%get3A_1369, %get3A_1370] : memref<5x5xf32, #tpu.memory_space<vmem>>, vector<1x5xf32>
    %div3A_1372 = vector.broadcast %get3A_1371 : vector<1x5xf32> to vector<5x5xf32>
    %div3A_1373 = arith.divf %div3A_1372, %max3A_1368 : vector<5x5xf32>
    %dot_general3A_1374 = arith.constant dense<0.000000e+00> : vector<5x200xf32>
    %dot_general3A_1375 = tpu.matmul %div3A_1373, %concatenate3A_1361, %dot_general3A_1374 {dimension_numbers = #tpu.dot_dimension_numbers<[1], [0], [0], [1], [0, 0, 1, 1], [], []>, transpose_lhs_hint = false} : vector<5x5xf32>, vector<5x200xf32>, vector<5x200xf32> -> vector<5x200xf32>
    %mul3A_1376 = arith.constant 0.999994993 : f32
    %mul3A_1377 = vector.broadcast %mul3A_1376 : f32 to vector<5x200xf32>
    %mul3A_1378 = arith.mulf %mul3A_1377, %concatenate3A_1361 : vector<5x200xf32>
    %mul3A_1379 = arith.mulf %mul3A_1378, %dot_general3A_1375 : vector<5x200xf32>
    %logistic3A_1380 = arith.negf %mul3A_1379 : vector<5x200xf32>
    %logistic3A_1381 = math.exp %logistic3A_1380 : vector<5x200xf32>
    %logistic3A_1382 = arith.constant 1.000000e+00 : f32
    %logistic3A_1383 = vector.broadcast %logistic3A_1382 : f32 to vector<5x200xf32>
    %logistic3A_1384 = arith.addf %logistic3A_1383, %logistic3A_1381 : vector<5x200xf32>
    %logistic3A_1385 = arith.divf %logistic3A_1383, %logistic3A_1384 : vector<5x200xf32>
    %get3A_1386 = arith.constant 0 : index
    %get3A_1387 = arith.constant 2 : index
    %get3A_1388 = vector.load %arg2[%get3A_1386, %get3A_1387] : memref<1x5xf32, #tpu.memory_space<vmem>>, vector<1x1xf32>
    %mul3A_1389 = arith.constant 0.999994993 : f32
    %mul3A_1390 = vector.broadcast %mul3A_1389 : f32 to vector<5x200xf32>
    %mul3A_1391 = arith.mulf %mul3A_1390, %neg3A_1327 : vector<5x200xf32>
    %mul3A_1392 = vector.broadcast %get3A_1388 : vector<1x1xf32> to vector<5x200xf32>
    %mul3A_1393 = arith.mulf %mul3A_1391, %mul3A_1392 : vector<5x200xf32>
    %logistic3A_1394 = arith.negf %mul3A_1393 : vector<5x200xf32>
    %logistic3A_1395 = math.exp %logistic3A_1394 : vector<5x200xf32>
    %logistic3A_1396 = arith.constant 1.000000e+00 : f32
    %logistic3A_1397 = vector.broadcast %logistic3A_1396 : f32 to vector<5x200xf32>
    %logistic3A_1398 = arith.addf %logistic3A_1397, %logistic3A_1395 : vector<5x200xf32>
    %logistic3A_1399 = arith.divf %logistic3A_1397, %logistic3A_1398 : vector<5x200xf32>
    %mul3A_1400 = arith.mulf %logistic3A_1399, %logistic3A_1385 : vector<5x200xf32>
    %slice3A_1401 = vector.extract_strided_slice %mul3A_1400 {offsets = [0, 0], sizes = [1, 200], strides = [1, 1]} : vector<5x200xf32> to vector<1x200xf32>
    %slice3A_1402 = vector.extract_strided_slice %mul3A_1400 {offsets = [1, 0], sizes = [1, 200], strides = [1, 1]} : vector<5x200xf32> to vector<1x200xf32>
    %slice3A_1403 = vector.extract_strided_slice %mul3A_1400 {offsets = [2, 0], sizes = [1, 200], strides = [1, 1]} : vector<5x200xf32> to vector<1x200xf32>
    %slice3A_1404 = vector.extract_strided_slice %mul3A_1400 {offsets = [3, 0], sizes = [1, 200], strides = [1, 1]} : vector<5x200xf32> to vector<1x200xf32>
    %slice3A_1405 = vector.extract_strided_slice %mul3A_1400 {offsets = [4, 0], sizes = [1, 200], strides = [1, 1]} : vector<5x200xf32> to vector<1x200xf32>
    %concatenate3A_1406 = tpu.concatenate %slice3A_1401, %slice3A_1402, %slice3A_1403, %slice3A_1404, %slice3A_1405 in 1 : vector<1x200xf32>, vector<1x200xf32>, vector<1x200xf32>, vector<1x200xf32>, vector<1x200xf32> -> vector<1x1000xf32>
    %concatenate3A_1407 = tpu.concatenate %mul3A_1052, %mul3A_1052, %mul3A_1052, %mul3A_1052, %mul3A_1052 in 1 : vector<64x200xf32>, vector<64x200xf32>, vector<64x200xf32>, vector<64x200xf32>, vector<64x200xf32> -> vector<64x1000xf32>
    %mul3A_1408 = vector.broadcast %concatenate3A_1406 : vector<1x1000xf32> to vector<64x1000xf32>
    %mul3A_1409 = arith.mulf %mul3A_1408, %dot_general3A_1334 : vector<64x1000xf32>
    %sub3A_1410 = arith.constant 1.000000e+00 : f32
    %sub3A_1411 = vector.broadcast %sub3A_1410 : f32 to vector<1x1000xf32>
    %sub3A_1412 = arith.subf %sub3A_1411, %concatenate3A_1406 : vector<1x1000xf32>
    %mul3A_1413 = vector.broadcast %sub3A_1412 : vector<1x1000xf32> to vector<64x1000xf32>
    %mul3A_1414 = arith.mulf %mul3A_1413, %concatenate3A_1407 : vector<64x1000xf32>
    %add3A_1415 = arith.addf %mul3A_1409, %mul3A_1414 : vector<64x1000xf32>
    %dot_general3A_1416 = arith.constant dense<0.000000e+00> : vector<200x200xf32>
    %dot_general3A_1417 = tpu.matmul %mul3A_1064, %mul3A_1064, %dot_general3A_1416 {dimension_numbers = #tpu.dot_dimension_numbers<[0], [0], [1], [1], [0, 1, 1, 1], [], []>, transpose_lhs_hint = false} : vector<64x200xf32>, vector<64x200xf32>, vector<200x200xf32> -> vector<200x200xf32>
    %mul3A_1418 = arith.mulf %mul3A_1064, %mul3A_1064 : vector<64x200xf32>
    %reduce_sum3A_1419 = arith.constant dense<0.000000e+00> : vector<200xf32>
    %reduce_sum3A_1420 = vector.multi_reduction <add>, %mul3A_1418, %reduce_sum3A_1419 [0] : vector<64x200xf32> to vector<200xf32>
    %broadcast_in_dim3A_1421 = vector.shape_cast %reduce_sum3A_1420 : vector<200xf32> to vector<1x200xf32>
    %mul3A_1422 = arith.constant 2.000000e+00 : f32
    %mul3A_1423 = vector.broadcast %mul3A_1422 : f32 to vector<200x200xf32>
    %mul3A_1424 = arith.mulf %mul3A_1423, %dot_general3A_1417 : vector<200x200xf32>
    %transpose3A_1425 = tpu.transpose %broadcast_in_dim3A_1421, [1, 0] : vector<1x200xf32> -> vector<200x1xf32>
    %add3A_1426 = vector.broadcast %broadcast_in_dim3A_1421 : vector<1x200xf32> to vector<200x200xf32>
    %add3A_1427 = vector.broadcast %transpose3A_1425 : vector<200x1xf32> to vector<200x200xf32>
    %add3A_1428 = arith.addf %add3A_1426, %add3A_1427 : vector<200x200xf32>
    %sub3A_1429 = arith.subf %mul3A_1424, %add3A_1428 : vector<200x200xf32>
    %broadcast_in_dim3A_1430 = arith.constant 0 : i32
    %broadcast_in_dim3A_1431 = vector.broadcast %broadcast_in_dim3A_1430 : i32 to vector<1x200xi32>
    %broadcast_in_dim3A_1432 = arith.constant 1 : i32
    %broadcast_in_dim3A_1433 = vector.broadcast %broadcast_in_dim3A_1432 : i32 to vector<1x200xi32>
    %broadcast_in_dim3A_1434 = arith.constant 2 : i32
    %broadcast_in_dim3A_1435 = vector.broadcast %broadcast_in_dim3A_1434 : i32 to vector<1x200xi32>
    %broadcast_in_dim3A_1436 = arith.constant 3 : i32
    %broadcast_in_dim3A_1437 = vector.broadcast %broadcast_in_dim3A_1436 : i32 to vector<1x200xi32>
    %broadcast_in_dim3A_1438 = arith.constant 4 : i32
    %broadcast_in_dim3A_1439 = vector.broadcast %broadcast_in_dim3A_1438 : i32 to vector<1x200xi32>
    %slice3A_1440 = vector.extract_strided_slice %sub3A_1429 {offsets = [0, 0], sizes = [5, 200], strides = [1, 1]} : vector<200x200xf32> to vector<5x200xf32>
    %neg3A_1441 = arith.constant 0.000000e+00 : f32
    %neg3A_1442 = vector.broadcast %neg3A_1441 : f32 to vector<5x200xf32>
    %neg3A_1443 = arith.subf %neg3A_1442, %slice3A_1440 : vector<5x200xf32>
    %concatenate3A_1444 = tpu.concatenate %broadcast_in_dim3A_1431, %broadcast_in_dim3A_1433, %broadcast_in_dim3A_1435, %broadcast_in_dim3A_1437, %broadcast_in_dim3A_1439 in 1 : vector<1x200xi32>, vector<1x200xi32>, vector<1x200xi32>, vector<1x200xi32>, vector<1x200xi32> -> vector<1x1000xi32>
    %eq3A_1445 = vector.broadcast %concatenate3A_1444 : vector<1x1000xi32> to vector<200x1000xi32>
    %eq3A_1446 = arith.cmpi eq, %iota3A, %eq3A_1445 : vector<200x1000xi32>
    %convert_element_type3A_1447 = arith.extui %eq3A_1446 : vector<200x1000xi1> to vector<200x1000xi32>
    %convert_element_type3A_1448 = arith.sitofp %convert_element_type3A_1447 : vector<200x1000xi32> to vector<200x1000xf32>
    %dot_general3A_1449 = arith.constant dense<0.000000e+00> : vector<64x1000xf32>
    %dot_general3A_1450 = tpu.matmul %mul3A_1064, %convert_element_type3A_1448, %dot_general3A_1449 {dimension_numbers = #tpu.dot_dimension_numbers<[1], [0], [0], [1], [0, 0, 1, 1], [], []>, transpose_lhs_hint = false} : vector<64x200xf32>, vector<200x1000xf32>, vector<64x1000xf32> -> vector<64x1000xf32>
    %slice3A_1451 = vector.extract_strided_slice %dot_general3A_1450 {offsets = [0, 0], sizes = [64, 200], strides = [1, 1]} : vector<64x1000xf32> to vector<64x200xf32>
    %slice3A_1452 = vector.extract_strided_slice %dot_general3A_1450 {offsets = [0, 0], sizes = [64, 200], strides = [1, 1]} : vector<64x1000xf32> to vector<64x200xf32>
    %mul3A_1453 = arith.mulf %slice3A_1452, %slice3A_1451 : vector<64x200xf32>
    %reduce_sum3A_1454 = arith.constant dense<0.000000e+00> : vector<200xf32>
    %reduce_sum3A_1455 = vector.multi_reduction <add>, %mul3A_1453, %reduce_sum3A_1454 [0] : vector<64x200xf32> to vector<200xf32>
    %broadcast_in_dim3A_1456 = vector.shape_cast %reduce_sum3A_1455 : vector<200xf32> to vector<1x200xf32>
    %slice3A_1457 = vector.extract_strided_slice %dot_general3A_1450 {offsets = [0, 200], sizes = [64, 200], strides = [1, 1]} : vector<64x1000xf32> to vector<64x200xf32>
    %mul3A_1458 = arith.mulf %slice3A_1457, %slice3A_1451 : vector<64x200xf32>
    %reduce_sum3A_1459 = arith.constant dense<0.000000e+00> : vector<200xf32>
    %reduce_sum3A_1460 = vector.multi_reduction <add>, %mul3A_1458, %reduce_sum3A_1459 [0] : vector<64x200xf32> to vector<200xf32>
    %broadcast_in_dim3A_1461 = vector.shape_cast %reduce_sum3A_1460 : vector<200xf32> to vector<1x200xf32>
    %slice3A_1462 = vector.extract_strided_slice %dot_general3A_1450 {offsets = [0, 400], sizes = [64, 200], strides = [1, 1]} : vector<64x1000xf32> to vector<64x200xf32>
    %mul3A_1463 = arith.mulf %slice3A_1462, %slice3A_1451 : vector<64x200xf32>
    %reduce_sum3A_1464 = arith.constant dense<0.000000e+00> : vector<200xf32>
    %reduce_sum3A_1465 = vector.multi_reduction <add>, %mul3A_1463, %reduce_sum3A_1464 [0] : vector<64x200xf32> to vector<200xf32>
    %broadcast_in_dim3A_1466 = vector.shape_cast %reduce_sum3A_1465 : vector<200xf32> to vector<1x200xf32>
    %slice3A_1467 = vector.extract_strided_slice %dot_general3A_1450 {offsets = [0, 600], sizes = [64, 200], strides = [1, 1]} : vector<64x1000xf32> to vector<64x200xf32>
    %mul3A_1468 = arith.mulf %slice3A_1467, %slice3A_1451 : vector<64x200xf32>
    %reduce_sum3A_1469 = arith.constant dense<0.000000e+00> : vector<200xf32>
    %reduce_sum3A_1470 = vector.multi_reduction <add>, %mul3A_1468, %reduce_sum3A_1469 [0] : vector<64x200xf32> to vector<200xf32>
    %broadcast_in_dim3A_1471 = vector.shape_cast %reduce_sum3A_1470 : vector<200xf32> to vector<1x200xf32>
    %slice3A_1472 = vector.extract_strided_slice %dot_general3A_1450 {offsets = [0, 800], sizes = [64, 200], strides = [1, 1]} : vector<64x1000xf32> to vector<64x200xf32>
    %mul3A_1473 = arith.mulf %slice3A_1472, %slice3A_1451 : vector<64x200xf32>
    %reduce_sum3A_1474 = arith.constant dense<0.000000e+00> : vector<200xf32>
    %reduce_sum3A_1475 = vector.multi_reduction <add>, %mul3A_1473, %reduce_sum3A_1474 [0] : vector<64x200xf32> to vector<200xf32>
    %broadcast_in_dim3A_1476 = vector.shape_cast %reduce_sum3A_1475 : vector<200xf32> to vector<1x200xf32>
    %concatenate3A_1477 = tpu.concatenate %broadcast_in_dim3A_1456, %broadcast_in_dim3A_1461, %broadcast_in_dim3A_1466, %broadcast_in_dim3A_1471, %broadcast_in_dim3A_1476 in 0 : vector<1x200xf32>, vector<1x200xf32>, vector<1x200xf32>, vector<1x200xf32>, vector<1x200xf32> -> vector<5x200xf32>
    %mul3A_1478 = arith.mulf %concatenate3A_1477, %concatenate3A_1477 : vector<5x200xf32>
    %dot_general3A_1479 = arith.constant dense<0.000000e+00> : vector<5x5xf32>
    %dot_general3A_1480 = tpu.matmul %mul3A_1478, %mul3A_1478, %dot_general3A_1479 {dimension_numbers = #tpu.dot_dimension_numbers<[1], [1], [0], [0], [0, 0, 1, 0], [], []>, transpose_lhs_hint = false} : vector<5x200xf32>, vector<5x200xf32>, vector<5x5xf32> -> vector<5x5xf32>
    %sqrt3A_1481 = math.sqrt %dot_general3A_1480 : vector<5x5xf32>
    %max3A_1482 = arith.constant 9.99999996E-13 : f32
    %max3A_1483 = vector.broadcast %max3A_1482 : f32 to vector<5x5xf32>
    %max3A_1484 = arith.maximumf %sqrt3A_1481, %max3A_1483 : vector<5x5xf32>
    %get3A_1485 = arith.constant 2 : index
    %get3A_1486 = arith.constant 0 : index
    %get3A_1487 = vector.load %arg3[%get3A_1485, %get3A_1486] : memref<5x5xf32, #tpu.memory_space<vmem>>, vector<1x5xf32>
    %div3A_1488 = vector.broadcast %get3A_1487 : vector<1x5xf32> to vector<5x5xf32>
    %div3A_1489 = arith.divf %div3A_1488, %max3A_1484 : vector<5x5xf32>
    %dot_general3A_1490 = arith.constant dense<0.000000e+00> : vector<5x200xf32>
    %dot_general3A_1491 = tpu.matmul %div3A_1489, %concatenate3A_1477, %dot_general3A_1490 {dimension_numbers = #tpu.dot_dimension_numbers<[1], [0], [0], [1], [0, 0, 1, 1], [], []>, transpose_lhs_hint = false} : vector<5x5xf32>, vector<5x200xf32>, vector<5x200xf32> -> vector<5x200xf32>
    %mul3A_1492 = arith.constant 0.999994993 : f32
    %mul3A_1493 = vector.broadcast %mul3A_1492 : f32 to vector<5x200xf32>
    %mul3A_1494 = arith.mulf %mul3A_1493, %concatenate3A_1477 : vector<5x200xf32>
    %mul3A_1495 = arith.mulf %mul3A_1494, %dot_general3A_1491 : vector<5x200xf32>
    %logistic3A_1496 = arith.negf %mul3A_1495 : vector<5x200xf32>
    %logistic3A_1497 = math.exp %logistic3A_1496 : vector<5x200xf32>
    %logistic3A_1498 = arith.constant 1.000000e+00 : f32
    %logistic3A_1499 = vector.broadcast %logistic3A_1498 : f32 to vector<5x200xf32>
    %logistic3A_1500 = arith.addf %logistic3A_1499, %logistic3A_1497 : vector<5x200xf32>
    %logistic3A_1501 = arith.divf %logistic3A_1499, %logistic3A_1500 : vector<5x200xf32>
    %get3A_1502 = arith.constant 0 : index
    %get3A_1503 = arith.constant 2 : index
    %get3A_1504 = vector.load %arg2[%get3A_1502, %get3A_1503] : memref<1x5xf32, #tpu.memory_space<vmem>>, vector<1x1xf32>
    %mul3A_1505 = arith.constant 0.999994993 : f32
    %mul3A_1506 = vector.broadcast %mul3A_1505 : f32 to vector<5x200xf32>
    %mul3A_1507 = arith.mulf %mul3A_1506, %neg3A_1443 : vector<5x200xf32>
    %mul3A_1508 = vector.broadcast %get3A_1504 : vector<1x1xf32> to vector<5x200xf32>
    %mul3A_1509 = arith.mulf %mul3A_1507, %mul3A_1508 : vector<5x200xf32>
    %logistic3A_1510 = arith.negf %mul3A_1509 : vector<5x200xf32>
    %logistic3A_1511 = math.exp %logistic3A_1510 : vector<5x200xf32>
    %logistic3A_1512 = arith.constant 1.000000e+00 : f32
    %logistic3A_1513 = vector.broadcast %logistic3A_1512 : f32 to vector<5x200xf32>
    %logistic3A_1514 = arith.addf %logistic3A_1513, %logistic3A_1511 : vector<5x200xf32>
    %logistic3A_1515 = arith.divf %logistic3A_1513, %logistic3A_1514 : vector<5x200xf32>
    %mul3A_1516 = arith.mulf %logistic3A_1515, %logistic3A_1501 : vector<5x200xf32>
    %slice3A_1517 = vector.extract_strided_slice %mul3A_1516 {offsets = [0, 0], sizes = [1, 200], strides = [1, 1]} : vector<5x200xf32> to vector<1x200xf32>
    %slice3A_1518 = vector.extract_strided_slice %mul3A_1516 {offsets = [1, 0], sizes = [1, 200], strides = [1, 1]} : vector<5x200xf32> to vector<1x200xf32>
    %slice3A_1519 = vector.extract_strided_slice %mul3A_1516 {offsets = [2, 0], sizes = [1, 200], strides = [1, 1]} : vector<5x200xf32> to vector<1x200xf32>
    %slice3A_1520 = vector.extract_strided_slice %mul3A_1516 {offsets = [3, 0], sizes = [1, 200], strides = [1, 1]} : vector<5x200xf32> to vector<1x200xf32>
    %slice3A_1521 = vector.extract_strided_slice %mul3A_1516 {offsets = [4, 0], sizes = [1, 200], strides = [1, 1]} : vector<5x200xf32> to vector<1x200xf32>
    %concatenate3A_1522 = tpu.concatenate %slice3A_1517, %slice3A_1518, %slice3A_1519, %slice3A_1520, %slice3A_1521 in 1 : vector<1x200xf32>, vector<1x200xf32>, vector<1x200xf32>, vector<1x200xf32>, vector<1x200xf32> -> vector<1x1000xf32>
    %concatenate3A_1523 = tpu.concatenate %mul3A_1064, %mul3A_1064, %mul3A_1064, %mul3A_1064, %mul3A_1064 in 1 : vector<64x200xf32>, vector<64x200xf32>, vector<64x200xf32>, vector<64x200xf32>, vector<64x200xf32> -> vector<64x1000xf32>
    %mul3A_1524 = vector.broadcast %concatenate3A_1522 : vector<1x1000xf32> to vector<64x1000xf32>
    %mul3A_1525 = arith.mulf %mul3A_1524, %dot_general3A_1450 : vector<64x1000xf32>
    %sub3A_1526 = arith.constant 1.000000e+00 : f32
    %sub3A_1527 = vector.broadcast %sub3A_1526 : f32 to vector<1x1000xf32>
    %sub3A_1528 = arith.subf %sub3A_1527, %concatenate3A_1522 : vector<1x1000xf32>
    %mul3A_1529 = vector.broadcast %sub3A_1528 : vector<1x1000xf32> to vector<64x1000xf32>
    %mul3A_1530 = arith.mulf %mul3A_1529, %concatenate3A_1523 : vector<64x1000xf32>
    %add3A_1531 = arith.addf %mul3A_1525, %mul3A_1530 : vector<64x1000xf32>
    %concatenate3A_1532 = tpu.concatenate %add3A_1183, %add3A_1299, %add3A_1415, %add3A_1531 in 1 : vector<64x1000xf32>, vector<64x1000xf32>, vector<64x1000xf32>, vector<64x1000xf32> -> vector<64x4000xf32>
    %dot_general3A_1533 = arith.constant dense<0.000000e+00> : vector<128x4000xf32>
    %dot_general3A_1534 = tpu.matmul %get3A_1067, %concatenate3A_1532, %dot_general3A_1533 {dimension_numbers = #tpu.dot_dimension_numbers<[1], [0], [0], [1], [0, 0, 1, 1], [], []>, transpose_lhs_hint = false} : vector<128x64xf32>, vector<64x4000xf32>, vector<128x4000xf32> -> vector<128x4000xf32>
    %mul3A_1535 = arith.constant 0.999994993 : f32
    %mul3A_1536 = vector.broadcast %mul3A_1535 : f32 to vector<128x4000xf32>
    %mul3A_1537 = arith.mulf %mul3A_1536, %dot_general3A_1534 : vector<128x4000xf32>
    %ge3A_1538 = arith.constant 0.000000e+00 : f32
    %ge3A_1539 = vector.broadcast %ge3A_1538 : f32 to vector<128x4000xf32>
    %ge3A_1540 = arith.cmpf oge, %mul3A_1537, %ge3A_1539 : vector<128x4000xf32>
    %mul3A_1541 = arith.constant 2.000000e-02 : f32
    %mul3A_1542 = vector.broadcast %mul3A_1541 : f32 to vector<128x4000xf32>
    %mul3A_1543 = arith.mulf %mul3A_1542, %mul3A_1537 : vector<128x4000xf32>
    %select_n3A_1544 = arith.select %ge3A_1540, %mul3A_1537, %mul3A_1543 : vector<128x4000xi1>, vector<128x4000xf32>
    %slice3A_1545 = vector.extract_strided_slice %select_n3A_1544 {offsets = [0, 0], sizes = [128, 200], strides = [1, 1]} : vector<128x4000xf32> to vector<128x200xf32>
    %slice3A_1546 = vector.extract_strided_slice %select_n3A_1544 {offsets = [0, 200], sizes = [128, 200], strides = [1, 1]} : vector<128x4000xf32> to vector<128x200xf32>
    %add3A_1547 = arith.addf %slice3A_1545, %slice3A_1546 : vector<128x200xf32>
    %slice3A_1548 = vector.extract_strided_slice %select_n3A_1544 {offsets = [0, 400], sizes = [128, 200], strides = [1, 1]} : vector<128x4000xf32> to vector<128x200xf32>
    %add3A_1549 = arith.addf %add3A_1547, %slice3A_1548 : vector<128x200xf32>
    %slice3A_1550 = vector.extract_strided_slice %select_n3A_1544 {offsets = [0, 600], sizes = [128, 200], strides = [1, 1]} : vector<128x4000xf32> to vector<128x200xf32>
    %add3A_1551 = arith.addf %add3A_1549, %slice3A_1550 : vector<128x200xf32>
    %slice3A_1552 = vector.extract_strided_slice %select_n3A_1544 {offsets = [0, 800], sizes = [128, 200], strides = [1, 1]} : vector<128x4000xf32> to vector<128x200xf32>
    %add3A_1553 = arith.addf %add3A_1551, %slice3A_1552 : vector<128x200xf32>
    %mul3A_1554 = arith.constant 2.000000e-01 : f32
    %mul3A_1555 = vector.broadcast %mul3A_1554 : f32 to vector<128x200xf32>
    %mul3A_1556 = arith.mulf %add3A_1553, %mul3A_1555 : vector<128x200xf32>
    %slice3A_1557 = vector.extract_strided_slice %select_n3A_1544 {offsets = [0, 1000], sizes = [128, 200], strides = [1, 1]} : vector<128x4000xf32> to vector<128x200xf32>
    %slice3A_1558 = vector.extract_strided_slice %select_n3A_1544 {offsets = [0, 1200], sizes = [128, 200], strides = [1, 1]} : vector<128x4000xf32> to vector<128x200xf32>
    %add3A_1559 = arith.addf %slice3A_1557, %slice3A_1558 : vector<128x200xf32>
    %slice3A_1560 = vector.extract_strided_slice %select_n3A_1544 {offsets = [0, 1400], sizes = [128, 200], strides = [1, 1]} : vector<128x4000xf32> to vector<128x200xf32>
    %add3A_1561 = arith.addf %add3A_1559, %slice3A_1560 : vector<128x200xf32>
    %slice3A_1562 = vector.extract_strided_slice %select_n3A_1544 {offsets = [0, 1600], sizes = [128, 200], strides = [1, 1]} : vector<128x4000xf32> to vector<128x200xf32>
    %add3A_1563 = arith.addf %add3A_1561, %slice3A_1562 : vector<128x200xf32>
    %slice3A_1564 = vector.extract_strided_slice %select_n3A_1544 {offsets = [0, 1800], sizes = [128, 200], strides = [1, 1]} : vector<128x4000xf32> to vector<128x200xf32>
    %add3A_1565 = arith.addf %add3A_1563, %slice3A_1564 : vector<128x200xf32>
    %mul3A_1566 = arith.constant 2.000000e-01 : f32
    %mul3A_1567 = vector.broadcast %mul3A_1566 : f32 to vector<128x200xf32>
    %mul3A_1568 = arith.mulf %add3A_1565, %mul3A_1567 : vector<128x200xf32>
    %slice3A_1569 = vector.extract_strided_slice %select_n3A_1544 {offsets = [0, 2000], sizes = [128, 200], strides = [1, 1]} : vector<128x4000xf32> to vector<128x200xf32>
    %slice3A_1570 = vector.extract_strided_slice %select_n3A_1544 {offsets = [0, 2200], sizes = [128, 200], strides = [1, 1]} : vector<128x4000xf32> to vector<128x200xf32>
    %add3A_1571 = arith.addf %slice3A_1569, %slice3A_1570 : vector<128x200xf32>
    %slice3A_1572 = vector.extract_strided_slice %select_n3A_1544 {offsets = [0, 2400], sizes = [128, 200], strides = [1, 1]} : vector<128x4000xf32> to vector<128x200xf32>
    %add3A_1573 = arith.addf %add3A_1571, %slice3A_1572 : vector<128x200xf32>
    %slice3A_1574 = vector.extract_strided_slice %select_n3A_1544 {offsets = [0, 2600], sizes = [128, 200], strides = [1, 1]} : vector<128x4000xf32> to vector<128x200xf32>
    %add3A_1575 = arith.addf %add3A_1573, %slice3A_1574 : vector<128x200xf32>
    %slice3A_1576 = vector.extract_strided_slice %select_n3A_1544 {offsets = [0, 2800], sizes = [128, 200], strides = [1, 1]} : vector<128x4000xf32> to vector<128x200xf32>
    %add3A_1577 = arith.addf %add3A_1575, %slice3A_1576 : vector<128x200xf32>
    %mul3A_1578 = arith.constant 2.000000e-01 : f32
    %mul3A_1579 = vector.broadcast %mul3A_1578 : f32 to vector<128x200xf32>
    %mul3A_1580 = arith.mulf %add3A_1577, %mul3A_1579 : vector<128x200xf32>
    %slice3A_1581 = vector.extract_strided_slice %select_n3A_1544 {offsets = [0, 3000], sizes = [128, 200], strides = [1, 1]} : vector<128x4000xf32> to vector<128x200xf32>
    %slice3A_1582 = vector.extract_strided_slice %select_n3A_1544 {offsets = [0, 3200], sizes = [128, 200], strides = [1, 1]} : vector<128x4000xf32> to vector<128x200xf32>
    %add3A_1583 = arith.addf %slice3A_1581, %slice3A_1582 : vector<128x200xf32>
    %slice3A_1584 = vector.extract_strided_slice %select_n3A_1544 {offsets = [0, 3400], sizes = [128, 200], strides = [1, 1]} : vector<128x4000xf32> to vector<128x200xf32>
    %add3A_1585 = arith.addf %add3A_1583, %slice3A_1584 : vector<128x200xf32>
    %slice3A_1586 = vector.extract_strided_slice %select_n3A_1544 {offsets = [0, 3600], sizes = [128, 200], strides = [1, 1]} : vector<128x4000xf32> to vector<128x200xf32>
    %add3A_1587 = arith.addf %add3A_1585, %slice3A_1586 : vector<128x200xf32>
    %slice3A_1588 = vector.extract_strided_slice %select_n3A_1544 {offsets = [0, 3800], sizes = [128, 200], strides = [1, 1]} : vector<128x4000xf32> to vector<128x200xf32>
    %add3A_1589 = arith.addf %add3A_1587, %slice3A_1588 : vector<128x200xf32>
    %mul3A_1590 = arith.constant 2.000000e-01 : f32
    %mul3A_1591 = vector.broadcast %mul3A_1590 : f32 to vector<128x200xf32>
    %mul3A_1592 = arith.mulf %add3A_1589, %mul3A_1591 : vector<128x200xf32>
    %get3A_1593 = arith.constant 0 : index
    %get3A_1594 = arith.constant 0 : index
    %get3A_1595 = vector.load %arg7[%get3A_1593, %get3A_1594] : memref<256x128xf32, #tpu.memory_space<vmem>>, vector<256x128xf32>
    %dot_general3A_1596 = arith.constant dense<0.000000e+00> : vector<200x200xf32>
    %dot_general3A_1597 = tpu.matmul %mul3A_1556, %mul3A_1556, %dot_general3A_1596 {dimension_numbers = #tpu.dot_dimension_numbers<[0], [0], [1], [1], [0, 1, 1, 1], [], []>, transpose_lhs_hint = false} : vector<128x200xf32>, vector<128x200xf32>, vector<200x200xf32> -> vector<200x200xf32>
    %mul3A_1598 = arith.mulf %mul3A_1556, %mul3A_1556 : vector<128x200xf32>
    %reduce_sum3A_1599 = arith.constant dense<0.000000e+00> : vector<200xf32>
    %reduce_sum3A_1600 = vector.multi_reduction <add>, %mul3A_1598, %reduce_sum3A_1599 [0] : vector<128x200xf32> to vector<200xf32>
    %broadcast_in_dim3A_1601 = vector.shape_cast %reduce_sum3A_1600 : vector<200xf32> to vector<1x200xf32>
    %mul3A_1602 = arith.constant 2.000000e+00 : f32
    %mul3A_1603 = vector.broadcast %mul3A_1602 : f32 to vector<200x200xf32>
    %mul3A_1604 = arith.mulf %mul3A_1603, %dot_general3A_1597 : vector<200x200xf32>
    %transpose3A_1605 = tpu.transpose %broadcast_in_dim3A_1601, [1, 0] : vector<1x200xf32> -> vector<200x1xf32>
    %add3A_1606 = vector.broadcast %broadcast_in_dim3A_1601 : vector<1x200xf32> to vector<200x200xf32>
    %add3A_1607 = vector.broadcast %transpose3A_1605 : vector<200x1xf32> to vector<200x200xf32>
    %add3A_1608 = arith.addf %add3A_1606, %add3A_1607 : vector<200x200xf32>
    %sub3A_1609 = arith.subf %mul3A_1604, %add3A_1608 : vector<200x200xf32>
    %broadcast_in_dim3A_1610 = arith.constant 0 : i32
    %broadcast_in_dim3A_1611 = vector.broadcast %broadcast_in_dim3A_1610 : i32 to vector<1x200xi32>
    %broadcast_in_dim3A_1612 = arith.constant 1 : i32
    %broadcast_in_dim3A_1613 = vector.broadcast %broadcast_in_dim3A_1612 : i32 to vector<1x200xi32>
    %broadcast_in_dim3A_1614 = arith.constant 2 : i32
    %broadcast_in_dim3A_1615 = vector.broadcast %broadcast_in_dim3A_1614 : i32 to vector<1x200xi32>
    %broadcast_in_dim3A_1616 = arith.constant 3 : i32
    %broadcast_in_dim3A_1617 = vector.broadcast %broadcast_in_dim3A_1616 : i32 to vector<1x200xi32>
    %broadcast_in_dim3A_1618 = arith.constant 4 : i32
    %broadcast_in_dim3A_1619 = vector.broadcast %broadcast_in_dim3A_1618 : i32 to vector<1x200xi32>
    %slice3A_1620 = vector.extract_strided_slice %sub3A_1609 {offsets = [0, 0], sizes = [5, 200], strides = [1, 1]} : vector<200x200xf32> to vector<5x200xf32>
    %neg3A_1621 = arith.constant 0.000000e+00 : f32
    %neg3A_1622 = vector.broadcast %neg3A_1621 : f32 to vector<5x200xf32>
    %neg3A_1623 = arith.subf %neg3A_1622, %slice3A_1620 : vector<5x200xf32>
    %concatenate3A_1624 = tpu.concatenate %broadcast_in_dim3A_1611, %broadcast_in_dim3A_1613, %broadcast_in_dim3A_1615, %broadcast_in_dim3A_1617, %broadcast_in_dim3A_1619 in 1 : vector<1x200xi32>, vector<1x200xi32>, vector<1x200xi32>, vector<1x200xi32>, vector<1x200xi32> -> vector<1x1000xi32>
    %eq3A_1625 = vector.broadcast %concatenate3A_1624 : vector<1x1000xi32> to vector<200x1000xi32>
    %eq3A_1626 = arith.cmpi eq, %iota3A, %eq3A_1625 : vector<200x1000xi32>
    %convert_element_type3A_1627 = arith.extui %eq3A_1626 : vector<200x1000xi1> to vector<200x1000xi32>
    %convert_element_type3A_1628 = arith.sitofp %convert_element_type3A_1627 : vector<200x1000xi32> to vector<200x1000xf32>
    %dot_general3A_1629 = arith.constant dense<0.000000e+00> : vector<128x1000xf32>
    %dot_general3A_1630 = tpu.matmul %mul3A_1556, %convert_element_type3A_1628, %dot_general3A_1629 {dimension_numbers = #tpu.dot_dimension_numbers<[1], [0], [0], [1], [0, 0, 1, 1], [], []>, transpose_lhs_hint = false} : vector<128x200xf32>, vector<200x1000xf32>, vector<128x1000xf32> -> vector<128x1000xf32>
    %slice3A_1631 = vector.extract_strided_slice %dot_general3A_1630 {offsets = [0, 0], sizes = [128, 200], strides = [1, 1]} : vector<128x1000xf32> to vector<128x200xf32>
    %slice3A_1632 = vector.extract_strided_slice %dot_general3A_1630 {offsets = [0, 0], sizes = [128, 200], strides = [1, 1]} : vector<128x1000xf32> to vector<128x200xf32>
    %mul3A_1633 = arith.mulf %slice3A_1632, %slice3A_1631 : vector<128x200xf32>
    %reduce_sum3A_1634 = arith.constant dense<0.000000e+00> : vector<200xf32>
    %reduce_sum3A_1635 = vector.multi_reduction <add>, %mul3A_1633, %reduce_sum3A_1634 [0] : vector<128x200xf32> to vector<200xf32>
    %broadcast_in_dim3A_1636 = vector.shape_cast %reduce_sum3A_1635 : vector<200xf32> to vector<1x200xf32>
    %slice3A_1637 = vector.extract_strided_slice %dot_general3A_1630 {offsets = [0, 200], sizes = [128, 200], strides = [1, 1]} : vector<128x1000xf32> to vector<128x200xf32>
    %mul3A_1638 = arith.mulf %slice3A_1637, %slice3A_1631 : vector<128x200xf32>
    %reduce_sum3A_1639 = arith.constant dense<0.000000e+00> : vector<200xf32>
    %reduce_sum3A_1640 = vector.multi_reduction <add>, %mul3A_1638, %reduce_sum3A_1639 [0] : vector<128x200xf32> to vector<200xf32>
    %broadcast_in_dim3A_1641 = vector.shape_cast %reduce_sum3A_1640 : vector<200xf32> to vector<1x200xf32>
    %slice3A_1642 = vector.extract_strided_slice %dot_general3A_1630 {offsets = [0, 400], sizes = [128, 200], strides = [1, 1]} : vector<128x1000xf32> to vector<128x200xf32>
    %mul3A_1643 = arith.mulf %slice3A_1642, %slice3A_1631 : vector<128x200xf32>
    %reduce_sum3A_1644 = arith.constant dense<0.000000e+00> : vector<200xf32>
    %reduce_sum3A_1645 = vector.multi_reduction <add>, %mul3A_1643, %reduce_sum3A_1644 [0] : vector<128x200xf32> to vector<200xf32>
    %broadcast_in_dim3A_1646 = vector.shape_cast %reduce_sum3A_1645 : vector<200xf32> to vector<1x200xf32>
    %slice3A_1647 = vector.extract_strided_slice %dot_general3A_1630 {offsets = [0, 600], sizes = [128, 200], strides = [1, 1]} : vector<128x1000xf32> to vector<128x200xf32>
    %mul3A_1648 = arith.mulf %slice3A_1647, %slice3A_1631 : vector<128x200xf32>
    %reduce_sum3A_1649 = arith.constant dense<0.000000e+00> : vector<200xf32>
    %reduce_sum3A_1650 = vector.multi_reduction <add>, %mul3A_1648, %reduce_sum3A_1649 [0] : vector<128x200xf32> to vector<200xf32>
    %broadcast_in_dim3A_1651 = vector.shape_cast %reduce_sum3A_1650 : vector<200xf32> to vector<1x200xf32>
    %slice3A_1652 = vector.extract_strided_slice %dot_general3A_1630 {offsets = [0, 800], sizes = [128, 200], strides = [1, 1]} : vector<128x1000xf32> to vector<128x200xf32>
    %mul3A_1653 = arith.mulf %slice3A_1652, %slice3A_1631 : vector<128x200xf32>
    %reduce_sum3A_1654 = arith.constant dense<0.000000e+00> : vector<200xf32>
    %reduce_sum3A_1655 = vector.multi_reduction <add>, %mul3A_1653, %reduce_sum3A_1654 [0] : vector<128x200xf32> to vector<200xf32>
    %broadcast_in_dim3A_1656 = vector.shape_cast %reduce_sum3A_1655 : vector<200xf32> to vector<1x200xf32>
    %concatenate3A_1657 = tpu.concatenate %broadcast_in_dim3A_1636, %broadcast_in_dim3A_1641, %broadcast_in_dim3A_1646, %broadcast_in_dim3A_1651, %broadcast_in_dim3A_1656 in 0 : vector<1x200xf32>, vector<1x200xf32>, vector<1x200xf32>, vector<1x200xf32>, vector<1x200xf32> -> vector<5x200xf32>
    %mul3A_1658 = arith.mulf %concatenate3A_1657, %concatenate3A_1657 : vector<5x200xf32>
    %dot_general3A_1659 = arith.constant dense<0.000000e+00> : vector<5x5xf32>
    %dot_general3A_1660 = tpu.matmul %mul3A_1658, %mul3A_1658, %dot_general3A_1659 {dimension_numbers = #tpu.dot_dimension_numbers<[1], [1], [0], [0], [0, 0, 1, 0], [], []>, transpose_lhs_hint = false} : vector<5x200xf32>, vector<5x200xf32>, vector<5x5xf32> -> vector<5x5xf32>
    %sqrt3A_1661 = math.sqrt %dot_general3A_1660 : vector<5x5xf32>
    %max3A_1662 = arith.constant 9.99999996E-13 : f32
    %max3A_1663 = vector.broadcast %max3A_1662 : f32 to vector<5x5xf32>
    %max3A_1664 = arith.maximumf %sqrt3A_1661, %max3A_1663 : vector<5x5xf32>
    %get3A_1665 = arith.constant 3 : index
    %get3A_1666 = arith.constant 0 : index
    %get3A_1667 = vector.load %arg3[%get3A_1665, %get3A_1666] : memref<5x5xf32, #tpu.memory_space<vmem>>, vector<1x5xf32>
    %div3A_1668 = vector.broadcast %get3A_1667 : vector<1x5xf32> to vector<5x5xf32>
    %div3A_1669 = arith.divf %div3A_1668, %max3A_1664 : vector<5x5xf32>
    %dot_general3A_1670 = arith.constant dense<0.000000e+00> : vector<5x200xf32>
    %dot_general3A_1671 = tpu.matmul %div3A_1669, %concatenate3A_1657, %dot_general3A_1670 {dimension_numbers = #tpu.dot_dimension_numbers<[1], [0], [0], [1], [0, 0, 1, 1], [], []>, transpose_lhs_hint = false} : vector<5x5xf32>, vector<5x200xf32>, vector<5x200xf32> -> vector<5x200xf32>
    %mul3A_1672 = arith.constant 0.999994993 : f32
    %mul3A_1673 = vector.broadcast %mul3A_1672 : f32 to vector<5x200xf32>
    %mul3A_1674 = arith.mulf %mul3A_1673, %concatenate3A_1657 : vector<5x200xf32>
    %mul3A_1675 = arith.mulf %mul3A_1674, %dot_general3A_1671 : vector<5x200xf32>
    %logistic3A_1676 = arith.negf %mul3A_1675 : vector<5x200xf32>
    %logistic3A_1677 = math.exp %logistic3A_1676 : vector<5x200xf32>
    %logistic3A_1678 = arith.constant 1.000000e+00 : f32
    %logistic3A_1679 = vector.broadcast %logistic3A_1678 : f32 to vector<5x200xf32>
    %logistic3A_1680 = arith.addf %logistic3A_1679, %logistic3A_1677 : vector<5x200xf32>
    %logistic3A_1681 = arith.divf %logistic3A_1679, %logistic3A_1680 : vector<5x200xf32>
    %get3A_1682 = arith.constant 0 : index
    %get3A_1683 = arith.constant 3 : index
    %get3A_1684 = vector.load %arg2[%get3A_1682, %get3A_1683] : memref<1x5xf32, #tpu.memory_space<vmem>>, vector<1x1xf32>
    %mul3A_1685 = arith.constant 0.999994993 : f32
    %mul3A_1686 = vector.broadcast %mul3A_1685 : f32 to vector<5x200xf32>
    %mul3A_1687 = arith.mulf %mul3A_1686, %neg3A_1623 : vector<5x200xf32>
    %mul3A_1688 = vector.broadcast %get3A_1684 : vector<1x1xf32> to vector<5x200xf32>
    %mul3A_1689 = arith.mulf %mul3A_1687, %mul3A_1688 : vector<5x200xf32>
    %logistic3A_1690 = arith.negf %mul3A_1689 : vector<5x200xf32>
    %logistic3A_1691 = math.exp %logistic3A_1690 : vector<5x200xf32>
    %logistic3A_1692 = arith.constant 1.000000e+00 : f32
    %logistic3A_1693 = vector.broadcast %logistic3A_1692 : f32 to vector<5x200xf32>
    %logistic3A_1694 = arith.addf %logistic3A_1693, %logistic3A_1691 : vector<5x200xf32>
    %logistic3A_1695 = arith.divf %logistic3A_1693, %logistic3A_1694 : vector<5x200xf32>
    %mul3A_1696 = arith.mulf %logistic3A_1695, %logistic3A_1681 : vector<5x200xf32>
    %slice3A_1697 = vector.extract_strided_slice %mul3A_1696 {offsets = [0, 0], sizes = [1, 200], strides = [1, 1]} : vector<5x200xf32> to vector<1x200xf32>
    %slice3A_1698 = vector.extract_strided_slice %mul3A_1696 {offsets = [1, 0], sizes = [1, 200], strides = [1, 1]} : vector<5x200xf32> to vector<1x200xf32>
    %slice3A_1699 = vector.extract_strided_slice %mul3A_1696 {offsets = [2, 0], sizes = [1, 200], strides = [1, 1]} : vector<5x200xf32> to vector<1x200xf32>
    %slice3A_1700 = vector.extract_strided_slice %mul3A_1696 {offsets = [3, 0], sizes = [1, 200], strides = [1, 1]} : vector<5x200xf32> to vector<1x200xf32>
    %slice3A_1701 = vector.extract_strided_slice %mul3A_1696 {offsets = [4, 0], sizes = [1, 200], strides = [1, 1]} : vector<5x200xf32> to vector<1x200xf32>
    %concatenate3A_1702 = tpu.concatenate %slice3A_1697, %slice3A_1698, %slice3A_1699, %slice3A_1700, %slice3A_1701 in 1 : vector<1x200xf32>, vector<1x200xf32>, vector<1x200xf32>, vector<1x200xf32>, vector<1x200xf32> -> vector<1x1000xf32>
    %concatenate3A_1703 = tpu.concatenate %mul3A_1556, %mul3A_1556, %mul3A_1556, %mul3A_1556, %mul3A_1556 in 1 : vector<128x200xf32>, vector<128x200xf32>, vector<128x200xf32>, vector<128x200xf32>, vector<128x200xf32> -> vector<128x1000xf32>
    %mul3A_1704 = vector.broadcast %concatenate3A_1702 : vector<1x1000xf32> to vector<128x1000xf32>
    %mul3A_1705 = arith.mulf %mul3A_1704, %dot_general3A_1630 : vector<128x1000xf32>
    %sub3A_1706 = arith.constant 1.000000e+00 : f32
    %sub3A_1707 = vector.broadcast %sub3A_1706 : f32 to vector<1x1000xf32>
    %sub3A_1708 = arith.subf %sub3A_1707, %concatenate3A_1702 : vector<1x1000xf32>
    %mul3A_1709 = vector.broadcast %sub3A_1708 : vector<1x1000xf32> to vector<128x1000xf32>
    %mul3A_1710 = arith.mulf %mul3A_1709, %concatenate3A_1703 : vector<128x1000xf32>
    %add3A_1711 = arith.addf %mul3A_1705, %mul3A_1710 : vector<128x1000xf32>
    %dot_general3A_1712 = arith.constant dense<0.000000e+00> : vector<200x200xf32>
    %dot_general3A_1713 = tpu.matmul %mul3A_1568, %mul3A_1568, %dot_general3A_1712 {dimension_numbers = #tpu.dot_dimension_numbers<[0], [0], [1], [1], [0, 1, 1, 1], [], []>, transpose_lhs_hint = false} : vector<128x200xf32>, vector<128x200xf32>, vector<200x200xf32> -> vector<200x200xf32>
    %mul3A_1714 = arith.mulf %mul3A_1568, %mul3A_1568 : vector<128x200xf32>
    %reduce_sum3A_1715 = arith.constant dense<0.000000e+00> : vector<200xf32>
    %reduce_sum3A_1716 = vector.multi_reduction <add>, %mul3A_1714, %reduce_sum3A_1715 [0] : vector<128x200xf32> to vector<200xf32>
    %broadcast_in_dim3A_1717 = vector.shape_cast %reduce_sum3A_1716 : vector<200xf32> to vector<1x200xf32>
    %mul3A_1718 = arith.constant 2.000000e+00 : f32
    %mul3A_1719 = vector.broadcast %mul3A_1718 : f32 to vector<200x200xf32>
    %mul3A_1720 = arith.mulf %mul3A_1719, %dot_general3A_1713 : vector<200x200xf32>
    %transpose3A_1721 = tpu.transpose %broadcast_in_dim3A_1717, [1, 0] : vector<1x200xf32> -> vector<200x1xf32>
    %add3A_1722 = vector.broadcast %broadcast_in_dim3A_1717 : vector<1x200xf32> to vector<200x200xf32>
    %add3A_1723 = vector.broadcast %transpose3A_1721 : vector<200x1xf32> to vector<200x200xf32>
    %add3A_1724 = arith.addf %add3A_1722, %add3A_1723 : vector<200x200xf32>
    %sub3A_1725 = arith.subf %mul3A_1720, %add3A_1724 : vector<200x200xf32>
    %broadcast_in_dim3A_1726 = arith.constant 0 : i32
    %broadcast_in_dim3A_1727 = vector.broadcast %broadcast_in_dim3A_1726 : i32 to vector<1x200xi32>
    %broadcast_in_dim3A_1728 = arith.constant 1 : i32
    %broadcast_in_dim3A_1729 = vector.broadcast %broadcast_in_dim3A_1728 : i32 to vector<1x200xi32>
    %broadcast_in_dim3A_1730 = arith.constant 2 : i32
    %broadcast_in_dim3A_1731 = vector.broadcast %broadcast_in_dim3A_1730 : i32 to vector<1x200xi32>
    %broadcast_in_dim3A_1732 = arith.constant 3 : i32
    %broadcast_in_dim3A_1733 = vector.broadcast %broadcast_in_dim3A_1732 : i32 to vector<1x200xi32>
    %broadcast_in_dim3A_1734 = arith.constant 4 : i32
    %broadcast_in_dim3A_1735 = vector.broadcast %broadcast_in_dim3A_1734 : i32 to vector<1x200xi32>
    %slice3A_1736 = vector.extract_strided_slice %sub3A_1725 {offsets = [0, 0], sizes = [5, 200], strides = [1, 1]} : vector<200x200xf32> to vector<5x200xf32>
    %neg3A_1737 = arith.constant 0.000000e+00 : f32
    %neg3A_1738 = vector.broadcast %neg3A_1737 : f32 to vector<5x200xf32>
    %neg3A_1739 = arith.subf %neg3A_1738, %slice3A_1736 : vector<5x200xf32>
    %concatenate3A_1740 = tpu.concatenate %broadcast_in_dim3A_1727, %broadcast_in_dim3A_1729, %broadcast_in_dim3A_1731, %broadcast_in_dim3A_1733, %broadcast_in_dim3A_1735 in 1 : vector<1x200xi32>, vector<1x200xi32>, vector<1x200xi32>, vector<1x200xi32>, vector<1x200xi32> -> vector<1x1000xi32>
    %eq3A_1741 = vector.broadcast %concatenate3A_1740 : vector<1x1000xi32> to vector<200x1000xi32>
    %eq3A_1742 = arith.cmpi eq, %iota3A, %eq3A_1741 : vector<200x1000xi32>
    %convert_element_type3A_1743 = arith.extui %eq3A_1742 : vector<200x1000xi1> to vector<200x1000xi32>
    %convert_element_type3A_1744 = arith.sitofp %convert_element_type3A_1743 : vector<200x1000xi32> to vector<200x1000xf32>
    %dot_general3A_1745 = arith.constant dense<0.000000e+00> : vector<128x1000xf32>
    %dot_general3A_1746 = tpu.matmul %mul3A_1568, %convert_element_type3A_1744, %dot_general3A_1745 {dimension_numbers = #tpu.dot_dimension_numbers<[1], [0], [0], [1], [0, 0, 1, 1], [], []>, transpose_lhs_hint = false} : vector<128x200xf32>, vector<200x1000xf32>, vector<128x1000xf32> -> vector<128x1000xf32>
    %slice3A_1747 = vector.extract_strided_slice %dot_general3A_1746 {offsets = [0, 0], sizes = [128, 200], strides = [1, 1]} : vector<128x1000xf32> to vector<128x200xf32>
    %slice3A_1748 = vector.extract_strided_slice %dot_general3A_1746 {offsets = [0, 0], sizes = [128, 200], strides = [1, 1]} : vector<128x1000xf32> to vector<128x200xf32>
    %mul3A_1749 = arith.mulf %slice3A_1748, %slice3A_1747 : vector<128x200xf32>
    %reduce_sum3A_1750 = arith.constant dense<0.000000e+00> : vector<200xf32>
    %reduce_sum3A_1751 = vector.multi_reduction <add>, %mul3A_1749, %reduce_sum3A_1750 [0] : vector<128x200xf32> to vector<200xf32>
    %broadcast_in_dim3A_1752 = vector.shape_cast %reduce_sum3A_1751 : vector<200xf32> to vector<1x200xf32>
    %slice3A_1753 = vector.extract_strided_slice %dot_general3A_1746 {offsets = [0, 200], sizes = [128, 200], strides = [1, 1]} : vector<128x1000xf32> to vector<128x200xf32>
    %mul3A_1754 = arith.mulf %slice3A_1753, %slice3A_1747 : vector<128x200xf32>
    %reduce_sum3A_1755 = arith.constant dense<0.000000e+00> : vector<200xf32>
    %reduce_sum3A_1756 = vector.multi_reduction <add>, %mul3A_1754, %reduce_sum3A_1755 [0] : vector<128x200xf32> to vector<200xf32>
    %broadcast_in_dim3A_1757 = vector.shape_cast %reduce_sum3A_1756 : vector<200xf32> to vector<1x200xf32>
    %slice3A_1758 = vector.extract_strided_slice %dot_general3A_1746 {offsets = [0, 400], sizes = [128, 200], strides = [1, 1]} : vector<128x1000xf32> to vector<128x200xf32>
    %mul3A_1759 = arith.mulf %slice3A_1758, %slice3A_1747 : vector<128x200xf32>
    %reduce_sum3A_1760 = arith.constant dense<0.000000e+00> : vector<200xf32>
    %reduce_sum3A_1761 = vector.multi_reduction <add>, %mul3A_1759, %reduce_sum3A_1760 [0] : vector<128x200xf32> to vector<200xf32>
    %broadcast_in_dim3A_1762 = vector.shape_cast %reduce_sum3A_1761 : vector<200xf32> to vector<1x200xf32>
    %slice3A_1763 = vector.extract_strided_slice %dot_general3A_1746 {offsets = [0, 600], sizes = [128, 200], strides = [1, 1]} : vector<128x1000xf32> to vector<128x200xf32>
    %mul3A_1764 = arith.mulf %slice3A_1763, %slice3A_1747 : vector<128x200xf32>
    %reduce_sum3A_1765 = arith.constant dense<0.000000e+00> : vector<200xf32>
    %reduce_sum3A_1766 = vector.multi_reduction <add>, %mul3A_1764, %reduce_sum3A_1765 [0] : vector<128x200xf32> to vector<200xf32>
    %broadcast_in_dim3A_1767 = vector.shape_cast %reduce_sum3A_1766 : vector<200xf32> to vector<1x200xf32>
    %slice3A_1768 = vector.extract_strided_slice %dot_general3A_1746 {offsets = [0, 800], sizes = [128, 200], strides = [1, 1]} : vector<128x1000xf32> to vector<128x200xf32>
    %mul3A_1769 = arith.mulf %slice3A_1768, %slice3A_1747 : vector<128x200xf32>
    %reduce_sum3A_1770 = arith.constant dense<0.000000e+00> : vector<200xf32>
    %reduce_sum3A_1771 = vector.multi_reduction <add>, %mul3A_1769, %reduce_sum3A_1770 [0] : vector<128x200xf32> to vector<200xf32>
    %broadcast_in_dim3A_1772 = vector.shape_cast %reduce_sum3A_1771 : vector<200xf32> to vector<1x200xf32>
    %concatenate3A_1773 = tpu.concatenate %broadcast_in_dim3A_1752, %broadcast_in_dim3A_1757, %broadcast_in_dim3A_1762, %broadcast_in_dim3A_1767, %broadcast_in_dim3A_1772 in 0 : vector<1x200xf32>, vector<1x200xf32>, vector<1x200xf32>, vector<1x200xf32>, vector<1x200xf32> -> vector<5x200xf32>
    %mul3A_1774 = arith.mulf %concatenate3A_1773, %concatenate3A_1773 : vector<5x200xf32>
    %dot_general3A_1775 = arith.constant dense<0.000000e+00> : vector<5x5xf32>
    %dot_general3A_1776 = tpu.matmul %mul3A_1774, %mul3A_1774, %dot_general3A_1775 {dimension_numbers = #tpu.dot_dimension_numbers<[1], [1], [0], [0], [0, 0, 1, 0], [], []>, transpose_lhs_hint = false} : vector<5x200xf32>, vector<5x200xf32>, vector<5x5xf32> -> vector<5x5xf32>
    %sqrt3A_1777 = math.sqrt %dot_general3A_1776 : vector<5x5xf32>
    %max3A_1778 = arith.constant 9.99999996E-13 : f32
    %max3A_1779 = vector.broadcast %max3A_1778 : f32 to vector<5x5xf32>
    %max3A_1780 = arith.maximumf %sqrt3A_1777, %max3A_1779 : vector<5x5xf32>
    %get3A_1781 = arith.constant 3 : index
    %get3A_1782 = arith.constant 0 : index
    %get3A_1783 = vector.load %arg3[%get3A_1781, %get3A_1782] : memref<5x5xf32, #tpu.memory_space<vmem>>, vector<1x5xf32>
    %div3A_1784 = vector.broadcast %get3A_1783 : vector<1x5xf32> to vector<5x5xf32>
    %div3A_1785 = arith.divf %div3A_1784, %max3A_1780 : vector<5x5xf32>
    %dot_general3A_1786 = arith.constant dense<0.000000e+00> : vector<5x200xf32>
    %dot_general3A_1787 = tpu.matmul %div3A_1785, %concatenate3A_1773, %dot_general3A_1786 {dimension_numbers = #tpu.dot_dimension_numbers<[1], [0], [0], [1], [0, 0, 1, 1], [], []>, transpose_lhs_hint = false} : vector<5x5xf32>, vector<5x200xf32>, vector<5x200xf32> -> vector<5x200xf32>
    %mul3A_1788 = arith.constant 0.999994993 : f32
    %mul3A_1789 = vector.broadcast %mul3A_1788 : f32 to vector<5x200xf32>
    %mul3A_1790 = arith.mulf %mul3A_1789, %concatenate3A_1773 : vector<5x200xf32>
    %mul3A_1791 = arith.mulf %mul3A_1790, %dot_general3A_1787 : vector<5x200xf32>
    %logistic3A_1792 = arith.negf %mul3A_1791 : vector<5x200xf32>
    %logistic3A_1793 = math.exp %logistic3A_1792 : vector<5x200xf32>
    %logistic3A_1794 = arith.constant 1.000000e+00 : f32
    %logistic3A_1795 = vector.broadcast %logistic3A_1794 : f32 to vector<5x200xf32>
    %logistic3A_1796 = arith.addf %logistic3A_1795, %logistic3A_1793 : vector<5x200xf32>
    %logistic3A_1797 = arith.divf %logistic3A_1795, %logistic3A_1796 : vector<5x200xf32>
    %get3A_1798 = arith.constant 0 : index
    %get3A_1799 = arith.constant 3 : index
    %get3A_1800 = vector.load %arg2[%get3A_1798, %get3A_1799] : memref<1x5xf32, #tpu.memory_space<vmem>>, vector<1x1xf32>
    %mul3A_1801 = arith.constant 0.999994993 : f32
    %mul3A_1802 = vector.broadcast %mul3A_1801 : f32 to vector<5x200xf32>
    %mul3A_1803 = arith.mulf %mul3A_1802, %neg3A_1739 : vector<5x200xf32>
    %mul3A_1804 = vector.broadcast %get3A_1800 : vector<1x1xf32> to vector<5x200xf32>
    %mul3A_1805 = arith.mulf %mul3A_1803, %mul3A_1804 : vector<5x200xf32>
    %logistic3A_1806 = arith.negf %mul3A_1805 : vector<5x200xf32>
    %logistic3A_1807 = math.exp %logistic3A_1806 : vector<5x200xf32>
    %logistic3A_1808 = arith.constant 1.000000e+00 : f32
    %logistic3A_1809 = vector.broadcast %logistic3A_1808 : f32 to vector<5x200xf32>
    %logistic3A_1810 = arith.addf %logistic3A_1809, %logistic3A_1807 : vector<5x200xf32>
    %logistic3A_1811 = arith.divf %logistic3A_1809, %logistic3A_1810 : vector<5x200xf32>
    %mul3A_1812 = arith.mulf %logistic3A_1811, %logistic3A_1797 : vector<5x200xf32>
    %slice3A_1813 = vector.extract_strided_slice %mul3A_1812 {offsets = [0, 0], sizes = [1, 200], strides = [1, 1]} : vector<5x200xf32> to vector<1x200xf32>
    %slice3A_1814 = vector.extract_strided_slice %mul3A_1812 {offsets = [1, 0], sizes = [1, 200], strides = [1, 1]} : vector<5x200xf32> to vector<1x200xf32>
    %slice3A_1815 = vector.extract_strided_slice %mul3A_1812 {offsets = [2, 0], sizes = [1, 200], strides = [1, 1]} : vector<5x200xf32> to vector<1x200xf32>
    %slice3A_1816 = vector.extract_strided_slice %mul3A_1812 {offsets = [3, 0], sizes = [1, 200], strides = [1, 1]} : vector<5x200xf32> to vector<1x200xf32>
    %slice3A_1817 = vector.extract_strided_slice %mul3A_1812 {offsets = [4, 0], sizes = [1, 200], strides = [1, 1]} : vector<5x200xf32> to vector<1x200xf32>
    %concatenate3A_1818 = tpu.concatenate %slice3A_1813, %slice3A_1814, %slice3A_1815, %slice3A_1816, %slice3A_1817 in 1 : vector<1x200xf32>, vector<1x200xf32>, vector<1x200xf32>, vector<1x200xf32>, vector<1x200xf32> -> vector<1x1000xf32>
    %concatenate3A_1819 = tpu.concatenate %mul3A_1568, %mul3A_1568, %mul3A_1568, %mul3A_1568, %mul3A_1568 in 1 : vector<128x200xf32>, vector<128x200xf32>, vector<128x200xf32>, vector<128x200xf32>, vector<128x200xf32> -> vector<128x1000xf32>
    %mul3A_1820 = vector.broadcast %concatenate3A_1818 : vector<1x1000xf32> to vector<128x1000xf32>
    %mul3A_1821 = arith.mulf %mul3A_1820, %dot_general3A_1746 : vector<128x1000xf32>
    %sub3A_1822 = arith.constant 1.000000e+00 : f32
    %sub3A_1823 = vector.broadcast %sub3A_1822 : f32 to vector<1x1000xf32>
    %sub3A_1824 = arith.subf %sub3A_1823, %concatenate3A_1818 : vector<1x1000xf32>
    %mul3A_1825 = vector.broadcast %sub3A_1824 : vector<1x1000xf32> to vector<128x1000xf32>
    %mul3A_1826 = arith.mulf %mul3A_1825, %concatenate3A_1819 : vector<128x1000xf32>
    %add3A_1827 = arith.addf %mul3A_1821, %mul3A_1826 : vector<128x1000xf32>
    %dot_general3A_1828 = arith.constant dense<0.000000e+00> : vector<200x200xf32>
    %dot_general3A_1829 = tpu.matmul %mul3A_1580, %mul3A_1580, %dot_general3A_1828 {dimension_numbers = #tpu.dot_dimension_numbers<[0], [0], [1], [1], [0, 1, 1, 1], [], []>, transpose_lhs_hint = false} : vector<128x200xf32>, vector<128x200xf32>, vector<200x200xf32> -> vector<200x200xf32>
    %mul3A_1830 = arith.mulf %mul3A_1580, %mul3A_1580 : vector<128x200xf32>
    %reduce_sum3A_1831 = arith.constant dense<0.000000e+00> : vector<200xf32>
    %reduce_sum3A_1832 = vector.multi_reduction <add>, %mul3A_1830, %reduce_sum3A_1831 [0] : vector<128x200xf32> to vector<200xf32>
    %broadcast_in_dim3A_1833 = vector.shape_cast %reduce_sum3A_1832 : vector<200xf32> to vector<1x200xf32>
    %mul3A_1834 = arith.constant 2.000000e+00 : f32
    %mul3A_1835 = vector.broadcast %mul3A_1834 : f32 to vector<200x200xf32>
    %mul3A_1836 = arith.mulf %mul3A_1835, %dot_general3A_1829 : vector<200x200xf32>
    %transpose3A_1837 = tpu.transpose %broadcast_in_dim3A_1833, [1, 0] : vector<1x200xf32> -> vector<200x1xf32>
    %add3A_1838 = vector.broadcast %broadcast_in_dim3A_1833 : vector<1x200xf32> to vector<200x200xf32>
    %add3A_1839 = vector.broadcast %transpose3A_1837 : vector<200x1xf32> to vector<200x200xf32>
    %add3A_1840 = arith.addf %add3A_1838, %add3A_1839 : vector<200x200xf32>
    %sub3A_1841 = arith.subf %mul3A_1836, %add3A_1840 : vector<200x200xf32>
    %broadcast_in_dim3A_1842 = arith.constant 0 : i32
    %broadcast_in_dim3A_1843 = vector.broadcast %broadcast_in_dim3A_1842 : i32 to vector<1x200xi32>
    %broadcast_in_dim3A_1844 = arith.constant 1 : i32
    %broadcast_in_dim3A_1845 = vector.broadcast %broadcast_in_dim3A_1844 : i32 to vector<1x200xi32>
    %broadcast_in_dim3A_1846 = arith.constant 2 : i32
    %broadcast_in_dim3A_1847 = vector.broadcast %broadcast_in_dim3A_1846 : i32 to vector<1x200xi32>
    %broadcast_in_dim3A_1848 = arith.constant 3 : i32
    %broadcast_in_dim3A_1849 = vector.broadcast %broadcast_in_dim3A_1848 : i32 to vector<1x200xi32>
    %broadcast_in_dim3A_1850 = arith.constant 4 : i32
    %broadcast_in_dim3A_1851 = vector.broadcast %broadcast_in_dim3A_1850 : i32 to vector<1x200xi32>
    %slice3A_1852 = vector.extract_strided_slice %sub3A_1841 {offsets = [0, 0], sizes = [5, 200], strides = [1, 1]} : vector<200x200xf32> to vector<5x200xf32>
    %neg3A_1853 = arith.constant 0.000000e+00 : f32
    %neg3A_1854 = vector.broadcast %neg3A_1853 : f32 to vector<5x200xf32>
    %neg3A_1855 = arith.subf %neg3A_1854, %slice3A_1852 : vector<5x200xf32>
    %concatenate3A_1856 = tpu.concatenate %broadcast_in_dim3A_1843, %broadcast_in_dim3A_1845, %broadcast_in_dim3A_1847, %broadcast_in_dim3A_1849, %broadcast_in_dim3A_1851 in 1 : vector<1x200xi32>, vector<1x200xi32>, vector<1x200xi32>, vector<1x200xi32>, vector<1x200xi32> -> vector<1x1000xi32>
    %eq3A_1857 = vector.broadcast %concatenate3A_1856 : vector<1x1000xi32> to vector<200x1000xi32>
    %eq3A_1858 = arith.cmpi eq, %iota3A, %eq3A_1857 : vector<200x1000xi32>
    %convert_element_type3A_1859 = arith.extui %eq3A_1858 : vector<200x1000xi1> to vector<200x1000xi32>
    %convert_element_type3A_1860 = arith.sitofp %convert_element_type3A_1859 : vector<200x1000xi32> to vector<200x1000xf32>
    %dot_general3A_1861 = arith.constant dense<0.000000e+00> : vector<128x1000xf32>
    %dot_general3A_1862 = tpu.matmul %mul3A_1580, %convert_element_type3A_1860, %dot_general3A_1861 {dimension_numbers = #tpu.dot_dimension_numbers<[1], [0], [0], [1], [0, 0, 1, 1], [], []>, transpose_lhs_hint = false} : vector<128x200xf32>, vector<200x1000xf32>, vector<128x1000xf32> -> vector<128x1000xf32>
    %slice3A_1863 = vector.extract_strided_slice %dot_general3A_1862 {offsets = [0, 0], sizes = [128, 200], strides = [1, 1]} : vector<128x1000xf32> to vector<128x200xf32>
    %slice3A_1864 = vector.extract_strided_slice %dot_general3A_1862 {offsets = [0, 0], sizes = [128, 200], strides = [1, 1]} : vector<128x1000xf32> to vector<128x200xf32>
    %mul3A_1865 = arith.mulf %slice3A_1864, %slice3A_1863 : vector<128x200xf32>
    %reduce_sum3A_1866 = arith.constant dense<0.000000e+00> : vector<200xf32>
    %reduce_sum3A_1867 = vector.multi_reduction <add>, %mul3A_1865, %reduce_sum3A_1866 [0] : vector<128x200xf32> to vector<200xf32>
    %broadcast_in_dim3A_1868 = vector.shape_cast %reduce_sum3A_1867 : vector<200xf32> to vector<1x200xf32>
    %slice3A_1869 = vector.extract_strided_slice %dot_general3A_1862 {offsets = [0, 200], sizes = [128, 200], strides = [1, 1]} : vector<128x1000xf32> to vector<128x200xf32>
    %mul3A_1870 = arith.mulf %slice3A_1869, %slice3A_1863 : vector<128x200xf32>
    %reduce_sum3A_1871 = arith.constant dense<0.000000e+00> : vector<200xf32>
    %reduce_sum3A_1872 = vector.multi_reduction <add>, %mul3A_1870, %reduce_sum3A_1871 [0] : vector<128x200xf32> to vector<200xf32>
    %broadcast_in_dim3A_1873 = vector.shape_cast %reduce_sum3A_1872 : vector<200xf32> to vector<1x200xf32>
    %slice3A_1874 = vector.extract_strided_slice %dot_general3A_1862 {offsets = [0, 400], sizes = [128, 200], strides = [1, 1]} : vector<128x1000xf32> to vector<128x200xf32>
    %mul3A_1875 = arith.mulf %slice3A_1874, %slice3A_1863 : vector<128x200xf32>
    %reduce_sum3A_1876 = arith.constant dense<0.000000e+00> : vector<200xf32>
    %reduce_sum3A_1877 = vector.multi_reduction <add>, %mul3A_1875, %reduce_sum3A_1876 [0] : vector<128x200xf32> to vector<200xf32>
    %broadcast_in_dim3A_1878 = vector.shape_cast %reduce_sum3A_1877 : vector<200xf32> to vector<1x200xf32>
    %slice3A_1879 = vector.extract_strided_slice %dot_general3A_1862 {offsets = [0, 600], sizes = [128, 200], strides = [1, 1]} : vector<128x1000xf32> to vector<128x200xf32>
    %mul3A_1880 = arith.mulf %slice3A_1879, %slice3A_1863 : vector<128x200xf32>
    %reduce_sum3A_1881 = arith.constant dense<0.000000e+00> : vector<200xf32>
    %reduce_sum3A_1882 = vector.multi_reduction <add>, %mul3A_1880, %reduce_sum3A_1881 [0] : vector<128x200xf32> to vector<200xf32>
    %broadcast_in_dim3A_1883 = vector.shape_cast %reduce_sum3A_1882 : vector<200xf32> to vector<1x200xf32>
    %slice3A_1884 = vector.extract_strided_slice %dot_general3A_1862 {offsets = [0, 800], sizes = [128, 200], strides = [1, 1]} : vector<128x1000xf32> to vector<128x200xf32>
    %mul3A_1885 = arith.mulf %slice3A_1884, %slice3A_1863 : vector<128x200xf32>
    %reduce_sum3A_1886 = arith.constant dense<0.000000e+00> : vector<200xf32>
    %reduce_sum3A_1887 = vector.multi_reduction <add>, %mul3A_1885, %reduce_sum3A_1886 [0] : vector<128x200xf32> to vector<200xf32>
    %broadcast_in_dim3A_1888 = vector.shape_cast %reduce_sum3A_1887 : vector<200xf32> to vector<1x200xf32>
    %concatenate3A_1889 = tpu.concatenate %broadcast_in_dim3A_1868, %broadcast_in_dim3A_1873, %broadcast_in_dim3A_1878, %broadcast_in_dim3A_1883, %broadcast_in_dim3A_1888 in 0 : vector<1x200xf32>, vector<1x200xf32>, vector<1x200xf32>, vector<1x200xf32>, vector<1x200xf32> -> vector<5x200xf32>
    %mul3A_1890 = arith.mulf %concatenate3A_1889, %concatenate3A_1889 : vector<5x200xf32>
    %dot_general3A_1891 = arith.constant dense<0.000000e+00> : vector<5x5xf32>
    %dot_general3A_1892 = tpu.matmul %mul3A_1890, %mul3A_1890, %dot_general3A_1891 {dimension_numbers = #tpu.dot_dimension_numbers<[1], [1], [0], [0], [0, 0, 1, 0], [], []>, transpose_lhs_hint = false} : vector<5x200xf32>, vector<5x200xf32>, vector<5x5xf32> -> vector<5x5xf32>
    %sqrt3A_1893 = math.sqrt %dot_general3A_1892 : vector<5x5xf32>
    %max3A_1894 = arith.constant 9.99999996E-13 : f32
    %max3A_1895 = vector.broadcast %max3A_1894 : f32 to vector<5x5xf32>
    %max3A_1896 = arith.maximumf %sqrt3A_1893, %max3A_1895 : vector<5x5xf32>
    %get3A_1897 = arith.constant 3 : index
    %get3A_1898 = arith.constant 0 : index
    %get3A_1899 = vector.load %arg3[%get3A_1897, %get3A_1898] : memref<5x5xf32, #tpu.memory_space<vmem>>, vector<1x5xf32>
    %div3A_1900 = vector.broadcast %get3A_1899 : vector<1x5xf32> to vector<5x5xf32>
    %div3A_1901 = arith.divf %div3A_1900, %max3A_1896 : vector<5x5xf32>
    %dot_general3A_1902 = arith.constant dense<0.000000e+00> : vector<5x200xf32>
    %dot_general3A_1903 = tpu.matmul %div3A_1901, %concatenate3A_1889, %dot_general3A_1902 {dimension_numbers = #tpu.dot_dimension_numbers<[1], [0], [0], [1], [0, 0, 1, 1], [], []>, transpose_lhs_hint = false} : vector<5x5xf32>, vector<5x200xf32>, vector<5x200xf32> -> vector<5x200xf32>
    %mul3A_1904 = arith.constant 0.999994993 : f32
    %mul3A_1905 = vector.broadcast %mul3A_1904 : f32 to vector<5x200xf32>
    %mul3A_1906 = arith.mulf %mul3A_1905, %concatenate3A_1889 : vector<5x200xf32>
    %mul3A_1907 = arith.mulf %mul3A_1906, %dot_general3A_1903 : vector<5x200xf32>
    %logistic3A_1908 = arith.negf %mul3A_1907 : vector<5x200xf32>
    %logistic3A_1909 = math.exp %logistic3A_1908 : vector<5x200xf32>
    %logistic3A_1910 = arith.constant 1.000000e+00 : f32
    %logistic3A_1911 = vector.broadcast %logistic3A_1910 : f32 to vector<5x200xf32>
    %logistic3A_1912 = arith.addf %logistic3A_1911, %logistic3A_1909 : vector<5x200xf32>
    %logistic3A_1913 = arith.divf %logistic3A_1911, %logistic3A_1912 : vector<5x200xf32>
    %get3A_1914 = arith.constant 0 : index
    %get3A_1915 = arith.constant 3 : index
    %get3A_1916 = vector.load %arg2[%get3A_1914, %get3A_1915] : memref<1x5xf32, #tpu.memory_space<vmem>>, vector<1x1xf32>
    %mul3A_1917 = arith.constant 0.999994993 : f32
    %mul3A_1918 = vector.broadcast %mul3A_1917 : f32 to vector<5x200xf32>
    %mul3A_1919 = arith.mulf %mul3A_1918, %neg3A_1855 : vector<5x200xf32>
    %mul3A_1920 = vector.broadcast %get3A_1916 : vector<1x1xf32> to vector<5x200xf32>
    %mul3A_1921 = arith.mulf %mul3A_1919, %mul3A_1920 : vector<5x200xf32>
    %logistic3A_1922 = arith.negf %mul3A_1921 : vector<5x200xf32>
    %logistic3A_1923 = math.exp %logistic3A_1922 : vector<5x200xf32>
    %logistic3A_1924 = arith.constant 1.000000e+00 : f32
    %logistic3A_1925 = vector.broadcast %logistic3A_1924 : f32 to vector<5x200xf32>
    %logistic3A_1926 = arith.addf %logistic3A_1925, %logistic3A_1923 : vector<5x200xf32>
    %logistic3A_1927 = arith.divf %logistic3A_1925, %logistic3A_1926 : vector<5x200xf32>
    %mul3A_1928 = arith.mulf %logistic3A_1927, %logistic3A_1913 : vector<5x200xf32>
    %slice3A_1929 = vector.extract_strided_slice %mul3A_1928 {offsets = [0, 0], sizes = [1, 200], strides = [1, 1]} : vector<5x200xf32> to vector<1x200xf32>
    %slice3A_1930 = vector.extract_strided_slice %mul3A_1928 {offsets = [1, 0], sizes = [1, 200], strides = [1, 1]} : vector<5x200xf32> to vector<1x200xf32>
    %slice3A_1931 = vector.extract_strided_slice %mul3A_1928 {offsets = [2, 0], sizes = [1, 200], strides = [1, 1]} : vector<5x200xf32> to vector<1x200xf32>
    %slice3A_1932 = vector.extract_strided_slice %mul3A_1928 {offsets = [3, 0], sizes = [1, 200], strides = [1, 1]} : vector<5x200xf32> to vector<1x200xf32>
    %slice3A_1933 = vector.extract_strided_slice %mul3A_1928 {offsets = [4, 0], sizes = [1, 200], strides = [1, 1]} : vector<5x200xf32> to vector<1x200xf32>
    %concatenate3A_1934 = tpu.concatenate %slice3A_1929, %slice3A_1930, %slice3A_1931, %slice3A_1932, %slice3A_1933 in 1 : vector<1x200xf32>, vector<1x200xf32>, vector<1x200xf32>, vector<1x200xf32>, vector<1x200xf32> -> vector<1x1000xf32>
    %concatenate3A_1935 = tpu.concatenate %mul3A_1580, %mul3A_1580, %mul3A_1580, %mul3A_1580, %mul3A_1580 in 1 : vector<128x200xf32>, vector<128x200xf32>, vector<128x200xf32>, vector<128x200xf32>, vector<128x200xf32> -> vector<128x1000xf32>
    %mul3A_1936 = vector.broadcast %concatenate3A_1934 : vector<1x1000xf32> to vector<128x1000xf32>
    %mul3A_1937 = arith.mulf %mul3A_1936, %dot_general3A_1862 : vector<128x1000xf32>
    %sub3A_1938 = arith.constant 1.000000e+00 : f32
    %sub3A_1939 = vector.broadcast %sub3A_1938 : f32 to vector<1x1000xf32>
    %sub3A_1940 = arith.subf %sub3A_1939, %concatenate3A_1934 : vector<1x1000xf32>
    %mul3A_1941 = vector.broadcast %sub3A_1940 : vector<1x1000xf32> to vector<128x1000xf32>
    %mul3A_1942 = arith.mulf %mul3A_1941, %concatenate3A_1935 : vector<128x1000xf32>
    %add3A_1943 = arith.addf %mul3A_1937, %mul3A_1942 : vector<128x1000xf32>
    %dot_general3A_1944 = arith.constant dense<0.000000e+00> : vector<200x200xf32>
    %dot_general3A_1945 = tpu.matmul %mul3A_1592, %mul3A_1592, %dot_general3A_1944 {dimension_numbers = #tpu.dot_dimension_numbers<[0], [0], [1], [1], [0, 1, 1, 1], [], []>, transpose_lhs_hint = false} : vector<128x200xf32>, vector<128x200xf32>, vector<200x200xf32> -> vector<200x200xf32>
    %mul3A_1946 = arith.mulf %mul3A_1592, %mul3A_1592 : vector<128x200xf32>
    %reduce_sum3A_1947 = arith.constant dense<0.000000e+00> : vector<200xf32>
    %reduce_sum3A_1948 = vector.multi_reduction <add>, %mul3A_1946, %reduce_sum3A_1947 [0] : vector<128x200xf32> to vector<200xf32>
    %broadcast_in_dim3A_1949 = vector.shape_cast %reduce_sum3A_1948 : vector<200xf32> to vector<1x200xf32>
    %mul3A_1950 = arith.constant 2.000000e+00 : f32
    %mul3A_1951 = vector.broadcast %mul3A_1950 : f32 to vector<200x200xf32>
    %mul3A_1952 = arith.mulf %mul3A_1951, %dot_general3A_1945 : vector<200x200xf32>
    %transpose3A_1953 = tpu.transpose %broadcast_in_dim3A_1949, [1, 0] : vector<1x200xf32> -> vector<200x1xf32>
    %add3A_1954 = vector.broadcast %broadcast_in_dim3A_1949 : vector<1x200xf32> to vector<200x200xf32>
    %add3A_1955 = vector.broadcast %transpose3A_1953 : vector<200x1xf32> to vector<200x200xf32>
    %add3A_1956 = arith.addf %add3A_1954, %add3A_1955 : vector<200x200xf32>
    %sub3A_1957 = arith.subf %mul3A_1952, %add3A_1956 : vector<200x200xf32>
    %broadcast_in_dim3A_1958 = arith.constant 0 : i32
    %broadcast_in_dim3A_1959 = vector.broadcast %broadcast_in_dim3A_1958 : i32 to vector<1x200xi32>
    %broadcast_in_dim3A_1960 = arith.constant 1 : i32
    %broadcast_in_dim3A_1961 = vector.broadcast %broadcast_in_dim3A_1960 : i32 to vector<1x200xi32>
    %broadcast_in_dim3A_1962 = arith.constant 2 : i32
    %broadcast_in_dim3A_1963 = vector.broadcast %broadcast_in_dim3A_1962 : i32 to vector<1x200xi32>
    %broadcast_in_dim3A_1964 = arith.constant 3 : i32
    %broadcast_in_dim3A_1965 = vector.broadcast %broadcast_in_dim3A_1964 : i32 to vector<1x200xi32>
    %broadcast_in_dim3A_1966 = arith.constant 4 : i32
    %broadcast_in_dim3A_1967 = vector.broadcast %broadcast_in_dim3A_1966 : i32 to vector<1x200xi32>
    %slice3A_1968 = vector.extract_strided_slice %sub3A_1957 {offsets = [0, 0], sizes = [5, 200], strides = [1, 1]} : vector<200x200xf32> to vector<5x200xf32>
    %neg3A_1969 = arith.constant 0.000000e+00 : f32
    %neg3A_1970 = vector.broadcast %neg3A_1969 : f32 to vector<5x200xf32>
    %neg3A_1971 = arith.subf %neg3A_1970, %slice3A_1968 : vector<5x200xf32>
    %concatenate3A_1972 = tpu.concatenate %broadcast_in_dim3A_1959, %broadcast_in_dim3A_1961, %broadcast_in_dim3A_1963, %broadcast_in_dim3A_1965, %broadcast_in_dim3A_1967 in 1 : vector<1x200xi32>, vector<1x200xi32>, vector<1x200xi32>, vector<1x200xi32>, vector<1x200xi32> -> vector<1x1000xi32>
    %eq3A_1973 = vector.broadcast %concatenate3A_1972 : vector<1x1000xi32> to vector<200x1000xi32>
    %eq3A_1974 = arith.cmpi eq, %iota3A, %eq3A_1973 : vector<200x1000xi32>
    %convert_element_type3A_1975 = arith.extui %eq3A_1974 : vector<200x1000xi1> to vector<200x1000xi32>
    %convert_element_type3A_1976 = arith.sitofp %convert_element_type3A_1975 : vector<200x1000xi32> to vector<200x1000xf32>
    %dot_general3A_1977 = arith.constant dense<0.000000e+00> : vector<128x1000xf32>
    %dot_general3A_1978 = tpu.matmul %mul3A_1592, %convert_element_type3A_1976, %dot_general3A_1977 {dimension_numbers = #tpu.dot_dimension_numbers<[1], [0], [0], [1], [0, 0, 1, 1], [], []>, transpose_lhs_hint = false} : vector<128x200xf32>, vector<200x1000xf32>, vector<128x1000xf32> -> vector<128x1000xf32>
    %slice3A_1979 = vector.extract_strided_slice %dot_general3A_1978 {offsets = [0, 0], sizes = [128, 200], strides = [1, 1]} : vector<128x1000xf32> to vector<128x200xf32>
    %slice3A_1980 = vector.extract_strided_slice %dot_general3A_1978 {offsets = [0, 0], sizes = [128, 200], strides = [1, 1]} : vector<128x1000xf32> to vector<128x200xf32>
    %mul3A_1981 = arith.mulf %slice3A_1980, %slice3A_1979 : vector<128x200xf32>
    %reduce_sum3A_1982 = arith.constant dense<0.000000e+00> : vector<200xf32>
    %reduce_sum3A_1983 = vector.multi_reduction <add>, %mul3A_1981, %reduce_sum3A_1982 [0] : vector<128x200xf32> to vector<200xf32>
    %broadcast_in_dim3A_1984 = vector.shape_cast %reduce_sum3A_1983 : vector<200xf32> to vector<1x200xf32>
    %slice3A_1985 = vector.extract_strided_slice %dot_general3A_1978 {offsets = [0, 200], sizes = [128, 200], strides = [1, 1]} : vector<128x1000xf32> to vector<128x200xf32>
    %mul3A_1986 = arith.mulf %slice3A_1985, %slice3A_1979 : vector<128x200xf32>
    %reduce_sum3A_1987 = arith.constant dense<0.000000e+00> : vector<200xf32>
    %reduce_sum3A_1988 = vector.multi_reduction <add>, %mul3A_1986, %reduce_sum3A_1987 [0] : vector<128x200xf32> to vector<200xf32>
    %broadcast_in_dim3A_1989 = vector.shape_cast %reduce_sum3A_1988 : vector<200xf32> to vector<1x200xf32>
    %slice3A_1990 = vector.extract_strided_slice %dot_general3A_1978 {offsets = [0, 400], sizes = [128, 200], strides = [1, 1]} : vector<128x1000xf32> to vector<128x200xf32>
    %mul3A_1991 = arith.mulf %slice3A_1990, %slice3A_1979 : vector<128x200xf32>
    %reduce_sum3A_1992 = arith.constant dense<0.000000e+00> : vector<200xf32>
    %reduce_sum3A_1993 = vector.multi_reduction <add>, %mul3A_1991, %reduce_sum3A_1992 [0] : vector<128x200xf32> to vector<200xf32>
    %broadcast_in_dim3A_1994 = vector.shape_cast %reduce_sum3A_1993 : vector<200xf32> to vector<1x200xf32>
    %slice3A_1995 = vector.extract_strided_slice %dot_general3A_1978 {offsets = [0, 600], sizes = [128, 200], strides = [1, 1]} : vector<128x1000xf32> to vector<128x200xf32>
    %mul3A_1996 = arith.mulf %slice3A_1995, %slice3A_1979 : vector<128x200xf32>
    %reduce_sum3A_1997 = arith.constant dense<0.000000e+00> : vector<200xf32>
    %reduce_sum3A_1998 = vector.multi_reduction <add>, %mul3A_1996, %reduce_sum3A_1997 [0] : vector<128x200xf32> to vector<200xf32>
    %broadcast_in_dim3A_1999 = vector.shape_cast %reduce_sum3A_1998 : vector<200xf32> to vector<1x200xf32>
    %slice3A_2000 = vector.extract_strided_slice %dot_general3A_1978 {offsets = [0, 800], sizes = [128, 200], strides = [1, 1]} : vector<128x1000xf32> to vector<128x200xf32>
    %mul3A_2001 = arith.mulf %slice3A_2000, %slice3A_1979 : vector<128x200xf32>
    %reduce_sum3A_2002 = arith.constant dense<0.000000e+00> : vector<200xf32>
    %reduce_sum3A_2003 = vector.multi_reduction <add>, %mul3A_2001, %reduce_sum3A_2002 [0] : vector<128x200xf32> to vector<200xf32>
    %broadcast_in_dim3A_2004 = vector.shape_cast %reduce_sum3A_2003 : vector<200xf32> to vector<1x200xf32>
    %concatenate3A_2005 = tpu.concatenate %broadcast_in_dim3A_1984, %broadcast_in_dim3A_1989, %broadcast_in_dim3A_1994, %broadcast_in_dim3A_1999, %broadcast_in_dim3A_2004 in 0 : vector<1x200xf32>, vector<1x200xf32>, vector<1x200xf32>, vector<1x200xf32>, vector<1x200xf32> -> vector<5x200xf32>
    %mul3A_2006 = arith.mulf %concatenate3A_2005, %concatenate3A_2005 : vector<5x200xf32>
    %dot_general3A_2007 = arith.constant dense<0.000000e+00> : vector<5x5xf32>
    %dot_general3A_2008 = tpu.matmul %mul3A_2006, %mul3A_2006, %dot_general3A_2007 {dimension_numbers = #tpu.dot_dimension_numbers<[1], [1], [0], [0], [0, 0, 1, 0], [], []>, transpose_lhs_hint = false} : vector<5x200xf32>, vector<5x200xf32>, vector<5x5xf32> -> vector<5x5xf32>
    %sqrt3A_2009 = math.sqrt %dot_general3A_2008 : vector<5x5xf32>
    %max3A_2010 = arith.constant 9.99999996E-13 : f32
    %max3A_2011 = vector.broadcast %max3A_2010 : f32 to vector<5x5xf32>
    %max3A_2012 = arith.maximumf %sqrt3A_2009, %max3A_2011 : vector<5x5xf32>
    %get3A_2013 = arith.constant 3 : index
    %get3A_2014 = arith.constant 0 : index
    %get3A_2015 = vector.load %arg3[%get3A_2013, %get3A_2014] : memref<5x5xf32, #tpu.memory_space<vmem>>, vector<1x5xf32>
    %div3A_2016 = vector.broadcast %get3A_2015 : vector<1x5xf32> to vector<5x5xf32>
    %div3A_2017 = arith.divf %div3A_2016, %max3A_2012 : vector<5x5xf32>
    %dot_general3A_2018 = arith.constant dense<0.000000e+00> : vector<5x200xf32>
    %dot_general3A_2019 = tpu.matmul %div3A_2017, %concatenate3A_2005, %dot_general3A_2018 {dimension_numbers = #tpu.dot_dimension_numbers<[1], [0], [0], [1], [0, 0, 1, 1], [], []>, transpose_lhs_hint = false} : vector<5x5xf32>, vector<5x200xf32>, vector<5x200xf32> -> vector<5x200xf32>
    %mul3A_2020 = arith.constant 0.999994993 : f32
    %mul3A_2021 = vector.broadcast %mul3A_2020 : f32 to vector<5x200xf32>
    %mul3A_2022 = arith.mulf %mul3A_2021, %concatenate3A_2005 : vector<5x200xf32>
    %mul3A_2023 = arith.mulf %mul3A_2022, %dot_general3A_2019 : vector<5x200xf32>
    %logistic3A_2024 = arith.negf %mul3A_2023 : vector<5x200xf32>
    %logistic3A_2025 = math.exp %logistic3A_2024 : vector<5x200xf32>
    %logistic3A_2026 = arith.constant 1.000000e+00 : f32
    %logistic3A_2027 = vector.broadcast %logistic3A_2026 : f32 to vector<5x200xf32>
    %logistic3A_2028 = arith.addf %logistic3A_2027, %logistic3A_2025 : vector<5x200xf32>
    %logistic3A_2029 = arith.divf %logistic3A_2027, %logistic3A_2028 : vector<5x200xf32>
    %get3A_2030 = arith.constant 0 : index
    %get3A_2031 = arith.constant 3 : index
    %get3A_2032 = vector.load %arg2[%get3A_2030, %get3A_2031] : memref<1x5xf32, #tpu.memory_space<vmem>>, vector<1x1xf32>
    %mul3A_2033 = arith.constant 0.999994993 : f32
    %mul3A_2034 = vector.broadcast %mul3A_2033 : f32 to vector<5x200xf32>
    %mul3A_2035 = arith.mulf %mul3A_2034, %neg3A_1971 : vector<5x200xf32>
    %mul3A_2036 = vector.broadcast %get3A_2032 : vector<1x1xf32> to vector<5x200xf32>
    %mul3A_2037 = arith.mulf %mul3A_2035, %mul3A_2036 : vector<5x200xf32>
    %logistic3A_2038 = arith.negf %mul3A_2037 : vector<5x200xf32>
    %logistic3A_2039 = math.exp %logistic3A_2038 : vector<5x200xf32>
    %logistic3A_2040 = arith.constant 1.000000e+00 : f32
    %logistic3A_2041 = vector.broadcast %logistic3A_2040 : f32 to vector<5x200xf32>
    %logistic3A_2042 = arith.addf %logistic3A_2041, %logistic3A_2039 : vector<5x200xf32>
    %logistic3A_2043 = arith.divf %logistic3A_2041, %logistic3A_2042 : vector<5x200xf32>
    %mul3A_2044 = arith.mulf %logistic3A_2043, %logistic3A_2029 : vector<5x200xf32>
    %slice3A_2045 = vector.extract_strided_slice %mul3A_2044 {offsets = [0, 0], sizes = [1, 200], strides = [1, 1]} : vector<5x200xf32> to vector<1x200xf32>
    %slice3A_2046 = vector.extract_strided_slice %mul3A_2044 {offsets = [1, 0], sizes = [1, 200], strides = [1, 1]} : vector<5x200xf32> to vector<1x200xf32>
    %slice3A_2047 = vector.extract_strided_slice %mul3A_2044 {offsets = [2, 0], sizes = [1, 200], strides = [1, 1]} : vector<5x200xf32> to vector<1x200xf32>
    %slice3A_2048 = vector.extract_strided_slice %mul3A_2044 {offsets = [3, 0], sizes = [1, 200], strides = [1, 1]} : vector<5x200xf32> to vector<1x200xf32>
    %slice3A_2049 = vector.extract_strided_slice %mul3A_2044 {offsets = [4, 0], sizes = [1, 200], strides = [1, 1]} : vector<5x200xf32> to vector<1x200xf32>
    %concatenate3A_2050 = tpu.concatenate %slice3A_2045, %slice3A_2046, %slice3A_2047, %slice3A_2048, %slice3A_2049 in 1 : vector<1x200xf32>, vector<1x200xf32>, vector<1x200xf32>, vector<1x200xf32>, vector<1x200xf32> -> vector<1x1000xf32>
    %concatenate3A_2051 = tpu.concatenate %mul3A_1592, %mul3A_1592, %mul3A_1592, %mul3A_1592, %mul3A_1592 in 1 : vector<128x200xf32>, vector<128x200xf32>, vector<128x200xf32>, vector<128x200xf32>, vector<128x200xf32> -> vector<128x1000xf32>
    %mul3A_2052 = vector.broadcast %concatenate3A_2050 : vector<1x1000xf32> to vector<128x1000xf32>
    %mul3A_2053 = arith.mulf %mul3A_2052, %dot_general3A_1978 : vector<128x1000xf32>
    %sub3A_2054 = arith.constant 1.000000e+00 : f32
    %sub3A_2055 = vector.broadcast %sub3A_2054 : f32 to vector<1x1000xf32>
    %sub3A_2056 = arith.subf %sub3A_2055, %concatenate3A_2050 : vector<1x1000xf32>
    %mul3A_2057 = vector.broadcast %sub3A_2056 : vector<1x1000xf32> to vector<128x1000xf32>
    %mul3A_2058 = arith.mulf %mul3A_2057, %concatenate3A_2051 : vector<128x1000xf32>
    %add3A_2059 = arith.addf %mul3A_2053, %mul3A_2058 : vector<128x1000xf32>
    %concatenate3A_2060 = tpu.concatenate %add3A_1711, %add3A_1827, %add3A_1943, %add3A_2059 in 1 : vector<128x1000xf32>, vector<128x1000xf32>, vector<128x1000xf32>, vector<128x1000xf32> -> vector<128x4000xf32>
    %dot_general3A_2061 = arith.constant dense<0.000000e+00> : vector<256x4000xf32>
    %dot_general3A_2062 = tpu.matmul %get3A_1595, %concatenate3A_2060, %dot_general3A_2061 {dimension_numbers = #tpu.dot_dimension_numbers<[1], [0], [0], [1], [0, 0, 1, 1], [], []>, transpose_lhs_hint = false} : vector<256x128xf32>, vector<128x4000xf32>, vector<256x4000xf32> -> vector<256x4000xf32>
    %mul3A_2063 = arith.constant 0.999994993 : f32
    %mul3A_2064 = vector.broadcast %mul3A_2063 : f32 to vector<256x4000xf32>
    %mul3A_2065 = arith.mulf %mul3A_2064, %dot_general3A_2062 : vector<256x4000xf32>
    %ge3A_2066 = arith.constant 0.000000e+00 : f32
    %ge3A_2067 = vector.broadcast %ge3A_2066 : f32 to vector<256x4000xf32>
    %ge3A_2068 = arith.cmpf oge, %mul3A_2065, %ge3A_2067 : vector<256x4000xf32>
    %mul3A_2069 = arith.constant 2.000000e-02 : f32
    %mul3A_2070 = vector.broadcast %mul3A_2069 : f32 to vector<256x4000xf32>
    %mul3A_2071 = arith.mulf %mul3A_2070, %mul3A_2065 : vector<256x4000xf32>
    %select_n3A_2072 = arith.select %ge3A_2068, %mul3A_2065, %mul3A_2071 : vector<256x4000xi1>, vector<256x4000xf32>
    %slice3A_2073 = vector.extract_strided_slice %select_n3A_2072 {offsets = [0, 0], sizes = [256, 200], strides = [1, 1]} : vector<256x4000xf32> to vector<256x200xf32>
    %slice3A_2074 = vector.extract_strided_slice %select_n3A_2072 {offsets = [0, 200], sizes = [256, 200], strides = [1, 1]} : vector<256x4000xf32> to vector<256x200xf32>
    %add3A_2075 = arith.addf %slice3A_2073, %slice3A_2074 : vector<256x200xf32>
    %slice3A_2076 = vector.extract_strided_slice %select_n3A_2072 {offsets = [0, 400], sizes = [256, 200], strides = [1, 1]} : vector<256x4000xf32> to vector<256x200xf32>
    %add3A_2077 = arith.addf %add3A_2075, %slice3A_2076 : vector<256x200xf32>
    %slice3A_2078 = vector.extract_strided_slice %select_n3A_2072 {offsets = [0, 600], sizes = [256, 200], strides = [1, 1]} : vector<256x4000xf32> to vector<256x200xf32>
    %add3A_2079 = arith.addf %add3A_2077, %slice3A_2078 : vector<256x200xf32>
    %slice3A_2080 = vector.extract_strided_slice %select_n3A_2072 {offsets = [0, 800], sizes = [256, 200], strides = [1, 1]} : vector<256x4000xf32> to vector<256x200xf32>
    %add3A_2081 = arith.addf %add3A_2079, %slice3A_2080 : vector<256x200xf32>
    %mul3A_2082 = arith.constant 2.000000e-01 : f32
    %mul3A_2083 = vector.broadcast %mul3A_2082 : f32 to vector<256x200xf32>
    %mul3A_2084 = arith.mulf %add3A_2081, %mul3A_2083 : vector<256x200xf32>
    %slice3A_2085 = vector.extract_strided_slice %select_n3A_2072 {offsets = [0, 1000], sizes = [256, 200], strides = [1, 1]} : vector<256x4000xf32> to vector<256x200xf32>
    %slice3A_2086 = vector.extract_strided_slice %select_n3A_2072 {offsets = [0, 1200], sizes = [256, 200], strides = [1, 1]} : vector<256x4000xf32> to vector<256x200xf32>
    %add3A_2087 = arith.addf %slice3A_2085, %slice3A_2086 : vector<256x200xf32>
    %slice3A_2088 = vector.extract_strided_slice %select_n3A_2072 {offsets = [0, 1400], sizes = [256, 200], strides = [1, 1]} : vector<256x4000xf32> to vector<256x200xf32>
    %add3A_2089 = arith.addf %add3A_2087, %slice3A_2088 : vector<256x200xf32>
    %slice3A_2090 = vector.extract_strided_slice %select_n3A_2072 {offsets = [0, 1600], sizes = [256, 200], strides = [1, 1]} : vector<256x4000xf32> to vector<256x200xf32>
    %add3A_2091 = arith.addf %add3A_2089, %slice3A_2090 : vector<256x200xf32>
    %slice3A_2092 = vector.extract_strided_slice %select_n3A_2072 {offsets = [0, 1800], sizes = [256, 200], strides = [1, 1]} : vector<256x4000xf32> to vector<256x200xf32>
    %add3A_2093 = arith.addf %add3A_2091, %slice3A_2092 : vector<256x200xf32>
    %mul3A_2094 = arith.constant 2.000000e-01 : f32
    %mul3A_2095 = vector.broadcast %mul3A_2094 : f32 to vector<256x200xf32>
    %mul3A_2096 = arith.mulf %add3A_2093, %mul3A_2095 : vector<256x200xf32>
    %slice3A_2097 = vector.extract_strided_slice %select_n3A_2072 {offsets = [0, 2000], sizes = [256, 200], strides = [1, 1]} : vector<256x4000xf32> to vector<256x200xf32>
    %slice3A_2098 = vector.extract_strided_slice %select_n3A_2072 {offsets = [0, 2200], sizes = [256, 200], strides = [1, 1]} : vector<256x4000xf32> to vector<256x200xf32>
    %add3A_2099 = arith.addf %slice3A_2097, %slice3A_2098 : vector<256x200xf32>
    %slice3A_2100 = vector.extract_strided_slice %select_n3A_2072 {offsets = [0, 2400], sizes = [256, 200], strides = [1, 1]} : vector<256x4000xf32> to vector<256x200xf32>
    %add3A_2101 = arith.addf %add3A_2099, %slice3A_2100 : vector<256x200xf32>
    %slice3A_2102 = vector.extract_strided_slice %select_n3A_2072 {offsets = [0, 2600], sizes = [256, 200], strides = [1, 1]} : vector<256x4000xf32> to vector<256x200xf32>
    %add3A_2103 = arith.addf %add3A_2101, %slice3A_2102 : vector<256x200xf32>
    %slice3A_2104 = vector.extract_strided_slice %select_n3A_2072 {offsets = [0, 2800], sizes = [256, 200], strides = [1, 1]} : vector<256x4000xf32> to vector<256x200xf32>
    %add3A_2105 = arith.addf %add3A_2103, %slice3A_2104 : vector<256x200xf32>
    %mul3A_2106 = arith.constant 2.000000e-01 : f32
    %mul3A_2107 = vector.broadcast %mul3A_2106 : f32 to vector<256x200xf32>
    %mul3A_2108 = arith.mulf %add3A_2105, %mul3A_2107 : vector<256x200xf32>
    %slice3A_2109 = vector.extract_strided_slice %select_n3A_2072 {offsets = [0, 3000], sizes = [256, 200], strides = [1, 1]} : vector<256x4000xf32> to vector<256x200xf32>
    %slice3A_2110 = vector.extract_strided_slice %select_n3A_2072 {offsets = [0, 3200], sizes = [256, 200], strides = [1, 1]} : vector<256x4000xf32> to vector<256x200xf32>
    %add3A_2111 = arith.addf %slice3A_2109, %slice3A_2110 : vector<256x200xf32>
    %slice3A_2112 = vector.extract_strided_slice %select_n3A_2072 {offsets = [0, 3400], sizes = [256, 200], strides = [1, 1]} : vector<256x4000xf32> to vector<256x200xf32>
    %add3A_2113 = arith.addf %add3A_2111, %slice3A_2112 : vector<256x200xf32>
    %slice3A_2114 = vector.extract_strided_slice %select_n3A_2072 {offsets = [0, 3600], sizes = [256, 200], strides = [1, 1]} : vector<256x4000xf32> to vector<256x200xf32>
    %add3A_2115 = arith.addf %add3A_2113, %slice3A_2114 : vector<256x200xf32>
    %slice3A_2116 = vector.extract_strided_slice %select_n3A_2072 {offsets = [0, 3800], sizes = [256, 200], strides = [1, 1]} : vector<256x4000xf32> to vector<256x200xf32>
    %add3A_2117 = arith.addf %add3A_2115, %slice3A_2116 : vector<256x200xf32>
    %mul3A_2118 = arith.constant 2.000000e-01 : f32
    %mul3A_2119 = vector.broadcast %mul3A_2118 : f32 to vector<256x200xf32>
    %mul3A_2120 = arith.mulf %add3A_2117, %mul3A_2119 : vector<256x200xf32>
    %get3A_2121 = arith.constant 0 : index
    %get3A_2122 = arith.constant 0 : index
    %get3A_2123 = vector.load %arg8[%get3A_2121, %get3A_2122] : memref<512x256xf32, #tpu.memory_space<vmem>>, vector<512x256xf32>
    %dot_general3A_2124 = arith.constant dense<0.000000e+00> : vector<200x200xf32>
    %dot_general3A_2125 = tpu.matmul %mul3A_2084, %mul3A_2084, %dot_general3A_2124 {dimension_numbers = #tpu.dot_dimension_numbers<[0], [0], [1], [1], [0, 1, 1, 1], [], []>, transpose_lhs_hint = false} : vector<256x200xf32>, vector<256x200xf32>, vector<200x200xf32> -> vector<200x200xf32>
    %mul3A_2126 = arith.mulf %mul3A_2084, %mul3A_2084 : vector<256x200xf32>
    %reduce_sum3A_2127 = arith.constant dense<0.000000e+00> : vector<200xf32>
    %reduce_sum3A_2128 = vector.multi_reduction <add>, %mul3A_2126, %reduce_sum3A_2127 [0] : vector<256x200xf32> to vector<200xf32>
    %broadcast_in_dim3A_2129 = vector.shape_cast %reduce_sum3A_2128 : vector<200xf32> to vector<1x200xf32>
    %mul3A_2130 = arith.constant 2.000000e+00 : f32
    %mul3A_2131 = vector.broadcast %mul3A_2130 : f32 to vector<200x200xf32>
    %mul3A_2132 = arith.mulf %mul3A_2131, %dot_general3A_2125 : vector<200x200xf32>
    %transpose3A_2133 = tpu.transpose %broadcast_in_dim3A_2129, [1, 0] : vector<1x200xf32> -> vector<200x1xf32>
    %add3A_2134 = vector.broadcast %broadcast_in_dim3A_2129 : vector<1x200xf32> to vector<200x200xf32>
    %add3A_2135 = vector.broadcast %transpose3A_2133 : vector<200x1xf32> to vector<200x200xf32>
    %add3A_2136 = arith.addf %add3A_2134, %add3A_2135 : vector<200x200xf32>
    %sub3A_2137 = arith.subf %mul3A_2132, %add3A_2136 : vector<200x200xf32>
    %broadcast_in_dim3A_2138 = arith.constant 0 : i32
    %broadcast_in_dim3A_2139 = vector.broadcast %broadcast_in_dim3A_2138 : i32 to vector<1x200xi32>
    %broadcast_in_dim3A_2140 = arith.constant 1 : i32
    %broadcast_in_dim3A_2141 = vector.broadcast %broadcast_in_dim3A_2140 : i32 to vector<1x200xi32>
    %broadcast_in_dim3A_2142 = arith.constant 2 : i32
    %broadcast_in_dim3A_2143 = vector.broadcast %broadcast_in_dim3A_2142 : i32 to vector<1x200xi32>
    %broadcast_in_dim3A_2144 = arith.constant 3 : i32
    %broadcast_in_dim3A_2145 = vector.broadcast %broadcast_in_dim3A_2144 : i32 to vector<1x200xi32>
    %broadcast_in_dim3A_2146 = arith.constant 4 : i32
    %broadcast_in_dim3A_2147 = vector.broadcast %broadcast_in_dim3A_2146 : i32 to vector<1x200xi32>
    %slice3A_2148 = vector.extract_strided_slice %sub3A_2137 {offsets = [0, 0], sizes = [5, 200], strides = [1, 1]} : vector<200x200xf32> to vector<5x200xf32>
    %neg3A_2149 = arith.constant 0.000000e+00 : f32
    %neg3A_2150 = vector.broadcast %neg3A_2149 : f32 to vector<5x200xf32>
    %neg3A_2151 = arith.subf %neg3A_2150, %slice3A_2148 : vector<5x200xf32>
    %concatenate3A_2152 = tpu.concatenate %broadcast_in_dim3A_2139, %broadcast_in_dim3A_2141, %broadcast_in_dim3A_2143, %broadcast_in_dim3A_2145, %broadcast_in_dim3A_2147 in 1 : vector<1x200xi32>, vector<1x200xi32>, vector<1x200xi32>, vector<1x200xi32>, vector<1x200xi32> -> vector<1x1000xi32>
    %eq3A_2153 = vector.broadcast %concatenate3A_2152 : vector<1x1000xi32> to vector<200x1000xi32>
    %eq3A_2154 = arith.cmpi eq, %iota3A, %eq3A_2153 : vector<200x1000xi32>
    %convert_element_type3A_2155 = arith.extui %eq3A_2154 : vector<200x1000xi1> to vector<200x1000xi32>
    %convert_element_type3A_2156 = arith.sitofp %convert_element_type3A_2155 : vector<200x1000xi32> to vector<200x1000xf32>
    %dot_general3A_2157 = arith.constant dense<0.000000e+00> : vector<256x1000xf32>
    %dot_general3A_2158 = tpu.matmul %mul3A_2084, %convert_element_type3A_2156, %dot_general3A_2157 {dimension_numbers = #tpu.dot_dimension_numbers<[1], [0], [0], [1], [0, 0, 1, 1], [], []>, transpose_lhs_hint = false} : vector<256x200xf32>, vector<200x1000xf32>, vector<256x1000xf32> -> vector<256x1000xf32>
    %slice3A_2159 = vector.extract_strided_slice %dot_general3A_2158 {offsets = [0, 0], sizes = [256, 200], strides = [1, 1]} : vector<256x1000xf32> to vector<256x200xf32>
    %slice3A_2160 = vector.extract_strided_slice %dot_general3A_2158 {offsets = [0, 0], sizes = [256, 200], strides = [1, 1]} : vector<256x1000xf32> to vector<256x200xf32>
    %mul3A_2161 = arith.mulf %slice3A_2160, %slice3A_2159 : vector<256x200xf32>
    %reduce_sum3A_2162 = arith.constant dense<0.000000e+00> : vector<200xf32>
    %reduce_sum3A_2163 = vector.multi_reduction <add>, %mul3A_2161, %reduce_sum3A_2162 [0] : vector<256x200xf32> to vector<200xf32>
    %broadcast_in_dim3A_2164 = vector.shape_cast %reduce_sum3A_2163 : vector<200xf32> to vector<1x200xf32>
    %slice3A_2165 = vector.extract_strided_slice %dot_general3A_2158 {offsets = [0, 200], sizes = [256, 200], strides = [1, 1]} : vector<256x1000xf32> to vector<256x200xf32>
    %mul3A_2166 = arith.mulf %slice3A_2165, %slice3A_2159 : vector<256x200xf32>
    %reduce_sum3A_2167 = arith.constant dense<0.000000e+00> : vector<200xf32>
    %reduce_sum3A_2168 = vector.multi_reduction <add>, %mul3A_2166, %reduce_sum3A_2167 [0] : vector<256x200xf32> to vector<200xf32>
    %broadcast_in_dim3A_2169 = vector.shape_cast %reduce_sum3A_2168 : vector<200xf32> to vector<1x200xf32>
    %slice3A_2170 = vector.extract_strided_slice %dot_general3A_2158 {offsets = [0, 400], sizes = [256, 200], strides = [1, 1]} : vector<256x1000xf32> to vector<256x200xf32>
    %mul3A_2171 = arith.mulf %slice3A_2170, %slice3A_2159 : vector<256x200xf32>
    %reduce_sum3A_2172 = arith.constant dense<0.000000e+00> : vector<200xf32>
    %reduce_sum3A_2173 = vector.multi_reduction <add>, %mul3A_2171, %reduce_sum3A_2172 [0] : vector<256x200xf32> to vector<200xf32>
    %broadcast_in_dim3A_2174 = vector.shape_cast %reduce_sum3A_2173 : vector<200xf32> to vector<1x200xf32>
    %slice3A_2175 = vector.extract_strided_slice %dot_general3A_2158 {offsets = [0, 600], sizes = [256, 200], strides = [1, 1]} : vector<256x1000xf32> to vector<256x200xf32>
    %mul3A_2176 = arith.mulf %slice3A_2175, %slice3A_2159 : vector<256x200xf32>
    %reduce_sum3A_2177 = arith.constant dense<0.000000e+00> : vector<200xf32>
    %reduce_sum3A_2178 = vector.multi_reduction <add>, %mul3A_2176, %reduce_sum3A_2177 [0] : vector<256x200xf32> to vector<200xf32>
    %broadcast_in_dim3A_2179 = vector.shape_cast %reduce_sum3A_2178 : vector<200xf32> to vector<1x200xf32>
    %slice3A_2180 = vector.extract_strided_slice %dot_general3A_2158 {offsets = [0, 800], sizes = [256, 200], strides = [1, 1]} : vector<256x1000xf32> to vector<256x200xf32>
    %mul3A_2181 = arith.mulf %slice3A_2180, %slice3A_2159 : vector<256x200xf32>
    %reduce_sum3A_2182 = arith.constant dense<0.000000e+00> : vector<200xf32>
    %reduce_sum3A_2183 = vector.multi_reduction <add>, %mul3A_2181, %reduce_sum3A_2182 [0] : vector<256x200xf32> to vector<200xf32>
    %broadcast_in_dim3A_2184 = vector.shape_cast %reduce_sum3A_2183 : vector<200xf32> to vector<1x200xf32>
    %concatenate3A_2185 = tpu.concatenate %broadcast_in_dim3A_2164, %broadcast_in_dim3A_2169, %broadcast_in_dim3A_2174, %broadcast_in_dim3A_2179, %broadcast_in_dim3A_2184 in 0 : vector<1x200xf32>, vector<1x200xf32>, vector<1x200xf32>, vector<1x200xf32>, vector<1x200xf32> -> vector<5x200xf32>
    %mul3A_2186 = arith.mulf %concatenate3A_2185, %concatenate3A_2185 : vector<5x200xf32>
    %dot_general3A_2187 = arith.constant dense<0.000000e+00> : vector<5x5xf32>
    %dot_general3A_2188 = tpu.matmul %mul3A_2186, %mul3A_2186, %dot_general3A_2187 {dimension_numbers = #tpu.dot_dimension_numbers<[1], [1], [0], [0], [0, 0, 1, 0], [], []>, transpose_lhs_hint = false} : vector<5x200xf32>, vector<5x200xf32>, vector<5x5xf32> -> vector<5x5xf32>
    %sqrt3A_2189 = math.sqrt %dot_general3A_2188 : vector<5x5xf32>
    %max3A_2190 = arith.constant 9.99999996E-13 : f32
    %max3A_2191 = vector.broadcast %max3A_2190 : f32 to vector<5x5xf32>
    %max3A_2192 = arith.maximumf %sqrt3A_2189, %max3A_2191 : vector<5x5xf32>
    %get3A_2193 = arith.constant 4 : index
    %get3A_2194 = arith.constant 0 : index
    %get3A_2195 = vector.load %arg3[%get3A_2193, %get3A_2194] : memref<5x5xf32, #tpu.memory_space<vmem>>, vector<1x5xf32>
    %div3A_2196 = vector.broadcast %get3A_2195 : vector<1x5xf32> to vector<5x5xf32>
    %div3A_2197 = arith.divf %div3A_2196, %max3A_2192 : vector<5x5xf32>
    %dot_general3A_2198 = arith.constant dense<0.000000e+00> : vector<5x200xf32>
    %dot_general3A_2199 = tpu.matmul %div3A_2197, %concatenate3A_2185, %dot_general3A_2198 {dimension_numbers = #tpu.dot_dimension_numbers<[1], [0], [0], [1], [0, 0, 1, 1], [], []>, transpose_lhs_hint = false} : vector<5x5xf32>, vector<5x200xf32>, vector<5x200xf32> -> vector<5x200xf32>
    %mul3A_2200 = arith.constant 0.999994993 : f32
    %mul3A_2201 = vector.broadcast %mul3A_2200 : f32 to vector<5x200xf32>
    %mul3A_2202 = arith.mulf %mul3A_2201, %concatenate3A_2185 : vector<5x200xf32>
    %mul3A_2203 = arith.mulf %mul3A_2202, %dot_general3A_2199 : vector<5x200xf32>
    %logistic3A_2204 = arith.negf %mul3A_2203 : vector<5x200xf32>
    %logistic3A_2205 = math.exp %logistic3A_2204 : vector<5x200xf32>
    %logistic3A_2206 = arith.constant 1.000000e+00 : f32
    %logistic3A_2207 = vector.broadcast %logistic3A_2206 : f32 to vector<5x200xf32>
    %logistic3A_2208 = arith.addf %logistic3A_2207, %logistic3A_2205 : vector<5x200xf32>
    %logistic3A_2209 = arith.divf %logistic3A_2207, %logistic3A_2208 : vector<5x200xf32>
    %get3A_2210 = arith.constant 0 : index
    %get3A_2211 = arith.constant 4 : index
    %get3A_2212 = vector.load %arg2[%get3A_2210, %get3A_2211] : memref<1x5xf32, #tpu.memory_space<vmem>>, vector<1x1xf32>
    %mul3A_2213 = arith.constant 0.999994993 : f32
    %mul3A_2214 = vector.broadcast %mul3A_2213 : f32 to vector<5x200xf32>
    %mul3A_2215 = arith.mulf %mul3A_2214, %neg3A_2151 : vector<5x200xf32>
    %mul3A_2216 = vector.broadcast %get3A_2212 : vector<1x1xf32> to vector<5x200xf32>
    %mul3A_2217 = arith.mulf %mul3A_2215, %mul3A_2216 : vector<5x200xf32>
    %logistic3A_2218 = arith.negf %mul3A_2217 : vector<5x200xf32>
    %logistic3A_2219 = math.exp %logistic3A_2218 : vector<5x200xf32>
    %logistic3A_2220 = arith.constant 1.000000e+00 : f32
    %logistic3A_2221 = vector.broadcast %logistic3A_2220 : f32 to vector<5x200xf32>
    %logistic3A_2222 = arith.addf %logistic3A_2221, %logistic3A_2219 : vector<5x200xf32>
    %logistic3A_2223 = arith.divf %logistic3A_2221, %logistic3A_2222 : vector<5x200xf32>
    %mul3A_2224 = arith.mulf %logistic3A_2223, %logistic3A_2209 : vector<5x200xf32>
    %slice3A_2225 = vector.extract_strided_slice %mul3A_2224 {offsets = [0, 0], sizes = [1, 200], strides = [1, 1]} : vector<5x200xf32> to vector<1x200xf32>
    %slice3A_2226 = vector.extract_strided_slice %mul3A_2224 {offsets = [1, 0], sizes = [1, 200], strides = [1, 1]} : vector<5x200xf32> to vector<1x200xf32>
    %slice3A_2227 = vector.extract_strided_slice %mul3A_2224 {offsets = [2, 0], sizes = [1, 200], strides = [1, 1]} : vector<5x200xf32> to vector<1x200xf32>
    %slice3A_2228 = vector.extract_strided_slice %mul3A_2224 {offsets = [3, 0], sizes = [1, 200], strides = [1, 1]} : vector<5x200xf32> to vector<1x200xf32>
    %slice3A_2229 = vector.extract_strided_slice %mul3A_2224 {offsets = [4, 0], sizes = [1, 200], strides = [1, 1]} : vector<5x200xf32> to vector<1x200xf32>
    %concatenate3A_2230 = tpu.concatenate %slice3A_2225, %slice3A_2226, %slice3A_2227, %slice3A_2228, %slice3A_2229 in 1 : vector<1x200xf32>, vector<1x200xf32>, vector<1x200xf32>, vector<1x200xf32>, vector<1x200xf32> -> vector<1x1000xf32>
    %concatenate3A_2231 = tpu.concatenate %mul3A_2084, %mul3A_2084, %mul3A_2084, %mul3A_2084, %mul3A_2084 in 1 : vector<256x200xf32>, vector<256x200xf32>, vector<256x200xf32>, vector<256x200xf32>, vector<256x200xf32> -> vector<256x1000xf32>
    %mul3A_2232 = vector.broadcast %concatenate3A_2230 : vector<1x1000xf32> to vector<256x1000xf32>
    %mul3A_2233 = arith.mulf %mul3A_2232, %dot_general3A_2158 : vector<256x1000xf32>
    %sub3A_2234 = arith.constant 1.000000e+00 : f32
    %sub3A_2235 = vector.broadcast %sub3A_2234 : f32 to vector<1x1000xf32>
    %sub3A_2236 = arith.subf %sub3A_2235, %concatenate3A_2230 : vector<1x1000xf32>
    %mul3A_2237 = vector.broadcast %sub3A_2236 : vector<1x1000xf32> to vector<256x1000xf32>
    %mul3A_2238 = arith.mulf %mul3A_2237, %concatenate3A_2231 : vector<256x1000xf32>
    %add3A_2239 = arith.addf %mul3A_2233, %mul3A_2238 : vector<256x1000xf32>
    %dot_general3A_2240 = arith.constant dense<0.000000e+00> : vector<200x200xf32>
    %dot_general3A_2241 = tpu.matmul %mul3A_2096, %mul3A_2096, %dot_general3A_2240 {dimension_numbers = #tpu.dot_dimension_numbers<[0], [0], [1], [1], [0, 1, 1, 1], [], []>, transpose_lhs_hint = false} : vector<256x200xf32>, vector<256x200xf32>, vector<200x200xf32> -> vector<200x200xf32>
    %mul3A_2242 = arith.mulf %mul3A_2096, %mul3A_2096 : vector<256x200xf32>
    %reduce_sum3A_2243 = arith.constant dense<0.000000e+00> : vector<200xf32>
    %reduce_sum3A_2244 = vector.multi_reduction <add>, %mul3A_2242, %reduce_sum3A_2243 [0] : vector<256x200xf32> to vector<200xf32>
    %broadcast_in_dim3A_2245 = vector.shape_cast %reduce_sum3A_2244 : vector<200xf32> to vector<1x200xf32>
    %mul3A_2246 = arith.constant 2.000000e+00 : f32
    %mul3A_2247 = vector.broadcast %mul3A_2246 : f32 to vector<200x200xf32>
    %mul3A_2248 = arith.mulf %mul3A_2247, %dot_general3A_2241 : vector<200x200xf32>
    %transpose3A_2249 = tpu.transpose %broadcast_in_dim3A_2245, [1, 0] : vector<1x200xf32> -> vector<200x1xf32>
    %add3A_2250 = vector.broadcast %broadcast_in_dim3A_2245 : vector<1x200xf32> to vector<200x200xf32>
    %add3A_2251 = vector.broadcast %transpose3A_2249 : vector<200x1xf32> to vector<200x200xf32>
    %add3A_2252 = arith.addf %add3A_2250, %add3A_2251 : vector<200x200xf32>
    %sub3A_2253 = arith.subf %mul3A_2248, %add3A_2252 : vector<200x200xf32>
    %broadcast_in_dim3A_2254 = arith.constant 0 : i32
    %broadcast_in_dim3A_2255 = vector.broadcast %broadcast_in_dim3A_2254 : i32 to vector<1x200xi32>
    %broadcast_in_dim3A_2256 = arith.constant 1 : i32
    %broadcast_in_dim3A_2257 = vector.broadcast %broadcast_in_dim3A_2256 : i32 to vector<1x200xi32>
    %broadcast_in_dim3A_2258 = arith.constant 2 : i32
    %broadcast_in_dim3A_2259 = vector.broadcast %broadcast_in_dim3A_2258 : i32 to vector<1x200xi32>
    %broadcast_in_dim3A_2260 = arith.constant 3 : i32
    %broadcast_in_dim3A_2261 = vector.broadcast %broadcast_in_dim3A_2260 : i32 to vector<1x200xi32>
    %broadcast_in_dim3A_2262 = arith.constant 4 : i32
    %broadcast_in_dim3A_2263 = vector.broadcast %broadcast_in_dim3A_2262 : i32 to vector<1x200xi32>
    %slice3A_2264 = vector.extract_strided_slice %sub3A_2253 {offsets = [0, 0], sizes = [5, 200], strides = [1, 1]} : vector<200x200xf32> to vector<5x200xf32>
    %neg3A_2265 = arith.constant 0.000000e+00 : f32
    %neg3A_2266 = vector.broadcast %neg3A_2265 : f32 to vector<5x200xf32>
    %neg3A_2267 = arith.subf %neg3A_2266, %slice3A_2264 : vector<5x200xf32>
    %concatenate3A_2268 = tpu.concatenate %broadcast_in_dim3A_2255, %broadcast_in_dim3A_2257, %broadcast_in_dim3A_2259, %broadcast_in_dim3A_2261, %broadcast_in_dim3A_2263 in 1 : vector<1x200xi32>, vector<1x200xi32>, vector<1x200xi32>, vector<1x200xi32>, vector<1x200xi32> -> vector<1x1000xi32>
    %eq3A_2269 = vector.broadcast %concatenate3A_2268 : vector<1x1000xi32> to vector<200x1000xi32>
    %eq3A_2270 = arith.cmpi eq, %iota3A, %eq3A_2269 : vector<200x1000xi32>
    %convert_element_type3A_2271 = arith.extui %eq3A_2270 : vector<200x1000xi1> to vector<200x1000xi32>
    %convert_element_type3A_2272 = arith.sitofp %convert_element_type3A_2271 : vector<200x1000xi32> to vector<200x1000xf32>
    %dot_general3A_2273 = arith.constant dense<0.000000e+00> : vector<256x1000xf32>
    %dot_general3A_2274 = tpu.matmul %mul3A_2096, %convert_element_type3A_2272, %dot_general3A_2273 {dimension_numbers = #tpu.dot_dimension_numbers<[1], [0], [0], [1], [0, 0, 1, 1], [], []>, transpose_lhs_hint = false} : vector<256x200xf32>, vector<200x1000xf32>, vector<256x1000xf32> -> vector<256x1000xf32>
    %slice3A_2275 = vector.extract_strided_slice %dot_general3A_2274 {offsets = [0, 0], sizes = [256, 200], strides = [1, 1]} : vector<256x1000xf32> to vector<256x200xf32>
    %slice3A_2276 = vector.extract_strided_slice %dot_general3A_2274 {offsets = [0, 0], sizes = [256, 200], strides = [1, 1]} : vector<256x1000xf32> to vector<256x200xf32>
    %mul3A_2277 = arith.mulf %slice3A_2276, %slice3A_2275 : vector<256x200xf32>
    %reduce_sum3A_2278 = arith.constant dense<0.000000e+00> : vector<200xf32>
    %reduce_sum3A_2279 = vector.multi_reduction <add>, %mul3A_2277, %reduce_sum3A_2278 [0] : vector<256x200xf32> to vector<200xf32>
    %broadcast_in_dim3A_2280 = vector.shape_cast %reduce_sum3A_2279 : vector<200xf32> to vector<1x200xf32>
    %slice3A_2281 = vector.extract_strided_slice %dot_general3A_2274 {offsets = [0, 200], sizes = [256, 200], strides = [1, 1]} : vector<256x1000xf32> to vector<256x200xf32>
    %mul3A_2282 = arith.mulf %slice3A_2281, %slice3A_2275 : vector<256x200xf32>
    %reduce_sum3A_2283 = arith.constant dense<0.000000e+00> : vector<200xf32>
    %reduce_sum3A_2284 = vector.multi_reduction <add>, %mul3A_2282, %reduce_sum3A_2283 [0] : vector<256x200xf32> to vector<200xf32>
    %broadcast_in_dim3A_2285 = vector.shape_cast %reduce_sum3A_2284 : vector<200xf32> to vector<1x200xf32>
    %slice3A_2286 = vector.extract_strided_slice %dot_general3A_2274 {offsets = [0, 400], sizes = [256, 200], strides = [1, 1]} : vector<256x1000xf32> to vector<256x200xf32>
    %mul3A_2287 = arith.mulf %slice3A_2286, %slice3A_2275 : vector<256x200xf32>
    %reduce_sum3A_2288 = arith.constant dense<0.000000e+00> : vector<200xf32>
    %reduce_sum3A_2289 = vector.multi_reduction <add>, %mul3A_2287, %reduce_sum3A_2288 [0] : vector<256x200xf32> to vector<200xf32>
    %broadcast_in_dim3A_2290 = vector.shape_cast %reduce_sum3A_2289 : vector<200xf32> to vector<1x200xf32>
    %slice3A_2291 = vector.extract_strided_slice %dot_general3A_2274 {offsets = [0, 600], sizes = [256, 200], strides = [1, 1]} : vector<256x1000xf32> to vector<256x200xf32>
    %mul3A_2292 = arith.mulf %slice3A_2291, %slice3A_2275 : vector<256x200xf32>
    %reduce_sum3A_2293 = arith.constant dense<0.000000e+00> : vector<200xf32>
    %reduce_sum3A_2294 = vector.multi_reduction <add>, %mul3A_2292, %reduce_sum3A_2293 [0] : vector<256x200xf32> to vector<200xf32>
    %broadcast_in_dim3A_2295 = vector.shape_cast %reduce_sum3A_2294 : vector<200xf32> to vector<1x200xf32>
    %slice3A_2296 = vector.extract_strided_slice %dot_general3A_2274 {offsets = [0, 800], sizes = [256, 200], strides = [1, 1]} : vector<256x1000xf32> to vector<256x200xf32>
    %mul3A_2297 = arith.mulf %slice3A_2296, %slice3A_2275 : vector<256x200xf32>
    %reduce_sum3A_2298 = arith.constant dense<0.000000e+00> : vector<200xf32>
    %reduce_sum3A_2299 = vector.multi_reduction <add>, %mul3A_2297, %reduce_sum3A_2298 [0] : vector<256x200xf32> to vector<200xf32>
    %broadcast_in_dim3A_2300 = vector.shape_cast %reduce_sum3A_2299 : vector<200xf32> to vector<1x200xf32>
    %concatenate3A_2301 = tpu.concatenate %broadcast_in_dim3A_2280, %broadcast_in_dim3A_2285, %broadcast_in_dim3A_2290, %broadcast_in_dim3A_2295, %broadcast_in_dim3A_2300 in 0 : vector<1x200xf32>, vector<1x200xf32>, vector<1x200xf32>, vector<1x200xf32>, vector<1x200xf32> -> vector<5x200xf32>
    %mul3A_2302 = arith.mulf %concatenate3A_2301, %concatenate3A_2301 : vector<5x200xf32>
    %dot_general3A_2303 = arith.constant dense<0.000000e+00> : vector<5x5xf32>
    %dot_general3A_2304 = tpu.matmul %mul3A_2302, %mul3A_2302, %dot_general3A_2303 {dimension_numbers = #tpu.dot_dimension_numbers<[1], [1], [0], [0], [0, 0, 1, 0], [], []>, transpose_lhs_hint = false} : vector<5x200xf32>, vector<5x200xf32>, vector<5x5xf32> -> vector<5x5xf32>
    %sqrt3A_2305 = math.sqrt %dot_general3A_2304 : vector<5x5xf32>
    %max3A_2306 = arith.constant 9.99999996E-13 : f32
    %max3A_2307 = vector.broadcast %max3A_2306 : f32 to vector<5x5xf32>
    %max3A_2308 = arith.maximumf %sqrt3A_2305, %max3A_2307 : vector<5x5xf32>
    %get3A_2309 = arith.constant 4 : index
    %get3A_2310 = arith.constant 0 : index
    %get3A_2311 = vector.load %arg3[%get3A_2309, %get3A_2310] : memref<5x5xf32, #tpu.memory_space<vmem>>, vector<1x5xf32>
    %div3A_2312 = vector.broadcast %get3A_2311 : vector<1x5xf32> to vector<5x5xf32>
    %div3A_2313 = arith.divf %div3A_2312, %max3A_2308 : vector<5x5xf32>
    %dot_general3A_2314 = arith.constant dense<0.000000e+00> : vector<5x200xf32>
    %dot_general3A_2315 = tpu.matmul %div3A_2313, %concatenate3A_2301, %dot_general3A_2314 {dimension_numbers = #tpu.dot_dimension_numbers<[1], [0], [0], [1], [0, 0, 1, 1], [], []>, transpose_lhs_hint = false} : vector<5x5xf32>, vector<5x200xf32>, vector<5x200xf32> -> vector<5x200xf32>
    %mul3A_2316 = arith.constant 0.999994993 : f32
    %mul3A_2317 = vector.broadcast %mul3A_2316 : f32 to vector<5x200xf32>
    %mul3A_2318 = arith.mulf %mul3A_2317, %concatenate3A_2301 : vector<5x200xf32>
    %mul3A_2319 = arith.mulf %mul3A_2318, %dot_general3A_2315 : vector<5x200xf32>
    %logistic3A_2320 = arith.negf %mul3A_2319 : vector<5x200xf32>
    %logistic3A_2321 = math.exp %logistic3A_2320 : vector<5x200xf32>
    %logistic3A_2322 = arith.constant 1.000000e+00 : f32
    %logistic3A_2323 = vector.broadcast %logistic3A_2322 : f32 to vector<5x200xf32>
    %logistic3A_2324 = arith.addf %logistic3A_2323, %logistic3A_2321 : vector<5x200xf32>
    %logistic3A_2325 = arith.divf %logistic3A_2323, %logistic3A_2324 : vector<5x200xf32>
    %get3A_2326 = arith.constant 0 : index
    %get3A_2327 = arith.constant 4 : index
    %get3A_2328 = vector.load %arg2[%get3A_2326, %get3A_2327] : memref<1x5xf32, #tpu.memory_space<vmem>>, vector<1x1xf32>
    %mul3A_2329 = arith.constant 0.999994993 : f32
    %mul3A_2330 = vector.broadcast %mul3A_2329 : f32 to vector<5x200xf32>
    %mul3A_2331 = arith.mulf %mul3A_2330, %neg3A_2267 : vector<5x200xf32>
    %mul3A_2332 = vector.broadcast %get3A_2328 : vector<1x1xf32> to vector<5x200xf32>
    %mul3A_2333 = arith.mulf %mul3A_2331, %mul3A_2332 : vector<5x200xf32>
    %logistic3A_2334 = arith.negf %mul3A_2333 : vector<5x200xf32>
    %logistic3A_2335 = math.exp %logistic3A_2334 : vector<5x200xf32>
    %logistic3A_2336 = arith.constant 1.000000e+00 : f32
    %logistic3A_2337 = vector.broadcast %logistic3A_2336 : f32 to vector<5x200xf32>
    %logistic3A_2338 = arith.addf %logistic3A_2337, %logistic3A_2335 : vector<5x200xf32>
    %logistic3A_2339 = arith.divf %logistic3A_2337, %logistic3A_2338 : vector<5x200xf32>
    %mul3A_2340 = arith.mulf %logistic3A_2339, %logistic3A_2325 : vector<5x200xf32>
    %slice3A_2341 = vector.extract_strided_slice %mul3A_2340 {offsets = [0, 0], sizes = [1, 200], strides = [1, 1]} : vector<5x200xf32> to vector<1x200xf32>
    %slice3A_2342 = vector.extract_strided_slice %mul3A_2340 {offsets = [1, 0], sizes = [1, 200], strides = [1, 1]} : vector<5x200xf32> to vector<1x200xf32>
    %slice3A_2343 = vector.extract_strided_slice %mul3A_2340 {offsets = [2, 0], sizes = [1, 200], strides = [1, 1]} : vector<5x200xf32> to vector<1x200xf32>
    %slice3A_2344 = vector.extract_strided_slice %mul3A_2340 {offsets = [3, 0], sizes = [1, 200], strides = [1, 1]} : vector<5x200xf32> to vector<1x200xf32>
    %slice3A_2345 = vector.extract_strided_slice %mul3A_2340 {offsets = [4, 0], sizes = [1, 200], strides = [1, 1]} : vector<5x200xf32> to vector<1x200xf32>
    %concatenate3A_2346 = tpu.concatenate %slice3A_2341, %slice3A_2342, %slice3A_2343, %slice3A_2344, %slice3A_2345 in 1 : vector<1x200xf32>, vector<1x200xf32>, vector<1x200xf32>, vector<1x200xf32>, vector<1x200xf32> -> vector<1x1000xf32>
    %concatenate3A_2347 = tpu.concatenate %mul3A_2096, %mul3A_2096, %mul3A_2096, %mul3A_2096, %mul3A_2096 in 1 : vector<256x200xf32>, vector<256x200xf32>, vector<256x200xf32>, vector<256x200xf32>, vector<256x200xf32> -> vector<256x1000xf32>
    %mul3A_2348 = vector.broadcast %concatenate3A_2346 : vector<1x1000xf32> to vector<256x1000xf32>
    %mul3A_2349 = arith.mulf %mul3A_2348, %dot_general3A_2274 : vector<256x1000xf32>
    %sub3A_2350 = arith.constant 1.000000e+00 : f32
    %sub3A_2351 = vector.broadcast %sub3A_2350 : f32 to vector<1x1000xf32>
    %sub3A_2352 = arith.subf %sub3A_2351, %concatenate3A_2346 : vector<1x1000xf32>
    %mul3A_2353 = vector.broadcast %sub3A_2352 : vector<1x1000xf32> to vector<256x1000xf32>
    %mul3A_2354 = arith.mulf %mul3A_2353, %concatenate3A_2347 : vector<256x1000xf32>
    %add3A_2355 = arith.addf %mul3A_2349, %mul3A_2354 : vector<256x1000xf32>
    %dot_general3A_2356 = arith.constant dense<0.000000e+00> : vector<200x200xf32>
    %dot_general3A_2357 = tpu.matmul %mul3A_2108, %mul3A_2108, %dot_general3A_2356 {dimension_numbers = #tpu.dot_dimension_numbers<[0], [0], [1], [1], [0, 1, 1, 1], [], []>, transpose_lhs_hint = false} : vector<256x200xf32>, vector<256x200xf32>, vector<200x200xf32> -> vector<200x200xf32>
    %mul3A_2358 = arith.mulf %mul3A_2108, %mul3A_2108 : vector<256x200xf32>
    %reduce_sum3A_2359 = arith.constant dense<0.000000e+00> : vector<200xf32>
    %reduce_sum3A_2360 = vector.multi_reduction <add>, %mul3A_2358, %reduce_sum3A_2359 [0] : vector<256x200xf32> to vector<200xf32>
    %broadcast_in_dim3A_2361 = vector.shape_cast %reduce_sum3A_2360 : vector<200xf32> to vector<1x200xf32>
    %mul3A_2362 = arith.constant 2.000000e+00 : f32
    %mul3A_2363 = vector.broadcast %mul3A_2362 : f32 to vector<200x200xf32>
    %mul3A_2364 = arith.mulf %mul3A_2363, %dot_general3A_2357 : vector<200x200xf32>
    %transpose3A_2365 = tpu.transpose %broadcast_in_dim3A_2361, [1, 0] : vector<1x200xf32> -> vector<200x1xf32>
    %add3A_2366 = vector.broadcast %broadcast_in_dim3A_2361 : vector<1x200xf32> to vector<200x200xf32>
    %add3A_2367 = vector.broadcast %transpose3A_2365 : vector<200x1xf32> to vector<200x200xf32>
    %add3A_2368 = arith.addf %add3A_2366, %add3A_2367 : vector<200x200xf32>
    %sub3A_2369 = arith.subf %mul3A_2364, %add3A_2368 : vector<200x200xf32>
    %broadcast_in_dim3A_2370 = arith.constant 0 : i32
    %broadcast_in_dim3A_2371 = vector.broadcast %broadcast_in_dim3A_2370 : i32 to vector<1x200xi32>
    %broadcast_in_dim3A_2372 = arith.constant 1 : i32
    %broadcast_in_dim3A_2373 = vector.broadcast %broadcast_in_dim3A_2372 : i32 to vector<1x200xi32>
    %broadcast_in_dim3A_2374 = arith.constant 2 : i32
    %broadcast_in_dim3A_2375 = vector.broadcast %broadcast_in_dim3A_2374 : i32 to vector<1x200xi32>
    %broadcast_in_dim3A_2376 = arith.constant 3 : i32
    %broadcast_in_dim3A_2377 = vector.broadcast %broadcast_in_dim3A_2376 : i32 to vector<1x200xi32>
    %broadcast_in_dim3A_2378 = arith.constant 4 : i32
    %broadcast_in_dim3A_2379 = vector.broadcast %broadcast_in_dim3A_2378 : i32 to vector<1x200xi32>
    %slice3A_2380 = vector.extract_strided_slice %sub3A_2369 {offsets = [0, 0], sizes = [5, 200], strides = [1, 1]} : vector<200x200xf32> to vector<5x200xf32>
    %neg3A_2381 = arith.constant 0.000000e+00 : f32
    %neg3A_2382 = vector.broadcast %neg3A_2381 : f32 to vector<5x200xf32>
    %neg3A_2383 = arith.subf %neg3A_2382, %slice3A_2380 : vector<5x200xf32>
    %concatenate3A_2384 = tpu.concatenate %broadcast_in_dim3A_2371, %broadcast_in_dim3A_2373, %broadcast_in_dim3A_2375, %broadcast_in_dim3A_2377, %broadcast_in_dim3A_2379 in 1 : vector<1x200xi32>, vector<1x200xi32>, vector<1x200xi32>, vector<1x200xi32>, vector<1x200xi32> -> vector<1x1000xi32>
    %eq3A_2385 = vector.broadcast %concatenate3A_2384 : vector<1x1000xi32> to vector<200x1000xi32>
    %eq3A_2386 = arith.cmpi eq, %iota3A, %eq3A_2385 : vector<200x1000xi32>
    %convert_element_type3A_2387 = arith.extui %eq3A_2386 : vector<200x1000xi1> to vector<200x1000xi32>
    %convert_element_type3A_2388 = arith.sitofp %convert_element_type3A_2387 : vector<200x1000xi32> to vector<200x1000xf32>
    %dot_general3A_2389 = arith.constant dense<0.000000e+00> : vector<256x1000xf32>
    %dot_general3A_2390 = tpu.matmul %mul3A_2108, %convert_element_type3A_2388, %dot_general3A_2389 {dimension_numbers = #tpu.dot_dimension_numbers<[1], [0], [0], [1], [0, 0, 1, 1], [], []>, transpose_lhs_hint = false} : vector<256x200xf32>, vector<200x1000xf32>, vector<256x1000xf32> -> vector<256x1000xf32>
    %slice3A_2391 = vector.extract_strided_slice %dot_general3A_2390 {offsets = [0, 0], sizes = [256, 200], strides = [1, 1]} : vector<256x1000xf32> to vector<256x200xf32>
    %slice3A_2392 = vector.extract_strided_slice %dot_general3A_2390 {offsets = [0, 0], sizes = [256, 200], strides = [1, 1]} : vector<256x1000xf32> to vector<256x200xf32>
    %mul3A_2393 = arith.mulf %slice3A_2392, %slice3A_2391 : vector<256x200xf32>
    %reduce_sum3A_2394 = arith.constant dense<0.000000e+00> : vector<200xf32>
    %reduce_sum3A_2395 = vector.multi_reduction <add>, %mul3A_2393, %reduce_sum3A_2394 [0] : vector<256x200xf32> to vector<200xf32>
    %broadcast_in_dim3A_2396 = vector.shape_cast %reduce_sum3A_2395 : vector<200xf32> to vector<1x200xf32>
    %slice3A_2397 = vector.extract_strided_slice %dot_general3A_2390 {offsets = [0, 200], sizes = [256, 200], strides = [1, 1]} : vector<256x1000xf32> to vector<256x200xf32>
    %mul3A_2398 = arith.mulf %slice3A_2397, %slice3A_2391 : vector<256x200xf32>
    %reduce_sum3A_2399 = arith.constant dense<0.000000e+00> : vector<200xf32>
    %reduce_sum3A_2400 = vector.multi_reduction <add>, %mul3A_2398, %reduce_sum3A_2399 [0] : vector<256x200xf32> to vector<200xf32>
    %broadcast_in_dim3A_2401 = vector.shape_cast %reduce_sum3A_2400 : vector<200xf32> to vector<1x200xf32>
    %slice3A_2402 = vector.extract_strided_slice %dot_general3A_2390 {offsets = [0, 400], sizes = [256, 200], strides = [1, 1]} : vector<256x1000xf32> to vector<256x200xf32>
    %mul3A_2403 = arith.mulf %slice3A_2402, %slice3A_2391 : vector<256x200xf32>
    %reduce_sum3A_2404 = arith.constant dense<0.000000e+00> : vector<200xf32>
    %reduce_sum3A_2405 = vector.multi_reduction <add>, %mul3A_2403, %reduce_sum3A_2404 [0] : vector<256x200xf32> to vector<200xf32>
    %broadcast_in_dim3A_2406 = vector.shape_cast %reduce_sum3A_2405 : vector<200xf32> to vector<1x200xf32>
    %slice3A_2407 = vector.extract_strided_slice %dot_general3A_2390 {offsets = [0, 600], sizes = [256, 200], strides = [1, 1]} : vector<256x1000xf32> to vector<256x200xf32>
    %mul3A_2408 = arith.mulf %slice3A_2407, %slice3A_2391 : vector<256x200xf32>
    %reduce_sum3A_2409 = arith.constant dense<0.000000e+00> : vector<200xf32>
    %reduce_sum3A_2410 = vector.multi_reduction <add>, %mul3A_2408, %reduce_sum3A_2409 [0] : vector<256x200xf32> to vector<200xf32>
    %broadcast_in_dim3A_2411 = vector.shape_cast %reduce_sum3A_2410 : vector<200xf32> to vector<1x200xf32>
    %slice3A_2412 = vector.extract_strided_slice %dot_general3A_2390 {offsets = [0, 800], sizes = [256, 200], strides = [1, 1]} : vector<256x1000xf32> to vector<256x200xf32>
    %mul3A_2413 = arith.mulf %slice3A_2412, %slice3A_2391 : vector<256x200xf32>
    %reduce_sum3A_2414 = arith.constant dense<0.000000e+00> : vector<200xf32>
    %reduce_sum3A_2415 = vector.multi_reduction <add>, %mul3A_2413, %reduce_sum3A_2414 [0] : vector<256x200xf32> to vector<200xf32>
    %broadcast_in_dim3A_2416 = vector.shape_cast %reduce_sum3A_2415 : vector<200xf32> to vector<1x200xf32>
    %concatenate3A_2417 = tpu.concatenate %broadcast_in_dim3A_2396, %broadcast_in_dim3A_2401, %broadcast_in_dim3A_2406, %broadcast_in_dim3A_2411, %broadcast_in_dim3A_2416 in 0 : vector<1x200xf32>, vector<1x200xf32>, vector<1x200xf32>, vector<1x200xf32>, vector<1x200xf32> -> vector<5x200xf32>
    %mul3A_2418 = arith.mulf %concatenate3A_2417, %concatenate3A_2417 : vector<5x200xf32>
    %dot_general3A_2419 = arith.constant dense<0.000000e+00> : vector<5x5xf32>
    %dot_general3A_2420 = tpu.matmul %mul3A_2418, %mul3A_2418, %dot_general3A_2419 {dimension_numbers = #tpu.dot_dimension_numbers<[1], [1], [0], [0], [0, 0, 1, 0], [], []>, transpose_lhs_hint = false} : vector<5x200xf32>, vector<5x200xf32>, vector<5x5xf32> -> vector<5x5xf32>
    %sqrt3A_2421 = math.sqrt %dot_general3A_2420 : vector<5x5xf32>
    %max3A_2422 = arith.constant 9.99999996E-13 : f32
    %max3A_2423 = vector.broadcast %max3A_2422 : f32 to vector<5x5xf32>
    %max3A_2424 = arith.maximumf %sqrt3A_2421, %max3A_2423 : vector<5x5xf32>
    %get3A_2425 = arith.constant 4 : index
    %get3A_2426 = arith.constant 0 : index
    %get3A_2427 = vector.load %arg3[%get3A_2425, %get3A_2426] : memref<5x5xf32, #tpu.memory_space<vmem>>, vector<1x5xf32>
    %div3A_2428 = vector.broadcast %get3A_2427 : vector<1x5xf32> to vector<5x5xf32>
    %div3A_2429 = arith.divf %div3A_2428, %max3A_2424 : vector<5x5xf32>
    %dot_general3A_2430 = arith.constant dense<0.000000e+00> : vector<5x200xf32>
    %dot_general3A_2431 = tpu.matmul %div3A_2429, %concatenate3A_2417, %dot_general3A_2430 {dimension_numbers = #tpu.dot_dimension_numbers<[1], [0], [0], [1], [0, 0, 1, 1], [], []>, transpose_lhs_hint = false} : vector<5x5xf32>, vector<5x200xf32>, vector<5x200xf32> -> vector<5x200xf32>
    %mul3A_2432 = arith.constant 0.999994993 : f32
    %mul3A_2433 = vector.broadcast %mul3A_2432 : f32 to vector<5x200xf32>
    %mul3A_2434 = arith.mulf %mul3A_2433, %concatenate3A_2417 : vector<5x200xf32>
    %mul3A_2435 = arith.mulf %mul3A_2434, %dot_general3A_2431 : vector<5x200xf32>
    %logistic3A_2436 = arith.negf %mul3A_2435 : vector<5x200xf32>
    %logistic3A_2437 = math.exp %logistic3A_2436 : vector<5x200xf32>
    %logistic3A_2438 = arith.constant 1.000000e+00 : f32
    %logistic3A_2439 = vector.broadcast %logistic3A_2438 : f32 to vector<5x200xf32>
    %logistic3A_2440 = arith.addf %logistic3A_2439, %logistic3A_2437 : vector<5x200xf32>
    %logistic3A_2441 = arith.divf %logistic3A_2439, %logistic3A_2440 : vector<5x200xf32>
    %get3A_2442 = arith.constant 0 : index
    %get3A_2443 = arith.constant 4 : index
    %get3A_2444 = vector.load %arg2[%get3A_2442, %get3A_2443] : memref<1x5xf32, #tpu.memory_space<vmem>>, vector<1x1xf32>
    %mul3A_2445 = arith.constant 0.999994993 : f32
    %mul3A_2446 = vector.broadcast %mul3A_2445 : f32 to vector<5x200xf32>
    %mul3A_2447 = arith.mulf %mul3A_2446, %neg3A_2383 : vector<5x200xf32>
    %mul3A_2448 = vector.broadcast %get3A_2444 : vector<1x1xf32> to vector<5x200xf32>
    %mul3A_2449 = arith.mulf %mul3A_2447, %mul3A_2448 : vector<5x200xf32>
    %logistic3A_2450 = arith.negf %mul3A_2449 : vector<5x200xf32>
    %logistic3A_2451 = math.exp %logistic3A_2450 : vector<5x200xf32>
    %logistic3A_2452 = arith.constant 1.000000e+00 : f32
    %logistic3A_2453 = vector.broadcast %logistic3A_2452 : f32 to vector<5x200xf32>
    %logistic3A_2454 = arith.addf %logistic3A_2453, %logistic3A_2451 : vector<5x200xf32>
    %logistic3A_2455 = arith.divf %logistic3A_2453, %logistic3A_2454 : vector<5x200xf32>
    %mul3A_2456 = arith.mulf %logistic3A_2455, %logistic3A_2441 : vector<5x200xf32>
    %slice3A_2457 = vector.extract_strided_slice %mul3A_2456 {offsets = [0, 0], sizes = [1, 200], strides = [1, 1]} : vector<5x200xf32> to vector<1x200xf32>
    %slice3A_2458 = vector.extract_strided_slice %mul3A_2456 {offsets = [1, 0], sizes = [1, 200], strides = [1, 1]} : vector<5x200xf32> to vector<1x200xf32>
    %slice3A_2459 = vector.extract_strided_slice %mul3A_2456 {offsets = [2, 0], sizes = [1, 200], strides = [1, 1]} : vector<5x200xf32> to vector<1x200xf32>
    %slice3A_2460 = vector.extract_strided_slice %mul3A_2456 {offsets = [3, 0], sizes = [1, 200], strides = [1, 1]} : vector<5x200xf32> to vector<1x200xf32>
    %slice3A_2461 = vector.extract_strided_slice %mul3A_2456 {offsets = [4, 0], sizes = [1, 200], strides = [1, 1]} : vector<5x200xf32> to vector<1x200xf32>
    %concatenate3A_2462 = tpu.concatenate %slice3A_2457, %slice3A_2458, %slice3A_2459, %slice3A_2460, %slice3A_2461 in 1 : vector<1x200xf32>, vector<1x200xf32>, vector<1x200xf32>, vector<1x200xf32>, vector<1x200xf32> -> vector<1x1000xf32>
    %concatenate3A_2463 = tpu.concatenate %mul3A_2108, %mul3A_2108, %mul3A_2108, %mul3A_2108, %mul3A_2108 in 1 : vector<256x200xf32>, vector<256x200xf32>, vector<256x200xf32>, vector<256x200xf32>, vector<256x200xf32> -> vector<256x1000xf32>
    %mul3A_2464 = vector.broadcast %concatenate3A_2462 : vector<1x1000xf32> to vector<256x1000xf32>
    %mul3A_2465 = arith.mulf %mul3A_2464, %dot_general3A_2390 : vector<256x1000xf32>
    %sub3A_2466 = arith.constant 1.000000e+00 : f32
    %sub3A_2467 = vector.broadcast %sub3A_2466 : f32 to vector<1x1000xf32>
    %sub3A_2468 = arith.subf %sub3A_2467, %concatenate3A_2462 : vector<1x1000xf32>
    %mul3A_2469 = vector.broadcast %sub3A_2468 : vector<1x1000xf32> to vector<256x1000xf32>
    %mul3A_2470 = arith.mulf %mul3A_2469, %concatenate3A_2463 : vector<256x1000xf32>
    %add3A_2471 = arith.addf %mul3A_2465, %mul3A_2470 : vector<256x1000xf32>
    %dot_general3A_2472 = arith.constant dense<0.000000e+00> : vector<200x200xf32>
    %dot_general3A_2473 = tpu.matmul %mul3A_2120, %mul3A_2120, %dot_general3A_2472 {dimension_numbers = #tpu.dot_dimension_numbers<[0], [0], [1], [1], [0, 1, 1, 1], [], []>, transpose_lhs_hint = false} : vector<256x200xf32>, vector<256x200xf32>, vector<200x200xf32> -> vector<200x200xf32>
    %mul3A_2474 = arith.mulf %mul3A_2120, %mul3A_2120 : vector<256x200xf32>
    %reduce_sum3A_2475 = arith.constant dense<0.000000e+00> : vector<200xf32>
    %reduce_sum3A_2476 = vector.multi_reduction <add>, %mul3A_2474, %reduce_sum3A_2475 [0] : vector<256x200xf32> to vector<200xf32>
    %broadcast_in_dim3A_2477 = vector.shape_cast %reduce_sum3A_2476 : vector<200xf32> to vector<1x200xf32>
    %mul3A_2478 = arith.constant 2.000000e+00 : f32
    %mul3A_2479 = vector.broadcast %mul3A_2478 : f32 to vector<200x200xf32>
    %mul3A_2480 = arith.mulf %mul3A_2479, %dot_general3A_2473 : vector<200x200xf32>
    %transpose3A_2481 = tpu.transpose %broadcast_in_dim3A_2477, [1, 0] : vector<1x200xf32> -> vector<200x1xf32>
    %add3A_2482 = vector.broadcast %broadcast_in_dim3A_2477 : vector<1x200xf32> to vector<200x200xf32>
    %add3A_2483 = vector.broadcast %transpose3A_2481 : vector<200x1xf32> to vector<200x200xf32>
    %add3A_2484 = arith.addf %add3A_2482, %add3A_2483 : vector<200x200xf32>
    %sub3A_2485 = arith.subf %mul3A_2480, %add3A_2484 : vector<200x200xf32>
    %broadcast_in_dim3A_2486 = arith.constant 0 : i32
    %broadcast_in_dim3A_2487 = vector.broadcast %broadcast_in_dim3A_2486 : i32 to vector<1x200xi32>
    %broadcast_in_dim3A_2488 = arith.constant 1 : i32
    %broadcast_in_dim3A_2489 = vector.broadcast %broadcast_in_dim3A_2488 : i32 to vector<1x200xi32>
    %broadcast_in_dim3A_2490 = arith.constant 2 : i32
    %broadcast_in_dim3A_2491 = vector.broadcast %broadcast_in_dim3A_2490 : i32 to vector<1x200xi32>
    %broadcast_in_dim3A_2492 = arith.constant 3 : i32
    %broadcast_in_dim3A_2493 = vector.broadcast %broadcast_in_dim3A_2492 : i32 to vector<1x200xi32>
    %broadcast_in_dim3A_2494 = arith.constant 4 : i32
    %broadcast_in_dim3A_2495 = vector.broadcast %broadcast_in_dim3A_2494 : i32 to vector<1x200xi32>
    %slice3A_2496 = vector.extract_strided_slice %sub3A_2485 {offsets = [0, 0], sizes = [5, 200], strides = [1, 1]} : vector<200x200xf32> to vector<5x200xf32>
    %neg3A_2497 = arith.constant 0.000000e+00 : f32
    %neg3A_2498 = vector.broadcast %neg3A_2497 : f32 to vector<5x200xf32>
    %neg3A_2499 = arith.subf %neg3A_2498, %slice3A_2496 : vector<5x200xf32>
    %concatenate3A_2500 = tpu.concatenate %broadcast_in_dim3A_2487, %broadcast_in_dim3A_2489, %broadcast_in_dim3A_2491, %broadcast_in_dim3A_2493, %broadcast_in_dim3A_2495 in 1 : vector<1x200xi32>, vector<1x200xi32>, vector<1x200xi32>, vector<1x200xi32>, vector<1x200xi32> -> vector<1x1000xi32>
    %eq3A_2501 = vector.broadcast %concatenate3A_2500 : vector<1x1000xi32> to vector<200x1000xi32>
    %eq3A_2502 = arith.cmpi eq, %iota3A, %eq3A_2501 : vector<200x1000xi32>
    %convert_element_type3A_2503 = arith.extui %eq3A_2502 : vector<200x1000xi1> to vector<200x1000xi32>
    %convert_element_type3A_2504 = arith.sitofp %convert_element_type3A_2503 : vector<200x1000xi32> to vector<200x1000xf32>
    %dot_general3A_2505 = arith.constant dense<0.000000e+00> : vector<256x1000xf32>
    %dot_general3A_2506 = tpu.matmul %mul3A_2120, %convert_element_type3A_2504, %dot_general3A_2505 {dimension_numbers = #tpu.dot_dimension_numbers<[1], [0], [0], [1], [0, 0, 1, 1], [], []>, transpose_lhs_hint = false} : vector<256x200xf32>, vector<200x1000xf32>, vector<256x1000xf32> -> vector<256x1000xf32>
    %slice3A_2507 = vector.extract_strided_slice %dot_general3A_2506 {offsets = [0, 0], sizes = [256, 200], strides = [1, 1]} : vector<256x1000xf32> to vector<256x200xf32>
    %slice3A_2508 = vector.extract_strided_slice %dot_general3A_2506 {offsets = [0, 0], sizes = [256, 200], strides = [1, 1]} : vector<256x1000xf32> to vector<256x200xf32>
    %mul3A_2509 = arith.mulf %slice3A_2508, %slice3A_2507 : vector<256x200xf32>
    %reduce_sum3A_2510 = arith.constant dense<0.000000e+00> : vector<200xf32>
    %reduce_sum3A_2511 = vector.multi_reduction <add>, %mul3A_2509, %reduce_sum3A_2510 [0] : vector<256x200xf32> to vector<200xf32>
    %broadcast_in_dim3A_2512 = vector.shape_cast %reduce_sum3A_2511 : vector<200xf32> to vector<1x200xf32>
    %slice3A_2513 = vector.extract_strided_slice %dot_general3A_2506 {offsets = [0, 200], sizes = [256, 200], strides = [1, 1]} : vector<256x1000xf32> to vector<256x200xf32>
    %mul3A_2514 = arith.mulf %slice3A_2513, %slice3A_2507 : vector<256x200xf32>
    %reduce_sum3A_2515 = arith.constant dense<0.000000e+00> : vector<200xf32>
    %reduce_sum3A_2516 = vector.multi_reduction <add>, %mul3A_2514, %reduce_sum3A_2515 [0] : vector<256x200xf32> to vector<200xf32>
    %broadcast_in_dim3A_2517 = vector.shape_cast %reduce_sum3A_2516 : vector<200xf32> to vector<1x200xf32>
    %slice3A_2518 = vector.extract_strided_slice %dot_general3A_2506 {offsets = [0, 400], sizes = [256, 200], strides = [1, 1]} : vector<256x1000xf32> to vector<256x200xf32>
    %mul3A_2519 = arith.mulf %slice3A_2518, %slice3A_2507 : vector<256x200xf32>
    %reduce_sum3A_2520 = arith.constant dense<0.000000e+00> : vector<200xf32>
    %reduce_sum3A_2521 = vector.multi_reduction <add>, %mul3A_2519, %reduce_sum3A_2520 [0] : vector<256x200xf32> to vector<200xf32>
    %broadcast_in_dim3A_2522 = vector.shape_cast %reduce_sum3A_2521 : vector<200xf32> to vector<1x200xf32>
    %slice3A_2523 = vector.extract_strided_slice %dot_general3A_2506 {offsets = [0, 600], sizes = [256, 200], strides = [1, 1]} : vector<256x1000xf32> to vector<256x200xf32>
    %mul3A_2524 = arith.mulf %slice3A_2523, %slice3A_2507 : vector<256x200xf32>
    %reduce_sum3A_2525 = arith.constant dense<0.000000e+00> : vector<200xf32>
    %reduce_sum3A_2526 = vector.multi_reduction <add>, %mul3A_2524, %reduce_sum3A_2525 [0] : vector<256x200xf32> to vector<200xf32>
    %broadcast_in_dim3A_2527 = vector.shape_cast %reduce_sum3A_2526 : vector<200xf32> to vector<1x200xf32>
    %slice3A_2528 = vector.extract_strided_slice %dot_general3A_2506 {offsets = [0, 800], sizes = [256, 200], strides = [1, 1]} : vector<256x1000xf32> to vector<256x200xf32>
    %mul3A_2529 = arith.mulf %slice3A_2528, %slice3A_2507 : vector<256x200xf32>
    %reduce_sum3A_2530 = arith.constant dense<0.000000e+00> : vector<200xf32>
    %reduce_sum3A_2531 = vector.multi_reduction <add>, %mul3A_2529, %reduce_sum3A_2530 [0] : vector<256x200xf32> to vector<200xf32>
    %broadcast_in_dim3A_2532 = vector.shape_cast %reduce_sum3A_2531 : vector<200xf32> to vector<1x200xf32>
    %concatenate3A_2533 = tpu.concatenate %broadcast_in_dim3A_2512, %broadcast_in_dim3A_2517, %broadcast_in_dim3A_2522, %broadcast_in_dim3A_2527, %broadcast_in_dim3A_2532 in 0 : vector<1x200xf32>, vector<1x200xf32>, vector<1x200xf32>, vector<1x200xf32>, vector<1x200xf32> -> vector<5x200xf32>
    %mul3A_2534 = arith.mulf %concatenate3A_2533, %concatenate3A_2533 : vector<5x200xf32>
    %dot_general3A_2535 = arith.constant dense<0.000000e+00> : vector<5x5xf32>
    %dot_general3A_2536 = tpu.matmul %mul3A_2534, %mul3A_2534, %dot_general3A_2535 {dimension_numbers = #tpu.dot_dimension_numbers<[1], [1], [0], [0], [0, 0, 1, 0], [], []>, transpose_lhs_hint = false} : vector<5x200xf32>, vector<5x200xf32>, vector<5x5xf32> -> vector<5x5xf32>
    %sqrt3A_2537 = math.sqrt %dot_general3A_2536 : vector<5x5xf32>
    %max3A_2538 = arith.constant 9.99999996E-13 : f32
    %max3A_2539 = vector.broadcast %max3A_2538 : f32 to vector<5x5xf32>
    %max3A_2540 = arith.maximumf %sqrt3A_2537, %max3A_2539 : vector<5x5xf32>
    %get3A_2541 = arith.constant 4 : index
    %get3A_2542 = arith.constant 0 : index
    %get3A_2543 = vector.load %arg3[%get3A_2541, %get3A_2542] : memref<5x5xf32, #tpu.memory_space<vmem>>, vector<1x5xf32>
    %div3A_2544 = vector.broadcast %get3A_2543 : vector<1x5xf32> to vector<5x5xf32>
    %div3A_2545 = arith.divf %div3A_2544, %max3A_2540 : vector<5x5xf32>
    %dot_general3A_2546 = arith.constant dense<0.000000e+00> : vector<5x200xf32>
    %dot_general3A_2547 = tpu.matmul %div3A_2545, %concatenate3A_2533, %dot_general3A_2546 {dimension_numbers = #tpu.dot_dimension_numbers<[1], [0], [0], [1], [0, 0, 1, 1], [], []>, transpose_lhs_hint = false} : vector<5x5xf32>, vector<5x200xf32>, vector<5x200xf32> -> vector<5x200xf32>
    %mul3A_2548 = arith.constant 0.999994993 : f32
    %mul3A_2549 = vector.broadcast %mul3A_2548 : f32 to vector<5x200xf32>
    %mul3A_2550 = arith.mulf %mul3A_2549, %concatenate3A_2533 : vector<5x200xf32>
    %mul3A_2551 = arith.mulf %mul3A_2550, %dot_general3A_2547 : vector<5x200xf32>
    %logistic3A_2552 = arith.negf %mul3A_2551 : vector<5x200xf32>
    %logistic3A_2553 = math.exp %logistic3A_2552 : vector<5x200xf32>
    %logistic3A_2554 = arith.constant 1.000000e+00 : f32
    %logistic3A_2555 = vector.broadcast %logistic3A_2554 : f32 to vector<5x200xf32>
    %logistic3A_2556 = arith.addf %logistic3A_2555, %logistic3A_2553 : vector<5x200xf32>
    %logistic3A_2557 = arith.divf %logistic3A_2555, %logistic3A_2556 : vector<5x200xf32>
    %get3A_2558 = arith.constant 0 : index
    %get3A_2559 = arith.constant 4 : index
    %get3A_2560 = vector.load %arg2[%get3A_2558, %get3A_2559] : memref<1x5xf32, #tpu.memory_space<vmem>>, vector<1x1xf32>
    %mul3A_2561 = arith.constant 0.999994993 : f32
    %mul3A_2562 = vector.broadcast %mul3A_2561 : f32 to vector<5x200xf32>
    %mul3A_2563 = arith.mulf %mul3A_2562, %neg3A_2499 : vector<5x200xf32>
    %mul3A_2564 = vector.broadcast %get3A_2560 : vector<1x1xf32> to vector<5x200xf32>
    %mul3A_2565 = arith.mulf %mul3A_2563, %mul3A_2564 : vector<5x200xf32>
    %logistic3A_2566 = arith.negf %mul3A_2565 : vector<5x200xf32>
    %logistic3A_2567 = math.exp %logistic3A_2566 : vector<5x200xf32>
    %logistic3A_2568 = arith.constant 1.000000e+00 : f32
    %logistic3A_2569 = vector.broadcast %logistic3A_2568 : f32 to vector<5x200xf32>
    %logistic3A_2570 = arith.addf %logistic3A_2569, %logistic3A_2567 : vector<5x200xf32>
    %logistic3A_2571 = arith.divf %logistic3A_2569, %logistic3A_2570 : vector<5x200xf32>
    %mul3A_2572 = arith.mulf %logistic3A_2571, %logistic3A_2557 : vector<5x200xf32>
    %slice3A_2573 = vector.extract_strided_slice %mul3A_2572 {offsets = [0, 0], sizes = [1, 200], strides = [1, 1]} : vector<5x200xf32> to vector<1x200xf32>
    %slice3A_2574 = vector.extract_strided_slice %mul3A_2572 {offsets = [1, 0], sizes = [1, 200], strides = [1, 1]} : vector<5x200xf32> to vector<1x200xf32>
    %slice3A_2575 = vector.extract_strided_slice %mul3A_2572 {offsets = [2, 0], sizes = [1, 200], strides = [1, 1]} : vector<5x200xf32> to vector<1x200xf32>
    %slice3A_2576 = vector.extract_strided_slice %mul3A_2572 {offsets = [3, 0], sizes = [1, 200], strides = [1, 1]} : vector<5x200xf32> to vector<1x200xf32>
    %slice3A_2577 = vector.extract_strided_slice %mul3A_2572 {offsets = [4, 0], sizes = [1, 200], strides = [1, 1]} : vector<5x200xf32> to vector<1x200xf32>
    %concatenate3A_2578 = tpu.concatenate %slice3A_2573, %slice3A_2574, %slice3A_2575, %slice3A_2576, %slice3A_2577 in 1 : vector<1x200xf32>, vector<1x200xf32>, vector<1x200xf32>, vector<1x200xf32>, vector<1x200xf32> -> vector<1x1000xf32>
    %concatenate3A_2579 = tpu.concatenate %mul3A_2120, %mul3A_2120, %mul3A_2120, %mul3A_2120, %mul3A_2120 in 1 : vector<256x200xf32>, vector<256x200xf32>, vector<256x200xf32>, vector<256x200xf32>, vector<256x200xf32> -> vector<256x1000xf32>
    %mul3A_2580 = vector.broadcast %concatenate3A_2578 : vector<1x1000xf32> to vector<256x1000xf32>
    %mul3A_2581 = arith.mulf %mul3A_2580, %dot_general3A_2506 : vector<256x1000xf32>
    %sub3A_2582 = arith.constant 1.000000e+00 : f32
    %sub3A_2583 = vector.broadcast %sub3A_2582 : f32 to vector<1x1000xf32>
    %sub3A_2584 = arith.subf %sub3A_2583, %concatenate3A_2578 : vector<1x1000xf32>
    %mul3A_2585 = vector.broadcast %sub3A_2584 : vector<1x1000xf32> to vector<256x1000xf32>
    %mul3A_2586 = arith.mulf %mul3A_2585, %concatenate3A_2579 : vector<256x1000xf32>
    %add3A_2587 = arith.addf %mul3A_2581, %mul3A_2586 : vector<256x1000xf32>
    %concatenate3A_2588 = tpu.concatenate %add3A_2239, %add3A_2355, %add3A_2471, %add3A_2587 in 1 : vector<256x1000xf32>, vector<256x1000xf32>, vector<256x1000xf32>, vector<256x1000xf32> -> vector<256x4000xf32>
    %dot_general3A_2589 = arith.constant dense<0.000000e+00> : vector<512x4000xf32>
    %dot_general3A_2590 = tpu.matmul %get3A_2123, %concatenate3A_2588, %dot_general3A_2589 {dimension_numbers = #tpu.dot_dimension_numbers<[1], [0], [0], [1], [0, 0, 1, 1], [], []>, transpose_lhs_hint = false} : vector<512x256xf32>, vector<256x4000xf32>, vector<512x4000xf32> -> vector<512x4000xf32>
    %mul3A_2591 = arith.constant 0.999994993 : f32
    %mul3A_2592 = vector.broadcast %mul3A_2591 : f32 to vector<512x4000xf32>
    %mul3A_2593 = arith.mulf %mul3A_2592, %dot_general3A_2590 : vector<512x4000xf32>
    %ge3A_2594 = arith.constant 0.000000e+00 : f32
    %ge3A_2595 = vector.broadcast %ge3A_2594 : f32 to vector<512x4000xf32>
    %ge3A_2596 = arith.cmpf oge, %mul3A_2593, %ge3A_2595 : vector<512x4000xf32>
    %mul3A_2597 = arith.constant 2.000000e-02 : f32
    %mul3A_2598 = vector.broadcast %mul3A_2597 : f32 to vector<512x4000xf32>
    %mul3A_2599 = arith.mulf %mul3A_2598, %mul3A_2593 : vector<512x4000xf32>
    %select_n3A_2600 = arith.select %ge3A_2596, %mul3A_2593, %mul3A_2599 : vector<512x4000xi1>, vector<512x4000xf32>
    %slice3A_2601 = vector.extract_strided_slice %select_n3A_2600 {offsets = [0, 0], sizes = [512, 200], strides = [1, 1]} : vector<512x4000xf32> to vector<512x200xf32>
    %slice3A_2602 = vector.extract_strided_slice %select_n3A_2600 {offsets = [0, 200], sizes = [512, 200], strides = [1, 1]} : vector<512x4000xf32> to vector<512x200xf32>
    %add3A_2603 = arith.addf %slice3A_2601, %slice3A_2602 : vector<512x200xf32>
    %slice3A_2604 = vector.extract_strided_slice %select_n3A_2600 {offsets = [0, 400], sizes = [512, 200], strides = [1, 1]} : vector<512x4000xf32> to vector<512x200xf32>
    %add3A_2605 = arith.addf %add3A_2603, %slice3A_2604 : vector<512x200xf32>
    %slice3A_2606 = vector.extract_strided_slice %select_n3A_2600 {offsets = [0, 600], sizes = [512, 200], strides = [1, 1]} : vector<512x4000xf32> to vector<512x200xf32>
    %add3A_2607 = arith.addf %add3A_2605, %slice3A_2606 : vector<512x200xf32>
    %slice3A_2608 = vector.extract_strided_slice %select_n3A_2600 {offsets = [0, 800], sizes = [512, 200], strides = [1, 1]} : vector<512x4000xf32> to vector<512x200xf32>
    %add3A_2609 = arith.addf %add3A_2607, %slice3A_2608 : vector<512x200xf32>
    %mul3A_2610 = arith.constant 2.000000e-01 : f32
    %mul3A_2611 = vector.broadcast %mul3A_2610 : f32 to vector<512x200xf32>
    %mul3A_2612 = arith.mulf %add3A_2609, %mul3A_2611 : vector<512x200xf32>
    %slice3A_2613 = vector.extract_strided_slice %select_n3A_2600 {offsets = [0, 1000], sizes = [512, 200], strides = [1, 1]} : vector<512x4000xf32> to vector<512x200xf32>
    %slice3A_2614 = vector.extract_strided_slice %select_n3A_2600 {offsets = [0, 1200], sizes = [512, 200], strides = [1, 1]} : vector<512x4000xf32> to vector<512x200xf32>
    %add3A_2615 = arith.addf %slice3A_2613, %slice3A_2614 : vector<512x200xf32>
    %slice3A_2616 = vector.extract_strided_slice %select_n3A_2600 {offsets = [0, 1400], sizes = [512, 200], strides = [1, 1]} : vector<512x4000xf32> to vector<512x200xf32>
    %add3A_2617 = arith.addf %add3A_2615, %slice3A_2616 : vector<512x200xf32>
    %slice3A_2618 = vector.extract_strided_slice %select_n3A_2600 {offsets = [0, 1600], sizes = [512, 200], strides = [1, 1]} : vector<512x4000xf32> to vector<512x200xf32>
    %add3A_2619 = arith.addf %add3A_2617, %slice3A_2618 : vector<512x200xf32>
    %slice3A_2620 = vector.extract_strided_slice %select_n3A_2600 {offsets = [0, 1800], sizes = [512, 200], strides = [1, 1]} : vector<512x4000xf32> to vector<512x200xf32>
    %add3A_2621 = arith.addf %add3A_2619, %slice3A_2620 : vector<512x200xf32>
    %mul3A_2622 = arith.constant 2.000000e-01 : f32
    %mul3A_2623 = vector.broadcast %mul3A_2622 : f32 to vector<512x200xf32>
    %mul3A_2624 = arith.mulf %add3A_2621, %mul3A_2623 : vector<512x200xf32>
    %slice3A_2625 = vector.extract_strided_slice %select_n3A_2600 {offsets = [0, 2000], sizes = [512, 200], strides = [1, 1]} : vector<512x4000xf32> to vector<512x200xf32>
    %slice3A_2626 = vector.extract_strided_slice %select_n3A_2600 {offsets = [0, 2200], sizes = [512, 200], strides = [1, 1]} : vector<512x4000xf32> to vector<512x200xf32>
    %add3A_2627 = arith.addf %slice3A_2625, %slice3A_2626 : vector<512x200xf32>
    %slice3A_2628 = vector.extract_strided_slice %select_n3A_2600 {offsets = [0, 2400], sizes = [512, 200], strides = [1, 1]} : vector<512x4000xf32> to vector<512x200xf32>
    %add3A_2629 = arith.addf %add3A_2627, %slice3A_2628 : vector<512x200xf32>
    %slice3A_2630 = vector.extract_strided_slice %select_n3A_2600 {offsets = [0, 2600], sizes = [512, 200], strides = [1, 1]} : vector<512x4000xf32> to vector<512x200xf32>
    %add3A_2631 = arith.addf %add3A_2629, %slice3A_2630 : vector<512x200xf32>
    %slice3A_2632 = vector.extract_strided_slice %select_n3A_2600 {offsets = [0, 2800], sizes = [512, 200], strides = [1, 1]} : vector<512x4000xf32> to vector<512x200xf32>
    %add3A_2633 = arith.addf %add3A_2631, %slice3A_2632 : vector<512x200xf32>
    %mul3A_2634 = arith.constant 2.000000e-01 : f32
    %mul3A_2635 = vector.broadcast %mul3A_2634 : f32 to vector<512x200xf32>
    %mul3A_2636 = arith.mulf %add3A_2633, %mul3A_2635 : vector<512x200xf32>
    %slice3A_2637 = vector.extract_strided_slice %select_n3A_2600 {offsets = [0, 3000], sizes = [512, 200], strides = [1, 1]} : vector<512x4000xf32> to vector<512x200xf32>
    %slice3A_2638 = vector.extract_strided_slice %select_n3A_2600 {offsets = [0, 3200], sizes = [512, 200], strides = [1, 1]} : vector<512x4000xf32> to vector<512x200xf32>
    %add3A_2639 = arith.addf %slice3A_2637, %slice3A_2638 : vector<512x200xf32>
    %slice3A_2640 = vector.extract_strided_slice %select_n3A_2600 {offsets = [0, 3400], sizes = [512, 200], strides = [1, 1]} : vector<512x4000xf32> to vector<512x200xf32>
    %add3A_2641 = arith.addf %add3A_2639, %slice3A_2640 : vector<512x200xf32>
    %slice3A_2642 = vector.extract_strided_slice %select_n3A_2600 {offsets = [0, 3600], sizes = [512, 200], strides = [1, 1]} : vector<512x4000xf32> to vector<512x200xf32>
    %add3A_2643 = arith.addf %add3A_2641, %slice3A_2642 : vector<512x200xf32>
    %slice3A_2644 = vector.extract_strided_slice %select_n3A_2600 {offsets = [0, 3800], sizes = [512, 200], strides = [1, 1]} : vector<512x4000xf32> to vector<512x200xf32>
    %add3A_2645 = arith.addf %add3A_2643, %slice3A_2644 : vector<512x200xf32>
    %mul3A_2646 = arith.constant 2.000000e-01 : f32
    %mul3A_2647 = vector.broadcast %mul3A_2646 : f32 to vector<512x200xf32>
    %mul3A_2648 = arith.mulf %add3A_2645, %mul3A_2647 : vector<512x200xf32>
    %concatenate3A_2649 = tpu.concatenate %mul3A_500, %mul3A_1028, %mul3A_1556, %mul3A_2084, %mul3A_2612 in 0 : vector<64x200xf32>, vector<64x200xf32>, vector<128x200xf32>, vector<256x200xf32>, vector<512x200xf32> -> vector<1024x200xf32>
    %concatenate3A_2650 = tpu.concatenate %mul3A_512, %mul3A_1040, %mul3A_1568, %mul3A_2096, %mul3A_2624 in 0 : vector<64x200xf32>, vector<64x200xf32>, vector<128x200xf32>, vector<256x200xf32>, vector<512x200xf32> -> vector<1024x200xf32>
    %concatenate3A_2651 = tpu.concatenate %mul3A_524, %mul3A_1052, %mul3A_1580, %mul3A_2108, %mul3A_2636 in 0 : vector<64x200xf32>, vector<64x200xf32>, vector<128x200xf32>, vector<256x200xf32>, vector<512x200xf32> -> vector<1024x200xf32>
    %concatenate3A_2652 = tpu.concatenate %mul3A_536, %mul3A_1064, %mul3A_1592, %mul3A_2120, %mul3A_2648 in 0 : vector<64x200xf32>, vector<64x200xf32>, vector<128x200xf32>, vector<256x200xf32>, vector<512x200xf32> -> vector<1024x200xf32>
    %concatenate3A_2653 = tpu.concatenate %concatenate3A_2649, %concatenate3A_2650, %concatenate3A_2651, %concatenate3A_2652 in 1 : vector<1024x200xf32>, vector<1024x200xf32>, vector<1024x200xf32>, vector<1024x200xf32> -> vector<1024x800xf32>
    %get3A_2654 = arith.constant 0 : index
    %get3A_2655 = arith.constant 0 : index
    %get3A_2656 = vector.load %arg9[%get3A_2654, %get3A_2655] : memref<1024x1024xf32, #tpu.memory_space<vmem>>, vector<1024x1024xf32>
    %dot_general3A_2657 = arith.constant dense<0.000000e+00> : vector<800x1024xf32>
    %dot_general3A_2658 = tpu.matmul %concatenate3A_2653, %get3A_2656, %dot_general3A_2657 {dimension_numbers = #tpu.dot_dimension_numbers<[0], [1], [1], [0], [0, 1, 1, 0], [], []>, transpose_lhs_hint = false} : vector<1024x800xf32>, vector<1024x1024xf32>, vector<800x1024xf32> -> vector<800x1024xf32>
    %mul3A_2659 = arith.constant 0.999994993 : f32
    %mul3A_2660 = vector.broadcast %mul3A_2659 : f32 to vector<800x1024xf32>
    %mul3A_2661 = arith.mulf %mul3A_2660, %dot_general3A_2658 : vector<800x1024xf32>
    %ge3A_2662 = arith.constant 0.000000e+00 : f32
    %ge3A_2663 = vector.broadcast %ge3A_2662 : f32 to vector<800x1024xf32>
    %ge3A_2664 = arith.cmpf oge, %mul3A_2661, %ge3A_2663 : vector<800x1024xf32>
    %mul3A_2665 = arith.constant 2.000000e-01 : f32
    %mul3A_2666 = vector.broadcast %mul3A_2665 : f32 to vector<800x1024xf32>
    %mul3A_2667 = arith.mulf %mul3A_2666, %mul3A_2661 : vector<800x1024xf32>
    %select_n3A_2668 = arith.select %ge3A_2664, %mul3A_2661, %mul3A_2667 : vector<800x1024xi1>, vector<800x1024xf32>
    %slice3A_2669 = vector.extract_strided_slice %select_n3A_2668 {offsets = [0, 0], sizes = [200, 1024], strides = [1, 1]} : vector<800x1024xf32> to vector<200x1024xf32>
    %reduce_max3A = arith.constant dense<0xFF800000> : vector<1024xf32>
    %reduce_max3A_2670 = vector.multi_reduction <maximumf>, %slice3A_2669, %reduce_max3A [0] : vector<200x1024xf32> to vector<1024xf32>
    %broadcast_in_dim3A_2671 = vector.shape_cast %reduce_max3A_2670 : vector<1024xf32> to vector<1x1024xf32>
    %swap3A = arith.constant 0 : index
    %swap3A_2672 = arith.constant 0 : index
    %swap3A_2673 = arith.constant 0 : index
    %swap3A_2674 = vector.load %arg10[%swap3A, %swap3A_2672, %swap3A_2673] : memref<4x1x2048xf32, #tpu.memory_space<vmem>>, vector<1x1x1024xf32>
    %swap3A_2675 = vector.shape_cast %swap3A_2674 : vector<1x1x1024xf32> to vector<1x1024xf32>
    %swap3A_2676 = vector.shape_cast %broadcast_in_dim3A_2671 : vector<1x1024xf32> to vector<1x1x1024xf32>
    tpu.vector_store %arg10[%swap3A, %swap3A_2672, %swap3A_2673], %swap3A_2676 {strides = array<i32>} : memref<4x1x2048xf32, #tpu.memory_space<vmem>>, vector<1x1x1024xf32>,
    %reduce_sum3A_2677 = arith.constant dense<0.000000e+00> : vector<1024xf32>
    %reduce_sum3A_2678 = vector.multi_reduction <add>, %slice3A_2669, %reduce_sum3A_2677 [0] : vector<200x1024xf32> to vector<1024xf32>
    %broadcast_in_dim3A_2679 = vector.shape_cast %reduce_sum3A_2678 : vector<1024xf32> to vector<1x1024xf32>
    %div3A_2680 = arith.constant 2.000000e+02 : f32
    %div3A_2681 = vector.broadcast %div3A_2680 : f32 to vector<1x1024xf32>
    %div3A_2682 = arith.divf %broadcast_in_dim3A_2679, %div3A_2681 : vector<1x1024xf32>
    %swap3A_2683 = arith.constant 0 : index
    %swap3A_2684 = arith.constant 0 : index
    %swap3A_2685 = arith.constant 1024 : index
    %swap3A_2686 = vector.load %arg10[%swap3A_2683, %swap3A_2684, %swap3A_2685] : memref<4x1x2048xf32, #tpu.memory_space<vmem>>, vector<1x1x1024xf32>
    %swap3A_2687 = vector.shape_cast %swap3A_2686 : vector<1x1x1024xf32> to vector<1x1024xf32>
    %swap3A_2688 = vector.shape_cast %div3A_2682 : vector<1x1024xf32> to vector<1x1x1024xf32>
    tpu.vector_store %arg10[%swap3A_2683, %swap3A_2684, %swap3A_2685], %swap3A_2688 {strides = array<i32>} : memref<4x1x2048xf32, #tpu.memory_space<vmem>>, vector<1x1x1024xf32>,
    %slice3A_2689 = vector.extract_strided_slice %select_n3A_2668 {offsets = [200, 0], sizes = [200, 1024], strides = [1, 1]} : vector<800x1024xf32> to vector<200x1024xf32>
    %reduce_max3A_2690 = arith.constant dense<0xFF800000> : vector<1024xf32>
    %reduce_max3A_2691 = vector.multi_reduction <maximumf>, %slice3A_2689, %reduce_max3A_2690 [0] : vector<200x1024xf32> to vector<1024xf32>
    %broadcast_in_dim3A_2692 = vector.shape_cast %reduce_max3A_2691 : vector<1024xf32> to vector<1x1024xf32>
    %swap3A_2693 = arith.constant 1 : index
    %swap3A_2694 = arith.constant 0 : index
    %swap3A_2695 = arith.constant 0 : index
    %swap3A_2696 = vector.load %arg10[%swap3A_2693, %swap3A_2694, %swap3A_2695] : memref<4x1x2048xf32, #tpu.memory_space<vmem>>, vector<1x1x1024xf32>
    %swap3A_2697 = vector.shape_cast %swap3A_2696 : vector<1x1x1024xf32> to vector<1x1024xf32>
    %swap3A_2698 = vector.shape_cast %broadcast_in_dim3A_2692 : vector<1x1024xf32> to vector<1x1x1024xf32>
    tpu.vector_store %arg10[%swap3A_2693, %swap3A_2694, %swap3A_2695], %swap3A_2698 {strides = array<i32>} : memref<4x1x2048xf32, #tpu.memory_space<vmem>>, vector<1x1x1024xf32>,
    %reduce_sum3A_2699 = arith.constant dense<0.000000e+00> : vector<1024xf32>
    %reduce_sum3A_2700 = vector.multi_reduction <add>, %slice3A_2689, %reduce_sum3A_2699 [0] : vector<200x1024xf32> to vector<1024xf32>
    %broadcast_in_dim3A_2701 = vector.shape_cast %reduce_sum3A_2700 : vector<1024xf32> to vector<1x1024xf32>
    %div3A_2702 = arith.constant 2.000000e+02 : f32
    %div3A_2703 = vector.broadcast %div3A_2702 : f32 to vector<1x1024xf32>
    %div3A_2704 = arith.divf %broadcast_in_dim3A_2701, %div3A_2703 : vector<1x1024xf32>
    %swap3A_2705 = arith.constant 1 : index
    %swap3A_2706 = arith.constant 0 : index
    %swap3A_2707 = arith.constant 1024 : index
    %swap3A_2708 = vector.load %arg10[%swap3A_2705, %swap3A_2706, %swap3A_2707] : memref<4x1x2048xf32, #tpu.memory_space<vmem>>, vector<1x1x1024xf32>
    %swap3A_2709 = vector.shape_cast %swap3A_2708 : vector<1x1x1024xf32> to vector<1x1024xf32>
    %swap3A_2710 = vector.shape_cast %div3A_2704 : vector<1x1024xf32> to vector<1x1x1024xf32>
    tpu.vector_store %arg10[%swap3A_2705, %swap3A_2706, %swap3A_2707], %swap3A_2710 {strides = array<i32>} : memref<4x1x2048xf32, #tpu.memory_space<vmem>>, vector<1x1x1024xf32>,
    %slice3A_2711 = vector.extract_strided_slice %select_n3A_2668 {offsets = [400, 0], sizes = [200, 1024], strides = [1, 1]} : vector<800x1024xf32> to vector<200x1024xf32>
    %reduce_max3A_2712 = arith.constant dense<0xFF800000> : vector<1024xf32>
    %reduce_max3A_2713 = vector.multi_reduction <maximumf>, %slice3A_2711, %reduce_max3A_2712 [0] : vector<200x1024xf32> to vector<1024xf32>
    %broadcast_in_dim3A_2714 = vector.shape_cast %reduce_max3A_2713 : vector<1024xf32> to vector<1x1024xf32>
    %swap3A_2715 = arith.constant 2 : index
    %swap3A_2716 = arith.constant 0 : index
    %swap3A_2717 = arith.constant 0 : index
    %swap3A_2718 = vector.load %arg10[%swap3A_2715, %swap3A_2716, %swap3A_2717] : memref<4x1x2048xf32, #tpu.memory_space<vmem>>, vector<1x1x1024xf32>
    %swap3A_2719 = vector.shape_cast %swap3A_2718 : vector<1x1x1024xf32> to vector<1x1024xf32>
    %swap3A_2720 = vector.shape_cast %broadcast_in_dim3A_2714 : vector<1x1024xf32> to vector<1x1x1024xf32>
    tpu.vector_store %arg10[%swap3A_2715, %swap3A_2716, %swap3A_2717], %swap3A_2720 {strides = array<i32>} : memref<4x1x2048xf32, #tpu.memory_space<vmem>>, vector<1x1x1024xf32>,
    %reduce_sum3A_2721 = arith.constant dense<0.000000e+00> : vector<1024xf32>
    %reduce_sum3A_2722 = vector.multi_reduction <add>, %slice3A_2711, %reduce_sum3A_2721 [0] : vector<200x1024xf32> to vector<1024xf32>
    %broadcast_in_dim3A_2723 = vector.shape_cast %reduce_sum3A_2722 : vector<1024xf32> to vector<1x1024xf32>
    %div3A_2724 = arith.constant 2.000000e+02 : f32
    %div3A_2725 = vector.broadcast %div3A_2724 : f32 to vector<1x1024xf32>
    %div3A_2726 = arith.divf %broadcast_in_dim3A_2723, %div3A_2725 : vector<1x1024xf32>
    %swap3A_2727 = arith.constant 2 : index
    %swap3A_2728 = arith.constant 0 : index
    %swap3A_2729 = arith.constant 1024 : index
    %swap3A_2730 = vector.load %arg10[%swap3A_2727, %swap3A_2728, %swap3A_2729] : memref<4x1x2048xf32, #tpu.memory_space<vmem>>, vector<1x1x1024xf32>
    %swap3A_2731 = vector.shape_cast %swap3A_2730 : vector<1x1x1024xf32> to vector<1x1024xf32>
    %swap3A_2732 = vector.shape_cast %div3A_2726 : vector<1x1024xf32> to vector<1x1x1024xf32>
    tpu.vector_store %arg10[%swap3A_2727, %swap3A_2728, %swap3A_2729], %swap3A_2732 {strides = array<i32>} : memref<4x1x2048xf32, #tpu.memory_space<vmem>>, vector<1x1x1024xf32>,
    %slice3A_2733 = vector.extract_strided_slice %select_n3A_2668 {offsets = [600, 0], sizes = [200, 1024], strides = [1, 1]} : vector<800x1024xf32> to vector<200x1024xf32>
    %reduce_max3A_2734 = arith.constant dense<0xFF800000> : vector<1024xf32>
    %reduce_max3A_2735 = vector.multi_reduction <maximumf>, %slice3A_2733, %reduce_max3A_2734 [0] : vector<200x1024xf32> to vector<1024xf32>
    %broadcast_in_dim3A_2736 = vector.shape_cast %reduce_max3A_2735 : vector<1024xf32> to vector<1x1024xf32>
    %swap3A_2737 = arith.constant 3 : index
    %swap3A_2738 = arith.constant 0 : index
    %swap3A_2739 = arith.constant 0 : index
    %swap3A_2740 = vector.load %arg10[%swap3A_2737, %swap3A_2738, %swap3A_2739] : memref<4x1x2048xf32, #tpu.memory_space<vmem>>, vector<1x1x1024xf32>
    %swap3A_2741 = vector.shape_cast %swap3A_2740 : vector<1x1x1024xf32> to vector<1x1024xf32>
    %swap3A_2742 = vector.shape_cast %broadcast_in_dim3A_2736 : vector<1x1024xf32> to vector<1x1x1024xf32>
    tpu.vector_store %arg10[%swap3A_2737, %swap3A_2738, %swap3A_2739], %swap3A_2742 {strides = array<i32>} : memref<4x1x2048xf32, #tpu.memory_space<vmem>>, vector<1x1x1024xf32>,
    %reduce_sum3A_2743 = arith.constant dense<0.000000e+00> : vector<1024xf32>
    %reduce_sum3A_2744 = vector.multi_reduction <add>, %slice3A_2733, %reduce_sum3A_2743 [0] : vector<200x1024xf32> to vector<1024xf32>
    %broadcast_in_dim3A_2745 = vector.shape_cast %reduce_sum3A_2744 : vector<1024xf32> to vector<1x1024xf32>
    %div3A_2746 = arith.constant 2.000000e+02 : f32
    %div3A_2747 = vector.broadcast %div3A_2746 : f32 to vector<1x1024xf32>
    %div3A_2748 = arith.divf %broadcast_in_dim3A_2745, %div3A_2747 : vector<1x1024xf32>
    %swap3A_2749 = arith.constant 3 : index
    %swap3A_2750 = arith.constant 0 : index
    %swap3A_2751 = arith.constant 1024 : index
    %swap3A_2752 = vector.load %arg10[%swap3A_2749, %swap3A_2750, %swap3A_2751] : memref<4x1x2048xf32, #tpu.memory_space<vmem>>, vector<1x1x1024xf32>
    %swap3A_2753 = vector.shape_cast %swap3A_2752 : vector<1x1x1024xf32> to vector<1x1024xf32>
    %swap3A_2754 = vector.shape_cast %div3A_2748 : vector<1x1024xf32> to vector<1x1x1024xf32>
    tpu.vector_store %arg10[%swap3A_2749, %swap3A_2750, %swap3A_2751], %swap3A_2754 {strides = array<i32>} : memref<4x1x2048xf32, #tpu.memory_space<vmem>>, vector<1x1x1024xf32>,
    return
  }
  func.func @transform_0(%arg0: i32) -> (i32, i32, i32) {
    %c0_i32 = arith.constant 0 : i32
    %c0_i32_0 = arith.constant 0 : i32
    %c0_i32_1 = arith.constant 0 : i32
    return %arg0, %c0_i32, %c0_i32_0 : i32, i32, i32
  }
  func.func @transform_1(%arg0: i32) -> (i32, i32) {
    %c0_i32 = arith.constant 0 : i32
    %c0_i32_0 = arith.constant 0 : i32
    %c0_i32_1 = arith.constant 0 : i32
    return %c0_i32, %c0_i32_0 : i32, i32
  }
  func.func @transform_2(%arg0: i32) -> (i32, i32) {
    %c0_i32 = arith.constant 0 : i32
    %c0_i32_0 = arith.constant 0 : i32
    %c0_i32_1 = arith.constant 0 : i32
    return %c0_i32, %c0_i32_0 : i32, i32
  }
  func.func @transform_3(%arg0: i32) -> (i32, i32) {
    %c0_i32 = arith.constant 0 : i32
    %c0_i32_0 = arith.constant 0 : i32
    %c0_i32_1 = arith.constant 0 : i32
    return %c0_i32, %c0_i32_0 : i32, i32
  }
  func.func @transform_4(%arg0: i32) -> (i32, i32) {
    %c0_i32 = arith.constant 0 : i32
    %c0_i32_0 = arith.constant 0 : i32
    %c0_i32_1 = arith.constant 0 : i32
    return %c0_i32, %c0_i32_0 : i32, i32
  }
  func.func @transform_5(%arg0: i32) -> (i32, i32) {
    %c0_i32 = arith.constant 0 : i32
    %c0_i32_0 = arith.constant 0 : i32
    %c0_i32_1 = arith.constant 0 : i32
    return %c0_i32, %c0_i32_0 : i32, i32
  }
  func.func @transform_6(%arg0: i32) -> (i32, i32) {
    %c0_i32 = arith.constant 0 : i32
    %c0_i32_0 = arith.constant 0 : i32
    %c0_i32_1 = arith.constant 0 : i32
    return %c0_i32, %c0_i32_0 : i32, i32
  }
  func.func @transform_7(%arg0: i32) -> (i32, i32) {
    %c0_i32 = arith.constant 0 : i32
    %c0_i32_0 = arith.constant 0 : i32
    %c0_i32_1 = arith.constant 0 : i32
    return %c0_i32, %c0_i32_0 : i32, i32
  }
  func.func @transform_8(%arg0: i32) -> (i32, i32) {
    %c0_i32 = arith.constant 0 : i32
    %c0_i32_0 = arith.constant 0 : i32
    %c0_i32_1 = arith.constant 0 : i32
    return %c0_i32, %c0_i32_0 : i32, i32
  }
  func.func @transform_9(%arg0: i32) -> (i32, i32, i32) {
    %c0_i32 = arith.constant 0 : i32
    %c0_i32_0 = arith.constant 0 : i32
    %c0_i32_1 = arith.constant 0 : i32
    return %arg0, %c0_i32, %c0_i32_0 : i32, i32, i32
  }
}

module attributes {stable_mosaic.version = 14 : i64} {
  func.func @_linear_kernel(%arg0: i32, %arg1: memref<32x1024xf32, #tpu.memory_space<vmem>>, %arg2: memref<1024x1024xf32, #tpu.memory_space<vmem>>, %arg3: memref<32x1024xf32, #tpu.memory_space<vmem>>) attributes {dimension_semantics = [#tpu.dimension_semantics<arbitrary>], iteration_bounds = array<i64: 2>, scalar_prefetch = 0 : i64, scratch_operands = 0 : i64, tpu.core_type = #tpu.core_type<tc>, window_params = [{transform_indices = @transform_0, window_bounds = array<i64: 32, 1024>}, {transform_indices = @transform_1, window_bounds = array<i64: 1024, 1024>}, {pipeline_mode = #tpu.pipeline_mode<synchronous>, transform_indices = @transform_2, window_bounds = array<i64: 32, 1024>}]} {
    %eq3A = arith.constant 0 : i32
    %eq3A_0 = arith.cmpi eq, %arg0, %eq3A : i32
    %convert_element_type3A = arith.extui %eq3A_0 : i1 to i32
    %cond3A = arith.constant 0 : i32
    %cond3A_1 = arith.cmpi ne, %convert_element_type3A, %cond3A : i32
    scf.if %cond3A_1 {
      %broadcast_in_dim3A = arith.constant 0.000000e+00 : f32
      %broadcast_in_dim3A_18 = vector.broadcast %broadcast_in_dim3A : f32 to vector<32x1024xf32>
      %swap3A_19 = arith.constant 0 : index
      %swap3A_20 = arith.constant 0 : index
      %swap3A_21 = vector.load %arg3[%swap3A_19, %swap3A_20] : memref<32x1024xf32, #tpu.memory_space<vmem>>, vector<32x1024xf32>
      tpu.vector_store %arg3[%swap3A_19, %swap3A_20], %broadcast_in_dim3A_18 {strides = array<i32>} : memref<32x1024xf32, #tpu.memory_space<vmem>>, vector<32x1024xf32>,
    } else {
    }
    %get3A = arith.constant 0 : index
    %get3A_2 = arith.constant 0 : index
    %get3A_3 = vector.load %arg3[%get3A, %get3A_2] : memref<32x1024xf32, #tpu.memory_space<vmem>>, vector<32x1024xf32>
    %get3A_4 = arith.constant 0 : index
    %get3A_5 = arith.constant 0 : index
    %get3A_6 = vector.load %arg1[%get3A_4, %get3A_5] : memref<32x1024xf32, #tpu.memory_space<vmem>>, vector<32x1024xf32>
    %get3A_7 = arith.constant 0 : index
    %get3A_8 = arith.constant 0 : index
    %get3A_9 = vector.load %arg2[%get3A_7, %get3A_8] : memref<1024x1024xf32, #tpu.memory_space<vmem>>, vector<1024x1024xf32>
    %dot_general3A = arith.constant dense<0.000000e+00> : vector<32x1024xf32>
    %dot_general3A_10 = tpu.matmul %get3A_6, %get3A_9, %dot_general3A {dimension_numbers = #tpu.dot_dimension_numbers<[1], [1], [0], [0], [0, 0, 1, 0], [], []>, transpose_lhs_hint = false} : vector<32x1024xf32>, vector<1024x1024xf32>, vector<32x1024xf32> -> vector<32x1024xf32>
    %add3A = arith.addf %get3A_3, %dot_general3A_10 : vector<32x1024xf32>
    %swap3A = arith.constant 0 : index
    %swap3A_11 = arith.constant 0 : index
    %swap3A_12 = vector.load %arg3[%swap3A, %swap3A_11] : memref<32x1024xf32, #tpu.memory_space<vmem>>, vector<32x1024xf32>
    tpu.vector_store %arg3[%swap3A, %swap3A_11], %add3A {strides = array<i32>} : memref<32x1024xf32, #tpu.memory_space<vmem>>, vector<32x1024xf32>,
    %eq3A_13 = arith.constant 1 : i32
    %eq3A_14 = arith.cmpi eq, %arg0, %eq3A_13 : i32
    %convert_element_type3A_15 = arith.extui %eq3A_14 : i1 to i32
    %cond3A_16 = arith.constant 0 : i32
    %cond3A_17 = arith.cmpi ne, %convert_element_type3A_15, %cond3A_16 : i32
    scf.if %cond3A_17 {
      %get3A_18 = arith.constant 0 : index
      %get3A_19 = arith.constant 0 : index
      %get3A_20 = vector.load %arg3[%get3A_18, %get3A_19] : memref<32x1024xf32, #tpu.memory_space<vmem>>, vector<32x1024xf32>
      %mul3A = arith.constant 0.999994993 : f32
      %mul3A_21 = vector.broadcast %mul3A : f32 to vector<32x1024xf32>
      %mul3A_22 = arith.mulf %mul3A_21, %get3A_20 : vector<32x1024xf32>
      %ge3A = arith.constant 0.000000e+00 : f32
      %ge3A_23 = vector.broadcast %ge3A : f32 to vector<32x1024xf32>
      %ge3A_24 = arith.cmpf oge, %mul3A_22, %ge3A_23 : vector<32x1024xf32>
      %mul3A_25 = arith.constant 2.000000e-01 : f32
      %mul3A_26 = vector.broadcast %mul3A_25 : f32 to vector<32x1024xf32>
      %mul3A_27 = arith.mulf %mul3A_26, %mul3A_22 : vector<32x1024xf32>
      %select_n3A = arith.select %ge3A_24, %mul3A_22, %mul3A_27 : vector<32x1024xi1>, vector<32x1024xf32>
      %swap3A_28 = arith.constant 0 : index
      %swap3A_29 = arith.constant 0 : index
      %swap3A_30 = vector.load %arg3[%swap3A_28, %swap3A_29] : memref<32x1024xf32, #tpu.memory_space<vmem>>, vector<32x1024xf32>
      tpu.vector_store %arg3[%swap3A_28, %swap3A_29], %select_n3A {strides = array<i32>} : memref<32x1024xf32, #tpu.memory_space<vmem>>, vector<32x1024xf32>,
    } else {
    }
    return
  }
  func.func @transform_0(%arg0: i32) -> (i32, i32) {
    %c0_i32 = arith.constant 0 : i32
    %c0_i32_0 = arith.constant 0 : i32
    return %c0_i32, %arg0 : i32, i32
  }
  func.func @transform_1(%arg0: i32) -> (i32, i32) {
    %c0_i32 = arith.constant 0 : i32
    %c0_i32_0 = arith.constant 0 : i32
    return %c0_i32, %arg0 : i32, i32
  }
  func.func @transform_2(%arg0: i32) -> (i32, i32) {
    %c0_i32 = arith.constant 0 : i32
    %c0_i32_0 = arith.constant 0 : i32
    %c0_i32_1 = arith.constant 0 : i32
    return %c0_i32, %c0_i32_0 : i32, i32
  }
}

module attributes {stable_mosaic.version = 14 : i64} {
  func.func @_linear_kernel(%arg0: i32, %arg1: memref<32x1025xf32, #tpu.memory_space<vmem>>, %arg2: memref<1024x1025xf32, #tpu.memory_space<vmem>>, %arg3: memref<32x1024xf32, #tpu.memory_space<vmem>>) attributes {dimension_semantics = [#tpu.dimension_semantics<arbitrary>], iteration_bounds = array<i64: 1>, scalar_prefetch = 0 : i64, scratch_operands = 0 : i64, tpu.core_type = #tpu.core_type<tc>, window_params = [{transform_indices = @transform_0, window_bounds = array<i64: 32, 1025>}, {transform_indices = @transform_1, window_bounds = array<i64: 1024, 1025>}, {pipeline_mode = #tpu.pipeline_mode<synchronous>, transform_indices = @transform_2, window_bounds = array<i64: 32, 1024>}]} {
    %eq3A = arith.constant 0 : i32
    %eq3A_0 = arith.cmpi eq, %arg0, %eq3A : i32
    %convert_element_type3A = arith.extui %eq3A_0 : i1 to i32
    %cond3A = arith.constant 0 : i32
    %cond3A_1 = arith.cmpi ne, %convert_element_type3A, %cond3A : i32
    scf.if %cond3A_1 {
      %broadcast_in_dim3A = arith.constant 0.000000e+00 : f32
      %broadcast_in_dim3A_18 = vector.broadcast %broadcast_in_dim3A : f32 to vector<32x1024xf32>
      %swap3A_19 = arith.constant 0 : index
      %swap3A_20 = arith.constant 0 : index
      %swap3A_21 = vector.load %arg3[%swap3A_19, %swap3A_20] : memref<32x1024xf32, #tpu.memory_space<vmem>>, vector<32x1024xf32>
      tpu.vector_store %arg3[%swap3A_19, %swap3A_20], %broadcast_in_dim3A_18 {strides = array<i32>} : memref<32x1024xf32, #tpu.memory_space<vmem>>, vector<32x1024xf32>,
    } else {
    }
    %get3A = arith.constant 0 : index
    %get3A_2 = arith.constant 0 : index
    %get3A_3 = vector.load %arg3[%get3A, %get3A_2] : memref<32x1024xf32, #tpu.memory_space<vmem>>, vector<32x1024xf32>
    %get3A_4 = arith.constant 0 : index
    %get3A_5 = arith.constant 0 : index
    %get3A_6 = vector.load %arg1[%get3A_4, %get3A_5] : memref<32x1025xf32, #tpu.memory_space<vmem>>, vector<32x1025xf32>
    %get3A_7 = arith.constant 0 : index
    %get3A_8 = arith.constant 0 : index
    %get3A_9 = vector.load %arg2[%get3A_7, %get3A_8] : memref<1024x1025xf32, #tpu.memory_space<vmem>>, vector<1024x1025xf32>
    %dot_general3A = arith.constant dense<0.000000e+00> : vector<32x1024xf32>
    %dot_general3A_10 = tpu.matmul %get3A_6, %get3A_9, %dot_general3A {dimension_numbers = #tpu.dot_dimension_numbers<[1], [1], [0], [0], [0, 0, 1, 0], [], []>, transpose_lhs_hint = false} : vector<32x1025xf32>, vector<1024x1025xf32>, vector<32x1024xf32> -> vector<32x1024xf32>
    %add3A = arith.addf %get3A_3, %dot_general3A_10 : vector<32x1024xf32>
    %swap3A = arith.constant 0 : index
    %swap3A_11 = arith.constant 0 : index
    %swap3A_12 = vector.load %arg3[%swap3A, %swap3A_11] : memref<32x1024xf32, #tpu.memory_space<vmem>>, vector<32x1024xf32>
    tpu.vector_store %arg3[%swap3A, %swap3A_11], %add3A {strides = array<i32>} : memref<32x1024xf32, #tpu.memory_space<vmem>>, vector<32x1024xf32>,
    %eq3A_13 = arith.constant 0 : i32
    %eq3A_14 = arith.cmpi eq, %arg0, %eq3A_13 : i32
    %convert_element_type3A_15 = arith.extui %eq3A_14 : i1 to i32
    %cond3A_16 = arith.constant 0 : i32
    %cond3A_17 = arith.cmpi ne, %convert_element_type3A_15, %cond3A_16 : i32
    scf.if %cond3A_17 {
      %get3A_18 = arith.constant 0 : index
      %get3A_19 = arith.constant 0 : index
      %get3A_20 = vector.load %arg3[%get3A_18, %get3A_19] : memref<32x1024xf32, #tpu.memory_space<vmem>>, vector<32x1024xf32>
      %reduce_sum3A = arith.constant dense<0.000000e+00> : vector<32xf32>
      %reduce_sum3A_21 = vector.multi_reduction <add>, %get3A_20, %reduce_sum3A [1] : vector<32x1024xf32> to vector<32xf32>
      %broadcast_in_dim3A = vector.shape_cast %reduce_sum3A_21 : vector<32xf32> to vector<32x1xf32>
      %div3A = arith.constant 1.024000e+03 : f32
      %div3A_22 = vector.broadcast %div3A : f32 to vector<32x1xf32>
      %div3A_23 = arith.divf %broadcast_in_dim3A, %div3A_22 : vector<32x1xf32>
      %sub3A = vector.broadcast %div3A_23 : vector<32x1xf32> to vector<32x1024xf32>
      %sub3A_24 = arith.subf %get3A_20, %sub3A : vector<32x1024xf32>
      %integer_pow3A = arith.mulf %sub3A_24, %sub3A_24 : vector<32x1024xf32>
      %reduce_sum3A_25 = arith.constant dense<0.000000e+00> : vector<32xf32>
      %reduce_sum3A_26 = vector.multi_reduction <add>, %integer_pow3A, %reduce_sum3A_25 [1] : vector<32x1024xf32> to vector<32xf32>
      %broadcast_in_dim3A_27 = vector.shape_cast %reduce_sum3A_26 : vector<32xf32> to vector<32x1xf32>
      %div3A_28 = arith.constant 1.024000e+03 : f32
      %div3A_29 = vector.broadcast %div3A_28 : f32 to vector<32x1xf32>
      %div3A_30 = arith.divf %broadcast_in_dim3A_27, %div3A_29 : vector<32x1xf32>
      %sub3A_31 = vector.broadcast %div3A_23 : vector<32x1xf32> to vector<32x1024xf32>
      %sub3A_32 = arith.subf %get3A_20, %sub3A_31 : vector<32x1024xf32>
      %add3A_33 = arith.constant 9.99999974E-6 : f32
      %add3A_34 = vector.broadcast %add3A_33 : f32 to vector<32x1xf32>
      %add3A_35 = arith.addf %div3A_30, %add3A_34 : vector<32x1xf32>
      %sqrt3A = math.sqrt %add3A_35 : vector<32x1xf32>
      %div3A_36 = vector.broadcast %sqrt3A : vector<32x1xf32> to vector<32x1024xf32>
      %div3A_37 = arith.divf %sub3A_32, %div3A_36 : vector<32x1024xf32>
      %ge3A = arith.constant 0.000000e+00 : f32
      %ge3A_38 = vector.broadcast %ge3A : f32 to vector<32x1024xf32>
      %ge3A_39 = arith.cmpf oge, %div3A_37, %ge3A_38 : vector<32x1024xf32>
      %mul3A = arith.constant 2.000000e-01 : f32
      %mul3A_40 = vector.broadcast %mul3A : f32 to vector<32x1024xf32>
      %mul3A_41 = arith.mulf %mul3A_40, %div3A_37 : vector<32x1024xf32>
      %select_n3A = arith.select %ge3A_39, %div3A_37, %mul3A_41 : vector<32x1024xi1>, vector<32x1024xf32>
      %swap3A_42 = arith.constant 0 : index
      %swap3A_43 = arith.constant 0 : index
      %swap3A_44 = vector.load %arg3[%swap3A_42, %swap3A_43] : memref<32x1024xf32, #tpu.memory_space<vmem>>, vector<32x1024xf32>
      tpu.vector_store %arg3[%swap3A_42, %swap3A_43], %select_n3A {strides = array<i32>} : memref<32x1024xf32, #tpu.memory_space<vmem>>, vector<32x1024xf32>,
    } else {
    }
    return
  }
  func.func @transform_0(%arg0: i32) -> (i32, i32) {
    %c0_i32 = arith.constant 0 : i32
    %c0_i32_0 = arith.constant 0 : i32
    return %c0_i32, %arg0 : i32, i32
  }
  func.func @transform_1(%arg0: i32) -> (i32, i32) {
    %c0_i32 = arith.constant 0 : i32
    %c0_i32_0 = arith.constant 0 : i32
    return %c0_i32, %arg0 : i32, i32
  }
  func.func @transform_2(%arg0: i32) -> (i32, i32) {
    %c0_i32 = arith.constant 0 : i32
    %c0_i32_0 = arith.constant 0 : i32
    %c0_i32_1 = arith.constant 0 : i32
    return %c0_i32, %c0_i32_0 : i32, i32
  }
}

module attributes {stable_mosaic.version = 14 : i64} {
  func.func @_linear_kernel(%arg0: i32, %arg1: memref<32x1024xf32, #tpu.memory_space<vmem>>, %arg2: memref<1024x1024xf32, #tpu.memory_space<vmem>>, %arg3: memref<32x1024xf32, #tpu.memory_space<vmem>>) attributes {dimension_semantics = [#tpu.dimension_semantics<arbitrary>], iteration_bounds = array<i64: 1>, scalar_prefetch = 0 : i64, scratch_operands = 0 : i64, tpu.core_type = #tpu.core_type<tc>, window_params = [{transform_indices = @transform_0, window_bounds = array<i64: 32, 1024>}, {transform_indices = @transform_1, window_bounds = array<i64: 1024, 1024>}, {pipeline_mode = #tpu.pipeline_mode<synchronous>, transform_indices = @transform_2, window_bounds = array<i64: 32, 1024>}]} {
    %eq3A = arith.constant 0 : i32
    %eq3A_0 = arith.cmpi eq, %arg0, %eq3A : i32
    %convert_element_type3A = arith.extui %eq3A_0 : i1 to i32
    %cond3A = arith.constant 0 : i32
    %cond3A_1 = arith.cmpi ne, %convert_element_type3A, %cond3A : i32
    scf.if %cond3A_1 {
      %broadcast_in_dim3A = arith.constant 0.000000e+00 : f32
      %broadcast_in_dim3A_18 = vector.broadcast %broadcast_in_dim3A : f32 to vector<32x1024xf32>
      %swap3A_19 = arith.constant 0 : index
      %swap3A_20 = arith.constant 0 : index
      %swap3A_21 = vector.load %arg3[%swap3A_19, %swap3A_20] : memref<32x1024xf32, #tpu.memory_space<vmem>>, vector<32x1024xf32>
      tpu.vector_store %arg3[%swap3A_19, %swap3A_20], %broadcast_in_dim3A_18 {strides = array<i32>} : memref<32x1024xf32, #tpu.memory_space<vmem>>, vector<32x1024xf32>,
    } else {
    }
    %get3A = arith.constant 0 : index
    %get3A_2 = arith.constant 0 : index
    %get3A_3 = vector.load %arg3[%get3A, %get3A_2] : memref<32x1024xf32, #tpu.memory_space<vmem>>, vector<32x1024xf32>
    %get3A_4 = arith.constant 0 : index
    %get3A_5 = arith.constant 0 : index
    %get3A_6 = vector.load %arg1[%get3A_4, %get3A_5] : memref<32x1024xf32, #tpu.memory_space<vmem>>, vector<32x1024xf32>
    %get3A_7 = arith.constant 0 : index
    %get3A_8 = arith.constant 0 : index
    %get3A_9 = vector.load %arg2[%get3A_7, %get3A_8] : memref<1024x1024xf32, #tpu.memory_space<vmem>>, vector<1024x1024xf32>
    %dot_general3A = arith.constant dense<0.000000e+00> : vector<32x1024xf32>
    %dot_general3A_10 = tpu.matmul %get3A_6, %get3A_9, %dot_general3A {dimension_numbers = #tpu.dot_dimension_numbers<[1], [1], [0], [0], [0, 0, 1, 0], [], []>, transpose_lhs_hint = false} : vector<32x1024xf32>, vector<1024x1024xf32>, vector<32x1024xf32> -> vector<32x1024xf32>
    %add3A = arith.addf %get3A_3, %dot_general3A_10 : vector<32x1024xf32>
    %swap3A = arith.constant 0 : index
    %swap3A_11 = arith.constant 0 : index
    %swap3A_12 = vector.load %arg3[%swap3A, %swap3A_11] : memref<32x1024xf32, #tpu.memory_space<vmem>>, vector<32x1024xf32>
    tpu.vector_store %arg3[%swap3A, %swap3A_11], %add3A {strides = array<i32>} : memref<32x1024xf32, #tpu.memory_space<vmem>>, vector<32x1024xf32>,
    %eq3A_13 = arith.constant 0 : i32
    %eq3A_14 = arith.cmpi eq, %arg0, %eq3A_13 : i32
    %convert_element_type3A_15 = arith.extui %eq3A_14 : i1 to i32
    %cond3A_16 = arith.constant 0 : i32
    %cond3A_17 = arith.cmpi ne, %convert_element_type3A_15, %cond3A_16 : i32
    scf.if %cond3A_17 {
      %get3A_18 = arith.constant 0 : index
      %get3A_19 = arith.constant 0 : index
      %get3A_20 = vector.load %arg3[%get3A_18, %get3A_19] : memref<32x1024xf32, #tpu.memory_space<vmem>>, vector<32x1024xf32>
      %reduce_sum3A = arith.constant dense<0.000000e+00> : vector<32xf32>
      %reduce_sum3A_21 = vector.multi_reduction <add>, %get3A_20, %reduce_sum3A [1] : vector<32x1024xf32> to vector<32xf32>
      %broadcast_in_dim3A = vector.shape_cast %reduce_sum3A_21 : vector<32xf32> to vector<32x1xf32>
      %div3A = arith.constant 1.024000e+03 : f32
      %div3A_22 = vector.broadcast %div3A : f32 to vector<32x1xf32>
      %div3A_23 = arith.divf %broadcast_in_dim3A, %div3A_22 : vector<32x1xf32>
      %sub3A = vector.broadcast %div3A_23 : vector<32x1xf32> to vector<32x1024xf32>
      %sub3A_24 = arith.subf %get3A_20, %sub3A : vector<32x1024xf32>
      %integer_pow3A = arith.mulf %sub3A_24, %sub3A_24 : vector<32x1024xf32>
      %reduce_sum3A_25 = arith.constant dense<0.000000e+00> : vector<32xf32>
      %reduce_sum3A_26 = vector.multi_reduction <add>, %integer_pow3A, %reduce_sum3A_25 [1] : vector<32x1024xf32> to vector<32xf32>
      %broadcast_in_dim3A_27 = vector.shape_cast %reduce_sum3A_26 : vector<32xf32> to vector<32x1xf32>
      %div3A_28 = arith.constant 1.024000e+03 : f32
      %div3A_29 = vector.broadcast %div3A_28 : f32 to vector<32x1xf32>
      %div3A_30 = arith.divf %broadcast_in_dim3A_27, %div3A_29 : vector<32x1xf32>
      %sub3A_31 = vector.broadcast %div3A_23 : vector<32x1xf32> to vector<32x1024xf32>
      %sub3A_32 = arith.subf %get3A_20, %sub3A_31 : vector<32x1024xf32>
      %add3A_33 = arith.constant 9.99999974E-6 : f32
      %add3A_34 = vector.broadcast %add3A_33 : f32 to vector<32x1xf32>
      %add3A_35 = arith.addf %div3A_30, %add3A_34 : vector<32x1xf32>
      %sqrt3A = math.sqrt %add3A_35 : vector<32x1xf32>
      %div3A_36 = vector.broadcast %sqrt3A : vector<32x1xf32> to vector<32x1024xf32>
      %div3A_37 = arith.divf %sub3A_32, %div3A_36 : vector<32x1024xf32>
      %ge3A = arith.constant 0.000000e+00 : f32
      %ge3A_38 = vector.broadcast %ge3A : f32 to vector<32x1024xf32>
      %ge3A_39 = arith.cmpf oge, %div3A_37, %ge3A_38 : vector<32x1024xf32>
      %mul3A = arith.constant 2.000000e-01 : f32
      %mul3A_40 = vector.broadcast %mul3A : f32 to vector<32x1024xf32>
      %mul3A_41 = arith.mulf %mul3A_40, %div3A_37 : vector<32x1024xf32>
      %select_n3A = arith.select %ge3A_39, %div3A_37, %mul3A_41 : vector<32x1024xi1>, vector<32x1024xf32>
      %swap3A_42 = arith.constant 0 : index
      %swap3A_43 = arith.constant 0 : index
      %swap3A_44 = vector.load %arg3[%swap3A_42, %swap3A_43] : memref<32x1024xf32, #tpu.memory_space<vmem>>, vector<32x1024xf32>
      tpu.vector_store %arg3[%swap3A_42, %swap3A_43], %select_n3A {strides = array<i32>} : memref<32x1024xf32, #tpu.memory_space<vmem>>, vector<32x1024xf32>,
    } else {
    }
    return
  }
  func.func @transform_0(%arg0: i32) -> (i32, i32) {
    %c0_i32 = arith.constant 0 : i32
    %c0_i32_0 = arith.constant 0 : i32
    return %c0_i32, %arg0 : i32, i32
  }
  func.func @transform_1(%arg0: i32) -> (i32, i32) {
    %c0_i32 = arith.constant 0 : i32
    %c0_i32_0 = arith.constant 0 : i32
    return %c0_i32, %arg0 : i32, i32
  }
  func.func @transform_2(%arg0: i32) -> (i32, i32) {
    %c0_i32 = arith.constant 0 : i32
    %c0_i32_0 = arith.constant 0 : i32
    %c0_i32_1 = arith.constant 0 : i32
    return %c0_i32, %c0_i32_0 : i32, i32
  }
}

module attributes {stable_mosaic.version = 14 : i64} {
  func.func @_linear_kernel(%arg0: i32, %arg1: memref<32x1024xf32, #tpu.memory_space<vmem>>, %arg2: memref<1024x1024xf32, #tpu.memory_space<vmem>>, %arg3: memref<32x1024xf32, #tpu.memory_space<vmem>>, %arg4: memref<32x1024xf32, #tpu.memory_space<vmem>>) attributes {dimension_semantics = [#tpu.dimension_semantics<arbitrary>], iteration_bounds = array<i64: 1>, scalar_prefetch = 0 : i64, scratch_operands = 0 : i64, tpu.core_type = #tpu.core_type<tc>, window_params = [{transform_indices = @transform_0, window_bounds = array<i64: 32, 1024>}, {transform_indices = @transform_1, window_bounds = array<i64: 1024, 1024>}, {pipeline_mode = #tpu.pipeline_mode<synchronous>, transform_indices = @transform_2, window_bounds = array<i64: 32, 1024>}, {pipeline_mode = #tpu.pipeline_mode<synchronous>, transform_indices = @transform_3, window_bounds = array<i64: 32, 1024>}]} {
    %eq3A = arith.constant 0 : i32
    %eq3A_0 = arith.cmpi eq, %arg0, %eq3A : i32
    %convert_element_type3A = arith.extui %eq3A_0 : i1 to i32
    %cond3A = arith.constant 0 : i32
    %cond3A_1 = arith.cmpi ne, %convert_element_type3A, %cond3A : i32
    scf.if %cond3A_1 {
      %broadcast_in_dim3A = arith.constant 0.000000e+00 : f32
      %broadcast_in_dim3A_18 = vector.broadcast %broadcast_in_dim3A : f32 to vector<32x1024xf32>
      %swap3A_19 = arith.constant 0 : index
      %swap3A_20 = arith.constant 0 : index
      %swap3A_21 = vector.load %arg4[%swap3A_19, %swap3A_20] : memref<32x1024xf32, #tpu.memory_space<vmem>>, vector<32x1024xf32>
      tpu.vector_store %arg4[%swap3A_19, %swap3A_20], %broadcast_in_dim3A_18 {strides = array<i32>} : memref<32x1024xf32, #tpu.memory_space<vmem>>, vector<32x1024xf32>,
    } else {
    }
    %get3A = arith.constant 0 : index
    %get3A_2 = arith.constant 0 : index
    %get3A_3 = vector.load %arg4[%get3A, %get3A_2] : memref<32x1024xf32, #tpu.memory_space<vmem>>, vector<32x1024xf32>
    %get3A_4 = arith.constant 0 : index
    %get3A_5 = arith.constant 0 : index
    %get3A_6 = vector.load %arg1[%get3A_4, %get3A_5] : memref<32x1024xf32, #tpu.memory_space<vmem>>, vector<32x1024xf32>
    %get3A_7 = arith.constant 0 : index
    %get3A_8 = arith.constant 0 : index
    %get3A_9 = vector.load %arg2[%get3A_7, %get3A_8] : memref<1024x1024xf32, #tpu.memory_space<vmem>>, vector<1024x1024xf32>
    %dot_general3A = arith.constant dense<0.000000e+00> : vector<32x1024xf32>
    %dot_general3A_10 = tpu.matmul %get3A_6, %get3A_9, %dot_general3A {dimension_numbers = #tpu.dot_dimension_numbers<[1], [1], [0], [0], [0, 0, 1, 0], [], []>, transpose_lhs_hint = false} : vector<32x1024xf32>, vector<1024x1024xf32>, vector<32x1024xf32> -> vector<32x1024xf32>
    %add3A = arith.addf %get3A_3, %dot_general3A_10 : vector<32x1024xf32>
    %swap3A = arith.constant 0 : index
    %swap3A_11 = arith.constant 0 : index
    %swap3A_12 = vector.load %arg4[%swap3A, %swap3A_11] : memref<32x1024xf32, #tpu.memory_space<vmem>>, vector<32x1024xf32>
    tpu.vector_store %arg4[%swap3A, %swap3A_11], %add3A {strides = array<i32>} : memref<32x1024xf32, #tpu.memory_space<vmem>>, vector<32x1024xf32>,
    %eq3A_13 = arith.constant 0 : i32
    %eq3A_14 = arith.cmpi eq, %arg0, %eq3A_13 : i32
    %convert_element_type3A_15 = arith.extui %eq3A_14 : i1 to i32
    %cond3A_16 = arith.constant 0 : i32
    %cond3A_17 = arith.cmpi ne, %convert_element_type3A_15, %cond3A_16 : i32
    scf.if %cond3A_17 {
      %get3A_18 = arith.constant 0 : index
      %get3A_19 = arith.constant 0 : index
      %get3A_20 = vector.load %arg4[%get3A_18, %get3A_19] : memref<32x1024xf32, #tpu.memory_space<vmem>>, vector<32x1024xf32>
      %reduce_sum3A = arith.constant dense<0.000000e+00> : vector<32xf32>
      %reduce_sum3A_21 = vector.multi_reduction <add>, %get3A_20, %reduce_sum3A [1] : vector<32x1024xf32> to vector<32xf32>
      %broadcast_in_dim3A = vector.shape_cast %reduce_sum3A_21 : vector<32xf32> to vector<32x1xf32>
      %div3A = arith.constant 1.024000e+03 : f32
      %div3A_22 = vector.broadcast %div3A : f32 to vector<32x1xf32>
      %div3A_23 = arith.divf %broadcast_in_dim3A, %div3A_22 : vector<32x1xf32>
      %sub3A = vector.broadcast %div3A_23 : vector<32x1xf32> to vector<32x1024xf32>
      %sub3A_24 = arith.subf %get3A_20, %sub3A : vector<32x1024xf32>
      %integer_pow3A = arith.mulf %sub3A_24, %sub3A_24 : vector<32x1024xf32>
      %reduce_sum3A_25 = arith.constant dense<0.000000e+00> : vector<32xf32>
      %reduce_sum3A_26 = vector.multi_reduction <add>, %integer_pow3A, %reduce_sum3A_25 [1] : vector<32x1024xf32> to vector<32xf32>
      %broadcast_in_dim3A_27 = vector.shape_cast %reduce_sum3A_26 : vector<32xf32> to vector<32x1xf32>
      %div3A_28 = arith.constant 1.024000e+03 : f32
      %div3A_29 = vector.broadcast %div3A_28 : f32 to vector<32x1xf32>
      %div3A_30 = arith.divf %broadcast_in_dim3A_27, %div3A_29 : vector<32x1xf32>
      %sub3A_31 = vector.broadcast %div3A_23 : vector<32x1xf32> to vector<32x1024xf32>
      %sub3A_32 = arith.subf %get3A_20, %sub3A_31 : vector<32x1024xf32>
      %add3A_33 = arith.constant 9.99999974E-6 : f32
      %add3A_34 = vector.broadcast %add3A_33 : f32 to vector<32x1xf32>
      %add3A_35 = arith.addf %div3A_30, %add3A_34 : vector<32x1xf32>
      %sqrt3A = math.sqrt %add3A_35 : vector<32x1xf32>
      %div3A_36 = vector.broadcast %sqrt3A : vector<32x1xf32> to vector<32x1024xf32>
      %div3A_37 = arith.divf %sub3A_32, %div3A_36 : vector<32x1024xf32>
      %get3A_38 = arith.constant 0 : index
      %get3A_39 = arith.constant 0 : index
      %get3A_40 = vector.load %arg3[%get3A_38, %get3A_39] : memref<32x1024xf32, #tpu.memory_space<vmem>>, vector<32x1024xf32>
      %add3A_41 = arith.addf %div3A_37, %get3A_40 : vector<32x1024xf32>
      %ge3A = arith.constant 0.000000e+00 : f32
      %ge3A_42 = vector.broadcast %ge3A : f32 to vector<32x1024xf32>
      %ge3A_43 = arith.cmpf oge, %add3A_41, %ge3A_42 : vector<32x1024xf32>
      %mul3A = arith.constant 2.000000e-01 : f32
      %mul3A_44 = vector.broadcast %mul3A : f32 to vector<32x1024xf32>
      %mul3A_45 = arith.mulf %mul3A_44, %add3A_41 : vector<32x1024xf32>
      %select_n3A = arith.select %ge3A_43, %add3A_41, %mul3A_45 : vector<32x1024xi1>, vector<32x1024xf32>
      %swap3A_46 = arith.constant 0 : index
      %swap3A_47 = arith.constant 0 : index
      %swap3A_48 = vector.load %arg4[%swap3A_46, %swap3A_47] : memref<32x1024xf32, #tpu.memory_space<vmem>>, vector<32x1024xf32>
      tpu.vector_store %arg4[%swap3A_46, %swap3A_47], %select_n3A {strides = array<i32>} : memref<32x1024xf32, #tpu.memory_space<vmem>>, vector<32x1024xf32>,
    } else {
    }
    return
  }
  func.func @transform_0(%arg0: i32) -> (i32, i32) {
    %c0_i32 = arith.constant 0 : i32
    %c0_i32_0 = arith.constant 0 : i32
    return %c0_i32, %arg0 : i32, i32
  }
  func.func @transform_1(%arg0: i32) -> (i32, i32) {
    %c0_i32 = arith.constant 0 : i32
    %c0_i32_0 = arith.constant 0 : i32
    return %c0_i32, %arg0 : i32, i32
  }
  func.func @transform_2(%arg0: i32) -> (i32, i32) {
    %c0_i32 = arith.constant 0 : i32
    %c0_i32_0 = arith.constant 0 : i32
    %c0_i32_1 = arith.constant 0 : i32
    return %c0_i32, %c0_i32_0 : i32, i32
  }
  func.func @transform_3(%arg0: i32) -> (i32, i32) {
    %c0_i32 = arith.constant 0 : i32
    %c0_i32_0 = arith.constant 0 : i32
    %c0_i32_1 = arith.constant 0 : i32
    return %c0_i32, %c0_i32_0 : i32, i32
  }
}

module attributes {stable_mosaic.version = 14 : i64} {
  func.func @_linear_kernel(%arg0: i32, %arg1: memref<32x1024xf32, #tpu.memory_space<vmem>>, %arg2: memref<2048x1024xf32, #tpu.memory_space<vmem>>, %arg3: memref<32x2048xf32, #tpu.memory_space<vmem>>) attributes {dimension_semantics = [#tpu.dimension_semantics<arbitrary>], iteration_bounds = array<i64: 1>, scalar_prefetch = 0 : i64, scratch_operands = 0 : i64, tpu.core_type = #tpu.core_type<tc>, window_params = [{transform_indices = @transform_0, window_bounds = array<i64: 32, 1024>}, {transform_indices = @transform_1, window_bounds = array<i64: 2048, 1024>}, {pipeline_mode = #tpu.pipeline_mode<synchronous>, transform_indices = @transform_2, window_bounds = array<i64: 32, 2048>}]} {
    %eq3A = arith.constant 0 : i32
    %eq3A_0 = arith.cmpi eq, %arg0, %eq3A : i32
    %convert_element_type3A = arith.extui %eq3A_0 : i1 to i32
    %cond3A = arith.constant 0 : i32
    %cond3A_1 = arith.cmpi ne, %convert_element_type3A, %cond3A : i32
    scf.if %cond3A_1 {
      %broadcast_in_dim3A = arith.constant 0.000000e+00 : f32
      %broadcast_in_dim3A_18 = vector.broadcast %broadcast_in_dim3A : f32 to vector<32x2048xf32>
      %swap3A_19 = arith.constant 0 : index
      %swap3A_20 = arith.constant 0 : index
      %swap3A_21 = vector.load %arg3[%swap3A_19, %swap3A_20] : memref<32x2048xf32, #tpu.memory_space<vmem>>, vector<32x2048xf32>
      tpu.vector_store %arg3[%swap3A_19, %swap3A_20], %broadcast_in_dim3A_18 {strides = array<i32>} : memref<32x2048xf32, #tpu.memory_space<vmem>>, vector<32x2048xf32>,
    } else {
    }
    %get3A = arith.constant 0 : index
    %get3A_2 = arith.constant 0 : index
    %get3A_3 = vector.load %arg3[%get3A, %get3A_2] : memref<32x2048xf32, #tpu.memory_space<vmem>>, vector<32x2048xf32>
    %get3A_4 = arith.constant 0 : index
    %get3A_5 = arith.constant 0 : index
    %get3A_6 = vector.load %arg1[%get3A_4, %get3A_5] : memref<32x1024xf32, #tpu.memory_space<vmem>>, vector<32x1024xf32>
    %get3A_7 = arith.constant 0 : index
    %get3A_8 = arith.constant 0 : index
    %get3A_9 = vector.load %arg2[%get3A_7, %get3A_8] : memref<2048x1024xf32, #tpu.memory_space<vmem>>, vector<2048x1024xf32>
    %dot_general3A = arith.constant dense<0.000000e+00> : vector<32x2048xf32>
    %dot_general3A_10 = tpu.matmul %get3A_6, %get3A_9, %dot_general3A {dimension_numbers = #tpu.dot_dimension_numbers<[1], [1], [0], [0], [0, 0, 1, 0], [], []>, transpose_lhs_hint = false} : vector<32x1024xf32>, vector<2048x1024xf32>, vector<32x2048xf32> -> vector<32x2048xf32>
    %add3A = arith.addf %get3A_3, %dot_general3A_10 : vector<32x2048xf32>
    %swap3A = arith.constant 0 : index
    %swap3A_11 = arith.constant 0 : index
    %swap3A_12 = vector.load %arg3[%swap3A, %swap3A_11] : memref<32x2048xf32, #tpu.memory_space<vmem>>, vector<32x2048xf32>
    tpu.vector_store %arg3[%swap3A, %swap3A_11], %add3A {strides = array<i32>} : memref<32x2048xf32, #tpu.memory_space<vmem>>, vector<32x2048xf32>,
    %eq3A_13 = arith.constant 0 : i32
    %eq3A_14 = arith.cmpi eq, %arg0, %eq3A_13 : i32
    %convert_element_type3A_15 = arith.extui %eq3A_14 : i1 to i32
    %cond3A_16 = arith.constant 0 : i32
    %cond3A_17 = arith.cmpi ne, %convert_element_type3A_15, %cond3A_16 : i32
    scf.if %cond3A_17 {
      %get3A_18 = arith.constant 0 : index
      %get3A_19 = arith.constant 0 : index
      %get3A_20 = vector.load %arg3[%get3A_18, %get3A_19] : memref<32x2048xf32, #tpu.memory_space<vmem>>, vector<32x2048xf32>
      %reduce_sum3A = arith.constant dense<0.000000e+00> : vector<32xf32>
      %reduce_sum3A_21 = vector.multi_reduction <add>, %get3A_20, %reduce_sum3A [1] : vector<32x2048xf32> to vector<32xf32>
      %broadcast_in_dim3A = vector.shape_cast %reduce_sum3A_21 : vector<32xf32> to vector<32x1xf32>
      %div3A = arith.constant 2.048000e+03 : f32
      %div3A_22 = vector.broadcast %div3A : f32 to vector<32x1xf32>
      %div3A_23 = arith.divf %broadcast_in_dim3A, %div3A_22 : vector<32x1xf32>
      %sub3A = vector.broadcast %div3A_23 : vector<32x1xf32> to vector<32x2048xf32>
      %sub3A_24 = arith.subf %get3A_20, %sub3A : vector<32x2048xf32>
      %integer_pow3A = arith.mulf %sub3A_24, %sub3A_24 : vector<32x2048xf32>
      %reduce_sum3A_25 = arith.constant dense<0.000000e+00> : vector<32xf32>
      %reduce_sum3A_26 = vector.multi_reduction <add>, %integer_pow3A, %reduce_sum3A_25 [1] : vector<32x2048xf32> to vector<32xf32>
      %broadcast_in_dim3A_27 = vector.shape_cast %reduce_sum3A_26 : vector<32xf32> to vector<32x1xf32>
      %div3A_28 = arith.constant 2.048000e+03 : f32
      %div3A_29 = vector.broadcast %div3A_28 : f32 to vector<32x1xf32>
      %div3A_30 = arith.divf %broadcast_in_dim3A_27, %div3A_29 : vector<32x1xf32>
      %sub3A_31 = vector.broadcast %div3A_23 : vector<32x1xf32> to vector<32x2048xf32>
      %sub3A_32 = arith.subf %get3A_20, %sub3A_31 : vector<32x2048xf32>
      %add3A_33 = arith.constant 9.99999974E-6 : f32
      %add3A_34 = vector.broadcast %add3A_33 : f32 to vector<32x1xf32>
      %add3A_35 = arith.addf %div3A_30, %add3A_34 : vector<32x1xf32>
      %sqrt3A = math.sqrt %add3A_35 : vector<32x1xf32>
      %div3A_36 = vector.broadcast %sqrt3A : vector<32x1xf32> to vector<32x2048xf32>
      %div3A_37 = arith.divf %sub3A_32, %div3A_36 : vector<32x2048xf32>
      %ge3A = arith.constant 0.000000e+00 : f32
      %ge3A_38 = vector.broadcast %ge3A : f32 to vector<32x2048xf32>
      %ge3A_39 = arith.cmpf oge, %div3A_37, %ge3A_38 : vector<32x2048xf32>
      %mul3A = arith.constant 2.000000e-01 : f32
      %mul3A_40 = vector.broadcast %mul3A : f32 to vector<32x2048xf32>
      %mul3A_41 = arith.mulf %mul3A_40, %div3A_37 : vector<32x2048xf32>
      %select_n3A = arith.select %ge3A_39, %div3A_37, %mul3A_41 : vector<32x2048xi1>, vector<32x2048xf32>
      %swap3A_42 = arith.constant 0 : index
      %swap3A_43 = arith.constant 0 : index
      %swap3A_44 = vector.load %arg3[%swap3A_42, %swap3A_43] : memref<32x2048xf32, #tpu.memory_space<vmem>>, vector<32x2048xf32>
      tpu.vector_store %arg3[%swap3A_42, %swap3A_43], %select_n3A {strides = array<i32>} : memref<32x2048xf32, #tpu.memory_space<vmem>>, vector<32x2048xf32>,
    } else {
    }
    return
  }
  func.func @transform_0(%arg0: i32) -> (i32, i32) {
    %c0_i32 = arith.constant 0 : i32
    %c0_i32_0 = arith.constant 0 : i32
    return %c0_i32, %arg0 : i32, i32
  }
  func.func @transform_1(%arg0: i32) -> (i32, i32) {
    %c0_i32 = arith.constant 0 : i32
    %c0_i32_0 = arith.constant 0 : i32
    return %c0_i32, %arg0 : i32, i32
  }
  func.func @transform_2(%arg0: i32) -> (i32, i32) {
    %c0_i32 = arith.constant 0 : i32
    %c0_i32_0 = arith.constant 0 : i32
    %c0_i32_1 = arith.constant 0 : i32
    return %c0_i32, %c0_i32_0 : i32, i32
  }
}

module attributes {stable_mosaic.version = 14 : i64} {
  func.func @_linear_kernel(%arg0: i32, %arg1: memref<32x1024xf32, #tpu.memory_space<vmem>>, %arg2: memref<2048x1024xf32, #tpu.memory_space<vmem>>, %arg3: memref<32x2048xf32, #tpu.memory_space<vmem>>) attributes {dimension_semantics = [#tpu.dimension_semantics<arbitrary>], iteration_bounds = array<i64: 2>, scalar_prefetch = 0 : i64, scratch_operands = 0 : i64, tpu.core_type = #tpu.core_type<tc>, window_params = [{transform_indices = @transform_0, window_bounds = array<i64: 32, 1024>}, {transform_indices = @transform_1, window_bounds = array<i64: 2048, 1024>}, {pipeline_mode = #tpu.pipeline_mode<synchronous>, transform_indices = @transform_2, window_bounds = array<i64: 32, 2048>}]} {
    %eq3A = arith.constant 0 : i32
    %eq3A_0 = arith.cmpi eq, %arg0, %eq3A : i32
    %convert_element_type3A = arith.extui %eq3A_0 : i1 to i32
    %cond3A = arith.constant 0 : i32
    %cond3A_1 = arith.cmpi ne, %convert_element_type3A, %cond3A : i32
    scf.if %cond3A_1 {
      %broadcast_in_dim3A = arith.constant 0.000000e+00 : f32
      %broadcast_in_dim3A_18 = vector.broadcast %broadcast_in_dim3A : f32 to vector<32x2048xf32>
      %swap3A_19 = arith.constant 0 : index
      %swap3A_20 = arith.constant 0 : index
      %swap3A_21 = vector.load %arg3[%swap3A_19, %swap3A_20] : memref<32x2048xf32, #tpu.memory_space<vmem>>, vector<32x2048xf32>
      tpu.vector_store %arg3[%swap3A_19, %swap3A_20], %broadcast_in_dim3A_18 {strides = array<i32>} : memref<32x2048xf32, #tpu.memory_space<vmem>>, vector<32x2048xf32>,
    } else {
    }
    %get3A = arith.constant 0 : index
    %get3A_2 = arith.constant 0 : index
    %get3A_3 = vector.load %arg3[%get3A, %get3A_2] : memref<32x2048xf32, #tpu.memory_space<vmem>>, vector<32x2048xf32>
    %get3A_4 = arith.constant 0 : index
    %get3A_5 = arith.constant 0 : index
    %get3A_6 = vector.load %arg1[%get3A_4, %get3A_5] : memref<32x1024xf32, #tpu.memory_space<vmem>>, vector<32x1024xf32>
    %get3A_7 = arith.constant 0 : index
    %get3A_8 = arith.constant 0 : index
    %get3A_9 = vector.load %arg2[%get3A_7, %get3A_8] : memref<2048x1024xf32, #tpu.memory_space<vmem>>, vector<2048x1024xf32>
    %dot_general3A = arith.constant dense<0.000000e+00> : vector<32x2048xf32>
    %dot_general3A_10 = tpu.matmul %get3A_6, %get3A_9, %dot_general3A {dimension_numbers = #tpu.dot_dimension_numbers<[1], [1], [0], [0], [0, 0, 1, 0], [], []>, transpose_lhs_hint = false} : vector<32x1024xf32>, vector<2048x1024xf32>, vector<32x2048xf32> -> vector<32x2048xf32>
    %add3A = arith.addf %get3A_3, %dot_general3A_10 : vector<32x2048xf32>
    %swap3A = arith.constant 0 : index
    %swap3A_11 = arith.constant 0 : index
    %swap3A_12 = vector.load %arg3[%swap3A, %swap3A_11] : memref<32x2048xf32, #tpu.memory_space<vmem>>, vector<32x2048xf32>
    tpu.vector_store %arg3[%swap3A, %swap3A_11], %add3A {strides = array<i32>} : memref<32x2048xf32, #tpu.memory_space<vmem>>, vector<32x2048xf32>,
    %eq3A_13 = arith.constant 1 : i32
    %eq3A_14 = arith.cmpi eq, %arg0, %eq3A_13 : i32
    %convert_element_type3A_15 = arith.extui %eq3A_14 : i1 to i32
    %cond3A_16 = arith.constant 0 : i32
    %cond3A_17 = arith.cmpi ne, %convert_element_type3A_15, %cond3A_16 : i32
    scf.if %cond3A_17 {
      %get3A_18 = arith.constant 0 : index
      %get3A_19 = arith.constant 0 : index
      %get3A_20 = vector.load %arg3[%get3A_18, %get3A_19] : memref<32x2048xf32, #tpu.memory_space<vmem>>, vector<32x2048xf32>
      %reduce_sum3A = arith.constant dense<0.000000e+00> : vector<32xf32>
      %reduce_sum3A_21 = vector.multi_reduction <add>, %get3A_20, %reduce_sum3A [1] : vector<32x2048xf32> to vector<32xf32>
      %broadcast_in_dim3A = vector.shape_cast %reduce_sum3A_21 : vector<32xf32> to vector<32x1xf32>
      %div3A = arith.constant 2.048000e+03 : f32
      %div3A_22 = vector.broadcast %div3A : f32 to vector<32x1xf32>
      %div3A_23 = arith.divf %broadcast_in_dim3A, %div3A_22 : vector<32x1xf32>
      %sub3A = vector.broadcast %div3A_23 : vector<32x1xf32> to vector<32x2048xf32>
      %sub3A_24 = arith.subf %get3A_20, %sub3A : vector<32x2048xf32>
      %integer_pow3A = arith.mulf %sub3A_24, %sub3A_24 : vector<32x2048xf32>
      %reduce_sum3A_25 = arith.constant dense<0.000000e+00> : vector<32xf32>
      %reduce_sum3A_26 = vector.multi_reduction <add>, %integer_pow3A, %reduce_sum3A_25 [1] : vector<32x2048xf32> to vector<32xf32>
      %broadcast_in_dim3A_27 = vector.shape_cast %reduce_sum3A_26 : vector<32xf32> to vector<32x1xf32>
      %div3A_28 = arith.constant 2.048000e+03 : f32
      %div3A_29 = vector.broadcast %div3A_28 : f32 to vector<32x1xf32>
      %div3A_30 = arith.divf %broadcast_in_dim3A_27, %div3A_29 : vector<32x1xf32>
      %sub3A_31 = vector.broadcast %div3A_23 : vector<32x1xf32> to vector<32x2048xf32>
      %sub3A_32 = arith.subf %get3A_20, %sub3A_31 : vector<32x2048xf32>
      %add3A_33 = arith.constant 9.99999974E-6 : f32
      %add3A_34 = vector.broadcast %add3A_33 : f32 to vector<32x1xf32>
      %add3A_35 = arith.addf %div3A_30, %add3A_34 : vector<32x1xf32>
      %sqrt3A = math.sqrt %add3A_35 : vector<32x1xf32>
      %div3A_36 = vector.broadcast %sqrt3A : vector<32x1xf32> to vector<32x2048xf32>
      %div3A_37 = arith.divf %sub3A_32, %div3A_36 : vector<32x2048xf32>
      %ge3A = arith.constant 0.000000e+00 : f32
      %ge3A_38 = vector.broadcast %ge3A : f32 to vector<32x2048xf32>
      %ge3A_39 = arith.cmpf oge, %div3A_37, %ge3A_38 : vector<32x2048xf32>
      %mul3A = arith.constant 2.000000e-01 : f32
      %mul3A_40 = vector.broadcast %mul3A : f32 to vector<32x2048xf32>
      %mul3A_41 = arith.mulf %mul3A_40, %div3A_37 : vector<32x2048xf32>
      %select_n3A = arith.select %ge3A_39, %div3A_37, %mul3A_41 : vector<32x2048xi1>, vector<32x2048xf32>
      %swap3A_42 = arith.constant 0 : index
      %swap3A_43 = arith.constant 0 : index
      %swap3A_44 = vector.load %arg3[%swap3A_42, %swap3A_43] : memref<32x2048xf32, #tpu.memory_space<vmem>>, vector<32x2048xf32>
      tpu.vector_store %arg3[%swap3A_42, %swap3A_43], %select_n3A {strides = array<i32>} : memref<32x2048xf32, #tpu.memory_space<vmem>>, vector<32x2048xf32>,
    } else {
    }
    return
  }
  func.func @transform_0(%arg0: i32) -> (i32, i32) {
    %c0_i32 = arith.constant 0 : i32
    %c0_i32_0 = arith.constant 0 : i32
    return %c0_i32, %arg0 : i32, i32
  }
  func.func @transform_1(%arg0: i32) -> (i32, i32) {
    %c0_i32 = arith.constant 0 : i32
    %c0_i32_0 = arith.constant 0 : i32
    return %c0_i32, %arg0 : i32, i32
  }
  func.func @transform_2(%arg0: i32) -> (i32, i32) {
    %c0_i32 = arith.constant 0 : i32
    %c0_i32_0 = arith.constant 0 : i32
    %c0_i32_1 = arith.constant 0 : i32
    return %c0_i32, %c0_i32_0 : i32, i32
  }
}

module attributes {stable_mosaic.version = 14 : i64} {
  func.func @_linear_kernel(%arg0: i32, %arg1: memref<32x1024xf32, #tpu.memory_space<vmem>>, %arg2: memref<2048x1024xf32, #tpu.memory_space<vmem>>, %arg3: memref<32x2048xf32, #tpu.memory_space<vmem>>, %arg4: memref<32x2048xf32, #tpu.memory_space<vmem>>) attributes {dimension_semantics = [#tpu.dimension_semantics<arbitrary>], iteration_bounds = array<i64: 2>, scalar_prefetch = 0 : i64, scratch_operands = 0 : i64, tpu.core_type = #tpu.core_type<tc>, window_params = [{transform_indices = @transform_0, window_bounds = array<i64: 32, 1024>}, {transform_indices = @transform_1, window_bounds = array<i64: 2048, 1024>}, {pipeline_mode = #tpu.pipeline_mode<synchronous>, transform_indices = @transform_2, window_bounds = array<i64: 32, 2048>}, {pipeline_mode = #tpu.pipeline_mode<synchronous>, transform_indices = @transform_3, window_bounds = array<i64: 32, 2048>}]} {
    %eq3A = arith.constant 0 : i32
    %eq3A_0 = arith.cmpi eq, %arg0, %eq3A : i32
    %convert_element_type3A = arith.extui %eq3A_0 : i1 to i32
    %cond3A = arith.constant 0 : i32
    %cond3A_1 = arith.cmpi ne, %convert_element_type3A, %cond3A : i32
    scf.if %cond3A_1 {
      %broadcast_in_dim3A = arith.constant 0.000000e+00 : f32
      %broadcast_in_dim3A_18 = vector.broadcast %broadcast_in_dim3A : f32 to vector<32x2048xf32>
      %swap3A_19 = arith.constant 0 : index
      %swap3A_20 = arith.constant 0 : index
      %swap3A_21 = vector.load %arg4[%swap3A_19, %swap3A_20] : memref<32x2048xf32, #tpu.memory_space<vmem>>, vector<32x2048xf32>
      tpu.vector_store %arg4[%swap3A_19, %swap3A_20], %broadcast_in_dim3A_18 {strides = array<i32>} : memref<32x2048xf32, #tpu.memory_space<vmem>>, vector<32x2048xf32>,
    } else {
    }
    %get3A = arith.constant 0 : index
    %get3A_2 = arith.constant 0 : index
    %get3A_3 = vector.load %arg4[%get3A, %get3A_2] : memref<32x2048xf32, #tpu.memory_space<vmem>>, vector<32x2048xf32>
    %get3A_4 = arith.constant 0 : index
    %get3A_5 = arith.constant 0 : index
    %get3A_6 = vector.load %arg1[%get3A_4, %get3A_5] : memref<32x1024xf32, #tpu.memory_space<vmem>>, vector<32x1024xf32>
    %get3A_7 = arith.constant 0 : index
    %get3A_8 = arith.constant 0 : index
    %get3A_9 = vector.load %arg2[%get3A_7, %get3A_8] : memref<2048x1024xf32, #tpu.memory_space<vmem>>, vector<2048x1024xf32>
    %dot_general3A = arith.constant dense<0.000000e+00> : vector<32x2048xf32>
    %dot_general3A_10 = tpu.matmul %get3A_6, %get3A_9, %dot_general3A {dimension_numbers = #tpu.dot_dimension_numbers<[1], [1], [0], [0], [0, 0, 1, 0], [], []>, transpose_lhs_hint = false} : vector<32x1024xf32>, vector<2048x1024xf32>, vector<32x2048xf32> -> vector<32x2048xf32>
    %add3A = arith.addf %get3A_3, %dot_general3A_10 : vector<32x2048xf32>
    %swap3A = arith.constant 0 : index
    %swap3A_11 = arith.constant 0 : index
    %swap3A_12 = vector.load %arg4[%swap3A, %swap3A_11] : memref<32x2048xf32, #tpu.memory_space<vmem>>, vector<32x2048xf32>
    tpu.vector_store %arg4[%swap3A, %swap3A_11], %add3A {strides = array<i32>} : memref<32x2048xf32, #tpu.memory_space<vmem>>, vector<32x2048xf32>,
    %eq3A_13 = arith.constant 1 : i32
    %eq3A_14 = arith.cmpi eq, %arg0, %eq3A_13 : i32
    %convert_element_type3A_15 = arith.extui %eq3A_14 : i1 to i32
    %cond3A_16 = arith.constant 0 : i32
    %cond3A_17 = arith.cmpi ne, %convert_element_type3A_15, %cond3A_16 : i32
    scf.if %cond3A_17 {
      %get3A_18 = arith.constant 0 : index
      %get3A_19 = arith.constant 0 : index
      %get3A_20 = vector.load %arg4[%get3A_18, %get3A_19] : memref<32x2048xf32, #tpu.memory_space<vmem>>, vector<32x2048xf32>
      %reduce_sum3A = arith.constant dense<0.000000e+00> : vector<32xf32>
      %reduce_sum3A_21 = vector.multi_reduction <add>, %get3A_20, %reduce_sum3A [1] : vector<32x2048xf32> to vector<32xf32>
      %broadcast_in_dim3A = vector.shape_cast %reduce_sum3A_21 : vector<32xf32> to vector<32x1xf32>
      %div3A = arith.constant 2.048000e+03 : f32
      %div3A_22 = vector.broadcast %div3A : f32 to vector<32x1xf32>
      %div3A_23 = arith.divf %broadcast_in_dim3A, %div3A_22 : vector<32x1xf32>
      %sub3A = vector.broadcast %div3A_23 : vector<32x1xf32> to vector<32x2048xf32>
      %sub3A_24 = arith.subf %get3A_20, %sub3A : vector<32x2048xf32>
      %integer_pow3A = arith.mulf %sub3A_24, %sub3A_24 : vector<32x2048xf32>
      %reduce_sum3A_25 = arith.constant dense<0.000000e+00> : vector<32xf32>
      %reduce_sum3A_26 = vector.multi_reduction <add>, %integer_pow3A, %reduce_sum3A_25 [1] : vector<32x2048xf32> to vector<32xf32>
      %broadcast_in_dim3A_27 = vector.shape_cast %reduce_sum3A_26 : vector<32xf32> to vector<32x1xf32>
      %div3A_28 = arith.constant 2.048000e+03 : f32
      %div3A_29 = vector.broadcast %div3A_28 : f32 to vector<32x1xf32>
      %div3A_30 = arith.divf %broadcast_in_dim3A_27, %div3A_29 : vector<32x1xf32>
      %sub3A_31 = vector.broadcast %div3A_23 : vector<32x1xf32> to vector<32x2048xf32>
      %sub3A_32 = arith.subf %get3A_20, %sub3A_31 : vector<32x2048xf32>
      %add3A_33 = arith.constant 9.99999974E-6 : f32
      %add3A_34 = vector.broadcast %add3A_33 : f32 to vector<32x1xf32>
      %add3A_35 = arith.addf %div3A_30, %add3A_34 : vector<32x1xf32>
      %sqrt3A = math.sqrt %add3A_35 : vector<32x1xf32>
      %div3A_36 = vector.broadcast %sqrt3A : vector<32x1xf32> to vector<32x2048xf32>
      %div3A_37 = arith.divf %sub3A_32, %div3A_36 : vector<32x2048xf32>
      %get3A_38 = arith.constant 0 : index
      %get3A_39 = arith.constant 0 : index
      %get3A_40 = vector.load %arg3[%get3A_38, %get3A_39] : memref<32x2048xf32, #tpu.memory_space<vmem>>, vector<32x2048xf32>
      %add3A_41 = arith.addf %div3A_37, %get3A_40 : vector<32x2048xf32>
      %ge3A = arith.constant 0.000000e+00 : f32
      %ge3A_42 = vector.broadcast %ge3A : f32 to vector<32x2048xf32>
      %ge3A_43 = arith.cmpf oge, %add3A_41, %ge3A_42 : vector<32x2048xf32>
      %mul3A = arith.constant 2.000000e-01 : f32
      %mul3A_44 = vector.broadcast %mul3A : f32 to vector<32x2048xf32>
      %mul3A_45 = arith.mulf %mul3A_44, %add3A_41 : vector<32x2048xf32>
      %select_n3A = arith.select %ge3A_43, %add3A_41, %mul3A_45 : vector<32x2048xi1>, vector<32x2048xf32>
      %swap3A_46 = arith.constant 0 : index
      %swap3A_47 = arith.constant 0 : index
      %swap3A_48 = vector.load %arg4[%swap3A_46, %swap3A_47] : memref<32x2048xf32, #tpu.memory_space<vmem>>, vector<32x2048xf32>
      tpu.vector_store %arg4[%swap3A_46, %swap3A_47], %select_n3A {strides = array<i32>} : memref<32x2048xf32, #tpu.memory_space<vmem>>, vector<32x2048xf32>,
    } else {
    }
    return
  }
  func.func @transform_0(%arg0: i32) -> (i32, i32) {
    %c0_i32 = arith.constant 0 : i32
    %c0_i32_0 = arith.constant 0 : i32
    return %c0_i32, %arg0 : i32, i32
  }
  func.func @transform_1(%arg0: i32) -> (i32, i32) {
    %c0_i32 = arith.constant 0 : i32
    %c0_i32_0 = arith.constant 0 : i32
    return %c0_i32, %arg0 : i32, i32
  }
  func.func @transform_2(%arg0: i32) -> (i32, i32) {
    %c0_i32 = arith.constant 0 : i32
    %c0_i32_0 = arith.constant 0 : i32
    %c0_i32_1 = arith.constant 0 : i32
    return %c0_i32, %c0_i32_0 : i32, i32
  }
  func.func @transform_3(%arg0: i32) -> (i32, i32) {
    %c0_i32 = arith.constant 0 : i32
    %c0_i32_0 = arith.constant 0 : i32
    %c0_i32_1 = arith.constant 0 : i32
    return %c0_i32, %c0_i32_0 : i32, i32
  }
}

module attributes {stable_mosaic.version = 14 : i64} {
  func.func @_linear_kernel(%arg0: i32, %arg1: memref<32x1024xf32, #tpu.memory_space<vmem>>, %arg2: memref<1500x1024xf32, #tpu.memory_space<vmem>>, %arg3: memref<1x1500xf32, #tpu.memory_space<vmem>>, %arg4: memref<32x1500xf32, #tpu.memory_space<vmem>>) attributes {dimension_semantics = [#tpu.dimension_semantics<arbitrary>], iteration_bounds = array<i64: 2>, scalar_prefetch = 0 : i64, scratch_operands = 0 : i64, tpu.core_type = #tpu.core_type<tc>, window_params = [{transform_indices = @transform_0, window_bounds = array<i64: 32, 1024>}, {transform_indices = @transform_1, window_bounds = array<i64: 1500, 1024>}, {pipeline_mode = #tpu.pipeline_mode<synchronous>, transform_indices = @transform_2, window_bounds = array<i64: 1, 1500>}, {pipeline_mode = #tpu.pipeline_mode<synchronous>, transform_indices = @transform_3, window_bounds = array<i64: 32, 1500>}]} {
    %eq3A = arith.constant 0 : i32
    %eq3A_0 = arith.cmpi eq, %arg0, %eq3A : i32
    %convert_element_type3A = arith.extui %eq3A_0 : i1 to i32
    %cond3A = arith.constant 0 : i32
    %cond3A_1 = arith.cmpi ne, %convert_element_type3A, %cond3A : i32
    scf.if %cond3A_1 {
      %broadcast_in_dim3A = arith.constant 0.000000e+00 : f32
      %broadcast_in_dim3A_18 = vector.broadcast %broadcast_in_dim3A : f32 to vector<32x1500xf32>
      %swap3A_19 = arith.constant 0 : index
      %swap3A_20 = arith.constant 0 : index
      %swap3A_21 = vector.load %arg4[%swap3A_19, %swap3A_20] : memref<32x1500xf32, #tpu.memory_space<vmem>>, vector<32x1500xf32>
      tpu.vector_store %arg4[%swap3A_19, %swap3A_20], %broadcast_in_dim3A_18 {strides = array<i32>} : memref<32x1500xf32, #tpu.memory_space<vmem>>, vector<32x1500xf32>,
    } else {
    }
    %get3A = arith.constant 0 : index
    %get3A_2 = arith.constant 0 : index
    %get3A_3 = vector.load %arg4[%get3A, %get3A_2] : memref<32x1500xf32, #tpu.memory_space<vmem>>, vector<32x1500xf32>
    %get3A_4 = arith.constant 0 : index
    %get3A_5 = arith.constant 0 : index
    %get3A_6 = vector.load %arg1[%get3A_4, %get3A_5] : memref<32x1024xf32, #tpu.memory_space<vmem>>, vector<32x1024xf32>
    %get3A_7 = arith.constant 0 : index
    %get3A_8 = arith.constant 0 : index
    %get3A_9 = vector.load %arg2[%get3A_7, %get3A_8] : memref<1500x1024xf32, #tpu.memory_space<vmem>>, vector<1500x1024xf32>
    %dot_general3A = arith.constant dense<0.000000e+00> : vector<32x1500xf32>
    %dot_general3A_10 = tpu.matmul %get3A_6, %get3A_9, %dot_general3A {dimension_numbers = #tpu.dot_dimension_numbers<[1], [1], [0], [0], [0, 0, 1, 0], [], []>, transpose_lhs_hint = false} : vector<32x1024xf32>, vector<1500x1024xf32>, vector<32x1500xf32> -> vector<32x1500xf32>
    %add3A = arith.addf %get3A_3, %dot_general3A_10 : vector<32x1500xf32>
    %swap3A = arith.constant 0 : index
    %swap3A_11 = arith.constant 0 : index
    %swap3A_12 = vector.load %arg4[%swap3A, %swap3A_11] : memref<32x1500xf32, #tpu.memory_space<vmem>>, vector<32x1500xf32>
    tpu.vector_store %arg4[%swap3A, %swap3A_11], %add3A {strides = array<i32>} : memref<32x1500xf32, #tpu.memory_space<vmem>>, vector<32x1500xf32>,
    %eq3A_13 = arith.constant 1 : i32
    %eq3A_14 = arith.cmpi eq, %arg0, %eq3A_13 : i32
    %convert_element_type3A_15 = arith.extui %eq3A_14 : i1 to i32
    %cond3A_16 = arith.constant 0 : i32
    %cond3A_17 = arith.cmpi ne, %convert_element_type3A_15, %cond3A_16 : i32
    scf.if %cond3A_17 {
      %get3A_18 = arith.constant 0 : index
      %get3A_19 = arith.constant 0 : index
      %get3A_20 = vector.load %arg4[%get3A_18, %get3A_19] : memref<32x1500xf32, #tpu.memory_space<vmem>>, vector<32x1500xf32>
      %get3A_21 = arith.constant 0 : index
      %get3A_22 = arith.constant 0 : index
      %get3A_23 = vector.load %arg3[%get3A_21, %get3A_22] : memref<1x1500xf32, #tpu.memory_space<vmem>>, vector<1x1500xf32>
      %add3A_24 = vector.broadcast %get3A_23 : vector<1x1500xf32> to vector<32x1500xf32>
      %add3A_25 = arith.addf %get3A_20, %add3A_24 : vector<32x1500xf32>
      %swap3A_26 = arith.constant 0 : index
      %swap3A_27 = arith.constant 0 : index
      %swap3A_28 = vector.load %arg4[%swap3A_26, %swap3A_27] : memref<32x1500xf32, #tpu.memory_space<vmem>>, vector<32x1500xf32>
      tpu.vector_store %arg4[%swap3A_26, %swap3A_27], %add3A_25 {strides = array<i32>} : memref<32x1500xf32, #tpu.memory_space<vmem>>, vector<32x1500xf32>,
    } else {
    }
    return
  }
  func.func @transform_0(%arg0: i32) -> (i32, i32) {
    %c0_i32 = arith.constant 0 : i32
    %c0_i32_0 = arith.constant 0 : i32
    return %c0_i32, %arg0 : i32, i32
  }
  func.func @transform_1(%arg0: i32) -> (i32, i32) {
    %c0_i32 = arith.constant 0 : i32
    %c0_i32_0 = arith.constant 0 : i32
    return %c0_i32, %arg0 : i32, i32
  }
  func.func @transform_2(%arg0: i32) -> (i32, i32) {
    %c0_i32 = arith.constant 0 : i32
    %c0_i32_0 = arith.constant 0 : i32
    %c0_i32_1 = arith.constant 0 : i32
    return %c0_i32, %c0_i32_0 : i32, i32
  }
  func.func @transform_3(%arg0: i32) -> (i32, i32) {
    %c0_i32 = arith.constant 0 : i32
    %c0_i32_0 = arith.constant 0 : i32
    %c0_i32_1 = arith.constant 0 : i32
    return %c0_i32, %c0_i32_0 : i32, i32
  }
}

</mosaic_0001>

<sc_bundles>
// kernel: gather_offload_async_start
scs
__scs_entry_jumppad:
0x0: {  	(pc) =	sbr.rel $0x88, $3  }
0x1: {  	(tag) =	ssettag $0x0;
	lr =	simm.s32 $0x1  }
0x2: {  	[smem:$0x3F83] =	sst lr;
	_ =	strace $0xD0000000  }
0x3: {  	_ = 	snop  }
0x4: {  	_ = 	snop  }
0x5: {  	_ = 	snop  }
0x6: {  	_ = 	snop  }
0x7: {  	_ = 	snop  }
__scs_overlays_trampoline_lowered:
0x8: {  	[smem:$0x3F92] =	sst s0  }
0x9: {  	[smem:$0x3F93] =	sst s1  }
0xa: {  	[smem:$0x3F94] =	sst s2  }
0xb: {  	[smem:$0x3F95] =	sst s3  }
0xc: {  	[smem:$0x3F96] =	sst s4  }
0xd: {  	[smem:$0x3F97] =	sst s5  }
0xe: {  	[smem:$0x3F98] =	sst s6  }
0xf: {  	[smem:$0x3F99] =	sst s7  }
0x10: {  	[smem:$0x3F9A] =	sst s8  }
0x11: {  	[smem:$0x3F9B] =	sst s9;
	s0 =	simm.s32 @!p0 $0x0  }
0x12: {  	s1 =	sld [smem:$0x3F81];
	s0 =	simm.s32 @p0 $0x1  }
0x13: {  	[smem:$0x3F9C] =	sst s0;
	s0 =	simm.s32 @!p1 $0x0  }
0x14: {  	s2 =	sld [smem:$0x3F80];
	s0 =	simm.s32 @p1 $0x1  }
0x15: {  	[smem:$0x3F9D] =	sst s0;
	s0 =	simm.s32 @!p2 $0x0  }
0x16: {  	s3 =	sld [smem:$0x3FDB];
	s0 =	simm.s32 @p2 $0x1  }
0x17: {  	s4 =	simm.s32 $0x1BF5;
	[smem:$0x3F9F] =	sst s0  }
0x18: {  	s0 =	sld [smem:$0x3F82];
	_ =	swait.ge [sflag:s4], $0x0  }
0x19: {  	s7 =	sld [smem:$0x3F83]  }
0x1a: {  	s8 =	sadd.s32 $0xFFFFE003, lr  }
0x1b: {  	s9 =	sadd.s32 $0xFFFFFEF7, lr;
	s5 =	simm.s32 $0xFFFFFFFF;
	p2 =	slt.u32 s8, $0xFFFFF086  }
0x1c: {  	p1 =	slt.u32 s9, $0xF7A;
	s5 =	simm.s32 @!p2 $0x0  }
0x1d: {  	s5 =	simm.s32 @p1 $0x1;
	p0 =	seq.s32 s7, s2  }
0x1e: {  	s7 =	smul.u32 @!p0 $0xF7A, s2;
	p2 =	seq.s32 @!p0 s5, $0x0  }
0x1f: {  	s9 =	smul.u32 $0xF7A, s1;
	s8 =	simm.s32 @!p0 $0x1BF5;
	p2 =	por !p2, p0  }
0x20: {  	[sflag:s8] =	ssyncset.s32 @!p0 $0xFFFFF086;
	s6 =	sadd.s32 @!p0 s3, s7;
	s7 =	simm.s32 @!p0 $0x108  }
0x21: {  	s3 =	sadd.s32 s3, s9;
	s6 =	sadd.s32 @!p0 $0x88, s6;
	s7 =	simm.s32 @p2 $0x1082  }
0x22: {  	[simem:s7], [sflag:s8] =	dma.local @!p0 [hbm:s6], $0xF7A  }
0x23: {  	s9 =	sor.u32 $0xD0000000, s2;
	s6 =	simm.s32 $0x108;
	_ =	swait.ge @!p0 [sflag:s8], $0x0  }
0x24: {  	s3 =	sadd.s32 $0x88, s3;
	s6 =	simm.s32 @!p1 $0x1082;
	[sflag:s4] =	ssyncset.s32 $0xFFFFF086  }
0x25: {  	[simem:s6], [sflag:s4] =	dma.local [hbm:s3], $0xF7A  }
0x26: {  	[smem:$0x3F83] =	sst s1;
	(tag) =	ssettag s2;
	_ =	strace s9  }
0x27: {  	s1 =	sld [smem:$0x3F93]  }
0x28: {  	s2 =	sld [smem:$0x3F94]  }
0x29: {  	s4 =	sld [smem:$0x3F96]  }
0x2a: {  	p0 =	seq.s32 s5, $0x0;
	s5 =	sld [smem:$0x3F97]  }
0x2b: {  	s6 =	sld [smem:$0x3F98]  }
0x2c: {  	s7 =	sld [smem:$0x3F99]  }
0x2d: {  	s3 =	simm.s32 $0x108;
	s8 =	sld [smem:$0x3F9A]  }
0x2e: {  	s3 =	simm.s32 @!p0 $0x1082;
	s9 =	sld [smem:$0x3F9B]  }
0x2f: {  	lr =	sadd.s32 s0, s3;
	s0 =	sld [smem:$0x3F92]  }
0x30: {  	s3 =	sld [smem:$0x3F95]  }
0x31: {  	[smem:$0x3F9E] =	sst s10  }
0x32: {  	s10 =	sld [smem:$0x3F9C];
	_ =	sdelay $0x3  }
0x33: {  	p0 =	seq.s32 s10, $0x1;
	s10 =	sld [smem:$0x3F9E];
	_ =	sdelay $0x3  }
0x34: {  	[smem:$0x3F9E] =	sst s10  }
0x35: {  	s10 =	sld [smem:$0x3F9D];
	_ =	sdelay $0x3  }
0x36: {  	p1 =	seq.s32 s10, $0x1;
	s10 =	sld [smem:$0x3F9E];
	_ =	sdelay $0x3  }
0x37: {  	[smem:$0x3F9E] =	sst s10  }
0x38: {  	s10 =	sld [smem:$0x3F9F]  }
0x39: {  	_ = 	snop;
	(pc) =	sbr.ind lr, $3  }
0x3a: {  	_ = 	snop  }
0x3b: {  	_ = 	snop  }
0x3c: {  	p2 =	seq.s32 s10, $0x1;
	s10 =	sld [smem:$0x3F9E]  }
0x3d: {  	_ =	shalt  }
0x3e: {  	_ =	shalt  }
0x3f: {  	_ =	shalt  }
0x40: {  	_ =	shalt  }
0x41: {  	_ =	shalt  }
0x42: {  	_ =	shalt  }
0x43: {  	_ =	shalt  }
0x44: {  	_ =	shalt  }
0x45: {  	_ =	shalt  }
0x46: {  	_ =	shalt  }
0x47: {  	_ =	shalt  }
0x48: {  	_ =	shalt  }
0x49: {  	_ =	shalt  }
0x4a: {  	_ =	shalt  }
0x4b: {  	_ =	shalt  }
0x4c: {  	_ =	shalt  }
0x4d: {  	_ =	shalt  }
0x4e: {  	_ =	shalt  }
0x4f: {  	_ =	shalt  }
0x50: {  	_ =	shalt  }
0x51: {  	_ =	shalt  }
0x52: {  	_ =	shalt  }
0x53: {  	_ =	shalt  }
0x54: {  	_ =	shalt  }
0x55: {  	_ =	shalt  }
0x56: {  	_ =	shalt  }
0x57: {  	_ =	shalt  }
0x58: {  	_ =	shalt  }
0x59: {  	_ =	shalt  }
0x5a: {  	_ =	shalt  }
0x5b: {  	_ =	shalt  }
0x5c: {  	_ =	shalt  }
0x5d: {  	_ =	shalt  }
0x5e: {  	_ =	shalt  }
0x5f: {  	_ =	shalt  }
0x60: {  	_ =	shalt  }
0x61: {  	_ =	shalt  }
0x62: {  	_ =	shalt  }
0x63: {  	_ =	shalt  }
0x64: {  	_ =	shalt  }
0x65: {  	_ =	shalt  }
0x66: {  	_ =	shalt  }
0x67: {  	_ =	shalt  }
0x68: {  	_ =	shalt  }
0x69: {  	_ =	shalt  }
0x6a: {  	_ =	shalt  }
0x6b: {  	_ =	shalt  }
0x6c: {  	_ =	shalt  }
0x6d: {  	_ =	shalt  }
0x6e: {  	_ =	shalt  }
0x6f: {  	_ =	shalt  }
0x70: {  	_ =	shalt  }
0x71: {  	_ =	shalt  }
0x72: {  	_ =	shalt  }
0x73: {  	_ =	shalt  }
0x74: {  	_ =	shalt  }
0x75: {  	_ =	shalt  }
0x76: {  	_ =	shalt  }
0x77: {  	_ =	shalt  }
0x78: {  	_ =	shalt  }
0x79: {  	_ =	shalt  }
0x7a: {  	_ =	shalt  }
0x7b: {  	_ =	shalt  }
0x7c: {  	_ =	shalt  }
0x7d: {  	_ =	shalt  }
0x7e: {  	_ =	shalt  }
0x7f: {  	_ =	shalt  }
0x80: {  	_ =	shalt  }
0x81: {  	_ =	shalt  }
0x82: {  	_ =	shalt  }
0x83: {  	_ =	shalt  }
0x84: {  	_ =	shalt  }
0x85: {  	_ =	shalt  }
0x86: {  	_ =	shalt  }
0x87: {  	_ =	shalt  }
.Lfunc_end0:
.L_simem_size_0:
called_computation_lowered:
.L_overlay_start_0:
0x88: {  	s2 =	sld [smem:$0x3FD9]  }
0x89: {  	s3 =	sld [smem:$0x3FFE];
	_ =	sdelay $0x1  }
0x8a: {  	s1 =	srdreg.scid  }
0x8b: {  	s0 =	sand.u32 $0x1, s1  }
0x8c: {  	s17 =	sshll.u32 s0, $0xA;
	s2 =	sadd.s32 s3, s2  }
0x8d: {  	s2 =	sadd.s32 s2, s17  }
0x8e: {  	[smem:$0x3FAA] =	sst s2  }
0x8f: {  	_ = 	snop  }
0x90: {  	s2 =	sld [smem:$0x3FD0];
	(tm) =	ssettm $0x1  }
0x91: {  	s18 =	sld [smem:$0x3FFB];
	_ =	sdelay $0x3  }
0x92: {  	_ =	strace s18  }
0x93: {  	s3 =	sld [smem:$0x3FFC];
	_ =	sdelay $0x3  }
0x94: {  	_ =	strace s3  }
0x95: {  	s3 =	sld [smem:$0x3FFD];
	_ =	sdelay $0x3  }
0x96: {  	_ =	strace s3  }
0x97: {  	_ =	strace $0x8FFFFFFF  }
0x98: {  	s19 =	sld [smem:$0x3FDB];
	_ =	sdelay $0x1  }
0x99: {  	s4 =	simm.s32 $_scs_section_size  }
0x9a: {  	s5 =	simm.s32 $_size__tile_overlayer_lowered;
	s6 =	simm.s32 $_tile_overlayer_lowered  }
0x9b: {  	s22 =	simm.s32 $0x1BFF;
	s21 =	sshll.u32 s6, $0x1;
	s3 =	sadd.s32 s4, s19  }
0x9c: {  	s7 =	simm.s32 $0x0;
	s20 =	sshll.u32 s5, $0x1;
	s5 =	sadd.s32 s21, s3  }
0x9d: {  	[timem:s7], [sflag:s22] =	dma.local [hbm:s5], s20  }
0x9e: {  	_ =	swait.ge [sflag:s22], s20  }
0x9f: {  	s4 =	ssub.s32 $0x0, s20;
	[sflag:s22] =	ssyncset.done $0x0  }
0xa0: {  	[sflag:s22] =	ssyncadd.s32 s4;
	_ =	sdelay $0x1  }
0xa1: {  	s23 =	simm.s32 $0x1B8B  }
0xa2: {  	_ =	swait.ge [sflag:s23], $0x1  }
0xa3: {  	[sflag:s23] =	ssyncset.done $0x0  }
0xa4: {  	s25 =	simm.s32 $0x1B8E;
	s24 =	sld [smem:$0x3FFE];
	[sflag:s23] =	ssyncadd.s32 $0xFFFFFFFF  }
0xa5: {  	s26 =	simm.s32 $execute0_lowered;
	[smem:$0x3FD2] =	sst s25  }
0xa6: {  	s5 =	sshll.u32 s26, $0x1;
	_ =	strace $0x80000046;
	[dreg:$0x1] =	wrdreg $0xFFFFFFFF  }
0xa7: {  	s28 =	simm.s32 $_size_execute0_lowered;
	s3 =	sadd.s32 s3, s5;
	[dreg:$0x0] =	wrdreg $0x0  }
0xa8: {  	s5 =	sshll.u32 s28, $0x1;
	[dreg:$0x2] =	wrdreg s3  }
0xa9: {  	[dreg:$0x3] =	wrdreg s5  }
0xaa: {  	[dreg:$0x4] =	wrdreg $0xC0  }
0xab: {  	_ =	task [dreg:s7], $0x5FFFF  }
0xac: {  	[dreg:$0x1] =	wrdreg $0xFFFFFFFF  }
0xad: {  	[dreg:$0x0] =	wrdreg $0x60  }
0xae: {  	[dreg:$0x2] =	wrdreg s24  }
0xaf: {  	[dreg:$0x3] =	wrdreg s2  }
0xb0: {  	[dreg:$0x4] =	wrdreg $0x9  }
0xb1: {  	_ =	task.clear_ibuf [dreg:s7], $0x5FFFF;
	_ =	strace $0x90000046  }
0xb2: {  	s29 =	simm.s32 $0x9;
	_ =	strace $0x80000048  }
0xb3: {  	_ =	swait.ge [sflag:s29], $0x1  }
0xb4: {  	[sflag:s29] =	ssyncadd.s32 $0xFFFFFFFF  }
0xb5: {  	_ =	strace $0x90000048  }
0xb6: {  	_ =	sfence  }
0xb7: {  	s30 =	sld [smem:$0x0];
	_ =	sdelay $0x2  }
0xb8: {  	s31 =	sshll.u32 s1, $0xD;
	s1 =	sshrl.u32 s1, $0x2  }
0xb9: {  	s3 =	sand.u32 $0x4000, s31;
	s1 =	sadd.s32 s1, s30  }
0xba: {  	s0 =	sor.u32 s3, s0;
	s1 =	sshll.u32 s1, $0x11  }
0xbb: {  	s0 =	sor.u32 s1, s0  }
0xbc: {  	s0 =	sadd.s32 $0x8F2B, s0  }
0xbd: {  	[sflag:s0] =	ssyncadd.remote.s32 $0x1  }
0xbe: {  	_ =	sfence.sel $0xFFFF  }
0xbf: {  	[dreg:$0x0] =	wrdreg $0xFFFFFFFF;
	(pc) =	sbr.abs _section_cstart, $3  }
0xc0: {  	[dreg:$0x1] =	wrdreg $0xFFFFFFFF  }
0xc1: {  	_ =	task.clear_ibuf [dreg:s7], $0x2FFFF;
	_ =	strace $0x9FFFFFFF  }
0xc2: {  	(tm) =	ssettm $0x7FFFFFFF  }
0xc3: {  	_ =	shalt  }
tec
execute0_lowered:
.L_overlay_start_1:
0x0: {  	(tag) =	ssettag $0x1  }
0x1: {  	s7 =	rddreg [dreg:$0x0]  }
0x2: {  	s2 =	rddreg [dreg:$0x1]  }
0x3: {  	s0 =	rddreg [dreg:$0x2]  }
0x4: {  	s1 =	srdreg.scid;
	_ =	strace $0x80000047;
	s4 =	simm.s32 $0x1  }
0x5: {  	s9 =	simm.s32 $0x3;
	s12 =	simm.s32 $0x0;
	s5 =	sshll.u32 s1, $0x4  }
.Ltmp0:
0x6: {  	s1 =	stileid.u32;
	s5 =	sand.u32 $0x10, s5;
	(pc) =	sbr.rel .LBB2_1-.Ltmp0, $4  }
0x7: {  	s10 =	simm.s32 $0x0;
	s3 =	sadd.s32 $0x3A00, s7;
	s6 =	sor.u32 s1, s5  }
0x8: {  	[sflag:s4] =	ssyncpa.u1 $0x0;
	s5 =	simm.s32 $0x2;
	s6 =	sshll.u32 s6, $0x6  }
0x9: {  	s7 =	sadd.s32 $0xBA00, s7;
	[sflag:s5] =	ssyncpa.u1 $0x0;
	s8 =	sadd.s32 $0x40, s6  }
0xa: {  	vm0 =	vmmov $0xff;
	vm1 =	vcmask $0x3F20;
	[sflag:s9] =	ssyncpa.u1 $0x0;
	s9 =	simm.s32 $0x40;
	s11 =	smov.u32 s6  }
.LBB2_9:
0xb: {  	p0 =	seq.s32 s10, $0x2  }
.Ltmp1:
0xc: {  	_ = 	snop;
	(pc) =	sbr.rel @p0 .LBB2_11-.Ltmp1, $1  }
0xd: {  	_ =	sdelay $0x3  }
.LBB2_10:
0xe: {  	s12 =	sadd.s32 $0x40, s11  }
0xf: {  	s13 =	smov.u32 s6;
	p0 =	slt.s32 s12, s8  }
0x10: {  	s13 =	smov.u32 @p0 s12  }
0x11: {  	s10 =	sadd.s32 $0x1, s10;
	s12 =	smov.u32 s11;
	s11 =	smov.u32 s13  }
.LBB2_1:
0x12: {  	p0 =	sne.s32 s10, $0x0  }
.Ltmp2:
0x13: {  	_ = 	snop;
	(pc) =	sbr.rel @!p0 .LBB2_2-.Ltmp2, $1  }
0x14: {  	_ =	sdelay $0x3  }
0x15: {  	s13 =	sand.u32 $0x1, s10  }
0x16: {  	p0 =	seq.s32 s13, $0x0  }
.Ltmp3:
0x17: {  	_ = 	snop;
	(pc) =	sbr.rel @p0 .LBB2_9-.Ltmp3, $1  }
0x18: {  	_ =	sdelay $0x3  }
0x19: {  	_ =	swait.ge [sflag:s5], $0x40  }
0x1a: {  	[sflag:s5] =	ssyncset.done $0x0  }
0x1b: {  	s13 =	simm.s32 $0x0;
	[sflag:s5] =	ssyncadd.s32 $0xFFFFFFC0  }
0x1c: {  	v0 =	vld.msk [tilespmem:s13+$0x40 ss:$0x1], $0xffff;
	_ =	sdelay $0x4  }
0x1d: {  	vm2 =	vgt.s32 v0, $0x0  }
0x1e: {  	v0 =	vnsel vm2, $0x0, v0  }
0x1f: {  	v0 =	vmin.u32 v0, $0x7FF  }
0x20: {  	v0 =	vshll.u32 v0, $0x4;
	_ =	sdelay $0x3  }
0x21: {  	s13 =	simm.s32 $0x2080  }
0x22: {  	[tilespmem:s13], [sflag:$0x1] =	stream.indirect_vreg.gather [hbm:s3], $0x80, v0, vm0, $0x38;
	[tilespmem:$0x4080] =	vst v63  }
0x23: {  	s14 =	simm.s32 $0x2480;
	s31 =	simm.s32 $0x10  }
0x24: {  	[tilespmem:s14], [sflag:$0x1] =	stream.indirect_vreg.gather [hbm:s3], $0x80, v0, vm1, $0x38;
	[tilespmem:$0x4080] =	vst v63  }
0x25: {  	s14 =	simm.s32 $0x80;
	v0 =	vld.msk [tilespmem:s31+$0x40 ss:$0x1], $0xffff  }
.LBB2_5:
0x26: {  	p0 =	sne.s32 s14, $0xC0;
	_ =	sdelay $0x4  }
0x27: {  	vm2 =	vgt.s32 v0, $0x0  }
0x28: {  	v0 =	vnsel vm2, $0x0, v0  }
0x29: {  	v0 =	vmin.u32 v0, $0x7FF  }
0x2a: {  	v0 =	vshll.u32 v0, $0x4;
	_ =	sdelay $0x3  }
.Ltmp4:
0x2b: {  	s13 =	sadd.s32 $0x800, s13;
	(pc) =	sbr.rel @p0 .LBB2_5-.Ltmp4, $4  }
0x2c: {  	[tilespmem:s13], [sflag:$0x1] =	stream.indirect_vreg.gather [hbm:s3], $0x80, v0, vm0, $0x38;
	[tilespmem:$0x4080] =	vst v63  }
0x2d: {  	s15 =	sshra.s32 s14, $0x2;
	s16 =	sadd.s32 $0x400, s13  }
0x2e: {  	[tilespmem:s16], [sflag:$0x1] =	stream.indirect_vreg.gather [hbm:s3], $0x80, v0, vm1, $0x38;
	[tilespmem:$0x4080] =	vst v63  }
0x2f: {  	s14 =	sadd.s32 $0x40, s14;
	v0 =	vld.msk [tilespmem:s15+$0x40 ss:$0x1], $0xffff  }
0x30: {  	_ =	sdelay $0x3  }
0x31: {  	vm2 =	vgt.s32 v0, $0x0  }
0x32: {  	v0 =	vnsel vm2, $0x0, v0  }
0x33: {  	v0 =	vmin.u32 v0, $0x7FF  }
0x34: {  	v0 =	vshll.u32 v0, $0x4;
	_ =	sdelay $0x3  }
0x35: {  	s13 =	sadd.s32 $0x800, s13  }
0x36: {  	[tilespmem:s13], [sflag:$0x1] =	stream.indirect_vreg.gather [hbm:s3], $0x80, v0, vm0, $0x38;
	[tilespmem:$0x4080] =	vst v63  }
0x37: {  	s13 =	sadd.s32 $0x400, s13  }
0x38: {  	[tilespmem:s13], [sflag:$0x1] =	stream.indirect_vreg.gather [hbm:s3], $0x80, v0, vm1, $0x38;
	[tilespmem:$0x4080] =	vst v63  }
0x39: {  	s12 =	sshll.u32 s12, $0x4;
	s14 =	simm.s32 $0x80;
	_ =	swait.ge [sflag:s4], $0x2000  }
0x3a: {  	s15 =	simm.s32 $0x2480;
	s12 =	sadd.s32 s12, s7;
	[sflag:s4] =	ssyncset.done $0x0  }
0x3b: {  	s16 =	sadd.s32 $0x0, s12;
	s13 =	simm.s32 $0x2080;
	[sflag:s4] =	ssyncadd.s32 $0xFFFFE000  }
.LBB2_7:
0x3c: {  	[hbm:s16] =	stream.linear.scatter [tilespmem:s13], [sflag:$0x3], $0x400, $0x38;
	[tilespmem:$0x4080] =	vst v63  }
0x3d: {  	s16 =	smov.u32 s14;
	s13 =	smov.u32 s15;
	p0 =	sne.s32 s14, $0x380  }
.Ltmp5:
0x3e: {  	s14 =	sadd.s32 $0x80, s14;
	(pc) =	sbr.rel @p0 .LBB2_7-.Ltmp5, $2  }
0x3f: {  	_ =	sdelay $0x2  }
0x40: {  	s15 =	sadd.s32 $0x400, s15;
	s16 =	sadd.s32 s16, s12  }
.Ltmp6:
0x41: {  	(pc) =	sbr.rel .LBB2_9-.Ltmp6, $2  }
0x42: {  	_ =	sdelay $0x2  }
0x43: {  	[hbm:s16] =	stream.linear.scatter [tilespmem:s13], [sflag:$0x3], $0x400, $0x38;
	[tilespmem:$0x4080] =	vst v63  }
.LBB2_2:
.Ltmp7:
0x44: {  	(pc) =	sbr.rel .LBB2_10-.Ltmp7, $4  }
0x45: {  	_ = 	snop  }
0x46: {  	s12 =	sshrl.u32 s11, $0x3  }
0x47: {  	s13 =	sand.u32 $0x7, s11;
	s12 =	sadd.s32 s2, s12  }
0x48: {  	[tilespmem:s9], [sflag:$0x2] =	stream.linear.gather [hbm4b:s12+s13], $0x40, $0x38;
	[tilespmem:$0x4080] =	vst v63  }
.LBB2_11:
0x49: {  	s2 =	simm.s32 $0x3  }
0x4a: {  	_ =	swait.ge [sflag:s2], $0x2000  }
0x4b: {  	[sflag:s2] =	ssyncset.done $0x0  }
0x4c: {  	[sflag:s2] =	ssyncadd.s32 $0xFFFFE000  }
0x4d: {  	_ =	sfence.sel $0x180000  }
0x4e: {  	s3 =	simm.s32 $0x2;
	[bflag:$0x0] =	sbarrier.arrive $0xFFFF  }
0x4f: {  	[sflag:s3] =	ssyncpa.u1 $0x1  }
0x50: {  	s31 =	simm.s32 $0x1;
	[sflag:s2] =	ssyncpa.u1 $0x1  }
0x51: {  	[sflag:s31] =	ssyncpa.u1 $0x1  }
0x52: {  	p0 =	sne.s32 s1, $0x0;
	_ =	strace $0x90000047  }
0x53: {  	s0 =	sadd.s32 @!p0 $0x100000, s0;
	[bflag:$0x2] =	sbarrier.arrive $0xFFFF  }
0x54: {  	[sflag:s0] =	ssyncadd.tile.s32 @!p0 $0x1;
	_ =	shalt  }
.Lfunc_end2:
_tile_overlayer_lowered:
.L_overlay_start_2:
0x55: {  	(tag) =	ssettag $0x2  }
0x56: {  	s0 =	rddreg [dreg:$0x0];
	s2 =	stileid.u32  }
0x57: {  	s1 =	rddreg [dreg:$0x1];
	p0 =	sne.s32 s2, $0x0  }
0x58: {  	s3 =	rddreg [dreg:$0x2];
	[bflag:$0x3] =	sbarrier.arrive $0xFFFF;
	s2 =	simm.s32 @!p0 $0x1C01  }
0x59: {  	[timem:s3], [sflag:s2] =	dma.local @!p0 [hbm:s0], s1  }
0x5a: {  	s0 =	simm.s32 @!p0 $0x1  }
0x5b: {  	_ =	swait.ge @!p0 [sflag:s0], s1  }
0x5c: {  	s1 =	ssub.s32 @!p0 $0x0, s1;
	[sflag:s0] =	ssyncset.done @!p0 $0x0  }
0x5d: {  	[sflag:s0] =	ssyncadd.s32 @!p0 s1  }
0x5e: {  	[bflag:$0x3] =	sbarrier.arrive $0xFFFF  }
0x5f: {  	_ =	shalt  }

</sc_bundles>
